<compile_context>
chip_gen: v7x
topology: tpu7x:2x2x1
jax: 0.10.2.dev20260603
libtpu: 0.0.44.dev20260713+nightly
codegen_flags: <defaults>
</compile_context>

<pallas_src>
import functools

import jax
import jax.numpy as jnp
from jax import lax
from jax.experimental import pallas as pl
from jax.experimental.pallas import tpu as pltpu
from jax.experimental.pallas import tpu_sc as plsc

_VOCAB1 = 100001
_D = 128
_B = 4096
_L = 200
_LC = 100
_NC = 2
_NS = 16
_NW = _NC * _NS
_BPW = _B // _NW
_NU = 2 * _BPW
_NG = _BPW // 16
_NV = _D // 16
_NSLOT = 4


def _sc_pooled_lookup(kw2, lens, table):
  mesh = plsc.VectorSubcoreMesh(
      core_axis_name="c", subcore_axis_name="s", num_cores=_NC,
      num_subcores=_NS)

  @functools.partial(
      pl.kernel,
      out_type=jax.ShapeDtypeStruct((_B * _D,), jnp.float32),
      mesh=mesh,
      scratch_types=[
          pltpu.VMEM((_NU, _LC), jnp.int32),
          pltpu.VMEM((_NSLOT, _LC, _D), jnp.float32),
          pltpu.VMEM((_BPW * _D,), jnp.float32),
          pltpu.VMEM((_BPW,), jnp.int32),
          pltpu.VMEM((_BPW,), jnp.float32),
          [pltpu.SemaphoreType.DMA] * _NSLOT,
      ],
  )
  def kernel_body(kw_hbm, len_hbm, table_hbm, out_hbm,
                  idx_v, rows_v, out_v, len_v, recip_v, sems):
    wid = lax.axis_index("s") * _NC + lax.axis_index("c")
    base = wid * _BPW

    pltpu.sync_copy(kw_hbm.at[pl.ds(base * 2, _NU)], idx_v)
    pltpu.sync_copy(len_hbm.at[pl.ds(base, _BPW)], len_v)

    for j in range(_NG):
      lv = len_v[pl.ds(j * 16, 16)]
      lf = jnp.maximum(lv.astype(jnp.float32), 1.0)
      recip_v[pl.ds(j * 16, 16)] = 1.0 / lf

    def issue_unit(u, slot):
      pltpu.async_copy(table_hbm.at[idx_v.at[u]], rows_v.at[slot],
                       sems[slot])

    def wait_unit(u, slot):
      pltpu.make_async_copy(table_hbm.at[idx_v.at[u]], rows_v.at[slot],
                            sems[slot]).wait()

    for s in range(_NSLOT - 1):
      issue_unit(jnp.int32(s), s)

    def group_body(j, carry):
      rchunk = recip_v[pl.ds(j * 16, 16)]
      acc = None
      for k in range(32):
        u = j * 32 + k
        slot = k % _NSLOT

        nu = u + (_NSLOT - 1)

        @pl.when(nu < _NU)
        def _():
          issue_unit(nu, (k + _NSLOT - 1) % _NSLOT)

        wait_unit(u, slot)

        if k % 2 == 0:
          acc = tuple(jnp.zeros((16,), jnp.float32) for _ in range(_NV))

        def red_body(r, a):
          return tuple(a[d] + rows_v[slot, r, pl.ds(d * 16, 16)]
                       for d in range(_NV))

        acc = plsc.parallel_loop(0, 2, unroll=1, carry=acc)(red_body)

        if k % 2 == 1:
          kb = k // 2
          b = j * 16 + kb
          rk = jnp.broadcast_to(lax.slice(rchunk, (kb,), (kb + 1,)), (16,))
          rowbase = b * _D
          for d in range(_NV):
            out_v[pl.ds(rowbase + d * 16, 16)] = acc[d] * rk
      return carry

    lax.fori_loop(0, _NG, group_body, 0)

    pltpu.sync_copy(out_v, out_hbm.at[pl.ds(base * _D, _BPW * _D)])

  return kernel_body(kw2, lens, table)


@jax.jit
def kernel(keyword_lists, keyword_lengths, embedding_weight):
  kw2 = keyword_lists.reshape(_B * 2, _LC)
  lens = keyword_lengths.reshape(_B)
  return _sc_pooled_lookup(kw2, lens, embedding_weight).reshape(_B, _D)

# --- scband reference (transcript-rebuilt; emitter-appended) ---
"""Pipeline reference for scband-model-58506044506884 (READ-ONLY COPY).

The authoritative reference and input builder live on the scoring server;
editing this copy changes nothing except your own understanding.
"""

import jax, jax.numpy as jnp
import numpy as np

VOCAB = 100000
DIM = 128
B = 4096
L = 200


def setup_inputs(seed: int = 0) -> dict:
    key = jax.random.key(seed)
    k1, k2, k3 = jax.random.split(key, 3)
    keyword_lists = jax.random.randint(k1, (B, L), 0, VOCAB + 1, dtype=jnp.int32)
    keyword_lengths = jax.random.randint(k2, (B, 1), 0, L + 1, dtype=jnp.int32)
    # nn.Embedding(len(vocab)+1, embedding_dim, padding_idx=0): row 0 is the padding row (zeros)
    embedding_weight = jax.random.normal(k3, (VOCAB + 1, DIM), dtype=jnp.float32) * 0.02
    embedding_weight = embedding_weight.at[0].set(0.0)
    return {
        "keyword_lists": keyword_lists,
        "keyword_lengths": keyword_lengths,
        "embedding_weight": embedding_weight,
    }


def reference(keyword_lists, keyword_lengths, embedding_weight):
    # Faithful translation of Model.embed:
    #   embeddings = self.embedding(kw_indices)                # gather
    #   kw_lengths[kw_lengths == 0] = 1
    #   summed_emb = torch.sum(embeddings, dim=1)
    #   averaged = torch.div(summed_emb, kw_lengths.float())
    embeddings = jnp.take(embedding_weight, keyword_lists, axis=0)  # [B, L, D]
    summed_emb = jnp.sum(embeddings, axis=1)                        # [B, D]
    safe_lens = jnp.where(keyword_lengths == 0, 1, keyword_lengths).astype(jnp.float32)  # [B, 1]
    averaged = summed_emb / safe_lens
    return averaged

if __name__ == "__main__":
    import jax
    _d = setup_inputs()
    print(jax.jit(kernel)(*tuple(_d.values())))

</pallas_src>

<mosaic_0001>
#map = affine_map<(d0, d1) -> (0, 0)>
#map1 = affine_map<(d0, d1) -> (0)>
module attributes {stable_mosaic.version = 14 : i64} {
  func.func @kernel_body(%arg0: i32, %arg1: i32, %arg2: memref<8192x100xi32, #tpu.memory_space<hbm>>, %arg3: memref<4096xi32, #tpu.memory_space<hbm>>, %arg4: memref<100001x128xf32, #tpu.memory_space<hbm>>, %arg5: memref<524288xf32, #tpu.memory_space<hbm>>, %arg6: memref<256x100xi32, #tpu.memory_space<vmem>>, %arg7: memref<4x100x128xf32, #tpu.memory_space<vmem>>, %arg8: memref<16384xf32, #tpu.memory_space<vmem>>, %arg9: memref<128xi32, #tpu.memory_space<vmem>>, %arg10: memref<128xf32, #tpu.memory_space<vmem>>, %arg11: memref<!tpu.dma_semaphore, #tpu.memory_space<semaphore_mem>>, %arg12: memref<!tpu.dma_semaphore, #tpu.memory_space<semaphore_mem>>, %arg13: memref<!tpu.dma_semaphore, #tpu.memory_space<semaphore_mem>>, %arg14: memref<!tpu.dma_semaphore, #tpu.memory_space<semaphore_mem>>) attributes {dimension_semantics = [#tpu.dimension_semantics<core_parallel>, #tpu.dimension_semantics<subcore_parallel>], iteration_bounds = array<i64: 2, 16>, scalar_prefetch = 0 : i64, scratch_operands = 9 : i64, tpu.core_type = #tpu.core_type<sc_vector_subcore>, window_params = [{transform_indices = #map}, {transform_indices = #map1}, {transform_indices = #map}, {transform_indices = #map1}]} {
    %mul3A = arith.constant 2 : i32
    %mul3A_0 = arith.muli %arg1, %mul3A : i32
    %add3A = arith.addi %mul3A_0, %arg0 : i32
    %mul3A_1 = arith.constant 128 : i32
    %mul3A_2 = arith.muli %add3A, %mul3A_1 : i32
    %mul3A_3 = arith.constant 2 : i32
    %mul3A_4 = arith.muli %mul3A_2, %mul3A_3 : i32
    "tpu.region"() ({
      %run_scoped3A = tpu.sem_alloc : memref<!tpu.dma_semaphore, #tpu.memory_space<semaphore_mem>>
      %dma_start3A_154 = arith.constant 0 : i32
      %dma_start3A_155 = tpu.memref_slice %arg2[%mul3A_4, %dma_start3A_154] : memref<8192x100xi32, #tpu.memory_space<hbm>> -> memref<256x100xi32, #tpu.memory_space<hbm>>
      %dma_start3A_156 = arith.constant 0 : i32
      %dma_start3A_157 = tpu.memref_slice %arg2[%mul3A_4, %dma_start3A_156] : memref<8192x100xi32, #tpu.memory_space<hbm>> -> memref<256x100xi32, #tpu.memory_space<hbm>>
      tpu.enqueue_dma source(%dma_start3A_157 : memref<256x100xi32, #tpu.memory_space<hbm>>) target(%arg6 : memref<256x100xi32, #tpu.memory_space<vmem>>) target_semaphore(%run_scoped3A : memref<!tpu.dma_semaphore, #tpu.memory_space<semaphore_mem>>)
      %dma_wait3A = arith.constant 0 : i32
      %dma_wait3A_158 = tpu.memref_slice %arg2[%mul3A_4, %dma_wait3A] : memref<8192x100xi32, #tpu.memory_space<hbm>> -> memref<256x100xi32, #tpu.memory_space<hbm>>
      %dma_wait3A_159 = arith.constant 0 : i32
      %dma_wait3A_160 = tpu.memref_slice %arg2[%mul3A_4, %dma_wait3A_159] : memref<8192x100xi32, #tpu.memory_space<hbm>> -> memref<256x100xi32, #tpu.memory_space<hbm>>
      tpu.wait_dma2 semaphore(%run_scoped3A : memref<!tpu.dma_semaphore, #tpu.memory_space<semaphore_mem>>) src(%dma_wait3A_160 : memref<256x100xi32, #tpu.memory_space<hbm>>) dst(%arg6 : memref<256x100xi32, #tpu.memory_space<vmem>>)
      tpu.yield
    }) : () -> ()
    "tpu.region"() ({
      %run_scoped3A = tpu.sem_alloc : memref<!tpu.dma_semaphore, #tpu.memory_space<semaphore_mem>>
      %dma_start3A_154 = tpu.memref_slice %arg3[%mul3A_2] : memref<4096xi32, #tpu.memory_space<hbm>> -> memref<128xi32, #tpu.memory_space<hbm>>
      %dma_start3A_155 = tpu.memref_slice %arg3[%mul3A_2] : memref<4096xi32, #tpu.memory_space<hbm>> -> memref<128xi32, #tpu.memory_space<hbm>>
      tpu.enqueue_dma source(%dma_start3A_155 : memref<128xi32, #tpu.memory_space<hbm>>) target(%arg9 : memref<128xi32, #tpu.memory_space<vmem>>) target_semaphore(%run_scoped3A : memref<!tpu.dma_semaphore, #tpu.memory_space<semaphore_mem>>)
      %dma_wait3A = tpu.memref_slice %arg3[%mul3A_2] : memref<4096xi32, #tpu.memory_space<hbm>> -> memref<128xi32, #tpu.memory_space<hbm>>
      %dma_wait3A_156 = tpu.memref_slice %arg3[%mul3A_2] : memref<4096xi32, #tpu.memory_space<hbm>> -> memref<128xi32, #tpu.memory_space<hbm>>
      tpu.wait_dma2 semaphore(%run_scoped3A : memref<!tpu.dma_semaphore, #tpu.memory_space<semaphore_mem>>) src(%dma_wait3A_156 : memref<128xi32, #tpu.memory_space<hbm>>) dst(%arg9 : memref<128xi32, #tpu.memory_space<vmem>>)
      tpu.yield
    }) : () -> ()
    %get3A = arith.constant 0 : index
    %get3A_5 = tpu.vector_load %arg9[%get3A] {strides = array<i32>} : memref<128xi32, #tpu.memory_space<vmem>>, vector<16xi32>,
    %get3A_6 = vector.shape_cast %get3A_5 : vector<16xi32> to vector<16xi32>
    %convert_element_type3A = arith.sitofp %get3A_6 : vector<16xi32> to vector<16xf32>
    %max3A = arith.constant 1.000000e+00 : f32
    %max3A_7 = vector.broadcast %max3A : f32 to vector<16xf32>
    %max3A_8 = arith.maximumf %convert_element_type3A, %max3A_7 : vector<16xf32>
    %div3A = arith.constant 1.000000e+00 : f32
    %div3A_9 = vector.broadcast %div3A : f32 to vector<16xf32>
    %div3A_10 = arith.divf %div3A_9, %max3A_8 : vector<16xf32>
    %swap3A = arith.constant 0 : index
    %swap3A_11 = tpu.vector_load %arg10[%swap3A] {strides = array<i32>} : memref<128xf32, #tpu.memory_space<vmem>>, vector<16xf32>,
    %swap3A_12 = vector.shape_cast %swap3A_11 : vector<16xf32> to vector<16xf32>
    %swap3A_13 = vector.shape_cast %div3A_10 : vector<16xf32> to vector<16xf32>
    tpu.vector_store %arg10[%swap3A], %swap3A_13 {strides = array<i32>} : memref<128xf32, #tpu.memory_space<vmem>>, vector<16xf32>,
    %get3A_14 = arith.constant 16 : index
    %get3A_15 = tpu.vector_load %arg9[%get3A_14] {strides = array<i32>} : memref<128xi32, #tpu.memory_space<vmem>>, vector<16xi32>,
    %get3A_16 = vector.shape_cast %get3A_15 : vector<16xi32> to vector<16xi32>
    %convert_element_type3A_17 = arith.sitofp %get3A_16 : vector<16xi32> to vector<16xf32>
    %max3A_18 = arith.constant 1.000000e+00 : f32
    %max3A_19 = vector.broadcast %max3A_18 : f32 to vector<16xf32>
    %max3A_20 = arith.maximumf %convert_element_type3A_17, %max3A_19 : vector<16xf32>
    %div3A_21 = arith.constant 1.000000e+00 : f32
    %div3A_22 = vector.broadcast %div3A_21 : f32 to vector<16xf32>
    %div3A_23 = arith.divf %div3A_22, %max3A_20 : vector<16xf32>
    %swap3A_24 = arith.constant 16 : index
    %swap3A_25 = tpu.vector_load %arg10[%swap3A_24] {strides = array<i32>} : memref<128xf32, #tpu.memory_space<vmem>>, vector<16xf32>,
    %swap3A_26 = vector.shape_cast %swap3A_25 : vector<16xf32> to vector<16xf32>
    %swap3A_27 = vector.shape_cast %div3A_23 : vector<16xf32> to vector<16xf32>
    tpu.vector_store %arg10[%swap3A_24], %swap3A_27 {strides = array<i32>} : memref<128xf32, #tpu.memory_space<vmem>>, vector<16xf32>,
    %get3A_28 = arith.constant 32 : index
    %get3A_29 = tpu.vector_load %arg9[%get3A_28] {strides = array<i32>} : memref<128xi32, #tpu.memory_space<vmem>>, vector<16xi32>,
    %get3A_30 = vector.shape_cast %get3A_29 : vector<16xi32> to vector<16xi32>
    %convert_element_type3A_31 = arith.sitofp %get3A_30 : vector<16xi32> to vector<16xf32>
    %max3A_32 = arith.constant 1.000000e+00 : f32
    %max3A_33 = vector.broadcast %max3A_32 : f32 to vector<16xf32>
    %max3A_34 = arith.maximumf %convert_element_type3A_31, %max3A_33 : vector<16xf32>
    %div3A_35 = arith.constant 1.000000e+00 : f32
    %div3A_36 = vector.broadcast %div3A_35 : f32 to vector<16xf32>
    %div3A_37 = arith.divf %div3A_36, %max3A_34 : vector<16xf32>
    %swap3A_38 = arith.constant 32 : index
    %swap3A_39 = tpu.vector_load %arg10[%swap3A_38] {strides = array<i32>} : memref<128xf32, #tpu.memory_space<vmem>>, vector<16xf32>,
    %swap3A_40 = vector.shape_cast %swap3A_39 : vector<16xf32> to vector<16xf32>
    %swap3A_41 = vector.shape_cast %div3A_37 : vector<16xf32> to vector<16xf32>
    tpu.vector_store %arg10[%swap3A_38], %swap3A_41 {strides = array<i32>} : memref<128xf32, #tpu.memory_space<vmem>>, vector<16xf32>,
    %get3A_42 = arith.constant 48 : index
    %get3A_43 = tpu.vector_load %arg9[%get3A_42] {strides = array<i32>} : memref<128xi32, #tpu.memory_space<vmem>>, vector<16xi32>,
    %get3A_44 = vector.shape_cast %get3A_43 : vector<16xi32> to vector<16xi32>
    %convert_element_type3A_45 = arith.sitofp %get3A_44 : vector<16xi32> to vector<16xf32>
    %max3A_46 = arith.constant 1.000000e+00 : f32
    %max3A_47 = vector.broadcast %max3A_46 : f32 to vector<16xf32>
    %max3A_48 = arith.maximumf %convert_element_type3A_45, %max3A_47 : vector<16xf32>
    %div3A_49 = arith.constant 1.000000e+00 : f32
    %div3A_50 = vector.broadcast %div3A_49 : f32 to vector<16xf32>
    %div3A_51 = arith.divf %div3A_50, %max3A_48 : vector<16xf32>
    %swap3A_52 = arith.constant 48 : index
    %swap3A_53 = tpu.vector_load %arg10[%swap3A_52] {strides = array<i32>} : memref<128xf32, #tpu.memory_space<vmem>>, vector<16xf32>,
    %swap3A_54 = vector.shape_cast %swap3A_53 : vector<16xf32> to vector<16xf32>
    %swap3A_55 = vector.shape_cast %div3A_51 : vector<16xf32> to vector<16xf32>
    tpu.vector_store %arg10[%swap3A_52], %swap3A_55 {strides = array<i32>} : memref<128xf32, #tpu.memory_space<vmem>>, vector<16xf32>,
    %get3A_56 = arith.constant 64 : index
    %get3A_57 = tpu.vector_load %arg9[%get3A_56] {strides = array<i32>} : memref<128xi32, #tpu.memory_space<vmem>>, vector<16xi32>,
    %get3A_58 = vector.shape_cast %get3A_57 : vector<16xi32> to vector<16xi32>
    %convert_element_type3A_59 = arith.sitofp %get3A_58 : vector<16xi32> to vector<16xf32>
    %max3A_60 = arith.constant 1.000000e+00 : f32
    %max3A_61 = vector.broadcast %max3A_60 : f32 to vector<16xf32>
    %max3A_62 = arith.maximumf %convert_element_type3A_59, %max3A_61 : vector<16xf32>
    %div3A_63 = arith.constant 1.000000e+00 : f32
    %div3A_64 = vector.broadcast %div3A_63 : f32 to vector<16xf32>
    %div3A_65 = arith.divf %div3A_64, %max3A_62 : vector<16xf32>
    %swap3A_66 = arith.constant 64 : index
    %swap3A_67 = tpu.vector_load %arg10[%swap3A_66] {strides = array<i32>} : memref<128xf32, #tpu.memory_space<vmem>>, vector<16xf32>,
    %swap3A_68 = vector.shape_cast %swap3A_67 : vector<16xf32> to vector<16xf32>
    %swap3A_69 = vector.shape_cast %div3A_65 : vector<16xf32> to vector<16xf32>
    tpu.vector_store %arg10[%swap3A_66], %swap3A_69 {strides = array<i32>} : memref<128xf32, #tpu.memory_space<vmem>>, vector<16xf32>,
    %get3A_70 = arith.constant 80 : index
    %get3A_71 = tpu.vector_load %arg9[%get3A_70] {strides = array<i32>} : memref<128xi32, #tpu.memory_space<vmem>>, vector<16xi32>,
    %get3A_72 = vector.shape_cast %get3A_71 : vector<16xi32> to vector<16xi32>
    %convert_element_type3A_73 = arith.sitofp %get3A_72 : vector<16xi32> to vector<16xf32>
    %max3A_74 = arith.constant 1.000000e+00 : f32
    %max3A_75 = vector.broadcast %max3A_74 : f32 to vector<16xf32>
    %max3A_76 = arith.maximumf %convert_element_type3A_73, %max3A_75 : vector<16xf32>
    %div3A_77 = arith.constant 1.000000e+00 : f32
    %div3A_78 = vector.broadcast %div3A_77 : f32 to vector<16xf32>
    %div3A_79 = arith.divf %div3A_78, %max3A_76 : vector<16xf32>
    %swap3A_80 = arith.constant 80 : index
    %swap3A_81 = tpu.vector_load %arg10[%swap3A_80] {strides = array<i32>} : memref<128xf32, #tpu.memory_space<vmem>>, vector<16xf32>,
    %swap3A_82 = vector.shape_cast %swap3A_81 : vector<16xf32> to vector<16xf32>
    %swap3A_83 = vector.shape_cast %div3A_79 : vector<16xf32> to vector<16xf32>
    tpu.vector_store %arg10[%swap3A_80], %swap3A_83 {strides = array<i32>} : memref<128xf32, #tpu.memory_space<vmem>>, vector<16xf32>,
    %get3A_84 = arith.constant 96 : index
    %get3A_85 = tpu.vector_load %arg9[%get3A_84] {strides = array<i32>} : memref<128xi32, #tpu.memory_space<vmem>>, vector<16xi32>,
    %get3A_86 = vector.shape_cast %get3A_85 : vector<16xi32> to vector<16xi32>
    %convert_element_type3A_87 = arith.sitofp %get3A_86 : vector<16xi32> to vector<16xf32>
    %max3A_88 = arith.constant 1.000000e+00 : f32
    %max3A_89 = vector.broadcast %max3A_88 : f32 to vector<16xf32>
    %max3A_90 = arith.maximumf %convert_element_type3A_87, %max3A_89 : vector<16xf32>
    %div3A_91 = arith.constant 1.000000e+00 : f32
    %div3A_92 = vector.broadcast %div3A_91 : f32 to vector<16xf32>
    %div3A_93 = arith.divf %div3A_92, %max3A_90 : vector<16xf32>
    %swap3A_94 = arith.constant 96 : index
    %swap3A_95 = tpu.vector_load %arg10[%swap3A_94] {strides = array<i32>} : memref<128xf32, #tpu.memory_space<vmem>>, vector<16xf32>,
    %swap3A_96 = vector.shape_cast %swap3A_95 : vector<16xf32> to vector<16xf32>
    %swap3A_97 = vector.shape_cast %div3A_93 : vector<16xf32> to vector<16xf32>
    tpu.vector_store %arg10[%swap3A_94], %swap3A_97 {strides = array<i32>} : memref<128xf32, #tpu.memory_space<vmem>>, vector<16xf32>,
    %get3A_98 = arith.constant 112 : index
    %get3A_99 = tpu.vector_load %arg9[%get3A_98] {strides = array<i32>} : memref<128xi32, #tpu.memory_space<vmem>>, vector<16xi32>,
    %get3A_100 = vector.shape_cast %get3A_99 : vector<16xi32> to vector<16xi32>
    %convert_element_type3A_101 = arith.sitofp %get3A_100 : vector<16xi32> to vector<16xf32>
    %max3A_102 = arith.constant 1.000000e+00 : f32
    %max3A_103 = vector.broadcast %max3A_102 : f32 to vector<16xf32>
    %max3A_104 = arith.maximumf %convert_element_type3A_101, %max3A_103 : vector<16xf32>
    %div3A_105 = arith.constant 1.000000e+00 : f32
    %div3A_106 = vector.broadcast %div3A_105 : f32 to vector<16xf32>
    %div3A_107 = arith.divf %div3A_106, %max3A_104 : vector<16xf32>
    %swap3A_108 = arith.constant 112 : index
    %swap3A_109 = tpu.vector_load %arg10[%swap3A_108] {strides = array<i32>} : memref<128xf32, #tpu.memory_space<vmem>>, vector<16xf32>,
    %swap3A_110 = vector.shape_cast %swap3A_109 : vector<16xf32> to vector<16xf32>
    %swap3A_111 = vector.shape_cast %div3A_107 : vector<16xf32> to vector<16xf32>
    tpu.vector_store %arg10[%swap3A_108], %swap3A_111 {strides = array<i32>} : memref<128xf32, #tpu.memory_space<vmem>>, vector<16xf32>,
    %dma_start3A = arith.constant 0 : i32
    %dma_start3A_112 = arith.constant 0 : i32
    %dma_start3A_113 = arith.constant 0 : i32
    %dma_start3A_114 = arith.constant 0 : i32
    %dma_start3A_115 = tpu.memref_slice %arg7[%dma_start3A_112, %dma_start3A_113, %dma_start3A_114] : memref<4x100x128xf32, #tpu.memory_space<vmem>> -> memref<1x100x128xf32, #tpu.memory_space<vmem>>
    %dma_start3A_116 = tpu.memref_squeeze %dma_start3A_115 : memref<1x100x128xf32, #tpu.memory_space<vmem>> -> memref<100x128xf32, #tpu.memory_space<vmem>>
    %dma_start3A_117 = arith.constant 0 : i32
    %dma_start3A_118 = tpu.memref_slice %arg6[%dma_start3A, %dma_start3A_117] : memref<256x100xi32, #tpu.memory_space<vmem>> -> memref<1x100xi32, #tpu.memory_space<vmem>>
    %dma_start3A_119 = tpu.memref_squeeze %dma_start3A_118 : memref<1x100xi32, #tpu.memory_space<vmem>> -> memref<100xi32, #tpu.memory_space<vmem>>
    %dma_start3A_120 = arith.constant 0 : i32
    %dma_start3A_121 = arith.constant 0 : i32
    %dma_start3A_122 = tpu.memref_slice %arg4[%dma_start3A_120, %dma_start3A_121] : memref<100001x128xf32, #tpu.memory_space<hbm>> -> memref<100001x128xf32, #tpu.memory_space<hbm>>
    tpu.enqueue_indirect_dma source(%dma_start3A_122 : memref<100001x128xf32, #tpu.memory_space<hbm>>) target(%dma_start3A_116 : memref<100x128xf32, #tpu.memory_space<vmem>>) offsets(%dma_start3A_119 : memref<100xi32, #tpu.memory_space<vmem>>) semaphore(%arg11 : memref<!tpu.dma_semaphore, #tpu.memory_space<semaphore_mem>>)
    %dma_start3A_123 = arith.constant 1 : i32
    %dma_start3A_124 = arith.constant 1 : i32
    %dma_start3A_125 = arith.constant 0 : i32
    %dma_start3A_126 = arith.constant 0 : i32
    %dma_start3A_127 = tpu.memref_slice %arg7[%dma_start3A_124, %dma_start3A_125, %dma_start3A_126] : memref<4x100x128xf32, #tpu.memory_space<vmem>> -> memref<1x100x128xf32, #tpu.memory_space<vmem>>
    %dma_start3A_128 = tpu.memref_squeeze %dma_start3A_127 : memref<1x100x128xf32, #tpu.memory_space<vmem>> -> memref<100x128xf32, #tpu.memory_space<vmem>>
    %dma_start3A_129 = arith.constant 0 : i32
    %dma_start3A_130 = tpu.memref_slice %arg6[%dma_start3A_123, %dma_start3A_129] : memref<256x100xi32, #tpu.memory_space<vmem>> -> memref<1x100xi32, #tpu.memory_space<vmem>>
    %dma_start3A_131 = tpu.memref_squeeze %dma_start3A_130 : memref<1x100xi32, #tpu.memory_space<vmem>> -> memref<100xi32, #tpu.memory_space<vmem>>
    %dma_start3A_132 = arith.constant 0 : i32
    %dma_start3A_133 = arith.constant 0 : i32
    %dma_start3A_134 = tpu.memref_slice %arg4[%dma_start3A_132, %dma_start3A_133] : memref<100001x128xf32, #tpu.memory_space<hbm>> -> memref<100001x128xf32, #tpu.memory_space<hbm>>
    tpu.enqueue_indirect_dma source(%dma_start3A_134 : memref<100001x128xf32, #tpu.memory_space<hbm>>) target(%dma_start3A_128 : memref<100x128xf32, #tpu.memory_space<vmem>>) offsets(%dma_start3A_131 : memref<100xi32, #tpu.memory_space<vmem>>) semaphore(%arg12 : memref<!tpu.dma_semaphore, #tpu.memory_space<semaphore_mem>>)
    %dma_start3A_135 = arith.constant 2 : i32
    %dma_start3A_136 = arith.constant 2 : i32
    %dma_start3A_137 = arith.constant 0 : i32
    %dma_start3A_138 = arith.constant 0 : i32
    %dma_start3A_139 = tpu.memref_slice %arg7[%dma_start3A_136, %dma_start3A_137, %dma_start3A_138] : memref<4x100x128xf32, #tpu.memory_space<vmem>> -> memref<1x100x128xf32, #tpu.memory_space<vmem>>
    %dma_start3A_140 = tpu.memref_squeeze %dma_start3A_139 : memref<1x100x128xf32, #tpu.memory_space<vmem>> -> memref<100x128xf32, #tpu.memory_space<vmem>>
    %dma_start3A_141 = arith.constant 0 : i32
    %dma_start3A_142 = tpu.memref_slice %arg6[%dma_start3A_135, %dma_start3A_141] : memref<256x100xi32, #tpu.memory_space<vmem>> -> memref<1x100xi32, #tpu.memory_space<vmem>>
    %dma_start3A_143 = tpu.memref_squeeze %dma_start3A_142 : memref<1x100xi32, #tpu.memory_space<vmem>> -> memref<100xi32, #tpu.memory_space<vmem>>
    %dma_start3A_144 = arith.constant 0 : i32
    %dma_start3A_145 = arith.constant 0 : i32
    %dma_start3A_146 = tpu.memref_slice %arg4[%dma_start3A_144, %dma_start3A_145] : memref<100001x128xf32, #tpu.memory_space<hbm>> -> memref<100001x128xf32, #tpu.memory_space<hbm>>
    tpu.enqueue_indirect_dma source(%dma_start3A_146 : memref<100001x128xf32, #tpu.memory_space<hbm>>) target(%dma_start3A_140 : memref<100x128xf32, #tpu.memory_space<vmem>>) offsets(%dma_start3A_143 : memref<100xi32, #tpu.memory_space<vmem>>) semaphore(%arg13 : memref<!tpu.dma_semaphore, #tpu.memory_space<semaphore_mem>>)
    %scan3A = arith.constant 0 : i32
    %scan3A_147 = arith.constant 0 : i32
    %scan3A_148 = arith.constant 8 : i32
    %scan3A_149 = arith.addi %scan3A_147, %scan3A_148 : i32
    %scan3A_150 = arith.constant 1 : i32
    scf.for %scan3A_154 = %scan3A_147 to %scan3A_149 step %scan3A_150  : i32 {
      %mul3A_155 = arith.constant 16 : i32
      %mul3A_156 = arith.muli %scan3A_154, %mul3A_155 : i32
      %get3A_157 = arith.index_cast %mul3A_156 : i32 to index
      %get3A_158 = tpu.vector_load %arg10[%get3A_157] {strides = array<i32>} : memref<128xf32, #tpu.memory_space<vmem>>, vector<16xf32>,
      %get3A_159 = vector.shape_cast %get3A_158 : vector<16xf32> to vector<16xf32>
      %mul3A_160 = arith.constant 32 : i32
      %mul3A_161 = arith.muli %scan3A_154, %mul3A_160 : i32
      %add3A_162 = arith.constant 0 : i32
      %add3A_163 = arith.addi %mul3A_161, %add3A_162 : i32
      %add3A_164 = arith.constant 3 : i32
      %add3A_165 = arith.addi %add3A_163, %add3A_164 : i32
      %lt3A = arith.constant 256 : i32
      %lt3A_166 = arith.cmpi slt, %add3A_165, %lt3A : i32
      %convert_element_type3A_167 = arith.extui %lt3A_166 : i1 to i32
      %cond3A = arith.constant 0 : i32
      %cond3A_168 = arith.cmpi ne, %convert_element_type3A_167, %cond3A : i32
      scf.if %cond3A_168 {
        %dma_start3A_2282 = arith.constant 3 : i32
        %dma_start3A_2283 = arith.constant 0 : i32
        %dma_start3A_2284 = arith.constant 0 : i32
        %dma_start3A_2285 = tpu.memref_slice %arg7[%dma_start3A_2282, %dma_start3A_2283, %dma_start3A_2284] : memref<4x100x128xf32, #tpu.memory_space<vmem>> -> memref<1x100x128xf32, #tpu.memory_space<vmem>>
        %dma_start3A_2286 = tpu.memref_squeeze %dma_start3A_2285 : memref<1x100x128xf32, #tpu.memory_space<vmem>> -> memref<100x128xf32, #tpu.memory_space<vmem>>
        %dma_start3A_2287 = arith.constant 0 : i32
        %dma_start3A_2288 = tpu.memref_slice %arg6[%add3A_165, %dma_start3A_2287] : memref<256x100xi32, #tpu.memory_space<vmem>> -> memref<1x100xi32, #tpu.memory_space<vmem>>
        %dma_start3A_2289 = tpu.memref_squeeze %dma_start3A_2288 : memref<1x100xi32, #tpu.memory_space<vmem>> -> memref<100xi32, #tpu.memory_space<vmem>>
        %dma_start3A_2290 = arith.constant 0 : i32
        %dma_start3A_2291 = arith.constant 0 : i32
        %dma_start3A_2292 = tpu.memref_slice %arg4[%dma_start3A_2290, %dma_start3A_2291] : memref<100001x128xf32, #tpu.memory_space<hbm>> -> memref<100001x128xf32, #tpu.memory_space<hbm>>
        tpu.enqueue_indirect_dma source(%dma_start3A_2292 : memref<100001x128xf32, #tpu.memory_space<hbm>>) target(%dma_start3A_2286 : memref<100x128xf32, #tpu.memory_space<vmem>>) offsets(%dma_start3A_2289 : memref<100xi32, #tpu.memory_space<vmem>>) semaphore(%arg14 : memref<!tpu.dma_semaphore, #tpu.memory_space<semaphore_mem>>)
      } else {
      }
      %dma_wait3A = arith.constant 0 : i32
      %dma_wait3A_169 = arith.constant 0 : i32
      %dma_wait3A_170 = arith.constant 0 : i32
      %dma_wait3A_171 = tpu.memref_slice %arg7[%dma_wait3A, %dma_wait3A_169, %dma_wait3A_170] : memref<4x100x128xf32, #tpu.memory_space<vmem>> -> memref<1x100x128xf32, #tpu.memory_space<vmem>>
      %dma_wait3A_172 = tpu.memref_squeeze %dma_wait3A_171 : memref<1x100x128xf32, #tpu.memory_space<vmem>> -> memref<100x128xf32, #tpu.memory_space<vmem>>
      %dma_wait3A_173 = arith.constant 0 : i32
      %dma_wait3A_174 = tpu.memref_slice %arg6[%add3A_163, %dma_wait3A_173] : memref<256x100xi32, #tpu.memory_space<vmem>> -> memref<1x100xi32, #tpu.memory_space<vmem>>
      %dma_wait3A_175 = tpu.memref_squeeze %dma_wait3A_174 : memref<1x100xi32, #tpu.memory_space<vmem>> -> memref<100xi32, #tpu.memory_space<vmem>>
      %dma_wait3A_176 = arith.constant 0 : i32
      %dma_wait3A_177 = arith.constant 0 : i32
      %dma_wait3A_178 = tpu.memref_slice %arg4[%dma_wait3A_176, %dma_wait3A_177] : memref<100001x128xf32, #tpu.memory_space<hbm>> -> memref<100001x128xf32, #tpu.memory_space<hbm>>
      tpu.wait_indirect_dma semaphore(%arg11 : memref<!tpu.dma_semaphore, #tpu.memory_space<semaphore_mem>>) src(%dma_wait3A_178 : memref<100001x128xf32, #tpu.memory_space<hbm>>) dst(%dma_wait3A_172 : memref<100x128xf32, #tpu.memory_space<vmem>>)
      %broadcast_in_dim3A = arith.constant 0.000000e+00 : f32
      %broadcast_in_dim3A_179 = vector.broadcast %broadcast_in_dim3A : f32 to vector<16xf32>
      %broadcast_in_dim3A_180 = arith.constant 0.000000e+00 : f32
      %broadcast_in_dim3A_181 = vector.broadcast %broadcast_in_dim3A_180 : f32 to vector<16xf32>
      %broadcast_in_dim3A_182 = arith.constant 0.000000e+00 : f32
      %broadcast_in_dim3A_183 = vector.broadcast %broadcast_in_dim3A_182 : f32 to vector<16xf32>
      %broadcast_in_dim3A_184 = arith.constant 0.000000e+00 : f32
      %broadcast_in_dim3A_185 = vector.broadcast %broadcast_in_dim3A_184 : f32 to vector<16xf32>
      %broadcast_in_dim3A_186 = arith.constant 0.000000e+00 : f32
      %broadcast_in_dim3A_187 = vector.broadcast %broadcast_in_dim3A_186 : f32 to vector<16xf32>
      %broadcast_in_dim3A_188 = arith.constant 0.000000e+00 : f32
      %broadcast_in_dim3A_189 = vector.broadcast %broadcast_in_dim3A_188 : f32 to vector<16xf32>
      %broadcast_in_dim3A_190 = arith.constant 0.000000e+00 : f32
      %broadcast_in_dim3A_191 = vector.broadcast %broadcast_in_dim3A_190 : f32 to vector<16xf32>
      %broadcast_in_dim3A_192 = arith.constant 0.000000e+00 : f32
      %broadcast_in_dim3A_193 = vector.broadcast %broadcast_in_dim3A_192 : f32 to vector<16xf32>
      %parallel_loop3A = arith.constant 0 : i32
      %parallel_loop3A_194 = arith.constant 2 : i32
      %parallel_loop3A_195 = arith.constant 1 : i32
      %parallel_loop3A_196:8 = scf.for %parallel_loop3A_2282 = %parallel_loop3A to %parallel_loop3A_194 step %parallel_loop3A_195 iter_args(%parallel_loop3A_2283 = %broadcast_in_dim3A_179, %parallel_loop3A_2284 = %broadcast_in_dim3A_181, %parallel_loop3A_2285 = %broadcast_in_dim3A_183, %parallel_loop3A_2286 = %broadcast_in_dim3A_185, %parallel_loop3A_2287 = %broadcast_in_dim3A_187, %parallel_loop3A_2288 = %broadcast_in_dim3A_189, %parallel_loop3A_2289 = %broadcast_in_dim3A_191, %parallel_loop3A_2290 = %broadcast_in_dim3A_193) -> (vector<16xf32>, vector<16xf32>, vector<16xf32>, vector<16xf32>, vector<16xf32>, vector<16xf32>, vector<16xf32>, vector<16xf32>)  : i32 {
        %parallel_loop3A_2291 = arith.constant 0 : i32
        %parallel_loop3A_2292 = arith.index_cast %parallel_loop3A_2291 : i32 to index
        %parallel_loop3A_2293 = arith.index_cast %parallel_loop3A_2282 : i32 to index
        %parallel_loop3A_2294 = arith.constant 0 : index
        %parallel_loop3A_2295 = tpu.vector_load %arg7[%parallel_loop3A_2292, %parallel_loop3A_2293, %parallel_loop3A_2294] {strides = array<i32>} : memref<4x100x128xf32, #tpu.memory_space<vmem>>, vector<1x1x16xf32>,
        %parallel_loop3A_2296 = vector.shape_cast %parallel_loop3A_2295 : vector<1x1x16xf32> to vector<16xf32>
        %parallel_loop3A_2297 = arith.addf %parallel_loop3A_2283, %parallel_loop3A_2296 : vector<16xf32>
        %parallel_loop3A_2298 = arith.constant 0 : i32
        %parallel_loop3A_2299 = arith.index_cast %parallel_loop3A_2298 : i32 to index
        %parallel_loop3A_2300 = arith.index_cast %parallel_loop3A_2282 : i32 to index
        %parallel_loop3A_2301 = arith.constant 16 : index
        %parallel_loop3A_2302 = tpu.vector_load %arg7[%parallel_loop3A_2299, %parallel_loop3A_2300, %parallel_loop3A_2301] {strides = array<i32>} : memref<4x100x128xf32, #tpu.memory_space<vmem>>, vector<1x1x16xf32>,
        %parallel_loop3A_2303 = vector.shape_cast %parallel_loop3A_2302 : vector<1x1x16xf32> to vector<16xf32>
        %parallel_loop3A_2304 = arith.addf %parallel_loop3A_2284, %parallel_loop3A_2303 : vector<16xf32>
        %parallel_loop3A_2305 = arith.constant 0 : i32
        %parallel_loop3A_2306 = arith.index_cast %parallel_loop3A_2305 : i32 to index
        %parallel_loop3A_2307 = arith.index_cast %parallel_loop3A_2282 : i32 to index
        %parallel_loop3A_2308 = arith.constant 32 : index
        %parallel_loop3A_2309 = tpu.vector_load %arg7[%parallel_loop3A_2306, %parallel_loop3A_2307, %parallel_loop3A_2308] {strides = array<i32>} : memref<4x100x128xf32, #tpu.memory_space<vmem>>, vector<1x1x16xf32>,
        %parallel_loop3A_2310 = vector.shape_cast %parallel_loop3A_2309 : vector<1x1x16xf32> to vector<16xf32>
        %parallel_loop3A_2311 = arith.addf %parallel_loop3A_2285, %parallel_loop3A_2310 : vector<16xf32>
        %parallel_loop3A_2312 = arith.constant 0 : i32
        %parallel_loop3A_2313 = arith.index_cast %parallel_loop3A_2312 : i32 to index
        %parallel_loop3A_2314 = arith.index_cast %parallel_loop3A_2282 : i32 to index
        %parallel_loop3A_2315 = arith.constant 48 : index
        %parallel_loop3A_2316 = tpu.vector_load %arg7[%parallel_loop3A_2313, %parallel_loop3A_2314, %parallel_loop3A_2315] {strides = array<i32>} : memref<4x100x128xf32, #tpu.memory_space<vmem>>, vector<1x1x16xf32>,
        %parallel_loop3A_2317 = vector.shape_cast %parallel_loop3A_2316 : vector<1x1x16xf32> to vector<16xf32>
        %parallel_loop3A_2318 = arith.addf %parallel_loop3A_2286, %parallel_loop3A_2317 : vector<16xf32>
        %parallel_loop3A_2319 = arith.constant 0 : i32
        %parallel_loop3A_2320 = arith.index_cast %parallel_loop3A_2319 : i32 to index
        %parallel_loop3A_2321 = arith.index_cast %parallel_loop3A_2282 : i32 to index
        %parallel_loop3A_2322 = arith.constant 64 : index
        %parallel_loop3A_2323 = tpu.vector_load %arg7[%parallel_loop3A_2320, %parallel_loop3A_2321, %parallel_loop3A_2322] {strides = array<i32>} : memref<4x100x128xf32, #tpu.memory_space<vmem>>, vector<1x1x16xf32>,
        %parallel_loop3A_2324 = vector.shape_cast %parallel_loop3A_2323 : vector<1x1x16xf32> to vector<16xf32>
        %parallel_loop3A_2325 = arith.addf %parallel_loop3A_2287, %parallel_loop3A_2324 : vector<16xf32>
        %parallel_loop3A_2326 = arith.constant 0 : i32
        %parallel_loop3A_2327 = arith.index_cast %parallel_loop3A_2326 : i32 to index
        %parallel_loop3A_2328 = arith.index_cast %parallel_loop3A_2282 : i32 to index
        %parallel_loop3A_2329 = arith.constant 80 : index
        %parallel_loop3A_2330 = tpu.vector_load %arg7[%parallel_loop3A_2327, %parallel_loop3A_2328, %parallel_loop3A_2329] {strides = array<i32>} : memref<4x100x128xf32, #tpu.memory_space<vmem>>, vector<1x1x16xf32>,
        %parallel_loop3A_2331 = vector.shape_cast %parallel_loop3A_2330 : vector<1x1x16xf32> to vector<16xf32>
        %parallel_loop3A_2332 = arith.addf %parallel_loop3A_2288, %parallel_loop3A_2331 : vector<16xf32>
        %parallel_loop3A_2333 = arith.constant 0 : i32
        %parallel_loop3A_2334 = arith.index_cast %parallel_loop3A_2333 : i32 to index
        %parallel_loop3A_2335 = arith.index_cast %parallel_loop3A_2282 : i32 to index
        %parallel_loop3A_2336 = arith.constant 96 : index
        %parallel_loop3A_2337 = tpu.vector_load %arg7[%parallel_loop3A_2334, %parallel_loop3A_2335, %parallel_loop3A_2336] {strides = array<i32>} : memref<4x100x128xf32, #tpu.memory_space<vmem>>, vector<1x1x16xf32>,
        %parallel_loop3A_2338 = vector.shape_cast %parallel_loop3A_2337 : vector<1x1x16xf32> to vector<16xf32>
        %parallel_loop3A_2339 = arith.addf %parallel_loop3A_2289, %parallel_loop3A_2338 : vector<16xf32>
        %parallel_loop3A_2340 = arith.constant 0 : i32
        %parallel_loop3A_2341 = arith.index_cast %parallel_loop3A_2340 : i32 to index
        %parallel_loop3A_2342 = arith.index_cast %parallel_loop3A_2282 : i32 to index
        %parallel_loop3A_2343 = arith.constant 112 : index
        %parallel_loop3A_2344 = tpu.vector_load %arg7[%parallel_loop3A_2341, %parallel_loop3A_2342, %parallel_loop3A_2343] {strides = array<i32>} : memref<4x100x128xf32, #tpu.memory_space<vmem>>, vector<1x1x16xf32>,
        %parallel_loop3A_2345 = vector.shape_cast %parallel_loop3A_2344 : vector<1x1x16xf32> to vector<16xf32>
        %parallel_loop3A_2346 = arith.addf %parallel_loop3A_2290, %parallel_loop3A_2345 : vector<16xf32>
        scf.yield %parallel_loop3A_2297, %parallel_loop3A_2304, %parallel_loop3A_2311, %parallel_loop3A_2318, %parallel_loop3A_2325, %parallel_loop3A_2332, %parallel_loop3A_2339, %parallel_loop3A_2346 : vector<16xf32>, vector<16xf32>, vector<16xf32>, vector<16xf32>, vector<16xf32>, vector<16xf32>, vector<16xf32>, vector<16xf32>
      } {sc.loop_unroll_factor = 1 : i64, sc.parallel_access}
      %mul3A_197 = arith.constant 32 : i32
      %mul3A_198 = arith.muli %scan3A_154, %mul3A_197 : i32
      %add3A_199 = arith.constant 1 : i32
      %add3A_200 = arith.addi %mul3A_198, %add3A_199 : i32
      %add3A_201 = arith.constant 3 : i32
      %add3A_202 = arith.addi %add3A_200, %add3A_201 : i32
      %lt3A_203 = arith.constant 256 : i32
      %lt3A_204 = arith.cmpi slt, %add3A_202, %lt3A_203 : i32
      %convert_element_type3A_205 = arith.extui %lt3A_204 : i1 to i32
      %cond3A_206 = arith.constant 0 : i32
      %cond3A_207 = arith.cmpi ne, %convert_element_type3A_205, %cond3A_206 : i32
      scf.if %cond3A_207 {
        %dma_start3A_2282 = arith.constant 0 : i32
        %dma_start3A_2283 = arith.constant 0 : i32
        %dma_start3A_2284 = arith.constant 0 : i32
        %dma_start3A_2285 = tpu.memref_slice %arg7[%dma_start3A_2282, %dma_start3A_2283, %dma_start3A_2284] : memref<4x100x128xf32, #tpu.memory_space<vmem>> -> memref<1x100x128xf32, #tpu.memory_space<vmem>>
        %dma_start3A_2286 = tpu.memref_squeeze %dma_start3A_2285 : memref<1x100x128xf32, #tpu.memory_space<vmem>> -> memref<100x128xf32, #tpu.memory_space<vmem>>
        %dma_start3A_2287 = arith.constant 0 : i32
        %dma_start3A_2288 = tpu.memref_slice %arg6[%add3A_202, %dma_start3A_2287] : memref<256x100xi32, #tpu.memory_space<vmem>> -> memref<1x100xi32, #tpu.memory_space<vmem>>
        %dma_start3A_2289 = tpu.memref_squeeze %dma_start3A_2288 : memref<1x100xi32, #tpu.memory_space<vmem>> -> memref<100xi32, #tpu.memory_space<vmem>>
        %dma_start3A_2290 = arith.constant 0 : i32
        %dma_start3A_2291 = arith.constant 0 : i32
        %dma_start3A_2292 = tpu.memref_slice %arg4[%dma_start3A_2290, %dma_start3A_2291] : memref<100001x128xf32, #tpu.memory_space<hbm>> -> memref<100001x128xf32, #tpu.memory_space<hbm>>
        tpu.enqueue_indirect_dma source(%dma_start3A_2292 : memref<100001x128xf32, #tpu.memory_space<hbm>>) target(%dma_start3A_2286 : memref<100x128xf32, #tpu.memory_space<vmem>>) offsets(%dma_start3A_2289 : memref<100xi32, #tpu.memory_space<vmem>>) semaphore(%arg11 : memref<!tpu.dma_semaphore, #tpu.memory_space<semaphore_mem>>)
      } else {
      }
      %dma_wait3A_208 = arith.constant 1 : i32
      %dma_wait3A_209 = arith.constant 0 : i32
      %dma_wait3A_210 = arith.constant 0 : i32
      %dma_wait3A_211 = tpu.memref_slice %arg7[%dma_wait3A_208, %dma_wait3A_209, %dma_wait3A_210] : memref<4x100x128xf32, #tpu.memory_space<vmem>> -> memref<1x100x128xf32, #tpu.memory_space<vmem>>
      %dma_wait3A_212 = tpu.memref_squeeze %dma_wait3A_211 : memref<1x100x128xf32, #tpu.memory_space<vmem>> -> memref<100x128xf32, #tpu.memory_space<vmem>>
      %dma_wait3A_213 = arith.constant 0 : i32
      %dma_wait3A_214 = tpu.memref_slice %arg6[%add3A_200, %dma_wait3A_213] : memref<256x100xi32, #tpu.memory_space<vmem>> -> memref<1x100xi32, #tpu.memory_space<vmem>>
      %dma_wait3A_215 = tpu.memref_squeeze %dma_wait3A_214 : memref<1x100xi32, #tpu.memory_space<vmem>> -> memref<100xi32, #tpu.memory_space<vmem>>
      %dma_wait3A_216 = arith.constant 0 : i32
      %dma_wait3A_217 = arith.constant 0 : i32
      %dma_wait3A_218 = tpu.memref_slice %arg4[%dma_wait3A_216, %dma_wait3A_217] : memref<100001x128xf32, #tpu.memory_space<hbm>> -> memref<100001x128xf32, #tpu.memory_space<hbm>>
      tpu.wait_indirect_dma semaphore(%arg12 : memref<!tpu.dma_semaphore, #tpu.memory_space<semaphore_mem>>) src(%dma_wait3A_218 : memref<100001x128xf32, #tpu.memory_space<hbm>>) dst(%dma_wait3A_212 : memref<100x128xf32, #tpu.memory_space<vmem>>)
      %parallel_loop3A_219 = arith.constant 0 : i32
      %parallel_loop3A_220 = arith.constant 2 : i32
      %parallel_loop3A_221 = arith.constant 1 : i32
      %parallel_loop3A_222:8 = scf.for %parallel_loop3A_2282 = %parallel_loop3A_219 to %parallel_loop3A_220 step %parallel_loop3A_221 iter_args(%parallel_loop3A_2283 = %parallel_loop3A_196#0, %parallel_loop3A_2284 = %parallel_loop3A_196#1, %parallel_loop3A_2285 = %parallel_loop3A_196#2, %parallel_loop3A_2286 = %parallel_loop3A_196#3, %parallel_loop3A_2287 = %parallel_loop3A_196#4, %parallel_loop3A_2288 = %parallel_loop3A_196#5, %parallel_loop3A_2289 = %parallel_loop3A_196#6, %parallel_loop3A_2290 = %parallel_loop3A_196#7) -> (vector<16xf32>, vector<16xf32>, vector<16xf32>, vector<16xf32>, vector<16xf32>, vector<16xf32>, vector<16xf32>, vector<16xf32>)  : i32 {
        %parallel_loop3A_2291 = arith.constant 1 : i32
        %parallel_loop3A_2292 = arith.index_cast %parallel_loop3A_2291 : i32 to index
        %parallel_loop3A_2293 = arith.index_cast %parallel_loop3A_2282 : i32 to index
        %parallel_loop3A_2294 = arith.constant 0 : index
        %parallel_loop3A_2295 = tpu.vector_load %arg7[%parallel_loop3A_2292, %parallel_loop3A_2293, %parallel_loop3A_2294] {strides = array<i32>} : memref<4x100x128xf32, #tpu.memory_space<vmem>>, vector<1x1x16xf32>,
        %parallel_loop3A_2296 = vector.shape_cast %parallel_loop3A_2295 : vector<1x1x16xf32> to vector<16xf32>
        %parallel_loop3A_2297 = arith.addf %parallel_loop3A_2283, %parallel_loop3A_2296 : vector<16xf32>
        %parallel_loop3A_2298 = arith.constant 1 : i32
        %parallel_loop3A_2299 = arith.index_cast %parallel_loop3A_2298 : i32 to index
        %parallel_loop3A_2300 = arith.index_cast %parallel_loop3A_2282 : i32 to index
        %parallel_loop3A_2301 = arith.constant 16 : index
        %parallel_loop3A_2302 = tpu.vector_load %arg7[%parallel_loop3A_2299, %parallel_loop3A_2300, %parallel_loop3A_2301] {strides = array<i32>} : memref<4x100x128xf32, #tpu.memory_space<vmem>>, vector<1x1x16xf32>,
        %parallel_loop3A_2303 = vector.shape_cast %parallel_loop3A_2302 : vector<1x1x16xf32> to vector<16xf32>
        %parallel_loop3A_2304 = arith.addf %parallel_loop3A_2284, %parallel_loop3A_2303 : vector<16xf32>
        %parallel_loop3A_2305 = arith.constant 1 : i32
        %parallel_loop3A_2306 = arith.index_cast %parallel_loop3A_2305 : i32 to index
        %parallel_loop3A_2307 = arith.index_cast %parallel_loop3A_2282 : i32 to index
        %parallel_loop3A_2308 = arith.constant 32 : index
        %parallel_loop3A_2309 = tpu.vector_load %arg7[%parallel_loop3A_2306, %parallel_loop3A_2307, %parallel_loop3A_2308] {strides = array<i32>} : memref<4x100x128xf32, #tpu.memory_space<vmem>>, vector<1x1x16xf32>,
        %parallel_loop3A_2310 = vector.shape_cast %parallel_loop3A_2309 : vector<1x1x16xf32> to vector<16xf32>
        %parallel_loop3A_2311 = arith.addf %parallel_loop3A_2285, %parallel_loop3A_2310 : vector<16xf32>
        %parallel_loop3A_2312 = arith.constant 1 : i32
        %parallel_loop3A_2313 = arith.index_cast %parallel_loop3A_2312 : i32 to index
        %parallel_loop3A_2314 = arith.index_cast %parallel_loop3A_2282 : i32 to index
        %parallel_loop3A_2315 = arith.constant 48 : index
        %parallel_loop3A_2316 = tpu.vector_load %arg7[%parallel_loop3A_2313, %parallel_loop3A_2314, %parallel_loop3A_2315] {strides = array<i32>} : memref<4x100x128xf32, #tpu.memory_space<vmem>>, vector<1x1x16xf32>,
        %parallel_loop3A_2317 = vector.shape_cast %parallel_loop3A_2316 : vector<1x1x16xf32> to vector<16xf32>
        %parallel_loop3A_2318 = arith.addf %parallel_loop3A_2286, %parallel_loop3A_2317 : vector<16xf32>
        %parallel_loop3A_2319 = arith.constant 1 : i32
        %parallel_loop3A_2320 = arith.index_cast %parallel_loop3A_2319 : i32 to index
        %parallel_loop3A_2321 = arith.index_cast %parallel_loop3A_2282 : i32 to index
        %parallel_loop3A_2322 = arith.constant 64 : index
        %parallel_loop3A_2323 = tpu.vector_load %arg7[%parallel_loop3A_2320, %parallel_loop3A_2321, %parallel_loop3A_2322] {strides = array<i32>} : memref<4x100x128xf32, #tpu.memory_space<vmem>>, vector<1x1x16xf32>,
        %parallel_loop3A_2324 = vector.shape_cast %parallel_loop3A_2323 : vector<1x1x16xf32> to vector<16xf32>
        %parallel_loop3A_2325 = arith.addf %parallel_loop3A_2287, %parallel_loop3A_2324 : vector<16xf32>
        %parallel_loop3A_2326 = arith.constant 1 : i32
        %parallel_loop3A_2327 = arith.index_cast %parallel_loop3A_2326 : i32 to index
        %parallel_loop3A_2328 = arith.index_cast %parallel_loop3A_2282 : i32 to index
        %parallel_loop3A_2329 = arith.constant 80 : index
        %parallel_loop3A_2330 = tpu.vector_load %arg7[%parallel_loop3A_2327, %parallel_loop3A_2328, %parallel_loop3A_2329] {strides = array<i32>} : memref<4x100x128xf32, #tpu.memory_space<vmem>>, vector<1x1x16xf32>,
        %parallel_loop3A_2331 = vector.shape_cast %parallel_loop3A_2330 : vector<1x1x16xf32> to vector<16xf32>
        %parallel_loop3A_2332 = arith.addf %parallel_loop3A_2288, %parallel_loop3A_2331 : vector<16xf32>
        %parallel_loop3A_2333 = arith.constant 1 : i32
        %parallel_loop3A_2334 = arith.index_cast %parallel_loop3A_2333 : i32 to index
        %parallel_loop3A_2335 = arith.index_cast %parallel_loop3A_2282 : i32 to index
        %parallel_loop3A_2336 = arith.constant 96 : index
        %parallel_loop3A_2337 = tpu.vector_load %arg7[%parallel_loop3A_2334, %parallel_loop3A_2335, %parallel_loop3A_2336] {strides = array<i32>} : memref<4x100x128xf32, #tpu.memory_space<vmem>>, vector<1x1x16xf32>,
        %parallel_loop3A_2338 = vector.shape_cast %parallel_loop3A_2337 : vector<1x1x16xf32> to vector<16xf32>
        %parallel_loop3A_2339 = arith.addf %parallel_loop3A_2289, %parallel_loop3A_2338 : vector<16xf32>
        %parallel_loop3A_2340 = arith.constant 1 : i32
        %parallel_loop3A_2341 = arith.index_cast %parallel_loop3A_2340 : i32 to index
        %parallel_loop3A_2342 = arith.index_cast %parallel_loop3A_2282 : i32 to index
        %parallel_loop3A_2343 = arith.constant 112 : index
        %parallel_loop3A_2344 = tpu.vector_load %arg7[%parallel_loop3A_2341, %parallel_loop3A_2342, %parallel_loop3A_2343] {strides = array<i32>} : memref<4x100x128xf32, #tpu.memory_space<vmem>>, vector<1x1x16xf32>,
        %parallel_loop3A_2345 = vector.shape_cast %parallel_loop3A_2344 : vector<1x1x16xf32> to vector<16xf32>
        %parallel_loop3A_2346 = arith.addf %parallel_loop3A_2290, %parallel_loop3A_2345 : vector<16xf32>
        scf.yield %parallel_loop3A_2297, %parallel_loop3A_2304, %parallel_loop3A_2311, %parallel_loop3A_2318, %parallel_loop3A_2325, %parallel_loop3A_2332, %parallel_loop3A_2339, %parallel_loop3A_2346 : vector<16xf32>, vector<16xf32>, vector<16xf32>, vector<16xf32>, vector<16xf32>, vector<16xf32>, vector<16xf32>, vector<16xf32>
      } {sc.loop_unroll_factor = 1 : i64, sc.parallel_access}
      %mul3A_223 = arith.constant 16 : i32
      %mul3A_224 = arith.muli %scan3A_154, %mul3A_223 : i32
      %add3A_225 = arith.constant 0 : i32
      %add3A_226 = arith.addi %mul3A_224, %add3A_225 : i32
      %slice3A = vector.extract_strided_slice %get3A_159 {offsets = [0], sizes = [1], strides = [1]} : vector<16xf32> to vector<1xf32>
      %broadcast_in_dim3A_227 = vector.shape_cast %slice3A : vector<1xf32> to vector<1xf32>
      %broadcast_in_dim3A_228 = vector.broadcast %broadcast_in_dim3A_227 : vector<1xf32> to vector<16xf32>
      %mul3A_229 = arith.constant 128 : i32
      %mul3A_230 = arith.muli %add3A_226, %mul3A_229 : i32
      %mul3A_231 = arith.mulf %parallel_loop3A_222#0, %broadcast_in_dim3A_228 : vector<16xf32>
      %add3A_232 = arith.constant 0 : i32
      %add3A_233 = arith.addi %mul3A_230, %add3A_232 : i32
      %swap3A_234 = arith.index_cast %add3A_233 : i32 to index
      %swap3A_235 = tpu.vector_load %arg8[%swap3A_234] {strides = array<i32>} : memref<16384xf32, #tpu.memory_space<vmem>>, vector<16xf32>,
      %swap3A_236 = vector.shape_cast %swap3A_235 : vector<16xf32> to vector<16xf32>
      %swap3A_237 = vector.shape_cast %mul3A_231 : vector<16xf32> to vector<16xf32>
      tpu.vector_store %arg8[%swap3A_234], %swap3A_237 {strides = array<i32>} : memref<16384xf32, #tpu.memory_space<vmem>>, vector<16xf32>,
      %mul3A_238 = arith.mulf %parallel_loop3A_222#1, %broadcast_in_dim3A_228 : vector<16xf32>
      %add3A_239 = arith.constant 16 : i32
      %add3A_240 = arith.addi %mul3A_230, %add3A_239 : i32
      %swap3A_241 = arith.index_cast %add3A_240 : i32 to index
      %swap3A_242 = tpu.vector_load %arg8[%swap3A_241] {strides = array<i32>} : memref<16384xf32, #tpu.memory_space<vmem>>, vector<16xf32>,
      %swap3A_243 = vector.shape_cast %swap3A_242 : vector<16xf32> to vector<16xf32>
      %swap3A_244 = vector.shape_cast %mul3A_238 : vector<16xf32> to vector<16xf32>
      tpu.vector_store %arg8[%swap3A_241], %swap3A_244 {strides = array<i32>} : memref<16384xf32, #tpu.memory_space<vmem>>, vector<16xf32>,
      %mul3A_245 = arith.mulf %parallel_loop3A_222#2, %broadcast_in_dim3A_228 : vector<16xf32>
      %add3A_246 = arith.constant 32 : i32
      %add3A_247 = arith.addi %mul3A_230, %add3A_246 : i32
      %swap3A_248 = arith.index_cast %add3A_247 : i32 to index
      %swap3A_249 = tpu.vector_load %arg8[%swap3A_248] {strides = array<i32>} : memref<16384xf32, #tpu.memory_space<vmem>>, vector<16xf32>,
      %swap3A_250 = vector.shape_cast %swap3A_249 : vector<16xf32> to vector<16xf32>
      %swap3A_251 = vector.shape_cast %mul3A_245 : vector<16xf32> to vector<16xf32>
      tpu.vector_store %arg8[%swap3A_248], %swap3A_251 {strides = array<i32>} : memref<16384xf32, #tpu.memory_space<vmem>>, vector<16xf32>,
      %mul3A_252 = arith.mulf %parallel_loop3A_222#3, %broadcast_in_dim3A_228 : vector<16xf32>
      %add3A_253 = arith.constant 48 : i32
      %add3A_254 = arith.addi %mul3A_230, %add3A_253 : i32
      %swap3A_255 = arith.index_cast %add3A_254 : i32 to index
      %swap3A_256 = tpu.vector_load %arg8[%swap3A_255] {strides = array<i32>} : memref<16384xf32, #tpu.memory_space<vmem>>, vector<16xf32>,
      %swap3A_257 = vector.shape_cast %swap3A_256 : vector<16xf32> to vector<16xf32>
      %swap3A_258 = vector.shape_cast %mul3A_252 : vector<16xf32> to vector<16xf32>
      tpu.vector_store %arg8[%swap3A_255], %swap3A_258 {strides = array<i32>} : memref<16384xf32, #tpu.memory_space<vmem>>, vector<16xf32>,
      %mul3A_259 = arith.mulf %parallel_loop3A_222#4, %broadcast_in_dim3A_228 : vector<16xf32>
      %add3A_260 = arith.constant 64 : i32
      %add3A_261 = arith.addi %mul3A_230, %add3A_260 : i32
      %swap3A_262 = arith.index_cast %add3A_261 : i32 to index
      %swap3A_263 = tpu.vector_load %arg8[%swap3A_262] {strides = array<i32>} : memref<16384xf32, #tpu.memory_space<vmem>>, vector<16xf32>,
      %swap3A_264 = vector.shape_cast %swap3A_263 : vector<16xf32> to vector<16xf32>
      %swap3A_265 = vector.shape_cast %mul3A_259 : vector<16xf32> to vector<16xf32>
      tpu.vector_store %arg8[%swap3A_262], %swap3A_265 {strides = array<i32>} : memref<16384xf32, #tpu.memory_space<vmem>>, vector<16xf32>,
      %mul3A_266 = arith.mulf %parallel_loop3A_222#5, %broadcast_in_dim3A_228 : vector<16xf32>
      %add3A_267 = arith.constant 80 : i32
      %add3A_268 = arith.addi %mul3A_230, %add3A_267 : i32
      %swap3A_269 = arith.index_cast %add3A_268 : i32 to index
      %swap3A_270 = tpu.vector_load %arg8[%swap3A_269] {strides = array<i32>} : memref<16384xf32, #tpu.memory_space<vmem>>, vector<16xf32>,
      %swap3A_271 = vector.shape_cast %swap3A_270 : vector<16xf32> to vector<16xf32>
      %swap3A_272 = vector.shape_cast %mul3A_266 : vector<16xf32> to vector<16xf32>
      tpu.vector_store %arg8[%swap3A_269], %swap3A_272 {strides = array<i32>} : memref<16384xf32, #tpu.memory_space<vmem>>, vector<16xf32>,
      %mul3A_273 = arith.mulf %parallel_loop3A_222#6, %broadcast_in_dim3A_228 : vector<16xf32>
      %add3A_274 = arith.constant 96 : i32
      %add3A_275 = arith.addi %mul3A_230, %add3A_274 : i32
      %swap3A_276 = arith.index_cast %add3A_275 : i32 to index
      %swap3A_277 = tpu.vector_load %arg8[%swap3A_276] {strides = array<i32>} : memref<16384xf32, #tpu.memory_space<vmem>>, vector<16xf32>,
      %swap3A_278 = vector.shape_cast %swap3A_277 : vector<16xf32> to vector<16xf32>
      %swap3A_279 = vector.shape_cast %mul3A_273 : vector<16xf32> to vector<16xf32>
      tpu.vector_store %arg8[%swap3A_276], %swap3A_279 {strides = array<i32>} : memref<16384xf32, #tpu.memory_space<vmem>>, vector<16xf32>,
      %mul3A_280 = arith.mulf %parallel_loop3A_222#7, %broadcast_in_dim3A_228 : vector<16xf32>
      %add3A_281 = arith.constant 112 : i32
      %add3A_282 = arith.addi %mul3A_230, %add3A_281 : i32
      %swap3A_283 = arith.index_cast %add3A_282 : i32 to index
      %swap3A_284 = tpu.vector_load %arg8[%swap3A_283] {strides = array<i32>} : memref<16384xf32, #tpu.memory_space<vmem>>, vector<16xf32>,
      %swap3A_285 = vector.shape_cast %swap3A_284 : vector<16xf32> to vector<16xf32>
      %swap3A_286 = vector.shape_cast %mul3A_280 : vector<16xf32> to vector<16xf32>
      tpu.vector_store %arg8[%swap3A_283], %swap3A_286 {strides = array<i32>} : memref<16384xf32, #tpu.memory_space<vmem>>, vector<16xf32>,
      %mul3A_287 = arith.constant 32 : i32
      %mul3A_288 = arith.muli %scan3A_154, %mul3A_287 : i32
      %add3A_289 = arith.constant 2 : i32
      %add3A_290 = arith.addi %mul3A_288, %add3A_289 : i32
      %add3A_291 = arith.constant 3 : i32
      %add3A_292 = arith.addi %add3A_290, %add3A_291 : i32
      %lt3A_293 = arith.constant 256 : i32
      %lt3A_294 = arith.cmpi slt, %add3A_292, %lt3A_293 : i32
      %convert_element_type3A_295 = arith.extui %lt3A_294 : i1 to i32
      %cond3A_296 = arith.constant 0 : i32
      %cond3A_297 = arith.cmpi ne, %convert_element_type3A_295, %cond3A_296 : i32
      scf.if %cond3A_297 {
        %dma_start3A_2282 = arith.constant 1 : i32
        %dma_start3A_2283 = arith.constant 0 : i32
        %dma_start3A_2284 = arith.constant 0 : i32
        %dma_start3A_2285 = tpu.memref_slice %arg7[%dma_start3A_2282, %dma_start3A_2283, %dma_start3A_2284] : memref<4x100x128xf32, #tpu.memory_space<vmem>> -> memref<1x100x128xf32, #tpu.memory_space<vmem>>
        %dma_start3A_2286 = tpu.memref_squeeze %dma_start3A_2285 : memref<1x100x128xf32, #tpu.memory_space<vmem>> -> memref<100x128xf32, #tpu.memory_space<vmem>>
        %dma_start3A_2287 = arith.constant 0 : i32
        %dma_start3A_2288 = tpu.memref_slice %arg6[%add3A_292, %dma_start3A_2287] : memref<256x100xi32, #tpu.memory_space<vmem>> -> memref<1x100xi32, #tpu.memory_space<vmem>>
        %dma_start3A_2289 = tpu.memref_squeeze %dma_start3A_2288 : memref<1x100xi32, #tpu.memory_space<vmem>> -> memref<100xi32, #tpu.memory_space<vmem>>
        %dma_start3A_2290 = arith.constant 0 : i32
        %dma_start3A_2291 = arith.constant 0 : i32
        %dma_start3A_2292 = tpu.memref_slice %arg4[%dma_start3A_2290, %dma_start3A_2291] : memref<100001x128xf32, #tpu.memory_space<hbm>> -> memref<100001x128xf32, #tpu.memory_space<hbm>>
        tpu.enqueue_indirect_dma source(%dma_start3A_2292 : memref<100001x128xf32, #tpu.memory_space<hbm>>) target(%dma_start3A_2286 : memref<100x128xf32, #tpu.memory_space<vmem>>) offsets(%dma_start3A_2289 : memref<100xi32, #tpu.memory_space<vmem>>) semaphore(%arg12 : memref<!tpu.dma_semaphore, #tpu.memory_space<semaphore_mem>>)
      } else {
      }
      %dma_wait3A_298 = arith.constant 2 : i32
      %dma_wait3A_299 = arith.constant 0 : i32
      %dma_wait3A_300 = arith.constant 0 : i32
      %dma_wait3A_301 = tpu.memref_slice %arg7[%dma_wait3A_298, %dma_wait3A_299, %dma_wait3A_300] : memref<4x100x128xf32, #tpu.memory_space<vmem>> -> memref<1x100x128xf32, #tpu.memory_space<vmem>>
      %dma_wait3A_302 = tpu.memref_squeeze %dma_wait3A_301 : memref<1x100x128xf32, #tpu.memory_space<vmem>> -> memref<100x128xf32, #tpu.memory_space<vmem>>
      %dma_wait3A_303 = arith.constant 0 : i32
      %dma_wait3A_304 = tpu.memref_slice %arg6[%add3A_290, %dma_wait3A_303] : memref<256x100xi32, #tpu.memory_space<vmem>> -> memref<1x100xi32, #tpu.memory_space<vmem>>
      %dma_wait3A_305 = tpu.memref_squeeze %dma_wait3A_304 : memref<1x100xi32, #tpu.memory_space<vmem>> -> memref<100xi32, #tpu.memory_space<vmem>>
      %dma_wait3A_306 = arith.constant 0 : i32
      %dma_wait3A_307 = arith.constant 0 : i32
      %dma_wait3A_308 = tpu.memref_slice %arg4[%dma_wait3A_306, %dma_wait3A_307] : memref<100001x128xf32, #tpu.memory_space<hbm>> -> memref<100001x128xf32, #tpu.memory_space<hbm>>
      tpu.wait_indirect_dma semaphore(%arg13 : memref<!tpu.dma_semaphore, #tpu.memory_space<semaphore_mem>>) src(%dma_wait3A_308 : memref<100001x128xf32, #tpu.memory_space<hbm>>) dst(%dma_wait3A_302 : memref<100x128xf32, #tpu.memory_space<vmem>>)
      %broadcast_in_dim3A_309 = arith.constant 0.000000e+00 : f32
      %broadcast_in_dim3A_310 = vector.broadcast %broadcast_in_dim3A_309 : f32 to vector<16xf32>
      %broadcast_in_dim3A_311 = arith.constant 0.000000e+00 : f32
      %broadcast_in_dim3A_312 = vector.broadcast %broadcast_in_dim3A_311 : f32 to vector<16xf32>
      %broadcast_in_dim3A_313 = arith.constant 0.000000e+00 : f32
      %broadcast_in_dim3A_314 = vector.broadcast %broadcast_in_dim3A_313 : f32 to vector<16xf32>
      %broadcast_in_dim3A_315 = arith.constant 0.000000e+00 : f32
      %broadcast_in_dim3A_316 = vector.broadcast %broadcast_in_dim3A_315 : f32 to vector<16xf32>
      %broadcast_in_dim3A_317 = arith.constant 0.000000e+00 : f32
      %broadcast_in_dim3A_318 = vector.broadcast %broadcast_in_dim3A_317 : f32 to vector<16xf32>
      %broadcast_in_dim3A_319 = arith.constant 0.000000e+00 : f32
      %broadcast_in_dim3A_320 = vector.broadcast %broadcast_in_dim3A_319 : f32 to vector<16xf32>
      %broadcast_in_dim3A_321 = arith.constant 0.000000e+00 : f32
      %broadcast_in_dim3A_322 = vector.broadcast %broadcast_in_dim3A_321 : f32 to vector<16xf32>
      %broadcast_in_dim3A_323 = arith.constant 0.000000e+00 : f32
      %broadcast_in_dim3A_324 = vector.broadcast %broadcast_in_dim3A_323 : f32 to vector<16xf32>
      %parallel_loop3A_325 = arith.constant 0 : i32
      %parallel_loop3A_326 = arith.constant 2 : i32
      %parallel_loop3A_327 = arith.constant 1 : i32
      %parallel_loop3A_328:8 = scf.for %parallel_loop3A_2282 = %parallel_loop3A_325 to %parallel_loop3A_326 step %parallel_loop3A_327 iter_args(%parallel_loop3A_2283 = %broadcast_in_dim3A_310, %parallel_loop3A_2284 = %broadcast_in_dim3A_312, %parallel_loop3A_2285 = %broadcast_in_dim3A_314, %parallel_loop3A_2286 = %broadcast_in_dim3A_316, %parallel_loop3A_2287 = %broadcast_in_dim3A_318, %parallel_loop3A_2288 = %broadcast_in_dim3A_320, %parallel_loop3A_2289 = %broadcast_in_dim3A_322, %parallel_loop3A_2290 = %broadcast_in_dim3A_324) -> (vector<16xf32>, vector<16xf32>, vector<16xf32>, vector<16xf32>, vector<16xf32>, vector<16xf32>, vector<16xf32>, vector<16xf32>)  : i32 {
        %parallel_loop3A_2291 = arith.constant 2 : i32
        %parallel_loop3A_2292 = arith.index_cast %parallel_loop3A_2291 : i32 to index
        %parallel_loop3A_2293 = arith.index_cast %parallel_loop3A_2282 : i32 to index
        %parallel_loop3A_2294 = arith.constant 0 : index
        %parallel_loop3A_2295 = tpu.vector_load %arg7[%parallel_loop3A_2292, %parallel_loop3A_2293, %parallel_loop3A_2294] {strides = array<i32>} : memref<4x100x128xf32, #tpu.memory_space<vmem>>, vector<1x1x16xf32>,
        %parallel_loop3A_2296 = vector.shape_cast %parallel_loop3A_2295 : vector<1x1x16xf32> to vector<16xf32>
        %parallel_loop3A_2297 = arith.addf %parallel_loop3A_2283, %parallel_loop3A_2296 : vector<16xf32>
        %parallel_loop3A_2298 = arith.constant 2 : i32
        %parallel_loop3A_2299 = arith.index_cast %parallel_loop3A_2298 : i32 to index
        %parallel_loop3A_2300 = arith.index_cast %parallel_loop3A_2282 : i32 to index
        %parallel_loop3A_2301 = arith.constant 16 : index
        %parallel_loop3A_2302 = tpu.vector_load %arg7[%parallel_loop3A_2299, %parallel_loop3A_2300, %parallel_loop3A_2301] {strides = array<i32>} : memref<4x100x128xf32, #tpu.memory_space<vmem>>, vector<1x1x16xf32>,
        %parallel_loop3A_2303 = vector.shape_cast %parallel_loop3A_2302 : vector<1x1x16xf32> to vector<16xf32>
        %parallel_loop3A_2304 = arith.addf %parallel_loop3A_2284, %parallel_loop3A_2303 : vector<16xf32>
        %parallel_loop3A_2305 = arith.constant 2 : i32
        %parallel_loop3A_2306 = arith.index_cast %parallel_loop3A_2305 : i32 to index
        %parallel_loop3A_2307 = arith.index_cast %parallel_loop3A_2282 : i32 to index
        %parallel_loop3A_2308 = arith.constant 32 : index
        %parallel_loop3A_2309 = tpu.vector_load %arg7[%parallel_loop3A_2306, %parallel_loop3A_2307, %parallel_loop3A_2308] {strides = array<i32>} : memref<4x100x128xf32, #tpu.memory_space<vmem>>, vector<1x1x16xf32>,
        %parallel_loop3A_2310 = vector.shape_cast %parallel_loop3A_2309 : vector<1x1x16xf32> to vector<16xf32>
        %parallel_loop3A_2311 = arith.addf %parallel_loop3A_2285, %parallel_loop3A_2310 : vector<16xf32>
        %parallel_loop3A_2312 = arith.constant 2 : i32
        %parallel_loop3A_2313 = arith.index_cast %parallel_loop3A_2312 : i32 to index
        %parallel_loop3A_2314 = arith.index_cast %parallel_loop3A_2282 : i32 to index
        %parallel_loop3A_2315 = arith.constant 48 : index
        %parallel_loop3A_2316 = tpu.vector_load %arg7[%parallel_loop3A_2313, %parallel_loop3A_2314, %parallel_loop3A_2315] {strides = array<i32>} : memref<4x100x128xf32, #tpu.memory_space<vmem>>, vector<1x1x16xf32>,
        %parallel_loop3A_2317 = vector.shape_cast %parallel_loop3A_2316 : vector<1x1x16xf32> to vector<16xf32>
        %parallel_loop3A_2318 = arith.addf %parallel_loop3A_2286, %parallel_loop3A_2317 : vector<16xf32>
        %parallel_loop3A_2319 = arith.constant 2 : i32
        %parallel_loop3A_2320 = arith.index_cast %parallel_loop3A_2319 : i32 to index
        %parallel_loop3A_2321 = arith.index_cast %parallel_loop3A_2282 : i32 to index
        %parallel_loop3A_2322 = arith.constant 64 : index
        %parallel_loop3A_2323 = tpu.vector_load %arg7[%parallel_loop3A_2320, %parallel_loop3A_2321, %parallel_loop3A_2322] {strides = array<i32>} : memref<4x100x128xf32, #tpu.memory_space<vmem>>, vector<1x1x16xf32>,
        %parallel_loop3A_2324 = vector.shape_cast %parallel_loop3A_2323 : vector<1x1x16xf32> to vector<16xf32>
        %parallel_loop3A_2325 = arith.addf %parallel_loop3A_2287, %parallel_loop3A_2324 : vector<16xf32>
        %parallel_loop3A_2326 = arith.constant 2 : i32
        %parallel_loop3A_2327 = arith.index_cast %parallel_loop3A_2326 : i32 to index
        %parallel_loop3A_2328 = arith.index_cast %parallel_loop3A_2282 : i32 to index
        %parallel_loop3A_2329 = arith.constant 80 : index
        %parallel_loop3A_2330 = tpu.vector_load %arg7[%parallel_loop3A_2327, %parallel_loop3A_2328, %parallel_loop3A_2329] {strides = array<i32>} : memref<4x100x128xf32, #tpu.memory_space<vmem>>, vector<1x1x16xf32>,
        %parallel_loop3A_2331 = vector.shape_cast %parallel_loop3A_2330 : vector<1x1x16xf32> to vector<16xf32>
        %parallel_loop3A_2332 = arith.addf %parallel_loop3A_2288, %parallel_loop3A_2331 : vector<16xf32>
        %parallel_loop3A_2333 = arith.constant 2 : i32
        %parallel_loop3A_2334 = arith.index_cast %parallel_loop3A_2333 : i32 to index
        %parallel_loop3A_2335 = arith.index_cast %parallel_loop3A_2282 : i32 to index
        %parallel_loop3A_2336 = arith.constant 96 : index
        %parallel_loop3A_2337 = tpu.vector_load %arg7[%parallel_loop3A_2334, %parallel_loop3A_2335, %parallel_loop3A_2336] {strides = array<i32>} : memref<4x100x128xf32, #tpu.memory_space<vmem>>, vector<1x1x16xf32>,
        %parallel_loop3A_2338 = vector.shape_cast %parallel_loop3A_2337 : vector<1x1x16xf32> to vector<16xf32>
        %parallel_loop3A_2339 = arith.addf %parallel_loop3A_2289, %parallel_loop3A_2338 : vector<16xf32>
        %parallel_loop3A_2340 = arith.constant 2 : i32
        %parallel_loop3A_2341 = arith.index_cast %parallel_loop3A_2340 : i32 to index
        %parallel_loop3A_2342 = arith.index_cast %parallel_loop3A_2282 : i32 to index
        %parallel_loop3A_2343 = arith.constant 112 : index
        %parallel_loop3A_2344 = tpu.vector_load %arg7[%parallel_loop3A_2341, %parallel_loop3A_2342, %parallel_loop3A_2343] {strides = array<i32>} : memref<4x100x128xf32, #tpu.memory_space<vmem>>, vector<1x1x16xf32>,
        %parallel_loop3A_2345 = vector.shape_cast %parallel_loop3A_2344 : vector<1x1x16xf32> to vector<16xf32>
        %parallel_loop3A_2346 = arith.addf %parallel_loop3A_2290, %parallel_loop3A_2345 : vector<16xf32>
        scf.yield %parallel_loop3A_2297, %parallel_loop3A_2304, %parallel_loop3A_2311, %parallel_loop3A_2318, %parallel_loop3A_2325, %parallel_loop3A_2332, %parallel_loop3A_2339, %parallel_loop3A_2346 : vector<16xf32>, vector<16xf32>, vector<16xf32>, vector<16xf32>, vector<16xf32>, vector<16xf32>, vector<16xf32>, vector<16xf32>
      } {sc.loop_unroll_factor = 1 : i64, sc.parallel_access}
      %mul3A_329 = arith.constant 32 : i32
      %mul3A_330 = arith.muli %scan3A_154, %mul3A_329 : i32
      %add3A_331 = arith.constant 3 : i32
      %add3A_332 = arith.addi %mul3A_330, %add3A_331 : i32
      %add3A_333 = arith.constant 3 : i32
      %add3A_334 = arith.addi %add3A_332, %add3A_333 : i32
      %lt3A_335 = arith.constant 256 : i32
      %lt3A_336 = arith.cmpi slt, %add3A_334, %lt3A_335 : i32
      %convert_element_type3A_337 = arith.extui %lt3A_336 : i1 to i32
      %cond3A_338 = arith.constant 0 : i32
      %cond3A_339 = arith.cmpi ne, %convert_element_type3A_337, %cond3A_338 : i32
      scf.if %cond3A_339 {
        %dma_start3A_2282 = arith.constant 2 : i32
        %dma_start3A_2283 = arith.constant 0 : i32
        %dma_start3A_2284 = arith.constant 0 : i32
        %dma_start3A_2285 = tpu.memref_slice %arg7[%dma_start3A_2282, %dma_start3A_2283, %dma_start3A_2284] : memref<4x100x128xf32, #tpu.memory_space<vmem>> -> memref<1x100x128xf32, #tpu.memory_space<vmem>>
        %dma_start3A_2286 = tpu.memref_squeeze %dma_start3A_2285 : memref<1x100x128xf32, #tpu.memory_space<vmem>> -> memref<100x128xf32, #tpu.memory_space<vmem>>
        %dma_start3A_2287 = arith.constant 0 : i32
        %dma_start3A_2288 = tpu.memref_slice %arg6[%add3A_334, %dma_start3A_2287] : memref<256x100xi32, #tpu.memory_space<vmem>> -> memref<1x100xi32, #tpu.memory_space<vmem>>
        %dma_start3A_2289 = tpu.memref_squeeze %dma_start3A_2288 : memref<1x100xi32, #tpu.memory_space<vmem>> -> memref<100xi32, #tpu.memory_space<vmem>>
        %dma_start3A_2290 = arith.constant 0 : i32
        %dma_start3A_2291 = arith.constant 0 : i32
        %dma_start3A_2292 = tpu.memref_slice %arg4[%dma_start3A_2290, %dma_start3A_2291] : memref<100001x128xf32, #tpu.memory_space<hbm>> -> memref<100001x128xf32, #tpu.memory_space<hbm>>
        tpu.enqueue_indirect_dma source(%dma_start3A_2292 : memref<100001x128xf32, #tpu.memory_space<hbm>>) target(%dma_start3A_2286 : memref<100x128xf32, #tpu.memory_space<vmem>>) offsets(%dma_start3A_2289 : memref<100xi32, #tpu.memory_space<vmem>>) semaphore(%arg13 : memref<!tpu.dma_semaphore, #tpu.memory_space<semaphore_mem>>)
      } else {
      }
      %dma_wait3A_340 = arith.constant 3 : i32
      %dma_wait3A_341 = arith.constant 0 : i32
      %dma_wait3A_342 = arith.constant 0 : i32
      %dma_wait3A_343 = tpu.memref_slice %arg7[%dma_wait3A_340, %dma_wait3A_341, %dma_wait3A_342] : memref<4x100x128xf32, #tpu.memory_space<vmem>> -> memref<1x100x128xf32, #tpu.memory_space<vmem>>
      %dma_wait3A_344 = tpu.memref_squeeze %dma_wait3A_343 : memref<1x100x128xf32, #tpu.memory_space<vmem>> -> memref<100x128xf32, #tpu.memory_space<vmem>>
      %dma_wait3A_345 = arith.constant 0 : i32
      %dma_wait3A_346 = tpu.memref_slice %arg6[%add3A_332, %dma_wait3A_345] : memref<256x100xi32, #tpu.memory_space<vmem>> -> memref<1x100xi32, #tpu.memory_space<vmem>>
      %dma_wait3A_347 = tpu.memref_squeeze %dma_wait3A_346 : memref<1x100xi32, #tpu.memory_space<vmem>> -> memref<100xi32, #tpu.memory_space<vmem>>
      %dma_wait3A_348 = arith.constant 0 : i32
      %dma_wait3A_349 = arith.constant 0 : i32
      %dma_wait3A_350 = tpu.memref_slice %arg4[%dma_wait3A_348, %dma_wait3A_349] : memref<100001x128xf32, #tpu.memory_space<hbm>> -> memref<100001x128xf32, #tpu.memory_space<hbm>>
      tpu.wait_indirect_dma semaphore(%arg14 : memref<!tpu.dma_semaphore, #tpu.memory_space<semaphore_mem>>) src(%dma_wait3A_350 : memref<100001x128xf32, #tpu.memory_space<hbm>>) dst(%dma_wait3A_344 : memref<100x128xf32, #tpu.memory_space<vmem>>)
      %parallel_loop3A_351 = arith.constant 0 : i32
      %parallel_loop3A_352 = arith.constant 2 : i32
      %parallel_loop3A_353 = arith.constant 1 : i32
      %parallel_loop3A_354:8 = scf.for %parallel_loop3A_2282 = %parallel_loop3A_351 to %parallel_loop3A_352 step %parallel_loop3A_353 iter_args(%parallel_loop3A_2283 = %parallel_loop3A_328#0, %parallel_loop3A_2284 = %parallel_loop3A_328#1, %parallel_loop3A_2285 = %parallel_loop3A_328#2, %parallel_loop3A_2286 = %parallel_loop3A_328#3, %parallel_loop3A_2287 = %parallel_loop3A_328#4, %parallel_loop3A_2288 = %parallel_loop3A_328#5, %parallel_loop3A_2289 = %parallel_loop3A_328#6, %parallel_loop3A_2290 = %parallel_loop3A_328#7) -> (vector<16xf32>, vector<16xf32>, vector<16xf32>, vector<16xf32>, vector<16xf32>, vector<16xf32>, vector<16xf32>, vector<16xf32>)  : i32 {
        %parallel_loop3A_2291 = arith.constant 3 : i32
        %parallel_loop3A_2292 = arith.index_cast %parallel_loop3A_2291 : i32 to index
        %parallel_loop3A_2293 = arith.index_cast %parallel_loop3A_2282 : i32 to index
        %parallel_loop3A_2294 = arith.constant 0 : index
        %parallel_loop3A_2295 = tpu.vector_load %arg7[%parallel_loop3A_2292, %parallel_loop3A_2293, %parallel_loop3A_2294] {strides = array<i32>} : memref<4x100x128xf32, #tpu.memory_space<vmem>>, vector<1x1x16xf32>,
        %parallel_loop3A_2296 = vector.shape_cast %parallel_loop3A_2295 : vector<1x1x16xf32> to vector<16xf32>
        %parallel_loop3A_2297 = arith.addf %parallel_loop3A_2283, %parallel_loop3A_2296 : vector<16xf32>
        %parallel_loop3A_2298 = arith.constant 3 : i32
        %parallel_loop3A_2299 = arith.index_cast %parallel_loop3A_2298 : i32 to index
        %parallel_loop3A_2300 = arith.index_cast %parallel_loop3A_2282 : i32 to index
        %parallel_loop3A_2301 = arith.constant 16 : index
        %parallel_loop3A_2302 = tpu.vector_load %arg7[%parallel_loop3A_2299, %parallel_loop3A_2300, %parallel_loop3A_2301] {strides = array<i32>} : memref<4x100x128xf32, #tpu.memory_space<vmem>>, vector<1x1x16xf32>,
        %parallel_loop3A_2303 = vector.shape_cast %parallel_loop3A_2302 : vector<1x1x16xf32> to vector<16xf32>
        %parallel_loop3A_2304 = arith.addf %parallel_loop3A_2284, %parallel_loop3A_2303 : vector<16xf32>
        %parallel_loop3A_2305 = arith.constant 3 : i32
        %parallel_loop3A_2306 = arith.index_cast %parallel_loop3A_2305 : i32 to index
        %parallel_loop3A_2307 = arith.index_cast %parallel_loop3A_2282 : i32 to index
        %parallel_loop3A_2308 = arith.constant 32 : index
        %parallel_loop3A_2309 = tpu.vector_load %arg7[%parallel_loop3A_2306, %parallel_loop3A_2307, %parallel_loop3A_2308] {strides = array<i32>} : memref<4x100x128xf32, #tpu.memory_space<vmem>>, vector<1x1x16xf32>,
        %parallel_loop3A_2310 = vector.shape_cast %parallel_loop3A_2309 : vector<1x1x16xf32> to vector<16xf32>
        %parallel_loop3A_2311 = arith.addf %parallel_loop3A_2285, %parallel_loop3A_2310 : vector<16xf32>
        %parallel_loop3A_2312 = arith.constant 3 : i32
        %parallel_loop3A_2313 = arith.index_cast %parallel_loop3A_2312 : i32 to index
        %parallel_loop3A_2314 = arith.index_cast %parallel_loop3A_2282 : i32 to index
        %parallel_loop3A_2315 = arith.constant 48 : index
        %parallel_loop3A_2316 = tpu.vector_load %arg7[%parallel_loop3A_2313, %parallel_loop3A_2314, %parallel_loop3A_2315] {strides = array<i32>} : memref<4x100x128xf32, #tpu.memory_space<vmem>>, vector<1x1x16xf32>,
        %parallel_loop3A_2317 = vector.shape_cast %parallel_loop3A_2316 : vector<1x1x16xf32> to vector<16xf32>
        %parallel_loop3A_2318 = arith.addf %parallel_loop3A_2286, %parallel_loop3A_2317 : vector<16xf32>
        %parallel_loop3A_2319 = arith.constant 3 : i32
        %parallel_loop3A_2320 = arith.index_cast %parallel_loop3A_2319 : i32 to index
        %parallel_loop3A_2321 = arith.index_cast %parallel_loop3A_2282 : i32 to index
        %parallel_loop3A_2322 = arith.constant 64 : index
        %parallel_loop3A_2323 = tpu.vector_load %arg7[%parallel_loop3A_2320, %parallel_loop3A_2321, %parallel_loop3A_2322] {strides = array<i32>} : memref<4x100x128xf32, #tpu.memory_space<vmem>>, vector<1x1x16xf32>,
        %parallel_loop3A_2324 = vector.shape_cast %parallel_loop3A_2323 : vector<1x1x16xf32> to vector<16xf32>
        %parallel_loop3A_2325 = arith.addf %parallel_loop3A_2287, %parallel_loop3A_2324 : vector<16xf32>
        %parallel_loop3A_2326 = arith.constant 3 : i32
        %parallel_loop3A_2327 = arith.index_cast %parallel_loop3A_2326 : i32 to index
        %parallel_loop3A_2328 = arith.index_cast %parallel_loop3A_2282 : i32 to index
        %parallel_loop3A_2329 = arith.constant 80 : index
        %parallel_loop3A_2330 = tpu.vector_load %arg7[%parallel_loop3A_2327, %parallel_loop3A_2328, %parallel_loop3A_2329] {strides = array<i32>} : memref<4x100x128xf32, #tpu.memory_space<vmem>>, vector<1x1x16xf32>,
        %parallel_loop3A_2331 = vector.shape_cast %parallel_loop3A_2330 : vector<1x1x16xf32> to vector<16xf32>
        %parallel_loop3A_2332 = arith.addf %parallel_loop3A_2288, %parallel_loop3A_2331 : vector<16xf32>
        %parallel_loop3A_2333 = arith.constant 3 : i32
        %parallel_loop3A_2334 = arith.index_cast %parallel_loop3A_2333 : i32 to index
        %parallel_loop3A_2335 = arith.index_cast %parallel_loop3A_2282 : i32 to index
        %parallel_loop3A_2336 = arith.constant 96 : index
        %parallel_loop3A_2337 = tpu.vector_load %arg7[%parallel_loop3A_2334, %parallel_loop3A_2335, %parallel_loop3A_2336] {strides = array<i32>} : memref<4x100x128xf32, #tpu.memory_space<vmem>>, vector<1x1x16xf32>,
        %parallel_loop3A_2338 = vector.shape_cast %parallel_loop3A_2337 : vector<1x1x16xf32> to vector<16xf32>
        %parallel_loop3A_2339 = arith.addf %parallel_loop3A_2289, %parallel_loop3A_2338 : vector<16xf32>
        %parallel_loop3A_2340 = arith.constant 3 : i32
        %parallel_loop3A_2341 = arith.index_cast %parallel_loop3A_2340 : i32 to index
        %parallel_loop3A_2342 = arith.index_cast %parallel_loop3A_2282 : i32 to index
        %parallel_loop3A_2343 = arith.constant 112 : index
        %parallel_loop3A_2344 = tpu.vector_load %arg7[%parallel_loop3A_2341, %parallel_loop3A_2342, %parallel_loop3A_2343] {strides = array<i32>} : memref<4x100x128xf32, #tpu.memory_space<vmem>>, vector<1x1x16xf32>,
        %parallel_loop3A_2345 = vector.shape_cast %parallel_loop3A_2344 : vector<1x1x16xf32> to vector<16xf32>
        %parallel_loop3A_2346 = arith.addf %parallel_loop3A_2290, %parallel_loop3A_2345 : vector<16xf32>
        scf.yield %parallel_loop3A_2297, %parallel_loop3A_2304, %parallel_loop3A_2311, %parallel_loop3A_2318, %parallel_loop3A_2325, %parallel_loop3A_2332, %parallel_loop3A_2339, %parallel_loop3A_2346 : vector<16xf32>, vector<16xf32>, vector<16xf32>, vector<16xf32>, vector<16xf32>, vector<16xf32>, vector<16xf32>, vector<16xf32>
      } {sc.loop_unroll_factor = 1 : i64, sc.parallel_access}
      %mul3A_355 = arith.constant 16 : i32
      %mul3A_356 = arith.muli %scan3A_154, %mul3A_355 : i32
      %add3A_357 = arith.constant 1 : i32
      %add3A_358 = arith.addi %mul3A_356, %add3A_357 : i32
      %slice3A_359 = vector.extract_strided_slice %get3A_159 {offsets = [1], sizes = [1], strides = [1]} : vector<16xf32> to vector<1xf32>
      %broadcast_in_dim3A_360 = vector.shape_cast %slice3A_359 : vector<1xf32> to vector<1xf32>
      %broadcast_in_dim3A_361 = vector.broadcast %broadcast_in_dim3A_360 : vector<1xf32> to vector<16xf32>
      %mul3A_362 = arith.constant 128 : i32
      %mul3A_363 = arith.muli %add3A_358, %mul3A_362 : i32
      %mul3A_364 = arith.mulf %parallel_loop3A_354#0, %broadcast_in_dim3A_361 : vector<16xf32>
      %add3A_365 = arith.constant 0 : i32
      %add3A_366 = arith.addi %mul3A_363, %add3A_365 : i32
      %swap3A_367 = arith.index_cast %add3A_366 : i32 to index
      %swap3A_368 = tpu.vector_load %arg8[%swap3A_367] {strides = array<i32>} : memref<16384xf32, #tpu.memory_space<vmem>>, vector<16xf32>,
      %swap3A_369 = vector.shape_cast %swap3A_368 : vector<16xf32> to vector<16xf32>
      %swap3A_370 = vector.shape_cast %mul3A_364 : vector<16xf32> to vector<16xf32>
      tpu.vector_store %arg8[%swap3A_367], %swap3A_370 {strides = array<i32>} : memref<16384xf32, #tpu.memory_space<vmem>>, vector<16xf32>,
      %mul3A_371 = arith.mulf %parallel_loop3A_354#1, %broadcast_in_dim3A_361 : vector<16xf32>
      %add3A_372 = arith.constant 16 : i32
      %add3A_373 = arith.addi %mul3A_363, %add3A_372 : i32
      %swap3A_374 = arith.index_cast %add3A_373 : i32 to index
      %swap3A_375 = tpu.vector_load %arg8[%swap3A_374] {strides = array<i32>} : memref<16384xf32, #tpu.memory_space<vmem>>, vector<16xf32>,
      %swap3A_376 = vector.shape_cast %swap3A_375 : vector<16xf32> to vector<16xf32>
      %swap3A_377 = vector.shape_cast %mul3A_371 : vector<16xf32> to vector<16xf32>
      tpu.vector_store %arg8[%swap3A_374], %swap3A_377 {strides = array<i32>} : memref<16384xf32, #tpu.memory_space<vmem>>, vector<16xf32>,
      %mul3A_378 = arith.mulf %parallel_loop3A_354#2, %broadcast_in_dim3A_361 : vector<16xf32>
      %add3A_379 = arith.constant 32 : i32
      %add3A_380 = arith.addi %mul3A_363, %add3A_379 : i32
      %swap3A_381 = arith.index_cast %add3A_380 : i32 to index
      %swap3A_382 = tpu.vector_load %arg8[%swap3A_381] {strides = array<i32>} : memref<16384xf32, #tpu.memory_space<vmem>>, vector<16xf32>,
      %swap3A_383 = vector.shape_cast %swap3A_382 : vector<16xf32> to vector<16xf32>
      %swap3A_384 = vector.shape_cast %mul3A_378 : vector<16xf32> to vector<16xf32>
      tpu.vector_store %arg8[%swap3A_381], %swap3A_384 {strides = array<i32>} : memref<16384xf32, #tpu.memory_space<vmem>>, vector<16xf32>,
      %mul3A_385 = arith.mulf %parallel_loop3A_354#3, %broadcast_in_dim3A_361 : vector<16xf32>
      %add3A_386 = arith.constant 48 : i32
      %add3A_387 = arith.addi %mul3A_363, %add3A_386 : i32
      %swap3A_388 = arith.index_cast %add3A_387 : i32 to index
      %swap3A_389 = tpu.vector_load %arg8[%swap3A_388] {strides = array<i32>} : memref<16384xf32, #tpu.memory_space<vmem>>, vector<16xf32>,
      %swap3A_390 = vector.shape_cast %swap3A_389 : vector<16xf32> to vector<16xf32>
      %swap3A_391 = vector.shape_cast %mul3A_385 : vector<16xf32> to vector<16xf32>
      tpu.vector_store %arg8[%swap3A_388], %swap3A_391 {strides = array<i32>} : memref<16384xf32, #tpu.memory_space<vmem>>, vector<16xf32>,
      %mul3A_392 = arith.mulf %parallel_loop3A_354#4, %broadcast_in_dim3A_361 : vector<16xf32>
      %add3A_393 = arith.constant 64 : i32
      %add3A_394 = arith.addi %mul3A_363, %add3A_393 : i32
      %swap3A_395 = arith.index_cast %add3A_394 : i32 to index
      %swap3A_396 = tpu.vector_load %arg8[%swap3A_395] {strides = array<i32>} : memref<16384xf32, #tpu.memory_space<vmem>>, vector<16xf32>,
      %swap3A_397 = vector.shape_cast %swap3A_396 : vector<16xf32> to vector<16xf32>
      %swap3A_398 = vector.shape_cast %mul3A_392 : vector<16xf32> to vector<16xf32>
      tpu.vector_store %arg8[%swap3A_395], %swap3A_398 {strides = array<i32>} : memref<16384xf32, #tpu.memory_space<vmem>>, vector<16xf32>,
      %mul3A_399 = arith.mulf %parallel_loop3A_354#5, %broadcast_in_dim3A_361 : vector<16xf32>
      %add3A_400 = arith.constant 80 : i32
      %add3A_401 = arith.addi %mul3A_363, %add3A_400 : i32
      %swap3A_402 = arith.index_cast %add3A_401 : i32 to index
      %swap3A_403 = tpu.vector_load %arg8[%swap3A_402] {strides = array<i32>} : memref<16384xf32, #tpu.memory_space<vmem>>, vector<16xf32>,
      %swap3A_404 = vector.shape_cast %swap3A_403 : vector<16xf32> to vector<16xf32>
      %swap3A_405 = vector.shape_cast %mul3A_399 : vector<16xf32> to vector<16xf32>
      tpu.vector_store %arg8[%swap3A_402], %swap3A_405 {strides = array<i32>} : memref<16384xf32, #tpu.memory_space<vmem>>, vector<16xf32>,
      %mul3A_406 = arith.mulf %parallel_loop3A_354#6, %broadcast_in_dim3A_361 : vector<16xf32>
      %add3A_407 = arith.constant 96 : i32
      %add3A_408 = arith.addi %mul3A_363, %add3A_407 : i32
      %swap3A_409 = arith.index_cast %add3A_408 : i32 to index
      %swap3A_410 = tpu.vector_load %arg8[%swap3A_409] {strides = array<i32>} : memref<16384xf32, #tpu.memory_space<vmem>>, vector<16xf32>,
      %swap3A_411 = vector.shape_cast %swap3A_410 : vector<16xf32> to vector<16xf32>
      %swap3A_412 = vector.shape_cast %mul3A_406 : vector<16xf32> to vector<16xf32>
      tpu.vector_store %arg8[%swap3A_409], %swap3A_412 {strides = array<i32>} : memref<16384xf32, #tpu.memory_space<vmem>>, vector<16xf32>,
      %mul3A_413 = arith.mulf %parallel_loop3A_354#7, %broadcast_in_dim3A_361 : vector<16xf32>
      %add3A_414 = arith.constant 112 : i32
      %add3A_415 = arith.addi %mul3A_363, %add3A_414 : i32
      %swap3A_416 = arith.index_cast %add3A_415 : i32 to index
      %swap3A_417 = tpu.vector_load %arg8[%swap3A_416] {strides = array<i32>} : memref<16384xf32, #tpu.memory_space<vmem>>, vector<16xf32>,
      %swap3A_418 = vector.shape_cast %swap3A_417 : vector<16xf32> to vector<16xf32>
      %swap3A_419 = vector.shape_cast %mul3A_413 : vector<16xf32> to vector<16xf32>
      tpu.vector_store %arg8[%swap3A_416], %swap3A_419 {strides = array<i32>} : memref<16384xf32, #tpu.memory_space<vmem>>, vector<16xf32>,
      %mul3A_420 = arith.constant 32 : i32
      %mul3A_421 = arith.muli %scan3A_154, %mul3A_420 : i32
      %add3A_422 = arith.constant 4 : i32
      %add3A_423 = arith.addi %mul3A_421, %add3A_422 : i32
      %add3A_424 = arith.constant 3 : i32
      %add3A_425 = arith.addi %add3A_423, %add3A_424 : i32
      %lt3A_426 = arith.constant 256 : i32
      %lt3A_427 = arith.cmpi slt, %add3A_425, %lt3A_426 : i32
      %convert_element_type3A_428 = arith.extui %lt3A_427 : i1 to i32
      %cond3A_429 = arith.constant 0 : i32
      %cond3A_430 = arith.cmpi ne, %convert_element_type3A_428, %cond3A_429 : i32
      scf.if %cond3A_430 {
        %dma_start3A_2282 = arith.constant 3 : i32
        %dma_start3A_2283 = arith.constant 0 : i32
        %dma_start3A_2284 = arith.constant 0 : i32
        %dma_start3A_2285 = tpu.memref_slice %arg7[%dma_start3A_2282, %dma_start3A_2283, %dma_start3A_2284] : memref<4x100x128xf32, #tpu.memory_space<vmem>> -> memref<1x100x128xf32, #tpu.memory_space<vmem>>
        %dma_start3A_2286 = tpu.memref_squeeze %dma_start3A_2285 : memref<1x100x128xf32, #tpu.memory_space<vmem>> -> memref<100x128xf32, #tpu.memory_space<vmem>>
        %dma_start3A_2287 = arith.constant 0 : i32
        %dma_start3A_2288 = tpu.memref_slice %arg6[%add3A_425, %dma_start3A_2287] : memref<256x100xi32, #tpu.memory_space<vmem>> -> memref<1x100xi32, #tpu.memory_space<vmem>>
        %dma_start3A_2289 = tpu.memref_squeeze %dma_start3A_2288 : memref<1x100xi32, #tpu.memory_space<vmem>> -> memref<100xi32, #tpu.memory_space<vmem>>
        %dma_start3A_2290 = arith.constant 0 : i32
        %dma_start3A_2291 = arith.constant 0 : i32
        %dma_start3A_2292 = tpu.memref_slice %arg4[%dma_start3A_2290, %dma_start3A_2291] : memref<100001x128xf32, #tpu.memory_space<hbm>> -> memref<100001x128xf32, #tpu.memory_space<hbm>>
        tpu.enqueue_indirect_dma source(%dma_start3A_2292 : memref<100001x128xf32, #tpu.memory_space<hbm>>) target(%dma_start3A_2286 : memref<100x128xf32, #tpu.memory_space<vmem>>) offsets(%dma_start3A_2289 : memref<100xi32, #tpu.memory_space<vmem>>) semaphore(%arg14 : memref<!tpu.dma_semaphore, #tpu.memory_space<semaphore_mem>>)
      } else {
      }
      %dma_wait3A_431 = arith.constant 0 : i32
      %dma_wait3A_432 = arith.constant 0 : i32
      %dma_wait3A_433 = arith.constant 0 : i32
      %dma_wait3A_434 = tpu.memref_slice %arg7[%dma_wait3A_431, %dma_wait3A_432, %dma_wait3A_433] : memref<4x100x128xf32, #tpu.memory_space<vmem>> -> memref<1x100x128xf32, #tpu.memory_space<vmem>>
      %dma_wait3A_435 = tpu.memref_squeeze %dma_wait3A_434 : memref<1x100x128xf32, #tpu.memory_space<vmem>> -> memref<100x128xf32, #tpu.memory_space<vmem>>
      %dma_wait3A_436 = arith.constant 0 : i32
      %dma_wait3A_437 = tpu.memref_slice %arg6[%add3A_423, %dma_wait3A_436] : memref<256x100xi32, #tpu.memory_space<vmem>> -> memref<1x100xi32, #tpu.memory_space<vmem>>
      %dma_wait3A_438 = tpu.memref_squeeze %dma_wait3A_437 : memref<1x100xi32, #tpu.memory_space<vmem>> -> memref<100xi32, #tpu.memory_space<vmem>>
      %dma_wait3A_439 = arith.constant 0 : i32
      %dma_wait3A_440 = arith.constant 0 : i32
      %dma_wait3A_441 = tpu.memref_slice %arg4[%dma_wait3A_439, %dma_wait3A_440] : memref<100001x128xf32, #tpu.memory_space<hbm>> -> memref<100001x128xf32, #tpu.memory_space<hbm>>
      tpu.wait_indirect_dma semaphore(%arg11 : memref<!tpu.dma_semaphore, #tpu.memory_space<semaphore_mem>>) src(%dma_wait3A_441 : memref<100001x128xf32, #tpu.memory_space<hbm>>) dst(%dma_wait3A_435 : memref<100x128xf32, #tpu.memory_space<vmem>>)
      %broadcast_in_dim3A_442 = arith.constant 0.000000e+00 : f32
      %broadcast_in_dim3A_443 = vector.broadcast %broadcast_in_dim3A_442 : f32 to vector<16xf32>
      %broadcast_in_dim3A_444 = arith.constant 0.000000e+00 : f32
      %broadcast_in_dim3A_445 = vector.broadcast %broadcast_in_dim3A_444 : f32 to vector<16xf32>
      %broadcast_in_dim3A_446 = arith.constant 0.000000e+00 : f32
      %broadcast_in_dim3A_447 = vector.broadcast %broadcast_in_dim3A_446 : f32 to vector<16xf32>
      %broadcast_in_dim3A_448 = arith.constant 0.000000e+00 : f32
      %broadcast_in_dim3A_449 = vector.broadcast %broadcast_in_dim3A_448 : f32 to vector<16xf32>
      %broadcast_in_dim3A_450 = arith.constant 0.000000e+00 : f32
      %broadcast_in_dim3A_451 = vector.broadcast %broadcast_in_dim3A_450 : f32 to vector<16xf32>
      %broadcast_in_dim3A_452 = arith.constant 0.000000e+00 : f32
      %broadcast_in_dim3A_453 = vector.broadcast %broadcast_in_dim3A_452 : f32 to vector<16xf32>
      %broadcast_in_dim3A_454 = arith.constant 0.000000e+00 : f32
      %broadcast_in_dim3A_455 = vector.broadcast %broadcast_in_dim3A_454 : f32 to vector<16xf32>
      %broadcast_in_dim3A_456 = arith.constant 0.000000e+00 : f32
      %broadcast_in_dim3A_457 = vector.broadcast %broadcast_in_dim3A_456 : f32 to vector<16xf32>
      %parallel_loop3A_458 = arith.constant 0 : i32
      %parallel_loop3A_459 = arith.constant 2 : i32
      %parallel_loop3A_460 = arith.constant 1 : i32
      %parallel_loop3A_461:8 = scf.for %parallel_loop3A_2282 = %parallel_loop3A_458 to %parallel_loop3A_459 step %parallel_loop3A_460 iter_args(%parallel_loop3A_2283 = %broadcast_in_dim3A_443, %parallel_loop3A_2284 = %broadcast_in_dim3A_445, %parallel_loop3A_2285 = %broadcast_in_dim3A_447, %parallel_loop3A_2286 = %broadcast_in_dim3A_449, %parallel_loop3A_2287 = %broadcast_in_dim3A_451, %parallel_loop3A_2288 = %broadcast_in_dim3A_453, %parallel_loop3A_2289 = %broadcast_in_dim3A_455, %parallel_loop3A_2290 = %broadcast_in_dim3A_457) -> (vector<16xf32>, vector<16xf32>, vector<16xf32>, vector<16xf32>, vector<16xf32>, vector<16xf32>, vector<16xf32>, vector<16xf32>)  : i32 {
        %parallel_loop3A_2291 = arith.constant 0 : i32
        %parallel_loop3A_2292 = arith.index_cast %parallel_loop3A_2291 : i32 to index
        %parallel_loop3A_2293 = arith.index_cast %parallel_loop3A_2282 : i32 to index
        %parallel_loop3A_2294 = arith.constant 0 : index
        %parallel_loop3A_2295 = tpu.vector_load %arg7[%parallel_loop3A_2292, %parallel_loop3A_2293, %parallel_loop3A_2294] {strides = array<i32>} : memref<4x100x128xf32, #tpu.memory_space<vmem>>, vector<1x1x16xf32>,
        %parallel_loop3A_2296 = vector.shape_cast %parallel_loop3A_2295 : vector<1x1x16xf32> to vector<16xf32>
        %parallel_loop3A_2297 = arith.addf %parallel_loop3A_2283, %parallel_loop3A_2296 : vector<16xf32>
        %parallel_loop3A_2298 = arith.constant 0 : i32
        %parallel_loop3A_2299 = arith.index_cast %parallel_loop3A_2298 : i32 to index
        %parallel_loop3A_2300 = arith.index_cast %parallel_loop3A_2282 : i32 to index
        %parallel_loop3A_2301 = arith.constant 16 : index
        %parallel_loop3A_2302 = tpu.vector_load %arg7[%parallel_loop3A_2299, %parallel_loop3A_2300, %parallel_loop3A_2301] {strides = array<i32>} : memref<4x100x128xf32, #tpu.memory_space<vmem>>, vector<1x1x16xf32>,
        %parallel_loop3A_2303 = vector.shape_cast %parallel_loop3A_2302 : vector<1x1x16xf32> to vector<16xf32>
        %parallel_loop3A_2304 = arith.addf %parallel_loop3A_2284, %parallel_loop3A_2303 : vector<16xf32>
        %parallel_loop3A_2305 = arith.constant 0 : i32
        %parallel_loop3A_2306 = arith.index_cast %parallel_loop3A_2305 : i32 to index
        %parallel_loop3A_2307 = arith.index_cast %parallel_loop3A_2282 : i32 to index
        %parallel_loop3A_2308 = arith.constant 32 : index
        %parallel_loop3A_2309 = tpu.vector_load %arg7[%parallel_loop3A_2306, %parallel_loop3A_2307, %parallel_loop3A_2308] {strides = array<i32>} : memref<4x100x128xf32, #tpu.memory_space<vmem>>, vector<1x1x16xf32>,
        %parallel_loop3A_2310 = vector.shape_cast %parallel_loop3A_2309 : vector<1x1x16xf32> to vector<16xf32>
        %parallel_loop3A_2311 = arith.addf %parallel_loop3A_2285, %parallel_loop3A_2310 : vector<16xf32>
        %parallel_loop3A_2312 = arith.constant 0 : i32
        %parallel_loop3A_2313 = arith.index_cast %parallel_loop3A_2312 : i32 to index
        %parallel_loop3A_2314 = arith.index_cast %parallel_loop3A_2282 : i32 to index
        %parallel_loop3A_2315 = arith.constant 48 : index
        %parallel_loop3A_2316 = tpu.vector_load %arg7[%parallel_loop3A_2313, %parallel_loop3A_2314, %parallel_loop3A_2315] {strides = array<i32>} : memref<4x100x128xf32, #tpu.memory_space<vmem>>, vector<1x1x16xf32>,
        %parallel_loop3A_2317 = vector.shape_cast %parallel_loop3A_2316 : vector<1x1x16xf32> to vector<16xf32>
        %parallel_loop3A_2318 = arith.addf %parallel_loop3A_2286, %parallel_loop3A_2317 : vector<16xf32>
        %parallel_loop3A_2319 = arith.constant 0 : i32
        %parallel_loop3A_2320 = arith.index_cast %parallel_loop3A_2319 : i32 to index
        %parallel_loop3A_2321 = arith.index_cast %parallel_loop3A_2282 : i32 to index
        %parallel_loop3A_2322 = arith.constant 64 : index
        %parallel_loop3A_2323 = tpu.vector_load %arg7[%parallel_loop3A_2320, %parallel_loop3A_2321, %parallel_loop3A_2322] {strides = array<i32>} : memref<4x100x128xf32, #tpu.memory_space<vmem>>, vector<1x1x16xf32>,
        %parallel_loop3A_2324 = vector.shape_cast %parallel_loop3A_2323 : vector<1x1x16xf32> to vector<16xf32>
        %parallel_loop3A_2325 = arith.addf %parallel_loop3A_2287, %parallel_loop3A_2324 : vector<16xf32>
        %parallel_loop3A_2326 = arith.constant 0 : i32
        %parallel_loop3A_2327 = arith.index_cast %parallel_loop3A_2326 : i32 to index
        %parallel_loop3A_2328 = arith.index_cast %parallel_loop3A_2282 : i32 to index
        %parallel_loop3A_2329 = arith.constant 80 : index
        %parallel_loop3A_2330 = tpu.vector_load %arg7[%parallel_loop3A_2327, %parallel_loop3A_2328, %parallel_loop3A_2329] {strides = array<i32>} : memref<4x100x128xf32, #tpu.memory_space<vmem>>, vector<1x1x16xf32>,
        %parallel_loop3A_2331 = vector.shape_cast %parallel_loop3A_2330 : vector<1x1x16xf32> to vector<16xf32>
        %parallel_loop3A_2332 = arith.addf %parallel_loop3A_2288, %parallel_loop3A_2331 : vector<16xf32>
        %parallel_loop3A_2333 = arith.constant 0 : i32
        %parallel_loop3A_2334 = arith.index_cast %parallel_loop3A_2333 : i32 to index
        %parallel_loop3A_2335 = arith.index_cast %parallel_loop3A_2282 : i32 to index
        %parallel_loop3A_2336 = arith.constant 96 : index
        %parallel_loop3A_2337 = tpu.vector_load %arg7[%parallel_loop3A_2334, %parallel_loop3A_2335, %parallel_loop3A_2336] {strides = array<i32>} : memref<4x100x128xf32, #tpu.memory_space<vmem>>, vector<1x1x16xf32>,
        %parallel_loop3A_2338 = vector.shape_cast %parallel_loop3A_2337 : vector<1x1x16xf32> to vector<16xf32>
        %parallel_loop3A_2339 = arith.addf %parallel_loop3A_2289, %parallel_loop3A_2338 : vector<16xf32>
        %parallel_loop3A_2340 = arith.constant 0 : i32
        %parallel_loop3A_2341 = arith.index_cast %parallel_loop3A_2340 : i32 to index
        %parallel_loop3A_2342 = arith.index_cast %parallel_loop3A_2282 : i32 to index
        %parallel_loop3A_2343 = arith.constant 112 : index
        %parallel_loop3A_2344 = tpu.vector_load %arg7[%parallel_loop3A_2341, %parallel_loop3A_2342, %parallel_loop3A_2343] {strides = array<i32>} : memref<4x100x128xf32, #tpu.memory_space<vmem>>, vector<1x1x16xf32>,
        %parallel_loop3A_2345 = vector.shape_cast %parallel_loop3A_2344 : vector<1x1x16xf32> to vector<16xf32>
        %parallel_loop3A_2346 = arith.addf %parallel_loop3A_2290, %parallel_loop3A_2345 : vector<16xf32>
        scf.yield %parallel_loop3A_2297, %parallel_loop3A_2304, %parallel_loop3A_2311, %parallel_loop3A_2318, %parallel_loop3A_2325, %parallel_loop3A_2332, %parallel_loop3A_2339, %parallel_loop3A_2346 : vector<16xf32>, vector<16xf32>, vector<16xf32>, vector<16xf32>, vector<16xf32>, vector<16xf32>, vector<16xf32>, vector<16xf32>
      } {sc.loop_unroll_factor = 1 : i64, sc.parallel_access}
      %mul3A_462 = arith.constant 32 : i32
      %mul3A_463 = arith.muli %scan3A_154, %mul3A_462 : i32
      %add3A_464 = arith.constant 5 : i32
      %add3A_465 = arith.addi %mul3A_463, %add3A_464 : i32
      %add3A_466 = arith.constant 3 : i32
      %add3A_467 = arith.addi %add3A_465, %add3A_466 : i32
      %lt3A_468 = arith.constant 256 : i32
      %lt3A_469 = arith.cmpi slt, %add3A_467, %lt3A_468 : i32
      %convert_element_type3A_470 = arith.extui %lt3A_469 : i1 to i32
      %cond3A_471 = arith.constant 0 : i32
      %cond3A_472 = arith.cmpi ne, %convert_element_type3A_470, %cond3A_471 : i32
      scf.if %cond3A_472 {
        %dma_start3A_2282 = arith.constant 0 : i32
        %dma_start3A_2283 = arith.constant 0 : i32
        %dma_start3A_2284 = arith.constant 0 : i32
        %dma_start3A_2285 = tpu.memref_slice %arg7[%dma_start3A_2282, %dma_start3A_2283, %dma_start3A_2284] : memref<4x100x128xf32, #tpu.memory_space<vmem>> -> memref<1x100x128xf32, #tpu.memory_space<vmem>>
        %dma_start3A_2286 = tpu.memref_squeeze %dma_start3A_2285 : memref<1x100x128xf32, #tpu.memory_space<vmem>> -> memref<100x128xf32, #tpu.memory_space<vmem>>
        %dma_start3A_2287 = arith.constant 0 : i32
        %dma_start3A_2288 = tpu.memref_slice %arg6[%add3A_467, %dma_start3A_2287] : memref<256x100xi32, #tpu.memory_space<vmem>> -> memref<1x100xi32, #tpu.memory_space<vmem>>
        %dma_start3A_2289 = tpu.memref_squeeze %dma_start3A_2288 : memref<1x100xi32, #tpu.memory_space<vmem>> -> memref<100xi32, #tpu.memory_space<vmem>>
        %dma_start3A_2290 = arith.constant 0 : i32
        %dma_start3A_2291 = arith.constant 0 : i32
        %dma_start3A_2292 = tpu.memref_slice %arg4[%dma_start3A_2290, %dma_start3A_2291] : memref<100001x128xf32, #tpu.memory_space<hbm>> -> memref<100001x128xf32, #tpu.memory_space<hbm>>
        tpu.enqueue_indirect_dma source(%dma_start3A_2292 : memref<100001x128xf32, #tpu.memory_space<hbm>>) target(%dma_start3A_2286 : memref<100x128xf32, #tpu.memory_space<vmem>>) offsets(%dma_start3A_2289 : memref<100xi32, #tpu.memory_space<vmem>>) semaphore(%arg11 : memref<!tpu.dma_semaphore, #tpu.memory_space<semaphore_mem>>)
      } else {
      }
      %dma_wait3A_473 = arith.constant 1 : i32
      %dma_wait3A_474 = arith.constant 0 : i32
      %dma_wait3A_475 = arith.constant 0 : i32
      %dma_wait3A_476 = tpu.memref_slice %arg7[%dma_wait3A_473, %dma_wait3A_474, %dma_wait3A_475] : memref<4x100x128xf32, #tpu.memory_space<vmem>> -> memref<1x100x128xf32, #tpu.memory_space<vmem>>
      %dma_wait3A_477 = tpu.memref_squeeze %dma_wait3A_476 : memref<1x100x128xf32, #tpu.memory_space<vmem>> -> memref<100x128xf32, #tpu.memory_space<vmem>>
      %dma_wait3A_478 = arith.constant 0 : i32
      %dma_wait3A_479 = tpu.memref_slice %arg6[%add3A_465, %dma_wait3A_478] : memref<256x100xi32, #tpu.memory_space<vmem>> -> memref<1x100xi32, #tpu.memory_space<vmem>>
      %dma_wait3A_480 = tpu.memref_squeeze %dma_wait3A_479 : memref<1x100xi32, #tpu.memory_space<vmem>> -> memref<100xi32, #tpu.memory_space<vmem>>
      %dma_wait3A_481 = arith.constant 0 : i32
      %dma_wait3A_482 = arith.constant 0 : i32
      %dma_wait3A_483 = tpu.memref_slice %arg4[%dma_wait3A_481, %dma_wait3A_482] : memref<100001x128xf32, #tpu.memory_space<hbm>> -> memref<100001x128xf32, #tpu.memory_space<hbm>>
      tpu.wait_indirect_dma semaphore(%arg12 : memref<!tpu.dma_semaphore, #tpu.memory_space<semaphore_mem>>) src(%dma_wait3A_483 : memref<100001x128xf32, #tpu.memory_space<hbm>>) dst(%dma_wait3A_477 : memref<100x128xf32, #tpu.memory_space<vmem>>)
      %parallel_loop3A_484 = arith.constant 0 : i32
      %parallel_loop3A_485 = arith.constant 2 : i32
      %parallel_loop3A_486 = arith.constant 1 : i32
      %parallel_loop3A_487:8 = scf.for %parallel_loop3A_2282 = %parallel_loop3A_484 to %parallel_loop3A_485 step %parallel_loop3A_486 iter_args(%parallel_loop3A_2283 = %parallel_loop3A_461#0, %parallel_loop3A_2284 = %parallel_loop3A_461#1, %parallel_loop3A_2285 = %parallel_loop3A_461#2, %parallel_loop3A_2286 = %parallel_loop3A_461#3, %parallel_loop3A_2287 = %parallel_loop3A_461#4, %parallel_loop3A_2288 = %parallel_loop3A_461#5, %parallel_loop3A_2289 = %parallel_loop3A_461#6, %parallel_loop3A_2290 = %parallel_loop3A_461#7) -> (vector<16xf32>, vector<16xf32>, vector<16xf32>, vector<16xf32>, vector<16xf32>, vector<16xf32>, vector<16xf32>, vector<16xf32>)  : i32 {
        %parallel_loop3A_2291 = arith.constant 1 : i32
        %parallel_loop3A_2292 = arith.index_cast %parallel_loop3A_2291 : i32 to index
        %parallel_loop3A_2293 = arith.index_cast %parallel_loop3A_2282 : i32 to index
        %parallel_loop3A_2294 = arith.constant 0 : index
        %parallel_loop3A_2295 = tpu.vector_load %arg7[%parallel_loop3A_2292, %parallel_loop3A_2293, %parallel_loop3A_2294] {strides = array<i32>} : memref<4x100x128xf32, #tpu.memory_space<vmem>>, vector<1x1x16xf32>,
        %parallel_loop3A_2296 = vector.shape_cast %parallel_loop3A_2295 : vector<1x1x16xf32> to vector<16xf32>
        %parallel_loop3A_2297 = arith.addf %parallel_loop3A_2283, %parallel_loop3A_2296 : vector<16xf32>
        %parallel_loop3A_2298 = arith.constant 1 : i32
        %parallel_loop3A_2299 = arith.index_cast %parallel_loop3A_2298 : i32 to index
        %parallel_loop3A_2300 = arith.index_cast %parallel_loop3A_2282 : i32 to index
        %parallel_loop3A_2301 = arith.constant 16 : index
        %parallel_loop3A_2302 = tpu.vector_load %arg7[%parallel_loop3A_2299, %parallel_loop3A_2300, %parallel_loop3A_2301] {strides = array<i32>} : memref<4x100x128xf32, #tpu.memory_space<vmem>>, vector<1x1x16xf32>,
        %parallel_loop3A_2303 = vector.shape_cast %parallel_loop3A_2302 : vector<1x1x16xf32> to vector<16xf32>
        %parallel_loop3A_2304 = arith.addf %parallel_loop3A_2284, %parallel_loop3A_2303 : vector<16xf32>
        %parallel_loop3A_2305 = arith.constant 1 : i32
        %parallel_loop3A_2306 = arith.index_cast %parallel_loop3A_2305 : i32 to index
        %parallel_loop3A_2307 = arith.index_cast %parallel_loop3A_2282 : i32 to index
        %parallel_loop3A_2308 = arith.constant 32 : index
        %parallel_loop3A_2309 = tpu.vector_load %arg7[%parallel_loop3A_2306, %parallel_loop3A_2307, %parallel_loop3A_2308] {strides = array<i32>} : memref<4x100x128xf32, #tpu.memory_space<vmem>>, vector<1x1x16xf32>,
        %parallel_loop3A_2310 = vector.shape_cast %parallel_loop3A_2309 : vector<1x1x16xf32> to vector<16xf32>
        %parallel_loop3A_2311 = arith.addf %parallel_loop3A_2285, %parallel_loop3A_2310 : vector<16xf32>
        %parallel_loop3A_2312 = arith.constant 1 : i32
        %parallel_loop3A_2313 = arith.index_cast %parallel_loop3A_2312 : i32 to index
        %parallel_loop3A_2314 = arith.index_cast %parallel_loop3A_2282 : i32 to index
        %parallel_loop3A_2315 = arith.constant 48 : index
        %parallel_loop3A_2316 = tpu.vector_load %arg7[%parallel_loop3A_2313, %parallel_loop3A_2314, %parallel_loop3A_2315] {strides = array<i32>} : memref<4x100x128xf32, #tpu.memory_space<vmem>>, vector<1x1x16xf32>,
        %parallel_loop3A_2317 = vector.shape_cast %parallel_loop3A_2316 : vector<1x1x16xf32> to vector<16xf32>
        %parallel_loop3A_2318 = arith.addf %parallel_loop3A_2286, %parallel_loop3A_2317 : vector<16xf32>
        %parallel_loop3A_2319 = arith.constant 1 : i32
        %parallel_loop3A_2320 = arith.index_cast %parallel_loop3A_2319 : i32 to index
        %parallel_loop3A_2321 = arith.index_cast %parallel_loop3A_2282 : i32 to index
        %parallel_loop3A_2322 = arith.constant 64 : index
        %parallel_loop3A_2323 = tpu.vector_load %arg7[%parallel_loop3A_2320, %parallel_loop3A_2321, %parallel_loop3A_2322] {strides = array<i32>} : memref<4x100x128xf32, #tpu.memory_space<vmem>>, vector<1x1x16xf32>,
        %parallel_loop3A_2324 = vector.shape_cast %parallel_loop3A_2323 : vector<1x1x16xf32> to vector<16xf32>
        %parallel_loop3A_2325 = arith.addf %parallel_loop3A_2287, %parallel_loop3A_2324 : vector<16xf32>
        %parallel_loop3A_2326 = arith.constant 1 : i32
        %parallel_loop3A_2327 = arith.index_cast %parallel_loop3A_2326 : i32 to index
        %parallel_loop3A_2328 = arith.index_cast %parallel_loop3A_2282 : i32 to index
        %parallel_loop3A_2329 = arith.constant 80 : index
        %parallel_loop3A_2330 = tpu.vector_load %arg7[%parallel_loop3A_2327, %parallel_loop3A_2328, %parallel_loop3A_2329] {strides = array<i32>} : memref<4x100x128xf32, #tpu.memory_space<vmem>>, vector<1x1x16xf32>,
        %parallel_loop3A_2331 = vector.shape_cast %parallel_loop3A_2330 : vector<1x1x16xf32> to vector<16xf32>
        %parallel_loop3A_2332 = arith.addf %parallel_loop3A_2288, %parallel_loop3A_2331 : vector<16xf32>
        %parallel_loop3A_2333 = arith.constant 1 : i32
        %parallel_loop3A_2334 = arith.index_cast %parallel_loop3A_2333 : i32 to index
        %parallel_loop3A_2335 = arith.index_cast %parallel_loop3A_2282 : i32 to index
        %parallel_loop3A_2336 = arith.constant 96 : index
        %parallel_loop3A_2337 = tpu.vector_load %arg7[%parallel_loop3A_2334, %parallel_loop3A_2335, %parallel_loop3A_2336] {strides = array<i32>} : memref<4x100x128xf32, #tpu.memory_space<vmem>>, vector<1x1x16xf32>,
        %parallel_loop3A_2338 = vector.shape_cast %parallel_loop3A_2337 : vector<1x1x16xf32> to vector<16xf32>
        %parallel_loop3A_2339 = arith.addf %parallel_loop3A_2289, %parallel_loop3A_2338 : vector<16xf32>
        %parallel_loop3A_2340 = arith.constant 1 : i32
        %parallel_loop3A_2341 = arith.index_cast %parallel_loop3A_2340 : i32 to index
        %parallel_loop3A_2342 = arith.index_cast %parallel_loop3A_2282 : i32 to index
        %parallel_loop3A_2343 = arith.constant 112 : index
        %parallel_loop3A_2344 = tpu.vector_load %arg7[%parallel_loop3A_2341, %parallel_loop3A_2342, %parallel_loop3A_2343] {strides = array<i32>} : memref<4x100x128xf32, #tpu.memory_space<vmem>>, vector<1x1x16xf32>,
        %parallel_loop3A_2345 = vector.shape_cast %parallel_loop3A_2344 : vector<1x1x16xf32> to vector<16xf32>
        %parallel_loop3A_2346 = arith.addf %parallel_loop3A_2290, %parallel_loop3A_2345 : vector<16xf32>
        scf.yield %parallel_loop3A_2297, %parallel_loop3A_2304, %parallel_loop3A_2311, %parallel_loop3A_2318, %parallel_loop3A_2325, %parallel_loop3A_2332, %parallel_loop3A_2339, %parallel_loop3A_2346 : vector<16xf32>, vector<16xf32>, vector<16xf32>, vector<16xf32>, vector<16xf32>, vector<16xf32>, vector<16xf32>, vector<16xf32>
      } {sc.loop_unroll_factor = 1 : i64, sc.parallel_access}
      %mul3A_488 = arith.constant 16 : i32
      %mul3A_489 = arith.muli %scan3A_154, %mul3A_488 : i32
      %add3A_490 = arith.constant 2 : i32
      %add3A_491 = arith.addi %mul3A_489, %add3A_490 : i32
      %slice3A_492 = vector.extract_strided_slice %get3A_159 {offsets = [2], sizes = [1], strides = [1]} : vector<16xf32> to vector<1xf32>
      %broadcast_in_dim3A_493 = vector.shape_cast %slice3A_492 : vector<1xf32> to vector<1xf32>
      %broadcast_in_dim3A_494 = vector.broadcast %broadcast_in_dim3A_493 : vector<1xf32> to vector<16xf32>
      %mul3A_495 = arith.constant 128 : i32
      %mul3A_496 = arith.muli %add3A_491, %mul3A_495 : i32
      %mul3A_497 = arith.mulf %parallel_loop3A_487#0, %broadcast_in_dim3A_494 : vector<16xf32>
      %add3A_498 = arith.constant 0 : i32
      %add3A_499 = arith.addi %mul3A_496, %add3A_498 : i32
      %swap3A_500 = arith.index_cast %add3A_499 : i32 to index
      %swap3A_501 = tpu.vector_load %arg8[%swap3A_500] {strides = array<i32>} : memref<16384xf32, #tpu.memory_space<vmem>>, vector<16xf32>,
      %swap3A_502 = vector.shape_cast %swap3A_501 : vector<16xf32> to vector<16xf32>
      %swap3A_503 = vector.shape_cast %mul3A_497 : vector<16xf32> to vector<16xf32>
      tpu.vector_store %arg8[%swap3A_500], %swap3A_503 {strides = array<i32>} : memref<16384xf32, #tpu.memory_space<vmem>>, vector<16xf32>,
      %mul3A_504 = arith.mulf %parallel_loop3A_487#1, %broadcast_in_dim3A_494 : vector<16xf32>
      %add3A_505 = arith.constant 16 : i32
      %add3A_506 = arith.addi %mul3A_496, %add3A_505 : i32
      %swap3A_507 = arith.index_cast %add3A_506 : i32 to index
      %swap3A_508 = tpu.vector_load %arg8[%swap3A_507] {strides = array<i32>} : memref<16384xf32, #tpu.memory_space<vmem>>, vector<16xf32>,
      %swap3A_509 = vector.shape_cast %swap3A_508 : vector<16xf32> to vector<16xf32>
      %swap3A_510 = vector.shape_cast %mul3A_504 : vector<16xf32> to vector<16xf32>
      tpu.vector_store %arg8[%swap3A_507], %swap3A_510 {strides = array<i32>} : memref<16384xf32, #tpu.memory_space<vmem>>, vector<16xf32>,
      %mul3A_511 = arith.mulf %parallel_loop3A_487#2, %broadcast_in_dim3A_494 : vector<16xf32>
      %add3A_512 = arith.constant 32 : i32
      %add3A_513 = arith.addi %mul3A_496, %add3A_512 : i32
      %swap3A_514 = arith.index_cast %add3A_513 : i32 to index
      %swap3A_515 = tpu.vector_load %arg8[%swap3A_514] {strides = array<i32>} : memref<16384xf32, #tpu.memory_space<vmem>>, vector<16xf32>,
      %swap3A_516 = vector.shape_cast %swap3A_515 : vector<16xf32> to vector<16xf32>
      %swap3A_517 = vector.shape_cast %mul3A_511 : vector<16xf32> to vector<16xf32>
      tpu.vector_store %arg8[%swap3A_514], %swap3A_517 {strides = array<i32>} : memref<16384xf32, #tpu.memory_space<vmem>>, vector<16xf32>,
      %mul3A_518 = arith.mulf %parallel_loop3A_487#3, %broadcast_in_dim3A_494 : vector<16xf32>
      %add3A_519 = arith.constant 48 : i32
      %add3A_520 = arith.addi %mul3A_496, %add3A_519 : i32
      %swap3A_521 = arith.index_cast %add3A_520 : i32 to index
      %swap3A_522 = tpu.vector_load %arg8[%swap3A_521] {strides = array<i32>} : memref<16384xf32, #tpu.memory_space<vmem>>, vector<16xf32>,
      %swap3A_523 = vector.shape_cast %swap3A_522 : vector<16xf32> to vector<16xf32>
      %swap3A_524 = vector.shape_cast %mul3A_518 : vector<16xf32> to vector<16xf32>
      tpu.vector_store %arg8[%swap3A_521], %swap3A_524 {strides = array<i32>} : memref<16384xf32, #tpu.memory_space<vmem>>, vector<16xf32>,
      %mul3A_525 = arith.mulf %parallel_loop3A_487#4, %broadcast_in_dim3A_494 : vector<16xf32>
      %add3A_526 = arith.constant 64 : i32
      %add3A_527 = arith.addi %mul3A_496, %add3A_526 : i32
      %swap3A_528 = arith.index_cast %add3A_527 : i32 to index
      %swap3A_529 = tpu.vector_load %arg8[%swap3A_528] {strides = array<i32>} : memref<16384xf32, #tpu.memory_space<vmem>>, vector<16xf32>,
      %swap3A_530 = vector.shape_cast %swap3A_529 : vector<16xf32> to vector<16xf32>
      %swap3A_531 = vector.shape_cast %mul3A_525 : vector<16xf32> to vector<16xf32>
      tpu.vector_store %arg8[%swap3A_528], %swap3A_531 {strides = array<i32>} : memref<16384xf32, #tpu.memory_space<vmem>>, vector<16xf32>,
      %mul3A_532 = arith.mulf %parallel_loop3A_487#5, %broadcast_in_dim3A_494 : vector<16xf32>
      %add3A_533 = arith.constant 80 : i32
      %add3A_534 = arith.addi %mul3A_496, %add3A_533 : i32
      %swap3A_535 = arith.index_cast %add3A_534 : i32 to index
      %swap3A_536 = tpu.vector_load %arg8[%swap3A_535] {strides = array<i32>} : memref<16384xf32, #tpu.memory_space<vmem>>, vector<16xf32>,
      %swap3A_537 = vector.shape_cast %swap3A_536 : vector<16xf32> to vector<16xf32>
      %swap3A_538 = vector.shape_cast %mul3A_532 : vector<16xf32> to vector<16xf32>
      tpu.vector_store %arg8[%swap3A_535], %swap3A_538 {strides = array<i32>} : memref<16384xf32, #tpu.memory_space<vmem>>, vector<16xf32>,
      %mul3A_539 = arith.mulf %parallel_loop3A_487#6, %broadcast_in_dim3A_494 : vector<16xf32>
      %add3A_540 = arith.constant 96 : i32
      %add3A_541 = arith.addi %mul3A_496, %add3A_540 : i32
      %swap3A_542 = arith.index_cast %add3A_541 : i32 to index
      %swap3A_543 = tpu.vector_load %arg8[%swap3A_542] {strides = array<i32>} : memref<16384xf32, #tpu.memory_space<vmem>>, vector<16xf32>,
      %swap3A_544 = vector.shape_cast %swap3A_543 : vector<16xf32> to vector<16xf32>
      %swap3A_545 = vector.shape_cast %mul3A_539 : vector<16xf32> to vector<16xf32>
      tpu.vector_store %arg8[%swap3A_542], %swap3A_545 {strides = array<i32>} : memref<16384xf32, #tpu.memory_space<vmem>>, vector<16xf32>,
      %mul3A_546 = arith.mulf %parallel_loop3A_487#7, %broadcast_in_dim3A_494 : vector<16xf32>
      %add3A_547 = arith.constant 112 : i32
      %add3A_548 = arith.addi %mul3A_496, %add3A_547 : i32
      %swap3A_549 = arith.index_cast %add3A_548 : i32 to index
      %swap3A_550 = tpu.vector_load %arg8[%swap3A_549] {strides = array<i32>} : memref<16384xf32, #tpu.memory_space<vmem>>, vector<16xf32>,
      %swap3A_551 = vector.shape_cast %swap3A_550 : vector<16xf32> to vector<16xf32>
      %swap3A_552 = vector.shape_cast %mul3A_546 : vector<16xf32> to vector<16xf32>
      tpu.vector_store %arg8[%swap3A_549], %swap3A_552 {strides = array<i32>} : memref<16384xf32, #tpu.memory_space<vmem>>, vector<16xf32>,
      %mul3A_553 = arith.constant 32 : i32
      %mul3A_554 = arith.muli %scan3A_154, %mul3A_553 : i32
      %add3A_555 = arith.constant 6 : i32
      %add3A_556 = arith.addi %mul3A_554, %add3A_555 : i32
      %add3A_557 = arith.constant 3 : i32
      %add3A_558 = arith.addi %add3A_556, %add3A_557 : i32
      %lt3A_559 = arith.constant 256 : i32
      %lt3A_560 = arith.cmpi slt, %add3A_558, %lt3A_559 : i32
      %convert_element_type3A_561 = arith.extui %lt3A_560 : i1 to i32
      %cond3A_562 = arith.constant 0 : i32
      %cond3A_563 = arith.cmpi ne, %convert_element_type3A_561, %cond3A_562 : i32
      scf.if %cond3A_563 {
        %dma_start3A_2282 = arith.constant 1 : i32
        %dma_start3A_2283 = arith.constant 0 : i32
        %dma_start3A_2284 = arith.constant 0 : i32
        %dma_start3A_2285 = tpu.memref_slice %arg7[%dma_start3A_2282, %dma_start3A_2283, %dma_start3A_2284] : memref<4x100x128xf32, #tpu.memory_space<vmem>> -> memref<1x100x128xf32, #tpu.memory_space<vmem>>
        %dma_start3A_2286 = tpu.memref_squeeze %dma_start3A_2285 : memref<1x100x128xf32, #tpu.memory_space<vmem>> -> memref<100x128xf32, #tpu.memory_space<vmem>>
        %dma_start3A_2287 = arith.constant 0 : i32
        %dma_start3A_2288 = tpu.memref_slice %arg6[%add3A_558, %dma_start3A_2287] : memref<256x100xi32, #tpu.memory_space<vmem>> -> memref<1x100xi32, #tpu.memory_space<vmem>>
        %dma_start3A_2289 = tpu.memref_squeeze %dma_start3A_2288 : memref<1x100xi32, #tpu.memory_space<vmem>> -> memref<100xi32, #tpu.memory_space<vmem>>
        %dma_start3A_2290 = arith.constant 0 : i32
        %dma_start3A_2291 = arith.constant 0 : i32
        %dma_start3A_2292 = tpu.memref_slice %arg4[%dma_start3A_2290, %dma_start3A_2291] : memref<100001x128xf32, #tpu.memory_space<hbm>> -> memref<100001x128xf32, #tpu.memory_space<hbm>>
        tpu.enqueue_indirect_dma source(%dma_start3A_2292 : memref<100001x128xf32, #tpu.memory_space<hbm>>) target(%dma_start3A_2286 : memref<100x128xf32, #tpu.memory_space<vmem>>) offsets(%dma_start3A_2289 : memref<100xi32, #tpu.memory_space<vmem>>) semaphore(%arg12 : memref<!tpu.dma_semaphore, #tpu.memory_space<semaphore_mem>>)
      } else {
      }
      %dma_wait3A_564 = arith.constant 2 : i32
      %dma_wait3A_565 = arith.constant 0 : i32
      %dma_wait3A_566 = arith.constant 0 : i32
      %dma_wait3A_567 = tpu.memref_slice %arg7[%dma_wait3A_564, %dma_wait3A_565, %dma_wait3A_566] : memref<4x100x128xf32, #tpu.memory_space<vmem>> -> memref<1x100x128xf32, #tpu.memory_space<vmem>>
      %dma_wait3A_568 = tpu.memref_squeeze %dma_wait3A_567 : memref<1x100x128xf32, #tpu.memory_space<vmem>> -> memref<100x128xf32, #tpu.memory_space<vmem>>
      %dma_wait3A_569 = arith.constant 0 : i32
      %dma_wait3A_570 = tpu.memref_slice %arg6[%add3A_556, %dma_wait3A_569] : memref<256x100xi32, #tpu.memory_space<vmem>> -> memref<1x100xi32, #tpu.memory_space<vmem>>
      %dma_wait3A_571 = tpu.memref_squeeze %dma_wait3A_570 : memref<1x100xi32, #tpu.memory_space<vmem>> -> memref<100xi32, #tpu.memory_space<vmem>>
      %dma_wait3A_572 = arith.constant 0 : i32
      %dma_wait3A_573 = arith.constant 0 : i32
      %dma_wait3A_574 = tpu.memref_slice %arg4[%dma_wait3A_572, %dma_wait3A_573] : memref<100001x128xf32, #tpu.memory_space<hbm>> -> memref<100001x128xf32, #tpu.memory_space<hbm>>
      tpu.wait_indirect_dma semaphore(%arg13 : memref<!tpu.dma_semaphore, #tpu.memory_space<semaphore_mem>>) src(%dma_wait3A_574 : memref<100001x128xf32, #tpu.memory_space<hbm>>) dst(%dma_wait3A_568 : memref<100x128xf32, #tpu.memory_space<vmem>>)
      %broadcast_in_dim3A_575 = arith.constant 0.000000e+00 : f32
      %broadcast_in_dim3A_576 = vector.broadcast %broadcast_in_dim3A_575 : f32 to vector<16xf32>
      %broadcast_in_dim3A_577 = arith.constant 0.000000e+00 : f32
      %broadcast_in_dim3A_578 = vector.broadcast %broadcast_in_dim3A_577 : f32 to vector<16xf32>
      %broadcast_in_dim3A_579 = arith.constant 0.000000e+00 : f32
      %broadcast_in_dim3A_580 = vector.broadcast %broadcast_in_dim3A_579 : f32 to vector<16xf32>
      %broadcast_in_dim3A_581 = arith.constant 0.000000e+00 : f32
      %broadcast_in_dim3A_582 = vector.broadcast %broadcast_in_dim3A_581 : f32 to vector<16xf32>
      %broadcast_in_dim3A_583 = arith.constant 0.000000e+00 : f32
      %broadcast_in_dim3A_584 = vector.broadcast %broadcast_in_dim3A_583 : f32 to vector<16xf32>
      %broadcast_in_dim3A_585 = arith.constant 0.000000e+00 : f32
      %broadcast_in_dim3A_586 = vector.broadcast %broadcast_in_dim3A_585 : f32 to vector<16xf32>
      %broadcast_in_dim3A_587 = arith.constant 0.000000e+00 : f32
      %broadcast_in_dim3A_588 = vector.broadcast %broadcast_in_dim3A_587 : f32 to vector<16xf32>
      %broadcast_in_dim3A_589 = arith.constant 0.000000e+00 : f32
      %broadcast_in_dim3A_590 = vector.broadcast %broadcast_in_dim3A_589 : f32 to vector<16xf32>
      %parallel_loop3A_591 = arith.constant 0 : i32
      %parallel_loop3A_592 = arith.constant 2 : i32
      %parallel_loop3A_593 = arith.constant 1 : i32
      %parallel_loop3A_594:8 = scf.for %parallel_loop3A_2282 = %parallel_loop3A_591 to %parallel_loop3A_592 step %parallel_loop3A_593 iter_args(%parallel_loop3A_2283 = %broadcast_in_dim3A_576, %parallel_loop3A_2284 = %broadcast_in_dim3A_578, %parallel_loop3A_2285 = %broadcast_in_dim3A_580, %parallel_loop3A_2286 = %broadcast_in_dim3A_582, %parallel_loop3A_2287 = %broadcast_in_dim3A_584, %parallel_loop3A_2288 = %broadcast_in_dim3A_586, %parallel_loop3A_2289 = %broadcast_in_dim3A_588, %parallel_loop3A_2290 = %broadcast_in_dim3A_590) -> (vector<16xf32>, vector<16xf32>, vector<16xf32>, vector<16xf32>, vector<16xf32>, vector<16xf32>, vector<16xf32>, vector<16xf32>)  : i32 {
        %parallel_loop3A_2291 = arith.constant 2 : i32
        %parallel_loop3A_2292 = arith.index_cast %parallel_loop3A_2291 : i32 to index
        %parallel_loop3A_2293 = arith.index_cast %parallel_loop3A_2282 : i32 to index
        %parallel_loop3A_2294 = arith.constant 0 : index
        %parallel_loop3A_2295 = tpu.vector_load %arg7[%parallel_loop3A_2292, %parallel_loop3A_2293, %parallel_loop3A_2294] {strides = array<i32>} : memref<4x100x128xf32, #tpu.memory_space<vmem>>, vector<1x1x16xf32>,
        %parallel_loop3A_2296 = vector.shape_cast %parallel_loop3A_2295 : vector<1x1x16xf32> to vector<16xf32>
        %parallel_loop3A_2297 = arith.addf %parallel_loop3A_2283, %parallel_loop3A_2296 : vector<16xf32>
        %parallel_loop3A_2298 = arith.constant 2 : i32
        %parallel_loop3A_2299 = arith.index_cast %parallel_loop3A_2298 : i32 to index
        %parallel_loop3A_2300 = arith.index_cast %parallel_loop3A_2282 : i32 to index
        %parallel_loop3A_2301 = arith.constant 16 : index
        %parallel_loop3A_2302 = tpu.vector_load %arg7[%parallel_loop3A_2299, %parallel_loop3A_2300, %parallel_loop3A_2301] {strides = array<i32>} : memref<4x100x128xf32, #tpu.memory_space<vmem>>, vector<1x1x16xf32>,
        %parallel_loop3A_2303 = vector.shape_cast %parallel_loop3A_2302 : vector<1x1x16xf32> to vector<16xf32>
        %parallel_loop3A_2304 = arith.addf %parallel_loop3A_2284, %parallel_loop3A_2303 : vector<16xf32>
        %parallel_loop3A_2305 = arith.constant 2 : i32
        %parallel_loop3A_2306 = arith.index_cast %parallel_loop3A_2305 : i32 to index
        %parallel_loop3A_2307 = arith.index_cast %parallel_loop3A_2282 : i32 to index
        %parallel_loop3A_2308 = arith.constant 32 : index
        %parallel_loop3A_2309 = tpu.vector_load %arg7[%parallel_loop3A_2306, %parallel_loop3A_2307, %parallel_loop3A_2308] {strides = array<i32>} : memref<4x100x128xf32, #tpu.memory_space<vmem>>, vector<1x1x16xf32>,
        %parallel_loop3A_2310 = vector.shape_cast %parallel_loop3A_2309 : vector<1x1x16xf32> to vector<16xf32>
        %parallel_loop3A_2311 = arith.addf %parallel_loop3A_2285, %parallel_loop3A_2310 : vector<16xf32>
        %parallel_loop3A_2312 = arith.constant 2 : i32
        %parallel_loop3A_2313 = arith.index_cast %parallel_loop3A_2312 : i32 to index
        %parallel_loop3A_2314 = arith.index_cast %parallel_loop3A_2282 : i32 to index
        %parallel_loop3A_2315 = arith.constant 48 : index
        %parallel_loop3A_2316 = tpu.vector_load %arg7[%parallel_loop3A_2313, %parallel_loop3A_2314, %parallel_loop3A_2315] {strides = array<i32>} : memref<4x100x128xf32, #tpu.memory_space<vmem>>, vector<1x1x16xf32>,
        %parallel_loop3A_2317 = vector.shape_cast %parallel_loop3A_2316 : vector<1x1x16xf32> to vector<16xf32>
        %parallel_loop3A_2318 = arith.addf %parallel_loop3A_2286, %parallel_loop3A_2317 : vector<16xf32>
        %parallel_loop3A_2319 = arith.constant 2 : i32
        %parallel_loop3A_2320 = arith.index_cast %parallel_loop3A_2319 : i32 to index
        %parallel_loop3A_2321 = arith.index_cast %parallel_loop3A_2282 : i32 to index
        %parallel_loop3A_2322 = arith.constant 64 : index
        %parallel_loop3A_2323 = tpu.vector_load %arg7[%parallel_loop3A_2320, %parallel_loop3A_2321, %parallel_loop3A_2322] {strides = array<i32>} : memref<4x100x128xf32, #tpu.memory_space<vmem>>, vector<1x1x16xf32>,
        %parallel_loop3A_2324 = vector.shape_cast %parallel_loop3A_2323 : vector<1x1x16xf32> to vector<16xf32>
        %parallel_loop3A_2325 = arith.addf %parallel_loop3A_2287, %parallel_loop3A_2324 : vector<16xf32>
        %parallel_loop3A_2326 = arith.constant 2 : i32
        %parallel_loop3A_2327 = arith.index_cast %parallel_loop3A_2326 : i32 to index
        %parallel_loop3A_2328 = arith.index_cast %parallel_loop3A_2282 : i32 to index
        %parallel_loop3A_2329 = arith.constant 80 : index
        %parallel_loop3A_2330 = tpu.vector_load %arg7[%parallel_loop3A_2327, %parallel_loop3A_2328, %parallel_loop3A_2329] {strides = array<i32>} : memref<4x100x128xf32, #tpu.memory_space<vmem>>, vector<1x1x16xf32>,
        %parallel_loop3A_2331 = vector.shape_cast %parallel_loop3A_2330 : vector<1x1x16xf32> to vector<16xf32>
        %parallel_loop3A_2332 = arith.addf %parallel_loop3A_2288, %parallel_loop3A_2331 : vector<16xf32>
        %parallel_loop3A_2333 = arith.constant 2 : i32
        %parallel_loop3A_2334 = arith.index_cast %parallel_loop3A_2333 : i32 to index
        %parallel_loop3A_2335 = arith.index_cast %parallel_loop3A_2282 : i32 to index
        %parallel_loop3A_2336 = arith.constant 96 : index
        %parallel_loop3A_2337 = tpu.vector_load %arg7[%parallel_loop3A_2334, %parallel_loop3A_2335, %parallel_loop3A_2336] {strides = array<i32>} : memref<4x100x128xf32, #tpu.memory_space<vmem>>, vector<1x1x16xf32>,
        %parallel_loop3A_2338 = vector.shape_cast %parallel_loop3A_2337 : vector<1x1x16xf32> to vector<16xf32>
        %parallel_loop3A_2339 = arith.addf %parallel_loop3A_2289, %parallel_loop3A_2338 : vector<16xf32>
        %parallel_loop3A_2340 = arith.constant 2 : i32
        %parallel_loop3A_2341 = arith.index_cast %parallel_loop3A_2340 : i32 to index
        %parallel_loop3A_2342 = arith.index_cast %parallel_loop3A_2282 : i32 to index
        %parallel_loop3A_2343 = arith.constant 112 : index
        %parallel_loop3A_2344 = tpu.vector_load %arg7[%parallel_loop3A_2341, %parallel_loop3A_2342, %parallel_loop3A_2343] {strides = array<i32>} : memref<4x100x128xf32, #tpu.memory_space<vmem>>, vector<1x1x16xf32>,
        %parallel_loop3A_2345 = vector.shape_cast %parallel_loop3A_2344 : vector<1x1x16xf32> to vector<16xf32>
        %parallel_loop3A_2346 = arith.addf %parallel_loop3A_2290, %parallel_loop3A_2345 : vector<16xf32>
        scf.yield %parallel_loop3A_2297, %parallel_loop3A_2304, %parallel_loop3A_2311, %parallel_loop3A_2318, %parallel_loop3A_2325, %parallel_loop3A_2332, %parallel_loop3A_2339, %parallel_loop3A_2346 : vector<16xf32>, vector<16xf32>, vector<16xf32>, vector<16xf32>, vector<16xf32>, vector<16xf32>, vector<16xf32>, vector<16xf32>
      } {sc.loop_unroll_factor = 1 : i64, sc.parallel_access}
      %mul3A_595 = arith.constant 32 : i32
      %mul3A_596 = arith.muli %scan3A_154, %mul3A_595 : i32
      %add3A_597 = arith.constant 7 : i32
      %add3A_598 = arith.addi %mul3A_596, %add3A_597 : i32
      %add3A_599 = arith.constant 3 : i32
      %add3A_600 = arith.addi %add3A_598, %add3A_599 : i32
      %lt3A_601 = arith.constant 256 : i32
      %lt3A_602 = arith.cmpi slt, %add3A_600, %lt3A_601 : i32
      %convert_element_type3A_603 = arith.extui %lt3A_602 : i1 to i32
      %cond3A_604 = arith.constant 0 : i32
      %cond3A_605 = arith.cmpi ne, %convert_element_type3A_603, %cond3A_604 : i32
      scf.if %cond3A_605 {
        %dma_start3A_2282 = arith.constant 2 : i32
        %dma_start3A_2283 = arith.constant 0 : i32
        %dma_start3A_2284 = arith.constant 0 : i32
        %dma_start3A_2285 = tpu.memref_slice %arg7[%dma_start3A_2282, %dma_start3A_2283, %dma_start3A_2284] : memref<4x100x128xf32, #tpu.memory_space<vmem>> -> memref<1x100x128xf32, #tpu.memory_space<vmem>>
        %dma_start3A_2286 = tpu.memref_squeeze %dma_start3A_2285 : memref<1x100x128xf32, #tpu.memory_space<vmem>> -> memref<100x128xf32, #tpu.memory_space<vmem>>
        %dma_start3A_2287 = arith.constant 0 : i32
        %dma_start3A_2288 = tpu.memref_slice %arg6[%add3A_600, %dma_start3A_2287] : memref<256x100xi32, #tpu.memory_space<vmem>> -> memref<1x100xi32, #tpu.memory_space<vmem>>
        %dma_start3A_2289 = tpu.memref_squeeze %dma_start3A_2288 : memref<1x100xi32, #tpu.memory_space<vmem>> -> memref<100xi32, #tpu.memory_space<vmem>>
        %dma_start3A_2290 = arith.constant 0 : i32
        %dma_start3A_2291 = arith.constant 0 : i32
        %dma_start3A_2292 = tpu.memref_slice %arg4[%dma_start3A_2290, %dma_start3A_2291] : memref<100001x128xf32, #tpu.memory_space<hbm>> -> memref<100001x128xf32, #tpu.memory_space<hbm>>
        tpu.enqueue_indirect_dma source(%dma_start3A_2292 : memref<100001x128xf32, #tpu.memory_space<hbm>>) target(%dma_start3A_2286 : memref<100x128xf32, #tpu.memory_space<vmem>>) offsets(%dma_start3A_2289 : memref<100xi32, #tpu.memory_space<vmem>>) semaphore(%arg13 : memref<!tpu.dma_semaphore, #tpu.memory_space<semaphore_mem>>)
      } else {
      }
      %dma_wait3A_606 = arith.constant 3 : i32
      %dma_wait3A_607 = arith.constant 0 : i32
      %dma_wait3A_608 = arith.constant 0 : i32
      %dma_wait3A_609 = tpu.memref_slice %arg7[%dma_wait3A_606, %dma_wait3A_607, %dma_wait3A_608] : memref<4x100x128xf32, #tpu.memory_space<vmem>> -> memref<1x100x128xf32, #tpu.memory_space<vmem>>
      %dma_wait3A_610 = tpu.memref_squeeze %dma_wait3A_609 : memref<1x100x128xf32, #tpu.memory_space<vmem>> -> memref<100x128xf32, #tpu.memory_space<vmem>>
      %dma_wait3A_611 = arith.constant 0 : i32
      %dma_wait3A_612 = tpu.memref_slice %arg6[%add3A_598, %dma_wait3A_611] : memref<256x100xi32, #tpu.memory_space<vmem>> -> memref<1x100xi32, #tpu.memory_space<vmem>>
      %dma_wait3A_613 = tpu.memref_squeeze %dma_wait3A_612 : memref<1x100xi32, #tpu.memory_space<vmem>> -> memref<100xi32, #tpu.memory_space<vmem>>
      %dma_wait3A_614 = arith.constant 0 : i32
      %dma_wait3A_615 = arith.constant 0 : i32
      %dma_wait3A_616 = tpu.memref_slice %arg4[%dma_wait3A_614, %dma_wait3A_615] : memref<100001x128xf32, #tpu.memory_space<hbm>> -> memref<100001x128xf32, #tpu.memory_space<hbm>>
      tpu.wait_indirect_dma semaphore(%arg14 : memref<!tpu.dma_semaphore, #tpu.memory_space<semaphore_mem>>) src(%dma_wait3A_616 : memref<100001x128xf32, #tpu.memory_space<hbm>>) dst(%dma_wait3A_610 : memref<100x128xf32, #tpu.memory_space<vmem>>)
      %parallel_loop3A_617 = arith.constant 0 : i32
      %parallel_loop3A_618 = arith.constant 2 : i32
      %parallel_loop3A_619 = arith.constant 1 : i32
      %parallel_loop3A_620:8 = scf.for %parallel_loop3A_2282 = %parallel_loop3A_617 to %parallel_loop3A_618 step %parallel_loop3A_619 iter_args(%parallel_loop3A_2283 = %parallel_loop3A_594#0, %parallel_loop3A_2284 = %parallel_loop3A_594#1, %parallel_loop3A_2285 = %parallel_loop3A_594#2, %parallel_loop3A_2286 = %parallel_loop3A_594#3, %parallel_loop3A_2287 = %parallel_loop3A_594#4, %parallel_loop3A_2288 = %parallel_loop3A_594#5, %parallel_loop3A_2289 = %parallel_loop3A_594#6, %parallel_loop3A_2290 = %parallel_loop3A_594#7) -> (vector<16xf32>, vector<16xf32>, vector<16xf32>, vector<16xf32>, vector<16xf32>, vector<16xf32>, vector<16xf32>, vector<16xf32>)  : i32 {
        %parallel_loop3A_2291 = arith.constant 3 : i32
        %parallel_loop3A_2292 = arith.index_cast %parallel_loop3A_2291 : i32 to index
        %parallel_loop3A_2293 = arith.index_cast %parallel_loop3A_2282 : i32 to index
        %parallel_loop3A_2294 = arith.constant 0 : index
        %parallel_loop3A_2295 = tpu.vector_load %arg7[%parallel_loop3A_2292, %parallel_loop3A_2293, %parallel_loop3A_2294] {strides = array<i32>} : memref<4x100x128xf32, #tpu.memory_space<vmem>>, vector<1x1x16xf32>,
        %parallel_loop3A_2296 = vector.shape_cast %parallel_loop3A_2295 : vector<1x1x16xf32> to vector<16xf32>
        %parallel_loop3A_2297 = arith.addf %parallel_loop3A_2283, %parallel_loop3A_2296 : vector<16xf32>
        %parallel_loop3A_2298 = arith.constant 3 : i32
        %parallel_loop3A_2299 = arith.index_cast %parallel_loop3A_2298 : i32 to index
        %parallel_loop3A_2300 = arith.index_cast %parallel_loop3A_2282 : i32 to index
        %parallel_loop3A_2301 = arith.constant 16 : index
        %parallel_loop3A_2302 = tpu.vector_load %arg7[%parallel_loop3A_2299, %parallel_loop3A_2300, %parallel_loop3A_2301] {strides = array<i32>} : memref<4x100x128xf32, #tpu.memory_space<vmem>>, vector<1x1x16xf32>,
        %parallel_loop3A_2303 = vector.shape_cast %parallel_loop3A_2302 : vector<1x1x16xf32> to vector<16xf32>
        %parallel_loop3A_2304 = arith.addf %parallel_loop3A_2284, %parallel_loop3A_2303 : vector<16xf32>
        %parallel_loop3A_2305 = arith.constant 3 : i32
        %parallel_loop3A_2306 = arith.index_cast %parallel_loop3A_2305 : i32 to index
        %parallel_loop3A_2307 = arith.index_cast %parallel_loop3A_2282 : i32 to index
        %parallel_loop3A_2308 = arith.constant 32 : index
        %parallel_loop3A_2309 = tpu.vector_load %arg7[%parallel_loop3A_2306, %parallel_loop3A_2307, %parallel_loop3A_2308] {strides = array<i32>} : memref<4x100x128xf32, #tpu.memory_space<vmem>>, vector<1x1x16xf32>,
        %parallel_loop3A_2310 = vector.shape_cast %parallel_loop3A_2309 : vector<1x1x16xf32> to vector<16xf32>
        %parallel_loop3A_2311 = arith.addf %parallel_loop3A_2285, %parallel_loop3A_2310 : vector<16xf32>
        %parallel_loop3A_2312 = arith.constant 3 : i32
        %parallel_loop3A_2313 = arith.index_cast %parallel_loop3A_2312 : i32 to index
        %parallel_loop3A_2314 = arith.index_cast %parallel_loop3A_2282 : i32 to index
        %parallel_loop3A_2315 = arith.constant 48 : index
        %parallel_loop3A_2316 = tpu.vector_load %arg7[%parallel_loop3A_2313, %parallel_loop3A_2314, %parallel_loop3A_2315] {strides = array<i32>} : memref<4x100x128xf32, #tpu.memory_space<vmem>>, vector<1x1x16xf32>,
        %parallel_loop3A_2317 = vector.shape_cast %parallel_loop3A_2316 : vector<1x1x16xf32> to vector<16xf32>
        %parallel_loop3A_2318 = arith.addf %parallel_loop3A_2286, %parallel_loop3A_2317 : vector<16xf32>
        %parallel_loop3A_2319 = arith.constant 3 : i32
        %parallel_loop3A_2320 = arith.index_cast %parallel_loop3A_2319 : i32 to index
        %parallel_loop3A_2321 = arith.index_cast %parallel_loop3A_2282 : i32 to index
        %parallel_loop3A_2322 = arith.constant 64 : index
        %parallel_loop3A_2323 = tpu.vector_load %arg7[%parallel_loop3A_2320, %parallel_loop3A_2321, %parallel_loop3A_2322] {strides = array<i32>} : memref<4x100x128xf32, #tpu.memory_space<vmem>>, vector<1x1x16xf32>,
        %parallel_loop3A_2324 = vector.shape_cast %parallel_loop3A_2323 : vector<1x1x16xf32> to vector<16xf32>
        %parallel_loop3A_2325 = arith.addf %parallel_loop3A_2287, %parallel_loop3A_2324 : vector<16xf32>
        %parallel_loop3A_2326 = arith.constant 3 : i32
        %parallel_loop3A_2327 = arith.index_cast %parallel_loop3A_2326 : i32 to index
        %parallel_loop3A_2328 = arith.index_cast %parallel_loop3A_2282 : i32 to index
        %parallel_loop3A_2329 = arith.constant 80 : index
        %parallel_loop3A_2330 = tpu.vector_load %arg7[%parallel_loop3A_2327, %parallel_loop3A_2328, %parallel_loop3A_2329] {strides = array<i32>} : memref<4x100x128xf32, #tpu.memory_space<vmem>>, vector<1x1x16xf32>,
        %parallel_loop3A_2331 = vector.shape_cast %parallel_loop3A_2330 : vector<1x1x16xf32> to vector<16xf32>
        %parallel_loop3A_2332 = arith.addf %parallel_loop3A_2288, %parallel_loop3A_2331 : vector<16xf32>
        %parallel_loop3A_2333 = arith.constant 3 : i32
        %parallel_loop3A_2334 = arith.index_cast %parallel_loop3A_2333 : i32 to index
        %parallel_loop3A_2335 = arith.index_cast %parallel_loop3A_2282 : i32 to index
        %parallel_loop3A_2336 = arith.constant 96 : index
        %parallel_loop3A_2337 = tpu.vector_load %arg7[%parallel_loop3A_2334, %parallel_loop3A_2335, %parallel_loop3A_2336] {strides = array<i32>} : memref<4x100x128xf32, #tpu.memory_space<vmem>>, vector<1x1x16xf32>,
        %parallel_loop3A_2338 = vector.shape_cast %parallel_loop3A_2337 : vector<1x1x16xf32> to vector<16xf32>
        %parallel_loop3A_2339 = arith.addf %parallel_loop3A_2289, %parallel_loop3A_2338 : vector<16xf32>
        %parallel_loop3A_2340 = arith.constant 3 : i32
        %parallel_loop3A_2341 = arith.index_cast %parallel_loop3A_2340 : i32 to index
        %parallel_loop3A_2342 = arith.index_cast %parallel_loop3A_2282 : i32 to index
        %parallel_loop3A_2343 = arith.constant 112 : index
        %parallel_loop3A_2344 = tpu.vector_load %arg7[%parallel_loop3A_2341, %parallel_loop3A_2342, %parallel_loop3A_2343] {strides = array<i32>} : memref<4x100x128xf32, #tpu.memory_space<vmem>>, vector<1x1x16xf32>,
        %parallel_loop3A_2345 = vector.shape_cast %parallel_loop3A_2344 : vector<1x1x16xf32> to vector<16xf32>
        %parallel_loop3A_2346 = arith.addf %parallel_loop3A_2290, %parallel_loop3A_2345 : vector<16xf32>
        scf.yield %parallel_loop3A_2297, %parallel_loop3A_2304, %parallel_loop3A_2311, %parallel_loop3A_2318, %parallel_loop3A_2325, %parallel_loop3A_2332, %parallel_loop3A_2339, %parallel_loop3A_2346 : vector<16xf32>, vector<16xf32>, vector<16xf32>, vector<16xf32>, vector<16xf32>, vector<16xf32>, vector<16xf32>, vector<16xf32>
      } {sc.loop_unroll_factor = 1 : i64, sc.parallel_access}
      %mul3A_621 = arith.constant 16 : i32
      %mul3A_622 = arith.muli %scan3A_154, %mul3A_621 : i32
      %add3A_623 = arith.constant 3 : i32
      %add3A_624 = arith.addi %mul3A_622, %add3A_623 : i32
      %slice3A_625 = vector.extract_strided_slice %get3A_159 {offsets = [3], sizes = [1], strides = [1]} : vector<16xf32> to vector<1xf32>
      %broadcast_in_dim3A_626 = vector.shape_cast %slice3A_625 : vector<1xf32> to vector<1xf32>
      %broadcast_in_dim3A_627 = vector.broadcast %broadcast_in_dim3A_626 : vector<1xf32> to vector<16xf32>
      %mul3A_628 = arith.constant 128 : i32
      %mul3A_629 = arith.muli %add3A_624, %mul3A_628 : i32
      %mul3A_630 = arith.mulf %parallel_loop3A_620#0, %broadcast_in_dim3A_627 : vector<16xf32>
      %add3A_631 = arith.constant 0 : i32
      %add3A_632 = arith.addi %mul3A_629, %add3A_631 : i32
      %swap3A_633 = arith.index_cast %add3A_632 : i32 to index
      %swap3A_634 = tpu.vector_load %arg8[%swap3A_633] {strides = array<i32>} : memref<16384xf32, #tpu.memory_space<vmem>>, vector<16xf32>,
      %swap3A_635 = vector.shape_cast %swap3A_634 : vector<16xf32> to vector<16xf32>
      %swap3A_636 = vector.shape_cast %mul3A_630 : vector<16xf32> to vector<16xf32>
      tpu.vector_store %arg8[%swap3A_633], %swap3A_636 {strides = array<i32>} : memref<16384xf32, #tpu.memory_space<vmem>>, vector<16xf32>,
      %mul3A_637 = arith.mulf %parallel_loop3A_620#1, %broadcast_in_dim3A_627 : vector<16xf32>
      %add3A_638 = arith.constant 16 : i32
      %add3A_639 = arith.addi %mul3A_629, %add3A_638 : i32
      %swap3A_640 = arith.index_cast %add3A_639 : i32 to index
      %swap3A_641 = tpu.vector_load %arg8[%swap3A_640] {strides = array<i32>} : memref<16384xf32, #tpu.memory_space<vmem>>, vector<16xf32>,
      %swap3A_642 = vector.shape_cast %swap3A_641 : vector<16xf32> to vector<16xf32>
      %swap3A_643 = vector.shape_cast %mul3A_637 : vector<16xf32> to vector<16xf32>
      tpu.vector_store %arg8[%swap3A_640], %swap3A_643 {strides = array<i32>} : memref<16384xf32, #tpu.memory_space<vmem>>, vector<16xf32>,
      %mul3A_644 = arith.mulf %parallel_loop3A_620#2, %broadcast_in_dim3A_627 : vector<16xf32>
      %add3A_645 = arith.constant 32 : i32
      %add3A_646 = arith.addi %mul3A_629, %add3A_645 : i32
      %swap3A_647 = arith.index_cast %add3A_646 : i32 to index
      %swap3A_648 = tpu.vector_load %arg8[%swap3A_647] {strides = array<i32>} : memref<16384xf32, #tpu.memory_space<vmem>>, vector<16xf32>,
      %swap3A_649 = vector.shape_cast %swap3A_648 : vector<16xf32> to vector<16xf32>
      %swap3A_650 = vector.shape_cast %mul3A_644 : vector<16xf32> to vector<16xf32>
      tpu.vector_store %arg8[%swap3A_647], %swap3A_650 {strides = array<i32>} : memref<16384xf32, #tpu.memory_space<vmem>>, vector<16xf32>,
      %mul3A_651 = arith.mulf %parallel_loop3A_620#3, %broadcast_in_dim3A_627 : vector<16xf32>
      %add3A_652 = arith.constant 48 : i32
      %add3A_653 = arith.addi %mul3A_629, %add3A_652 : i32
      %swap3A_654 = arith.index_cast %add3A_653 : i32 to index
      %swap3A_655 = tpu.vector_load %arg8[%swap3A_654] {strides = array<i32>} : memref<16384xf32, #tpu.memory_space<vmem>>, vector<16xf32>,
      %swap3A_656 = vector.shape_cast %swap3A_655 : vector<16xf32> to vector<16xf32>
      %swap3A_657 = vector.shape_cast %mul3A_651 : vector<16xf32> to vector<16xf32>
      tpu.vector_store %arg8[%swap3A_654], %swap3A_657 {strides = array<i32>} : memref<16384xf32, #tpu.memory_space<vmem>>, vector<16xf32>,
      %mul3A_658 = arith.mulf %parallel_loop3A_620#4, %broadcast_in_dim3A_627 : vector<16xf32>
      %add3A_659 = arith.constant 64 : i32
      %add3A_660 = arith.addi %mul3A_629, %add3A_659 : i32
      %swap3A_661 = arith.index_cast %add3A_660 : i32 to index
      %swap3A_662 = tpu.vector_load %arg8[%swap3A_661] {strides = array<i32>} : memref<16384xf32, #tpu.memory_space<vmem>>, vector<16xf32>,
      %swap3A_663 = vector.shape_cast %swap3A_662 : vector<16xf32> to vector<16xf32>
      %swap3A_664 = vector.shape_cast %mul3A_658 : vector<16xf32> to vector<16xf32>
      tpu.vector_store %arg8[%swap3A_661], %swap3A_664 {strides = array<i32>} : memref<16384xf32, #tpu.memory_space<vmem>>, vector<16xf32>,
      %mul3A_665 = arith.mulf %parallel_loop3A_620#5, %broadcast_in_dim3A_627 : vector<16xf32>
      %add3A_666 = arith.constant 80 : i32
      %add3A_667 = arith.addi %mul3A_629, %add3A_666 : i32
      %swap3A_668 = arith.index_cast %add3A_667 : i32 to index
      %swap3A_669 = tpu.vector_load %arg8[%swap3A_668] {strides = array<i32>} : memref<16384xf32, #tpu.memory_space<vmem>>, vector<16xf32>,
      %swap3A_670 = vector.shape_cast %swap3A_669 : vector<16xf32> to vector<16xf32>
      %swap3A_671 = vector.shape_cast %mul3A_665 : vector<16xf32> to vector<16xf32>
      tpu.vector_store %arg8[%swap3A_668], %swap3A_671 {strides = array<i32>} : memref<16384xf32, #tpu.memory_space<vmem>>, vector<16xf32>,
      %mul3A_672 = arith.mulf %parallel_loop3A_620#6, %broadcast_in_dim3A_627 : vector<16xf32>
      %add3A_673 = arith.constant 96 : i32
      %add3A_674 = arith.addi %mul3A_629, %add3A_673 : i32
      %swap3A_675 = arith.index_cast %add3A_674 : i32 to index
      %swap3A_676 = tpu.vector_load %arg8[%swap3A_675] {strides = array<i32>} : memref<16384xf32, #tpu.memory_space<vmem>>, vector<16xf32>,
      %swap3A_677 = vector.shape_cast %swap3A_676 : vector<16xf32> to vector<16xf32>
      %swap3A_678 = vector.shape_cast %mul3A_672 : vector<16xf32> to vector<16xf32>
      tpu.vector_store %arg8[%swap3A_675], %swap3A_678 {strides = array<i32>} : memref<16384xf32, #tpu.memory_space<vmem>>, vector<16xf32>,
      %mul3A_679 = arith.mulf %parallel_loop3A_620#7, %broadcast_in_dim3A_627 : vector<16xf32>
      %add3A_680 = arith.constant 112 : i32
      %add3A_681 = arith.addi %mul3A_629, %add3A_680 : i32
      %swap3A_682 = arith.index_cast %add3A_681 : i32 to index
      %swap3A_683 = tpu.vector_load %arg8[%swap3A_682] {strides = array<i32>} : memref<16384xf32, #tpu.memory_space<vmem>>, vector<16xf32>,
      %swap3A_684 = vector.shape_cast %swap3A_683 : vector<16xf32> to vector<16xf32>
      %swap3A_685 = vector.shape_cast %mul3A_679 : vector<16xf32> to vector<16xf32>
      tpu.vector_store %arg8[%swap3A_682], %swap3A_685 {strides = array<i32>} : memref<16384xf32, #tpu.memory_space<vmem>>, vector<16xf32>,
      %mul3A_686 = arith.constant 32 : i32
      %mul3A_687 = arith.muli %scan3A_154, %mul3A_686 : i32
      %add3A_688 = arith.constant 8 : i32
      %add3A_689 = arith.addi %mul3A_687, %add3A_688 : i32
      %add3A_690 = arith.constant 3 : i32
      %add3A_691 = arith.addi %add3A_689, %add3A_690 : i32
      %lt3A_692 = arith.constant 256 : i32
      %lt3A_693 = arith.cmpi slt, %add3A_691, %lt3A_692 : i32
      %convert_element_type3A_694 = arith.extui %lt3A_693 : i1 to i32
      %cond3A_695 = arith.constant 0 : i32
      %cond3A_696 = arith.cmpi ne, %convert_element_type3A_694, %cond3A_695 : i32
      scf.if %cond3A_696 {
        %dma_start3A_2282 = arith.constant 3 : i32
        %dma_start3A_2283 = arith.constant 0 : i32
        %dma_start3A_2284 = arith.constant 0 : i32
        %dma_start3A_2285 = tpu.memref_slice %arg7[%dma_start3A_2282, %dma_start3A_2283, %dma_start3A_2284] : memref<4x100x128xf32, #tpu.memory_space<vmem>> -> memref<1x100x128xf32, #tpu.memory_space<vmem>>
        %dma_start3A_2286 = tpu.memref_squeeze %dma_start3A_2285 : memref<1x100x128xf32, #tpu.memory_space<vmem>> -> memref<100x128xf32, #tpu.memory_space<vmem>>
        %dma_start3A_2287 = arith.constant 0 : i32
        %dma_start3A_2288 = tpu.memref_slice %arg6[%add3A_691, %dma_start3A_2287] : memref<256x100xi32, #tpu.memory_space<vmem>> -> memref<1x100xi32, #tpu.memory_space<vmem>>
        %dma_start3A_2289 = tpu.memref_squeeze %dma_start3A_2288 : memref<1x100xi32, #tpu.memory_space<vmem>> -> memref<100xi32, #tpu.memory_space<vmem>>
        %dma_start3A_2290 = arith.constant 0 : i32
        %dma_start3A_2291 = arith.constant 0 : i32
        %dma_start3A_2292 = tpu.memref_slice %arg4[%dma_start3A_2290, %dma_start3A_2291] : memref<100001x128xf32, #tpu.memory_space<hbm>> -> memref<100001x128xf32, #tpu.memory_space<hbm>>
        tpu.enqueue_indirect_dma source(%dma_start3A_2292 : memref<100001x128xf32, #tpu.memory_space<hbm>>) target(%dma_start3A_2286 : memref<100x128xf32, #tpu.memory_space<vmem>>) offsets(%dma_start3A_2289 : memref<100xi32, #tpu.memory_space<vmem>>) semaphore(%arg14 : memref<!tpu.dma_semaphore, #tpu.memory_space<semaphore_mem>>)
      } else {
      }
      %dma_wait3A_697 = arith.constant 0 : i32
      %dma_wait3A_698 = arith.constant 0 : i32
      %dma_wait3A_699 = arith.constant 0 : i32
      %dma_wait3A_700 = tpu.memref_slice %arg7[%dma_wait3A_697, %dma_wait3A_698, %dma_wait3A_699] : memref<4x100x128xf32, #tpu.memory_space<vmem>> -> memref<1x100x128xf32, #tpu.memory_space<vmem>>
      %dma_wait3A_701 = tpu.memref_squeeze %dma_wait3A_700 : memref<1x100x128xf32, #tpu.memory_space<vmem>> -> memref<100x128xf32, #tpu.memory_space<vmem>>
      %dma_wait3A_702 = arith.constant 0 : i32
      %dma_wait3A_703 = tpu.memref_slice %arg6[%add3A_689, %dma_wait3A_702] : memref<256x100xi32, #tpu.memory_space<vmem>> -> memref<1x100xi32, #tpu.memory_space<vmem>>
      %dma_wait3A_704 = tpu.memref_squeeze %dma_wait3A_703 : memref<1x100xi32, #tpu.memory_space<vmem>> -> memref<100xi32, #tpu.memory_space<vmem>>
      %dma_wait3A_705 = arith.constant 0 : i32
      %dma_wait3A_706 = arith.constant 0 : i32
      %dma_wait3A_707 = tpu.memref_slice %arg4[%dma_wait3A_705, %dma_wait3A_706] : memref<100001x128xf32, #tpu.memory_space<hbm>> -> memref<100001x128xf32, #tpu.memory_space<hbm>>
      tpu.wait_indirect_dma semaphore(%arg11 : memref<!tpu.dma_semaphore, #tpu.memory_space<semaphore_mem>>) src(%dma_wait3A_707 : memref<100001x128xf32, #tpu.memory_space<hbm>>) dst(%dma_wait3A_701 : memref<100x128xf32, #tpu.memory_space<vmem>>)
      %broadcast_in_dim3A_708 = arith.constant 0.000000e+00 : f32
      %broadcast_in_dim3A_709 = vector.broadcast %broadcast_in_dim3A_708 : f32 to vector<16xf32>
      %broadcast_in_dim3A_710 = arith.constant 0.000000e+00 : f32
      %broadcast_in_dim3A_711 = vector.broadcast %broadcast_in_dim3A_710 : f32 to vector<16xf32>
      %broadcast_in_dim3A_712 = arith.constant 0.000000e+00 : f32
      %broadcast_in_dim3A_713 = vector.broadcast %broadcast_in_dim3A_712 : f32 to vector<16xf32>
      %broadcast_in_dim3A_714 = arith.constant 0.000000e+00 : f32
      %broadcast_in_dim3A_715 = vector.broadcast %broadcast_in_dim3A_714 : f32 to vector<16xf32>
      %broadcast_in_dim3A_716 = arith.constant 0.000000e+00 : f32
      %broadcast_in_dim3A_717 = vector.broadcast %broadcast_in_dim3A_716 : f32 to vector<16xf32>
      %broadcast_in_dim3A_718 = arith.constant 0.000000e+00 : f32
      %broadcast_in_dim3A_719 = vector.broadcast %broadcast_in_dim3A_718 : f32 to vector<16xf32>
      %broadcast_in_dim3A_720 = arith.constant 0.000000e+00 : f32
      %broadcast_in_dim3A_721 = vector.broadcast %broadcast_in_dim3A_720 : f32 to vector<16xf32>
      %broadcast_in_dim3A_722 = arith.constant 0.000000e+00 : f32
      %broadcast_in_dim3A_723 = vector.broadcast %broadcast_in_dim3A_722 : f32 to vector<16xf32>
      %parallel_loop3A_724 = arith.constant 0 : i32
      %parallel_loop3A_725 = arith.constant 2 : i32
      %parallel_loop3A_726 = arith.constant 1 : i32
      %parallel_loop3A_727:8 = scf.for %parallel_loop3A_2282 = %parallel_loop3A_724 to %parallel_loop3A_725 step %parallel_loop3A_726 iter_args(%parallel_loop3A_2283 = %broadcast_in_dim3A_709, %parallel_loop3A_2284 = %broadcast_in_dim3A_711, %parallel_loop3A_2285 = %broadcast_in_dim3A_713, %parallel_loop3A_2286 = %broadcast_in_dim3A_715, %parallel_loop3A_2287 = %broadcast_in_dim3A_717, %parallel_loop3A_2288 = %broadcast_in_dim3A_719, %parallel_loop3A_2289 = %broadcast_in_dim3A_721, %parallel_loop3A_2290 = %broadcast_in_dim3A_723) -> (vector<16xf32>, vector<16xf32>, vector<16xf32>, vector<16xf32>, vector<16xf32>, vector<16xf32>, vector<16xf32>, vector<16xf32>)  : i32 {
        %parallel_loop3A_2291 = arith.constant 0 : i32
        %parallel_loop3A_2292 = arith.index_cast %parallel_loop3A_2291 : i32 to index
        %parallel_loop3A_2293 = arith.index_cast %parallel_loop3A_2282 : i32 to index
        %parallel_loop3A_2294 = arith.constant 0 : index
        %parallel_loop3A_2295 = tpu.vector_load %arg7[%parallel_loop3A_2292, %parallel_loop3A_2293, %parallel_loop3A_2294] {strides = array<i32>} : memref<4x100x128xf32, #tpu.memory_space<vmem>>, vector<1x1x16xf32>,
        %parallel_loop3A_2296 = vector.shape_cast %parallel_loop3A_2295 : vector<1x1x16xf32> to vector<16xf32>
        %parallel_loop3A_2297 = arith.addf %parallel_loop3A_2283, %parallel_loop3A_2296 : vector<16xf32>
        %parallel_loop3A_2298 = arith.constant 0 : i32
        %parallel_loop3A_2299 = arith.index_cast %parallel_loop3A_2298 : i32 to index
        %parallel_loop3A_2300 = arith.index_cast %parallel_loop3A_2282 : i32 to index
        %parallel_loop3A_2301 = arith.constant 16 : index
        %parallel_loop3A_2302 = tpu.vector_load %arg7[%parallel_loop3A_2299, %parallel_loop3A_2300, %parallel_loop3A_2301] {strides = array<i32>} : memref<4x100x128xf32, #tpu.memory_space<vmem>>, vector<1x1x16xf32>,
        %parallel_loop3A_2303 = vector.shape_cast %parallel_loop3A_2302 : vector<1x1x16xf32> to vector<16xf32>
        %parallel_loop3A_2304 = arith.addf %parallel_loop3A_2284, %parallel_loop3A_2303 : vector<16xf32>
        %parallel_loop3A_2305 = arith.constant 0 : i32
        %parallel_loop3A_2306 = arith.index_cast %parallel_loop3A_2305 : i32 to index
        %parallel_loop3A_2307 = arith.index_cast %parallel_loop3A_2282 : i32 to index
        %parallel_loop3A_2308 = arith.constant 32 : index
        %parallel_loop3A_2309 = tpu.vector_load %arg7[%parallel_loop3A_2306, %parallel_loop3A_2307, %parallel_loop3A_2308] {strides = array<i32>} : memref<4x100x128xf32, #tpu.memory_space<vmem>>, vector<1x1x16xf32>,
        %parallel_loop3A_2310 = vector.shape_cast %parallel_loop3A_2309 : vector<1x1x16xf32> to vector<16xf32>
        %parallel_loop3A_2311 = arith.addf %parallel_loop3A_2285, %parallel_loop3A_2310 : vector<16xf32>
        %parallel_loop3A_2312 = arith.constant 0 : i32
        %parallel_loop3A_2313 = arith.index_cast %parallel_loop3A_2312 : i32 to index
        %parallel_loop3A_2314 = arith.index_cast %parallel_loop3A_2282 : i32 to index
        %parallel_loop3A_2315 = arith.constant 48 : index
        %parallel_loop3A_2316 = tpu.vector_load %arg7[%parallel_loop3A_2313, %parallel_loop3A_2314, %parallel_loop3A_2315] {strides = array<i32>} : memref<4x100x128xf32, #tpu.memory_space<vmem>>, vector<1x1x16xf32>,
        %parallel_loop3A_2317 = vector.shape_cast %parallel_loop3A_2316 : vector<1x1x16xf32> to vector<16xf32>
        %parallel_loop3A_2318 = arith.addf %parallel_loop3A_2286, %parallel_loop3A_2317 : vector<16xf32>
        %parallel_loop3A_2319 = arith.constant 0 : i32
        %parallel_loop3A_2320 = arith.index_cast %parallel_loop3A_2319 : i32 to index
        %parallel_loop3A_2321 = arith.index_cast %parallel_loop3A_2282 : i32 to index
        %parallel_loop3A_2322 = arith.constant 64 : index
        %parallel_loop3A_2323 = tpu.vector_load %arg7[%parallel_loop3A_2320, %parallel_loop3A_2321, %parallel_loop3A_2322] {strides = array<i32>} : memref<4x100x128xf32, #tpu.memory_space<vmem>>, vector<1x1x16xf32>,
        %parallel_loop3A_2324 = vector.shape_cast %parallel_loop3A_2323 : vector<1x1x16xf32> to vector<16xf32>
        %parallel_loop3A_2325 = arith.addf %parallel_loop3A_2287, %parallel_loop3A_2324 : vector<16xf32>
        %parallel_loop3A_2326 = arith.constant 0 : i32
        %parallel_loop3A_2327 = arith.index_cast %parallel_loop3A_2326 : i32 to index
        %parallel_loop3A_2328 = arith.index_cast %parallel_loop3A_2282 : i32 to index
        %parallel_loop3A_2329 = arith.constant 80 : index
        %parallel_loop3A_2330 = tpu.vector_load %arg7[%parallel_loop3A_2327, %parallel_loop3A_2328, %parallel_loop3A_2329] {strides = array<i32>} : memref<4x100x128xf32, #tpu.memory_space<vmem>>, vector<1x1x16xf32>,
        %parallel_loop3A_2331 = vector.shape_cast %parallel_loop3A_2330 : vector<1x1x16xf32> to vector<16xf32>
        %parallel_loop3A_2332 = arith.addf %parallel_loop3A_2288, %parallel_loop3A_2331 : vector<16xf32>
        %parallel_loop3A_2333 = arith.constant 0 : i32
        %parallel_loop3A_2334 = arith.index_cast %parallel_loop3A_2333 : i32 to index
        %parallel_loop3A_2335 = arith.index_cast %parallel_loop3A_2282 : i32 to index
        %parallel_loop3A_2336 = arith.constant 96 : index
        %parallel_loop3A_2337 = tpu.vector_load %arg7[%parallel_loop3A_2334, %parallel_loop3A_2335, %parallel_loop3A_2336] {strides = array<i32>} : memref<4x100x128xf32, #tpu.memory_space<vmem>>, vector<1x1x16xf32>,
        %parallel_loop3A_2338 = vector.shape_cast %parallel_loop3A_2337 : vector<1x1x16xf32> to vector<16xf32>
        %parallel_loop3A_2339 = arith.addf %parallel_loop3A_2289, %parallel_loop3A_2338 : vector<16xf32>
        %parallel_loop3A_2340 = arith.constant 0 : i32
        %parallel_loop3A_2341 = arith.index_cast %parallel_loop3A_2340 : i32 to index
        %parallel_loop3A_2342 = arith.index_cast %parallel_loop3A_2282 : i32 to index
        %parallel_loop3A_2343 = arith.constant 112 : index
        %parallel_loop3A_2344 = tpu.vector_load %arg7[%parallel_loop3A_2341, %parallel_loop3A_2342, %parallel_loop3A_2343] {strides = array<i32>} : memref<4x100x128xf32, #tpu.memory_space<vmem>>, vector<1x1x16xf32>,
        %parallel_loop3A_2345 = vector.shape_cast %parallel_loop3A_2344 : vector<1x1x16xf32> to vector<16xf32>
        %parallel_loop3A_2346 = arith.addf %parallel_loop3A_2290, %parallel_loop3A_2345 : vector<16xf32>
        scf.yield %parallel_loop3A_2297, %parallel_loop3A_2304, %parallel_loop3A_2311, %parallel_loop3A_2318, %parallel_loop3A_2325, %parallel_loop3A_2332, %parallel_loop3A_2339, %parallel_loop3A_2346 : vector<16xf32>, vector<16xf32>, vector<16xf32>, vector<16xf32>, vector<16xf32>, vector<16xf32>, vector<16xf32>, vector<16xf32>
      } {sc.loop_unroll_factor = 1 : i64, sc.parallel_access}
      %mul3A_728 = arith.constant 32 : i32
      %mul3A_729 = arith.muli %scan3A_154, %mul3A_728 : i32
      %add3A_730 = arith.constant 9 : i32
      %add3A_731 = arith.addi %mul3A_729, %add3A_730 : i32
      %add3A_732 = arith.constant 3 : i32
      %add3A_733 = arith.addi %add3A_731, %add3A_732 : i32
      %lt3A_734 = arith.constant 256 : i32
      %lt3A_735 = arith.cmpi slt, %add3A_733, %lt3A_734 : i32
      %convert_element_type3A_736 = arith.extui %lt3A_735 : i1 to i32
      %cond3A_737 = arith.constant 0 : i32
      %cond3A_738 = arith.cmpi ne, %convert_element_type3A_736, %cond3A_737 : i32
      scf.if %cond3A_738 {
        %dma_start3A_2282 = arith.constant 0 : i32
        %dma_start3A_2283 = arith.constant 0 : i32
        %dma_start3A_2284 = arith.constant 0 : i32
        %dma_start3A_2285 = tpu.memref_slice %arg7[%dma_start3A_2282, %dma_start3A_2283, %dma_start3A_2284] : memref<4x100x128xf32, #tpu.memory_space<vmem>> -> memref<1x100x128xf32, #tpu.memory_space<vmem>>
        %dma_start3A_2286 = tpu.memref_squeeze %dma_start3A_2285 : memref<1x100x128xf32, #tpu.memory_space<vmem>> -> memref<100x128xf32, #tpu.memory_space<vmem>>
        %dma_start3A_2287 = arith.constant 0 : i32
        %dma_start3A_2288 = tpu.memref_slice %arg6[%add3A_733, %dma_start3A_2287] : memref<256x100xi32, #tpu.memory_space<vmem>> -> memref<1x100xi32, #tpu.memory_space<vmem>>
        %dma_start3A_2289 = tpu.memref_squeeze %dma_start3A_2288 : memref<1x100xi32, #tpu.memory_space<vmem>> -> memref<100xi32, #tpu.memory_space<vmem>>
        %dma_start3A_2290 = arith.constant 0 : i32
        %dma_start3A_2291 = arith.constant 0 : i32
        %dma_start3A_2292 = tpu.memref_slice %arg4[%dma_start3A_2290, %dma_start3A_2291] : memref<100001x128xf32, #tpu.memory_space<hbm>> -> memref<100001x128xf32, #tpu.memory_space<hbm>>
        tpu.enqueue_indirect_dma source(%dma_start3A_2292 : memref<100001x128xf32, #tpu.memory_space<hbm>>) target(%dma_start3A_2286 : memref<100x128xf32, #tpu.memory_space<vmem>>) offsets(%dma_start3A_2289 : memref<100xi32, #tpu.memory_space<vmem>>) semaphore(%arg11 : memref<!tpu.dma_semaphore, #tpu.memory_space<semaphore_mem>>)
      } else {
      }
      %dma_wait3A_739 = arith.constant 1 : i32
      %dma_wait3A_740 = arith.constant 0 : i32
      %dma_wait3A_741 = arith.constant 0 : i32
      %dma_wait3A_742 = tpu.memref_slice %arg7[%dma_wait3A_739, %dma_wait3A_740, %dma_wait3A_741] : memref<4x100x128xf32, #tpu.memory_space<vmem>> -> memref<1x100x128xf32, #tpu.memory_space<vmem>>
      %dma_wait3A_743 = tpu.memref_squeeze %dma_wait3A_742 : memref<1x100x128xf32, #tpu.memory_space<vmem>> -> memref<100x128xf32, #tpu.memory_space<vmem>>
      %dma_wait3A_744 = arith.constant 0 : i32
      %dma_wait3A_745 = tpu.memref_slice %arg6[%add3A_731, %dma_wait3A_744] : memref<256x100xi32, #tpu.memory_space<vmem>> -> memref<1x100xi32, #tpu.memory_space<vmem>>
      %dma_wait3A_746 = tpu.memref_squeeze %dma_wait3A_745 : memref<1x100xi32, #tpu.memory_space<vmem>> -> memref<100xi32, #tpu.memory_space<vmem>>
      %dma_wait3A_747 = arith.constant 0 : i32
      %dma_wait3A_748 = arith.constant 0 : i32
      %dma_wait3A_749 = tpu.memref_slice %arg4[%dma_wait3A_747, %dma_wait3A_748] : memref<100001x128xf32, #tpu.memory_space<hbm>> -> memref<100001x128xf32, #tpu.memory_space<hbm>>
      tpu.wait_indirect_dma semaphore(%arg12 : memref<!tpu.dma_semaphore, #tpu.memory_space<semaphore_mem>>) src(%dma_wait3A_749 : memref<100001x128xf32, #tpu.memory_space<hbm>>) dst(%dma_wait3A_743 : memref<100x128xf32, #tpu.memory_space<vmem>>)
      %parallel_loop3A_750 = arith.constant 0 : i32
      %parallel_loop3A_751 = arith.constant 2 : i32
      %parallel_loop3A_752 = arith.constant 1 : i32
      %parallel_loop3A_753:8 = scf.for %parallel_loop3A_2282 = %parallel_loop3A_750 to %parallel_loop3A_751 step %parallel_loop3A_752 iter_args(%parallel_loop3A_2283 = %parallel_loop3A_727#0, %parallel_loop3A_2284 = %parallel_loop3A_727#1, %parallel_loop3A_2285 = %parallel_loop3A_727#2, %parallel_loop3A_2286 = %parallel_loop3A_727#3, %parallel_loop3A_2287 = %parallel_loop3A_727#4, %parallel_loop3A_2288 = %parallel_loop3A_727#5, %parallel_loop3A_2289 = %parallel_loop3A_727#6, %parallel_loop3A_2290 = %parallel_loop3A_727#7) -> (vector<16xf32>, vector<16xf32>, vector<16xf32>, vector<16xf32>, vector<16xf32>, vector<16xf32>, vector<16xf32>, vector<16xf32>)  : i32 {
        %parallel_loop3A_2291 = arith.constant 1 : i32
        %parallel_loop3A_2292 = arith.index_cast %parallel_loop3A_2291 : i32 to index
        %parallel_loop3A_2293 = arith.index_cast %parallel_loop3A_2282 : i32 to index
        %parallel_loop3A_2294 = arith.constant 0 : index
        %parallel_loop3A_2295 = tpu.vector_load %arg7[%parallel_loop3A_2292, %parallel_loop3A_2293, %parallel_loop3A_2294] {strides = array<i32>} : memref<4x100x128xf32, #tpu.memory_space<vmem>>, vector<1x1x16xf32>,
        %parallel_loop3A_2296 = vector.shape_cast %parallel_loop3A_2295 : vector<1x1x16xf32> to vector<16xf32>
        %parallel_loop3A_2297 = arith.addf %parallel_loop3A_2283, %parallel_loop3A_2296 : vector<16xf32>
        %parallel_loop3A_2298 = arith.constant 1 : i32
        %parallel_loop3A_2299 = arith.index_cast %parallel_loop3A_2298 : i32 to index
        %parallel_loop3A_2300 = arith.index_cast %parallel_loop3A_2282 : i32 to index
        %parallel_loop3A_2301 = arith.constant 16 : index
        %parallel_loop3A_2302 = tpu.vector_load %arg7[%parallel_loop3A_2299, %parallel_loop3A_2300, %parallel_loop3A_2301] {strides = array<i32>} : memref<4x100x128xf32, #tpu.memory_space<vmem>>, vector<1x1x16xf32>,
        %parallel_loop3A_2303 = vector.shape_cast %parallel_loop3A_2302 : vector<1x1x16xf32> to vector<16xf32>
        %parallel_loop3A_2304 = arith.addf %parallel_loop3A_2284, %parallel_loop3A_2303 : vector<16xf32>
        %parallel_loop3A_2305 = arith.constant 1 : i32
        %parallel_loop3A_2306 = arith.index_cast %parallel_loop3A_2305 : i32 to index
        %parallel_loop3A_2307 = arith.index_cast %parallel_loop3A_2282 : i32 to index
        %parallel_loop3A_2308 = arith.constant 32 : index
        %parallel_loop3A_2309 = tpu.vector_load %arg7[%parallel_loop3A_2306, %parallel_loop3A_2307, %parallel_loop3A_2308] {strides = array<i32>} : memref<4x100x128xf32, #tpu.memory_space<vmem>>, vector<1x1x16xf32>,
        %parallel_loop3A_2310 = vector.shape_cast %parallel_loop3A_2309 : vector<1x1x16xf32> to vector<16xf32>
        %parallel_loop3A_2311 = arith.addf %parallel_loop3A_2285, %parallel_loop3A_2310 : vector<16xf32>
        %parallel_loop3A_2312 = arith.constant 1 : i32
        %parallel_loop3A_2313 = arith.index_cast %parallel_loop3A_2312 : i32 to index
        %parallel_loop3A_2314 = arith.index_cast %parallel_loop3A_2282 : i32 to index
        %parallel_loop3A_2315 = arith.constant 48 : index
        %parallel_loop3A_2316 = tpu.vector_load %arg7[%parallel_loop3A_2313, %parallel_loop3A_2314, %parallel_loop3A_2315] {strides = array<i32>} : memref<4x100x128xf32, #tpu.memory_space<vmem>>, vector<1x1x16xf32>,
        %parallel_loop3A_2317 = vector.shape_cast %parallel_loop3A_2316 : vector<1x1x16xf32> to vector<16xf32>
        %parallel_loop3A_2318 = arith.addf %parallel_loop3A_2286, %parallel_loop3A_2317 : vector<16xf32>
        %parallel_loop3A_2319 = arith.constant 1 : i32
        %parallel_loop3A_2320 = arith.index_cast %parallel_loop3A_2319 : i32 to index
        %parallel_loop3A_2321 = arith.index_cast %parallel_loop3A_2282 : i32 to index
        %parallel_loop3A_2322 = arith.constant 64 : index
        %parallel_loop3A_2323 = tpu.vector_load %arg7[%parallel_loop3A_2320, %parallel_loop3A_2321, %parallel_loop3A_2322] {strides = array<i32>} : memref<4x100x128xf32, #tpu.memory_space<vmem>>, vector<1x1x16xf32>,
        %parallel_loop3A_2324 = vector.shape_cast %parallel_loop3A_2323 : vector<1x1x16xf32> to vector<16xf32>
        %parallel_loop3A_2325 = arith.addf %parallel_loop3A_2287, %parallel_loop3A_2324 : vector<16xf32>
        %parallel_loop3A_2326 = arith.constant 1 : i32
        %parallel_loop3A_2327 = arith.index_cast %parallel_loop3A_2326 : i32 to index
        %parallel_loop3A_2328 = arith.index_cast %parallel_loop3A_2282 : i32 to index
        %parallel_loop3A_2329 = arith.constant 80 : index
        %parallel_loop3A_2330 = tpu.vector_load %arg7[%parallel_loop3A_2327, %parallel_loop3A_2328, %parallel_loop3A_2329] {strides = array<i32>} : memref<4x100x128xf32, #tpu.memory_space<vmem>>, vector<1x1x16xf32>,
        %parallel_loop3A_2331 = vector.shape_cast %parallel_loop3A_2330 : vector<1x1x16xf32> to vector<16xf32>
        %parallel_loop3A_2332 = arith.addf %parallel_loop3A_2288, %parallel_loop3A_2331 : vector<16xf32>
        %parallel_loop3A_2333 = arith.constant 1 : i32
        %parallel_loop3A_2334 = arith.index_cast %parallel_loop3A_2333 : i32 to index
        %parallel_loop3A_2335 = arith.index_cast %parallel_loop3A_2282 : i32 to index
        %parallel_loop3A_2336 = arith.constant 96 : index
        %parallel_loop3A_2337 = tpu.vector_load %arg7[%parallel_loop3A_2334, %parallel_loop3A_2335, %parallel_loop3A_2336] {strides = array<i32>} : memref<4x100x128xf32, #tpu.memory_space<vmem>>, vector<1x1x16xf32>,
        %parallel_loop3A_2338 = vector.shape_cast %parallel_loop3A_2337 : vector<1x1x16xf32> to vector<16xf32>
        %parallel_loop3A_2339 = arith.addf %parallel_loop3A_2289, %parallel_loop3A_2338 : vector<16xf32>
        %parallel_loop3A_2340 = arith.constant 1 : i32
        %parallel_loop3A_2341 = arith.index_cast %parallel_loop3A_2340 : i32 to index
        %parallel_loop3A_2342 = arith.index_cast %parallel_loop3A_2282 : i32 to index
        %parallel_loop3A_2343 = arith.constant 112 : index
        %parallel_loop3A_2344 = tpu.vector_load %arg7[%parallel_loop3A_2341, %parallel_loop3A_2342, %parallel_loop3A_2343] {strides = array<i32>} : memref<4x100x128xf32, #tpu.memory_space<vmem>>, vector<1x1x16xf32>,
        %parallel_loop3A_2345 = vector.shape_cast %parallel_loop3A_2344 : vector<1x1x16xf32> to vector<16xf32>
        %parallel_loop3A_2346 = arith.addf %parallel_loop3A_2290, %parallel_loop3A_2345 : vector<16xf32>
        scf.yield %parallel_loop3A_2297, %parallel_loop3A_2304, %parallel_loop3A_2311, %parallel_loop3A_2318, %parallel_loop3A_2325, %parallel_loop3A_2332, %parallel_loop3A_2339, %parallel_loop3A_2346 : vector<16xf32>, vector<16xf32>, vector<16xf32>, vector<16xf32>, vector<16xf32>, vector<16xf32>, vector<16xf32>, vector<16xf32>
      } {sc.loop_unroll_factor = 1 : i64, sc.parallel_access}
      %mul3A_754 = arith.constant 16 : i32
      %mul3A_755 = arith.muli %scan3A_154, %mul3A_754 : i32
      %add3A_756 = arith.constant 4 : i32
      %add3A_757 = arith.addi %mul3A_755, %add3A_756 : i32
      %slice3A_758 = vector.extract_strided_slice %get3A_159 {offsets = [4], sizes = [1], strides = [1]} : vector<16xf32> to vector<1xf32>
      %broadcast_in_dim3A_759 = vector.shape_cast %slice3A_758 : vector<1xf32> to vector<1xf32>
      %broadcast_in_dim3A_760 = vector.broadcast %broadcast_in_dim3A_759 : vector<1xf32> to vector<16xf32>
      %mul3A_761 = arith.constant 128 : i32
      %mul3A_762 = arith.muli %add3A_757, %mul3A_761 : i32
      %mul3A_763 = arith.mulf %parallel_loop3A_753#0, %broadcast_in_dim3A_760 : vector<16xf32>
      %add3A_764 = arith.constant 0 : i32
      %add3A_765 = arith.addi %mul3A_762, %add3A_764 : i32
      %swap3A_766 = arith.index_cast %add3A_765 : i32 to index
      %swap3A_767 = tpu.vector_load %arg8[%swap3A_766] {strides = array<i32>} : memref<16384xf32, #tpu.memory_space<vmem>>, vector<16xf32>,
      %swap3A_768 = vector.shape_cast %swap3A_767 : vector<16xf32> to vector<16xf32>
      %swap3A_769 = vector.shape_cast %mul3A_763 : vector<16xf32> to vector<16xf32>
      tpu.vector_store %arg8[%swap3A_766], %swap3A_769 {strides = array<i32>} : memref<16384xf32, #tpu.memory_space<vmem>>, vector<16xf32>,
      %mul3A_770 = arith.mulf %parallel_loop3A_753#1, %broadcast_in_dim3A_760 : vector<16xf32>
      %add3A_771 = arith.constant 16 : i32
      %add3A_772 = arith.addi %mul3A_762, %add3A_771 : i32
      %swap3A_773 = arith.index_cast %add3A_772 : i32 to index
      %swap3A_774 = tpu.vector_load %arg8[%swap3A_773] {strides = array<i32>} : memref<16384xf32, #tpu.memory_space<vmem>>, vector<16xf32>,
      %swap3A_775 = vector.shape_cast %swap3A_774 : vector<16xf32> to vector<16xf32>
      %swap3A_776 = vector.shape_cast %mul3A_770 : vector<16xf32> to vector<16xf32>
      tpu.vector_store %arg8[%swap3A_773], %swap3A_776 {strides = array<i32>} : memref<16384xf32, #tpu.memory_space<vmem>>, vector<16xf32>,
      %mul3A_777 = arith.mulf %parallel_loop3A_753#2, %broadcast_in_dim3A_760 : vector<16xf32>
      %add3A_778 = arith.constant 32 : i32
      %add3A_779 = arith.addi %mul3A_762, %add3A_778 : i32
      %swap3A_780 = arith.index_cast %add3A_779 : i32 to index
      %swap3A_781 = tpu.vector_load %arg8[%swap3A_780] {strides = array<i32>} : memref<16384xf32, #tpu.memory_space<vmem>>, vector<16xf32>,
      %swap3A_782 = vector.shape_cast %swap3A_781 : vector<16xf32> to vector<16xf32>
      %swap3A_783 = vector.shape_cast %mul3A_777 : vector<16xf32> to vector<16xf32>
      tpu.vector_store %arg8[%swap3A_780], %swap3A_783 {strides = array<i32>} : memref<16384xf32, #tpu.memory_space<vmem>>, vector<16xf32>,
      %mul3A_784 = arith.mulf %parallel_loop3A_753#3, %broadcast_in_dim3A_760 : vector<16xf32>
      %add3A_785 = arith.constant 48 : i32
      %add3A_786 = arith.addi %mul3A_762, %add3A_785 : i32
      %swap3A_787 = arith.index_cast %add3A_786 : i32 to index
      %swap3A_788 = tpu.vector_load %arg8[%swap3A_787] {strides = array<i32>} : memref<16384xf32, #tpu.memory_space<vmem>>, vector<16xf32>,
      %swap3A_789 = vector.shape_cast %swap3A_788 : vector<16xf32> to vector<16xf32>
      %swap3A_790 = vector.shape_cast %mul3A_784 : vector<16xf32> to vector<16xf32>
      tpu.vector_store %arg8[%swap3A_787], %swap3A_790 {strides = array<i32>} : memref<16384xf32, #tpu.memory_space<vmem>>, vector<16xf32>,
      %mul3A_791 = arith.mulf %parallel_loop3A_753#4, %broadcast_in_dim3A_760 : vector<16xf32>
      %add3A_792 = arith.constant 64 : i32
      %add3A_793 = arith.addi %mul3A_762, %add3A_792 : i32
      %swap3A_794 = arith.index_cast %add3A_793 : i32 to index
      %swap3A_795 = tpu.vector_load %arg8[%swap3A_794] {strides = array<i32>} : memref<16384xf32, #tpu.memory_space<vmem>>, vector<16xf32>,
      %swap3A_796 = vector.shape_cast %swap3A_795 : vector<16xf32> to vector<16xf32>
      %swap3A_797 = vector.shape_cast %mul3A_791 : vector<16xf32> to vector<16xf32>
      tpu.vector_store %arg8[%swap3A_794], %swap3A_797 {strides = array<i32>} : memref<16384xf32, #tpu.memory_space<vmem>>, vector<16xf32>,
      %mul3A_798 = arith.mulf %parallel_loop3A_753#5, %broadcast_in_dim3A_760 : vector<16xf32>
      %add3A_799 = arith.constant 80 : i32
      %add3A_800 = arith.addi %mul3A_762, %add3A_799 : i32
      %swap3A_801 = arith.index_cast %add3A_800 : i32 to index
      %swap3A_802 = tpu.vector_load %arg8[%swap3A_801] {strides = array<i32>} : memref<16384xf32, #tpu.memory_space<vmem>>, vector<16xf32>,
      %swap3A_803 = vector.shape_cast %swap3A_802 : vector<16xf32> to vector<16xf32>
      %swap3A_804 = vector.shape_cast %mul3A_798 : vector<16xf32> to vector<16xf32>
      tpu.vector_store %arg8[%swap3A_801], %swap3A_804 {strides = array<i32>} : memref<16384xf32, #tpu.memory_space<vmem>>, vector<16xf32>,
      %mul3A_805 = arith.mulf %parallel_loop3A_753#6, %broadcast_in_dim3A_760 : vector<16xf32>
      %add3A_806 = arith.constant 96 : i32
      %add3A_807 = arith.addi %mul3A_762, %add3A_806 : i32
      %swap3A_808 = arith.index_cast %add3A_807 : i32 to index
      %swap3A_809 = tpu.vector_load %arg8[%swap3A_808] {strides = array<i32>} : memref<16384xf32, #tpu.memory_space<vmem>>, vector<16xf32>,
      %swap3A_810 = vector.shape_cast %swap3A_809 : vector<16xf32> to vector<16xf32>
      %swap3A_811 = vector.shape_cast %mul3A_805 : vector<16xf32> to vector<16xf32>
      tpu.vector_store %arg8[%swap3A_808], %swap3A_811 {strides = array<i32>} : memref<16384xf32, #tpu.memory_space<vmem>>, vector<16xf32>,
      %mul3A_812 = arith.mulf %parallel_loop3A_753#7, %broadcast_in_dim3A_760 : vector<16xf32>
      %add3A_813 = arith.constant 112 : i32
      %add3A_814 = arith.addi %mul3A_762, %add3A_813 : i32
      %swap3A_815 = arith.index_cast %add3A_814 : i32 to index
      %swap3A_816 = tpu.vector_load %arg8[%swap3A_815] {strides = array<i32>} : memref<16384xf32, #tpu.memory_space<vmem>>, vector<16xf32>,
      %swap3A_817 = vector.shape_cast %swap3A_816 : vector<16xf32> to vector<16xf32>
      %swap3A_818 = vector.shape_cast %mul3A_812 : vector<16xf32> to vector<16xf32>
      tpu.vector_store %arg8[%swap3A_815], %swap3A_818 {strides = array<i32>} : memref<16384xf32, #tpu.memory_space<vmem>>, vector<16xf32>,
      %mul3A_819 = arith.constant 32 : i32
      %mul3A_820 = arith.muli %scan3A_154, %mul3A_819 : i32
      %add3A_821 = arith.constant 10 : i32
      %add3A_822 = arith.addi %mul3A_820, %add3A_821 : i32
      %add3A_823 = arith.constant 3 : i32
      %add3A_824 = arith.addi %add3A_822, %add3A_823 : i32
      %lt3A_825 = arith.constant 256 : i32
      %lt3A_826 = arith.cmpi slt, %add3A_824, %lt3A_825 : i32
      %convert_element_type3A_827 = arith.extui %lt3A_826 : i1 to i32
      %cond3A_828 = arith.constant 0 : i32
      %cond3A_829 = arith.cmpi ne, %convert_element_type3A_827, %cond3A_828 : i32
      scf.if %cond3A_829 {
        %dma_start3A_2282 = arith.constant 1 : i32
        %dma_start3A_2283 = arith.constant 0 : i32
        %dma_start3A_2284 = arith.constant 0 : i32
        %dma_start3A_2285 = tpu.memref_slice %arg7[%dma_start3A_2282, %dma_start3A_2283, %dma_start3A_2284] : memref<4x100x128xf32, #tpu.memory_space<vmem>> -> memref<1x100x128xf32, #tpu.memory_space<vmem>>
        %dma_start3A_2286 = tpu.memref_squeeze %dma_start3A_2285 : memref<1x100x128xf32, #tpu.memory_space<vmem>> -> memref<100x128xf32, #tpu.memory_space<vmem>>
        %dma_start3A_2287 = arith.constant 0 : i32
        %dma_start3A_2288 = tpu.memref_slice %arg6[%add3A_824, %dma_start3A_2287] : memref<256x100xi32, #tpu.memory_space<vmem>> -> memref<1x100xi32, #tpu.memory_space<vmem>>
        %dma_start3A_2289 = tpu.memref_squeeze %dma_start3A_2288 : memref<1x100xi32, #tpu.memory_space<vmem>> -> memref<100xi32, #tpu.memory_space<vmem>>
        %dma_start3A_2290 = arith.constant 0 : i32
        %dma_start3A_2291 = arith.constant 0 : i32
        %dma_start3A_2292 = tpu.memref_slice %arg4[%dma_start3A_2290, %dma_start3A_2291] : memref<100001x128xf32, #tpu.memory_space<hbm>> -> memref<100001x128xf32, #tpu.memory_space<hbm>>
        tpu.enqueue_indirect_dma source(%dma_start3A_2292 : memref<100001x128xf32, #tpu.memory_space<hbm>>) target(%dma_start3A_2286 : memref<100x128xf32, #tpu.memory_space<vmem>>) offsets(%dma_start3A_2289 : memref<100xi32, #tpu.memory_space<vmem>>) semaphore(%arg12 : memref<!tpu.dma_semaphore, #tpu.memory_space<semaphore_mem>>)
      } else {
      }
      %dma_wait3A_830 = arith.constant 2 : i32
      %dma_wait3A_831 = arith.constant 0 : i32
      %dma_wait3A_832 = arith.constant 0 : i32
      %dma_wait3A_833 = tpu.memref_slice %arg7[%dma_wait3A_830, %dma_wait3A_831, %dma_wait3A_832] : memref<4x100x128xf32, #tpu.memory_space<vmem>> -> memref<1x100x128xf32, #tpu.memory_space<vmem>>
      %dma_wait3A_834 = tpu.memref_squeeze %dma_wait3A_833 : memref<1x100x128xf32, #tpu.memory_space<vmem>> -> memref<100x128xf32, #tpu.memory_space<vmem>>
      %dma_wait3A_835 = arith.constant 0 : i32
      %dma_wait3A_836 = tpu.memref_slice %arg6[%add3A_822, %dma_wait3A_835] : memref<256x100xi32, #tpu.memory_space<vmem>> -> memref<1x100xi32, #tpu.memory_space<vmem>>
      %dma_wait3A_837 = tpu.memref_squeeze %dma_wait3A_836 : memref<1x100xi32, #tpu.memory_space<vmem>> -> memref<100xi32, #tpu.memory_space<vmem>>
      %dma_wait3A_838 = arith.constant 0 : i32
      %dma_wait3A_839 = arith.constant 0 : i32
      %dma_wait3A_840 = tpu.memref_slice %arg4[%dma_wait3A_838, %dma_wait3A_839] : memref<100001x128xf32, #tpu.memory_space<hbm>> -> memref<100001x128xf32, #tpu.memory_space<hbm>>
      tpu.wait_indirect_dma semaphore(%arg13 : memref<!tpu.dma_semaphore, #tpu.memory_space<semaphore_mem>>) src(%dma_wait3A_840 : memref<100001x128xf32, #tpu.memory_space<hbm>>) dst(%dma_wait3A_834 : memref<100x128xf32, #tpu.memory_space<vmem>>)
      %broadcast_in_dim3A_841 = arith.constant 0.000000e+00 : f32
      %broadcast_in_dim3A_842 = vector.broadcast %broadcast_in_dim3A_841 : f32 to vector<16xf32>
      %broadcast_in_dim3A_843 = arith.constant 0.000000e+00 : f32
      %broadcast_in_dim3A_844 = vector.broadcast %broadcast_in_dim3A_843 : f32 to vector<16xf32>
      %broadcast_in_dim3A_845 = arith.constant 0.000000e+00 : f32
      %broadcast_in_dim3A_846 = vector.broadcast %broadcast_in_dim3A_845 : f32 to vector<16xf32>
      %broadcast_in_dim3A_847 = arith.constant 0.000000e+00 : f32
      %broadcast_in_dim3A_848 = vector.broadcast %broadcast_in_dim3A_847 : f32 to vector<16xf32>
      %broadcast_in_dim3A_849 = arith.constant 0.000000e+00 : f32
      %broadcast_in_dim3A_850 = vector.broadcast %broadcast_in_dim3A_849 : f32 to vector<16xf32>
      %broadcast_in_dim3A_851 = arith.constant 0.000000e+00 : f32
      %broadcast_in_dim3A_852 = vector.broadcast %broadcast_in_dim3A_851 : f32 to vector<16xf32>
      %broadcast_in_dim3A_853 = arith.constant 0.000000e+00 : f32
      %broadcast_in_dim3A_854 = vector.broadcast %broadcast_in_dim3A_853 : f32 to vector<16xf32>
      %broadcast_in_dim3A_855 = arith.constant 0.000000e+00 : f32
      %broadcast_in_dim3A_856 = vector.broadcast %broadcast_in_dim3A_855 : f32 to vector<16xf32>
      %parallel_loop3A_857 = arith.constant 0 : i32
      %parallel_loop3A_858 = arith.constant 2 : i32
      %parallel_loop3A_859 = arith.constant 1 : i32
      %parallel_loop3A_860:8 = scf.for %parallel_loop3A_2282 = %parallel_loop3A_857 to %parallel_loop3A_858 step %parallel_loop3A_859 iter_args(%parallel_loop3A_2283 = %broadcast_in_dim3A_842, %parallel_loop3A_2284 = %broadcast_in_dim3A_844, %parallel_loop3A_2285 = %broadcast_in_dim3A_846, %parallel_loop3A_2286 = %broadcast_in_dim3A_848, %parallel_loop3A_2287 = %broadcast_in_dim3A_850, %parallel_loop3A_2288 = %broadcast_in_dim3A_852, %parallel_loop3A_2289 = %broadcast_in_dim3A_854, %parallel_loop3A_2290 = %broadcast_in_dim3A_856) -> (vector<16xf32>, vector<16xf32>, vector<16xf32>, vector<16xf32>, vector<16xf32>, vector<16xf32>, vector<16xf32>, vector<16xf32>)  : i32 {
        %parallel_loop3A_2291 = arith.constant 2 : i32
        %parallel_loop3A_2292 = arith.index_cast %parallel_loop3A_2291 : i32 to index
        %parallel_loop3A_2293 = arith.index_cast %parallel_loop3A_2282 : i32 to index
        %parallel_loop3A_2294 = arith.constant 0 : index
        %parallel_loop3A_2295 = tpu.vector_load %arg7[%parallel_loop3A_2292, %parallel_loop3A_2293, %parallel_loop3A_2294] {strides = array<i32>} : memref<4x100x128xf32, #tpu.memory_space<vmem>>, vector<1x1x16xf32>,
        %parallel_loop3A_2296 = vector.shape_cast %parallel_loop3A_2295 : vector<1x1x16xf32> to vector<16xf32>
        %parallel_loop3A_2297 = arith.addf %parallel_loop3A_2283, %parallel_loop3A_2296 : vector<16xf32>
        %parallel_loop3A_2298 = arith.constant 2 : i32
        %parallel_loop3A_2299 = arith.index_cast %parallel_loop3A_2298 : i32 to index
        %parallel_loop3A_2300 = arith.index_cast %parallel_loop3A_2282 : i32 to index
        %parallel_loop3A_2301 = arith.constant 16 : index
        %parallel_loop3A_2302 = tpu.vector_load %arg7[%parallel_loop3A_2299, %parallel_loop3A_2300, %parallel_loop3A_2301] {strides = array<i32>} : memref<4x100x128xf32, #tpu.memory_space<vmem>>, vector<1x1x16xf32>,
        %parallel_loop3A_2303 = vector.shape_cast %parallel_loop3A_2302 : vector<1x1x16xf32> to vector<16xf32>
        %parallel_loop3A_2304 = arith.addf %parallel_loop3A_2284, %parallel_loop3A_2303 : vector<16xf32>
        %parallel_loop3A_2305 = arith.constant 2 : i32
        %parallel_loop3A_2306 = arith.index_cast %parallel_loop3A_2305 : i32 to index
        %parallel_loop3A_2307 = arith.index_cast %parallel_loop3A_2282 : i32 to index
        %parallel_loop3A_2308 = arith.constant 32 : index
        %parallel_loop3A_2309 = tpu.vector_load %arg7[%parallel_loop3A_2306, %parallel_loop3A_2307, %parallel_loop3A_2308] {strides = array<i32>} : memref<4x100x128xf32, #tpu.memory_space<vmem>>, vector<1x1x16xf32>,
        %parallel_loop3A_2310 = vector.shape_cast %parallel_loop3A_2309 : vector<1x1x16xf32> to vector<16xf32>
        %parallel_loop3A_2311 = arith.addf %parallel_loop3A_2285, %parallel_loop3A_2310 : vector<16xf32>
        %parallel_loop3A_2312 = arith.constant 2 : i32
        %parallel_loop3A_2313 = arith.index_cast %parallel_loop3A_2312 : i32 to index
        %parallel_loop3A_2314 = arith.index_cast %parallel_loop3A_2282 : i32 to index
        %parallel_loop3A_2315 = arith.constant 48 : index
        %parallel_loop3A_2316 = tpu.vector_load %arg7[%parallel_loop3A_2313, %parallel_loop3A_2314, %parallel_loop3A_2315] {strides = array<i32>} : memref<4x100x128xf32, #tpu.memory_space<vmem>>, vector<1x1x16xf32>,
        %parallel_loop3A_2317 = vector.shape_cast %parallel_loop3A_2316 : vector<1x1x16xf32> to vector<16xf32>
        %parallel_loop3A_2318 = arith.addf %parallel_loop3A_2286, %parallel_loop3A_2317 : vector<16xf32>
        %parallel_loop3A_2319 = arith.constant 2 : i32
        %parallel_loop3A_2320 = arith.index_cast %parallel_loop3A_2319 : i32 to index
        %parallel_loop3A_2321 = arith.index_cast %parallel_loop3A_2282 : i32 to index
        %parallel_loop3A_2322 = arith.constant 64 : index
        %parallel_loop3A_2323 = tpu.vector_load %arg7[%parallel_loop3A_2320, %parallel_loop3A_2321, %parallel_loop3A_2322] {strides = array<i32>} : memref<4x100x128xf32, #tpu.memory_space<vmem>>, vector<1x1x16xf32>,
        %parallel_loop3A_2324 = vector.shape_cast %parallel_loop3A_2323 : vector<1x1x16xf32> to vector<16xf32>
        %parallel_loop3A_2325 = arith.addf %parallel_loop3A_2287, %parallel_loop3A_2324 : vector<16xf32>
        %parallel_loop3A_2326 = arith.constant 2 : i32
        %parallel_loop3A_2327 = arith.index_cast %parallel_loop3A_2326 : i32 to index
        %parallel_loop3A_2328 = arith.index_cast %parallel_loop3A_2282 : i32 to index
        %parallel_loop3A_2329 = arith.constant 80 : index
        %parallel_loop3A_2330 = tpu.vector_load %arg7[%parallel_loop3A_2327, %parallel_loop3A_2328, %parallel_loop3A_2329] {strides = array<i32>} : memref<4x100x128xf32, #tpu.memory_space<vmem>>, vector<1x1x16xf32>,
        %parallel_loop3A_2331 = vector.shape_cast %parallel_loop3A_2330 : vector<1x1x16xf32> to vector<16xf32>
        %parallel_loop3A_2332 = arith.addf %parallel_loop3A_2288, %parallel_loop3A_2331 : vector<16xf32>
        %parallel_loop3A_2333 = arith.constant 2 : i32
        %parallel_loop3A_2334 = arith.index_cast %parallel_loop3A_2333 : i32 to index
        %parallel_loop3A_2335 = arith.index_cast %parallel_loop3A_2282 : i32 to index
        %parallel_loop3A_2336 = arith.constant 96 : index
        %parallel_loop3A_2337 = tpu.vector_load %arg7[%parallel_loop3A_2334, %parallel_loop3A_2335, %parallel_loop3A_2336] {strides = array<i32>} : memref<4x100x128xf32, #tpu.memory_space<vmem>>, vector<1x1x16xf32>,
        %parallel_loop3A_2338 = vector.shape_cast %parallel_loop3A_2337 : vector<1x1x16xf32> to vector<16xf32>
        %parallel_loop3A_2339 = arith.addf %parallel_loop3A_2289, %parallel_loop3A_2338 : vector<16xf32>
        %parallel_loop3A_2340 = arith.constant 2 : i32
        %parallel_loop3A_2341 = arith.index_cast %parallel_loop3A_2340 : i32 to index
        %parallel_loop3A_2342 = arith.index_cast %parallel_loop3A_2282 : i32 to index
        %parallel_loop3A_2343 = arith.constant 112 : index
        %parallel_loop3A_2344 = tpu.vector_load %arg7[%parallel_loop3A_2341, %parallel_loop3A_2342, %parallel_loop3A_2343] {strides = array<i32>} : memref<4x100x128xf32, #tpu.memory_space<vmem>>, vector<1x1x16xf32>,
        %parallel_loop3A_2345 = vector.shape_cast %parallel_loop3A_2344 : vector<1x1x16xf32> to vector<16xf32>
        %parallel_loop3A_2346 = arith.addf %parallel_loop3A_2290, %parallel_loop3A_2345 : vector<16xf32>
        scf.yield %parallel_loop3A_2297, %parallel_loop3A_2304, %parallel_loop3A_2311, %parallel_loop3A_2318, %parallel_loop3A_2325, %parallel_loop3A_2332, %parallel_loop3A_2339, %parallel_loop3A_2346 : vector<16xf32>, vector<16xf32>, vector<16xf32>, vector<16xf32>, vector<16xf32>, vector<16xf32>, vector<16xf32>, vector<16xf32>
      } {sc.loop_unroll_factor = 1 : i64, sc.parallel_access}
      %mul3A_861 = arith.constant 32 : i32
      %mul3A_862 = arith.muli %scan3A_154, %mul3A_861 : i32
      %add3A_863 = arith.constant 11 : i32
      %add3A_864 = arith.addi %mul3A_862, %add3A_863 : i32
      %add3A_865 = arith.constant 3 : i32
      %add3A_866 = arith.addi %add3A_864, %add3A_865 : i32
      %lt3A_867 = arith.constant 256 : i32
      %lt3A_868 = arith.cmpi slt, %add3A_866, %lt3A_867 : i32
      %convert_element_type3A_869 = arith.extui %lt3A_868 : i1 to i32
      %cond3A_870 = arith.constant 0 : i32
      %cond3A_871 = arith.cmpi ne, %convert_element_type3A_869, %cond3A_870 : i32
      scf.if %cond3A_871 {
        %dma_start3A_2282 = arith.constant 2 : i32
        %dma_start3A_2283 = arith.constant 0 : i32
        %dma_start3A_2284 = arith.constant 0 : i32
        %dma_start3A_2285 = tpu.memref_slice %arg7[%dma_start3A_2282, %dma_start3A_2283, %dma_start3A_2284] : memref<4x100x128xf32, #tpu.memory_space<vmem>> -> memref<1x100x128xf32, #tpu.memory_space<vmem>>
        %dma_start3A_2286 = tpu.memref_squeeze %dma_start3A_2285 : memref<1x100x128xf32, #tpu.memory_space<vmem>> -> memref<100x128xf32, #tpu.memory_space<vmem>>
        %dma_start3A_2287 = arith.constant 0 : i32
        %dma_start3A_2288 = tpu.memref_slice %arg6[%add3A_866, %dma_start3A_2287] : memref<256x100xi32, #tpu.memory_space<vmem>> -> memref<1x100xi32, #tpu.memory_space<vmem>>
        %dma_start3A_2289 = tpu.memref_squeeze %dma_start3A_2288 : memref<1x100xi32, #tpu.memory_space<vmem>> -> memref<100xi32, #tpu.memory_space<vmem>>
        %dma_start3A_2290 = arith.constant 0 : i32
        %dma_start3A_2291 = arith.constant 0 : i32
        %dma_start3A_2292 = tpu.memref_slice %arg4[%dma_start3A_2290, %dma_start3A_2291] : memref<100001x128xf32, #tpu.memory_space<hbm>> -> memref<100001x128xf32, #tpu.memory_space<hbm>>
        tpu.enqueue_indirect_dma source(%dma_start3A_2292 : memref<100001x128xf32, #tpu.memory_space<hbm>>) target(%dma_start3A_2286 : memref<100x128xf32, #tpu.memory_space<vmem>>) offsets(%dma_start3A_2289 : memref<100xi32, #tpu.memory_space<vmem>>) semaphore(%arg13 : memref<!tpu.dma_semaphore, #tpu.memory_space<semaphore_mem>>)
      } else {
      }
      %dma_wait3A_872 = arith.constant 3 : i32
      %dma_wait3A_873 = arith.constant 0 : i32
      %dma_wait3A_874 = arith.constant 0 : i32
      %dma_wait3A_875 = tpu.memref_slice %arg7[%dma_wait3A_872, %dma_wait3A_873, %dma_wait3A_874] : memref<4x100x128xf32, #tpu.memory_space<vmem>> -> memref<1x100x128xf32, #tpu.memory_space<vmem>>
      %dma_wait3A_876 = tpu.memref_squeeze %dma_wait3A_875 : memref<1x100x128xf32, #tpu.memory_space<vmem>> -> memref<100x128xf32, #tpu.memory_space<vmem>>
      %dma_wait3A_877 = arith.constant 0 : i32
      %dma_wait3A_878 = tpu.memref_slice %arg6[%add3A_864, %dma_wait3A_877] : memref<256x100xi32, #tpu.memory_space<vmem>> -> memref<1x100xi32, #tpu.memory_space<vmem>>
      %dma_wait3A_879 = tpu.memref_squeeze %dma_wait3A_878 : memref<1x100xi32, #tpu.memory_space<vmem>> -> memref<100xi32, #tpu.memory_space<vmem>>
      %dma_wait3A_880 = arith.constant 0 : i32
      %dma_wait3A_881 = arith.constant 0 : i32
      %dma_wait3A_882 = tpu.memref_slice %arg4[%dma_wait3A_880, %dma_wait3A_881] : memref<100001x128xf32, #tpu.memory_space<hbm>> -> memref<100001x128xf32, #tpu.memory_space<hbm>>
      tpu.wait_indirect_dma semaphore(%arg14 : memref<!tpu.dma_semaphore, #tpu.memory_space<semaphore_mem>>) src(%dma_wait3A_882 : memref<100001x128xf32, #tpu.memory_space<hbm>>) dst(%dma_wait3A_876 : memref<100x128xf32, #tpu.memory_space<vmem>>)
      %parallel_loop3A_883 = arith.constant 0 : i32
      %parallel_loop3A_884 = arith.constant 2 : i32
      %parallel_loop3A_885 = arith.constant 1 : i32
      %parallel_loop3A_886:8 = scf.for %parallel_loop3A_2282 = %parallel_loop3A_883 to %parallel_loop3A_884 step %parallel_loop3A_885 iter_args(%parallel_loop3A_2283 = %parallel_loop3A_860#0, %parallel_loop3A_2284 = %parallel_loop3A_860#1, %parallel_loop3A_2285 = %parallel_loop3A_860#2, %parallel_loop3A_2286 = %parallel_loop3A_860#3, %parallel_loop3A_2287 = %parallel_loop3A_860#4, %parallel_loop3A_2288 = %parallel_loop3A_860#5, %parallel_loop3A_2289 = %parallel_loop3A_860#6, %parallel_loop3A_2290 = %parallel_loop3A_860#7) -> (vector<16xf32>, vector<16xf32>, vector<16xf32>, vector<16xf32>, vector<16xf32>, vector<16xf32>, vector<16xf32>, vector<16xf32>)  : i32 {
        %parallel_loop3A_2291 = arith.constant 3 : i32
        %parallel_loop3A_2292 = arith.index_cast %parallel_loop3A_2291 : i32 to index
        %parallel_loop3A_2293 = arith.index_cast %parallel_loop3A_2282 : i32 to index
        %parallel_loop3A_2294 = arith.constant 0 : index
        %parallel_loop3A_2295 = tpu.vector_load %arg7[%parallel_loop3A_2292, %parallel_loop3A_2293, %parallel_loop3A_2294] {strides = array<i32>} : memref<4x100x128xf32, #tpu.memory_space<vmem>>, vector<1x1x16xf32>,
        %parallel_loop3A_2296 = vector.shape_cast %parallel_loop3A_2295 : vector<1x1x16xf32> to vector<16xf32>
        %parallel_loop3A_2297 = arith.addf %parallel_loop3A_2283, %parallel_loop3A_2296 : vector<16xf32>
        %parallel_loop3A_2298 = arith.constant 3 : i32
        %parallel_loop3A_2299 = arith.index_cast %parallel_loop3A_2298 : i32 to index
        %parallel_loop3A_2300 = arith.index_cast %parallel_loop3A_2282 : i32 to index
        %parallel_loop3A_2301 = arith.constant 16 : index
        %parallel_loop3A_2302 = tpu.vector_load %arg7[%parallel_loop3A_2299, %parallel_loop3A_2300, %parallel_loop3A_2301] {strides = array<i32>} : memref<4x100x128xf32, #tpu.memory_space<vmem>>, vector<1x1x16xf32>,
        %parallel_loop3A_2303 = vector.shape_cast %parallel_loop3A_2302 : vector<1x1x16xf32> to vector<16xf32>
        %parallel_loop3A_2304 = arith.addf %parallel_loop3A_2284, %parallel_loop3A_2303 : vector<16xf32>
        %parallel_loop3A_2305 = arith.constant 3 : i32
        %parallel_loop3A_2306 = arith.index_cast %parallel_loop3A_2305 : i32 to index
        %parallel_loop3A_2307 = arith.index_cast %parallel_loop3A_2282 : i32 to index
        %parallel_loop3A_2308 = arith.constant 32 : index
        %parallel_loop3A_2309 = tpu.vector_load %arg7[%parallel_loop3A_2306, %parallel_loop3A_2307, %parallel_loop3A_2308] {strides = array<i32>} : memref<4x100x128xf32, #tpu.memory_space<vmem>>, vector<1x1x16xf32>,
        %parallel_loop3A_2310 = vector.shape_cast %parallel_loop3A_2309 : vector<1x1x16xf32> to vector<16xf32>
        %parallel_loop3A_2311 = arith.addf %parallel_loop3A_2285, %parallel_loop3A_2310 : vector<16xf32>
        %parallel_loop3A_2312 = arith.constant 3 : i32
        %parallel_loop3A_2313 = arith.index_cast %parallel_loop3A_2312 : i32 to index
        %parallel_loop3A_2314 = arith.index_cast %parallel_loop3A_2282 : i32 to index
        %parallel_loop3A_2315 = arith.constant 48 : index
        %parallel_loop3A_2316 = tpu.vector_load %arg7[%parallel_loop3A_2313, %parallel_loop3A_2314, %parallel_loop3A_2315] {strides = array<i32>} : memref<4x100x128xf32, #tpu.memory_space<vmem>>, vector<1x1x16xf32>,
        %parallel_loop3A_2317 = vector.shape_cast %parallel_loop3A_2316 : vector<1x1x16xf32> to vector<16xf32>
        %parallel_loop3A_2318 = arith.addf %parallel_loop3A_2286, %parallel_loop3A_2317 : vector<16xf32>
        %parallel_loop3A_2319 = arith.constant 3 : i32
        %parallel_loop3A_2320 = arith.index_cast %parallel_loop3A_2319 : i32 to index
        %parallel_loop3A_2321 = arith.index_cast %parallel_loop3A_2282 : i32 to index
        %parallel_loop3A_2322 = arith.constant 64 : index
        %parallel_loop3A_2323 = tpu.vector_load %arg7[%parallel_loop3A_2320, %parallel_loop3A_2321, %parallel_loop3A_2322] {strides = array<i32>} : memref<4x100x128xf32, #tpu.memory_space<vmem>>, vector<1x1x16xf32>,
        %parallel_loop3A_2324 = vector.shape_cast %parallel_loop3A_2323 : vector<1x1x16xf32> to vector<16xf32>
        %parallel_loop3A_2325 = arith.addf %parallel_loop3A_2287, %parallel_loop3A_2324 : vector<16xf32>
        %parallel_loop3A_2326 = arith.constant 3 : i32
        %parallel_loop3A_2327 = arith.index_cast %parallel_loop3A_2326 : i32 to index
        %parallel_loop3A_2328 = arith.index_cast %parallel_loop3A_2282 : i32 to index
        %parallel_loop3A_2329 = arith.constant 80 : index
        %parallel_loop3A_2330 = tpu.vector_load %arg7[%parallel_loop3A_2327, %parallel_loop3A_2328, %parallel_loop3A_2329] {strides = array<i32>} : memref<4x100x128xf32, #tpu.memory_space<vmem>>, vector<1x1x16xf32>,
        %parallel_loop3A_2331 = vector.shape_cast %parallel_loop3A_2330 : vector<1x1x16xf32> to vector<16xf32>
        %parallel_loop3A_2332 = arith.addf %parallel_loop3A_2288, %parallel_loop3A_2331 : vector<16xf32>
        %parallel_loop3A_2333 = arith.constant 3 : i32
        %parallel_loop3A_2334 = arith.index_cast %parallel_loop3A_2333 : i32 to index
        %parallel_loop3A_2335 = arith.index_cast %parallel_loop3A_2282 : i32 to index
        %parallel_loop3A_2336 = arith.constant 96 : index
        %parallel_loop3A_2337 = tpu.vector_load %arg7[%parallel_loop3A_2334, %parallel_loop3A_2335, %parallel_loop3A_2336] {strides = array<i32>} : memref<4x100x128xf32, #tpu.memory_space<vmem>>, vector<1x1x16xf32>,
        %parallel_loop3A_2338 = vector.shape_cast %parallel_loop3A_2337 : vector<1x1x16xf32> to vector<16xf32>
        %parallel_loop3A_2339 = arith.addf %parallel_loop3A_2289, %parallel_loop3A_2338 : vector<16xf32>
        %parallel_loop3A_2340 = arith.constant 3 : i32
        %parallel_loop3A_2341 = arith.index_cast %parallel_loop3A_2340 : i32 to index
        %parallel_loop3A_2342 = arith.index_cast %parallel_loop3A_2282 : i32 to index
        %parallel_loop3A_2343 = arith.constant 112 : index
        %parallel_loop3A_2344 = tpu.vector_load %arg7[%parallel_loop3A_2341, %parallel_loop3A_2342, %parallel_loop3A_2343] {strides = array<i32>} : memref<4x100x128xf32, #tpu.memory_space<vmem>>, vector<1x1x16xf32>,
        %parallel_loop3A_2345 = vector.shape_cast %parallel_loop3A_2344 : vector<1x1x16xf32> to vector<16xf32>
        %parallel_loop3A_2346 = arith.addf %parallel_loop3A_2290, %parallel_loop3A_2345 : vector<16xf32>
        scf.yield %parallel_loop3A_2297, %parallel_loop3A_2304, %parallel_loop3A_2311, %parallel_loop3A_2318, %parallel_loop3A_2325, %parallel_loop3A_2332, %parallel_loop3A_2339, %parallel_loop3A_2346 : vector<16xf32>, vector<16xf32>, vector<16xf32>, vector<16xf32>, vector<16xf32>, vector<16xf32>, vector<16xf32>, vector<16xf32>
      } {sc.loop_unroll_factor = 1 : i64, sc.parallel_access}
      %mul3A_887 = arith.constant 16 : i32
      %mul3A_888 = arith.muli %scan3A_154, %mul3A_887 : i32
      %add3A_889 = arith.constant 5 : i32
      %add3A_890 = arith.addi %mul3A_888, %add3A_889 : i32
      %slice3A_891 = vector.extract_strided_slice %get3A_159 {offsets = [5], sizes = [1], strides = [1]} : vector<16xf32> to vector<1xf32>
      %broadcast_in_dim3A_892 = vector.shape_cast %slice3A_891 : vector<1xf32> to vector<1xf32>
      %broadcast_in_dim3A_893 = vector.broadcast %broadcast_in_dim3A_892 : vector<1xf32> to vector<16xf32>
      %mul3A_894 = arith.constant 128 : i32
      %mul3A_895 = arith.muli %add3A_890, %mul3A_894 : i32
      %mul3A_896 = arith.mulf %parallel_loop3A_886#0, %broadcast_in_dim3A_893 : vector<16xf32>
      %add3A_897 = arith.constant 0 : i32
      %add3A_898 = arith.addi %mul3A_895, %add3A_897 : i32
      %swap3A_899 = arith.index_cast %add3A_898 : i32 to index
      %swap3A_900 = tpu.vector_load %arg8[%swap3A_899] {strides = array<i32>} : memref<16384xf32, #tpu.memory_space<vmem>>, vector<16xf32>,
      %swap3A_901 = vector.shape_cast %swap3A_900 : vector<16xf32> to vector<16xf32>
      %swap3A_902 = vector.shape_cast %mul3A_896 : vector<16xf32> to vector<16xf32>
      tpu.vector_store %arg8[%swap3A_899], %swap3A_902 {strides = array<i32>} : memref<16384xf32, #tpu.memory_space<vmem>>, vector<16xf32>,
      %mul3A_903 = arith.mulf %parallel_loop3A_886#1, %broadcast_in_dim3A_893 : vector<16xf32>
      %add3A_904 = arith.constant 16 : i32
      %add3A_905 = arith.addi %mul3A_895, %add3A_904 : i32
      %swap3A_906 = arith.index_cast %add3A_905 : i32 to index
      %swap3A_907 = tpu.vector_load %arg8[%swap3A_906] {strides = array<i32>} : memref<16384xf32, #tpu.memory_space<vmem>>, vector<16xf32>,
      %swap3A_908 = vector.shape_cast %swap3A_907 : vector<16xf32> to vector<16xf32>
      %swap3A_909 = vector.shape_cast %mul3A_903 : vector<16xf32> to vector<16xf32>
      tpu.vector_store %arg8[%swap3A_906], %swap3A_909 {strides = array<i32>} : memref<16384xf32, #tpu.memory_space<vmem>>, vector<16xf32>,
      %mul3A_910 = arith.mulf %parallel_loop3A_886#2, %broadcast_in_dim3A_893 : vector<16xf32>
      %add3A_911 = arith.constant 32 : i32
      %add3A_912 = arith.addi %mul3A_895, %add3A_911 : i32
      %swap3A_913 = arith.index_cast %add3A_912 : i32 to index
      %swap3A_914 = tpu.vector_load %arg8[%swap3A_913] {strides = array<i32>} : memref<16384xf32, #tpu.memory_space<vmem>>, vector<16xf32>,
      %swap3A_915 = vector.shape_cast %swap3A_914 : vector<16xf32> to vector<16xf32>
      %swap3A_916 = vector.shape_cast %mul3A_910 : vector<16xf32> to vector<16xf32>
      tpu.vector_store %arg8[%swap3A_913], %swap3A_916 {strides = array<i32>} : memref<16384xf32, #tpu.memory_space<vmem>>, vector<16xf32>,
      %mul3A_917 = arith.mulf %parallel_loop3A_886#3, %broadcast_in_dim3A_893 : vector<16xf32>
      %add3A_918 = arith.constant 48 : i32
      %add3A_919 = arith.addi %mul3A_895, %add3A_918 : i32
      %swap3A_920 = arith.index_cast %add3A_919 : i32 to index
      %swap3A_921 = tpu.vector_load %arg8[%swap3A_920] {strides = array<i32>} : memref<16384xf32, #tpu.memory_space<vmem>>, vector<16xf32>,
      %swap3A_922 = vector.shape_cast %swap3A_921 : vector<16xf32> to vector<16xf32>
      %swap3A_923 = vector.shape_cast %mul3A_917 : vector<16xf32> to vector<16xf32>
      tpu.vector_store %arg8[%swap3A_920], %swap3A_923 {strides = array<i32>} : memref<16384xf32, #tpu.memory_space<vmem>>, vector<16xf32>,
      %mul3A_924 = arith.mulf %parallel_loop3A_886#4, %broadcast_in_dim3A_893 : vector<16xf32>
      %add3A_925 = arith.constant 64 : i32
      %add3A_926 = arith.addi %mul3A_895, %add3A_925 : i32
      %swap3A_927 = arith.index_cast %add3A_926 : i32 to index
      %swap3A_928 = tpu.vector_load %arg8[%swap3A_927] {strides = array<i32>} : memref<16384xf32, #tpu.memory_space<vmem>>, vector<16xf32>,
      %swap3A_929 = vector.shape_cast %swap3A_928 : vector<16xf32> to vector<16xf32>
      %swap3A_930 = vector.shape_cast %mul3A_924 : vector<16xf32> to vector<16xf32>
      tpu.vector_store %arg8[%swap3A_927], %swap3A_930 {strides = array<i32>} : memref<16384xf32, #tpu.memory_space<vmem>>, vector<16xf32>,
      %mul3A_931 = arith.mulf %parallel_loop3A_886#5, %broadcast_in_dim3A_893 : vector<16xf32>
      %add3A_932 = arith.constant 80 : i32
      %add3A_933 = arith.addi %mul3A_895, %add3A_932 : i32
      %swap3A_934 = arith.index_cast %add3A_933 : i32 to index
      %swap3A_935 = tpu.vector_load %arg8[%swap3A_934] {strides = array<i32>} : memref<16384xf32, #tpu.memory_space<vmem>>, vector<16xf32>,
      %swap3A_936 = vector.shape_cast %swap3A_935 : vector<16xf32> to vector<16xf32>
      %swap3A_937 = vector.shape_cast %mul3A_931 : vector<16xf32> to vector<16xf32>
      tpu.vector_store %arg8[%swap3A_934], %swap3A_937 {strides = array<i32>} : memref<16384xf32, #tpu.memory_space<vmem>>, vector<16xf32>,
      %mul3A_938 = arith.mulf %parallel_loop3A_886#6, %broadcast_in_dim3A_893 : vector<16xf32>
      %add3A_939 = arith.constant 96 : i32
      %add3A_940 = arith.addi %mul3A_895, %add3A_939 : i32
      %swap3A_941 = arith.index_cast %add3A_940 : i32 to index
      %swap3A_942 = tpu.vector_load %arg8[%swap3A_941] {strides = array<i32>} : memref<16384xf32, #tpu.memory_space<vmem>>, vector<16xf32>,
      %swap3A_943 = vector.shape_cast %swap3A_942 : vector<16xf32> to vector<16xf32>
      %swap3A_944 = vector.shape_cast %mul3A_938 : vector<16xf32> to vector<16xf32>
      tpu.vector_store %arg8[%swap3A_941], %swap3A_944 {strides = array<i32>} : memref<16384xf32, #tpu.memory_space<vmem>>, vector<16xf32>,
      %mul3A_945 = arith.mulf %parallel_loop3A_886#7, %broadcast_in_dim3A_893 : vector<16xf32>
      %add3A_946 = arith.constant 112 : i32
      %add3A_947 = arith.addi %mul3A_895, %add3A_946 : i32
      %swap3A_948 = arith.index_cast %add3A_947 : i32 to index
      %swap3A_949 = tpu.vector_load %arg8[%swap3A_948] {strides = array<i32>} : memref<16384xf32, #tpu.memory_space<vmem>>, vector<16xf32>,
      %swap3A_950 = vector.shape_cast %swap3A_949 : vector<16xf32> to vector<16xf32>
      %swap3A_951 = vector.shape_cast %mul3A_945 : vector<16xf32> to vector<16xf32>
      tpu.vector_store %arg8[%swap3A_948], %swap3A_951 {strides = array<i32>} : memref<16384xf32, #tpu.memory_space<vmem>>, vector<16xf32>,
      %mul3A_952 = arith.constant 32 : i32
      %mul3A_953 = arith.muli %scan3A_154, %mul3A_952 : i32
      %add3A_954 = arith.constant 12 : i32
      %add3A_955 = arith.addi %mul3A_953, %add3A_954 : i32
      %add3A_956 = arith.constant 3 : i32
      %add3A_957 = arith.addi %add3A_955, %add3A_956 : i32
      %lt3A_958 = arith.constant 256 : i32
      %lt3A_959 = arith.cmpi slt, %add3A_957, %lt3A_958 : i32
      %convert_element_type3A_960 = arith.extui %lt3A_959 : i1 to i32
      %cond3A_961 = arith.constant 0 : i32
      %cond3A_962 = arith.cmpi ne, %convert_element_type3A_960, %cond3A_961 : i32
      scf.if %cond3A_962 {
        %dma_start3A_2282 = arith.constant 3 : i32
        %dma_start3A_2283 = arith.constant 0 : i32
        %dma_start3A_2284 = arith.constant 0 : i32
        %dma_start3A_2285 = tpu.memref_slice %arg7[%dma_start3A_2282, %dma_start3A_2283, %dma_start3A_2284] : memref<4x100x128xf32, #tpu.memory_space<vmem>> -> memref<1x100x128xf32, #tpu.memory_space<vmem>>
        %dma_start3A_2286 = tpu.memref_squeeze %dma_start3A_2285 : memref<1x100x128xf32, #tpu.memory_space<vmem>> -> memref<100x128xf32, #tpu.memory_space<vmem>>
        %dma_start3A_2287 = arith.constant 0 : i32
        %dma_start3A_2288 = tpu.memref_slice %arg6[%add3A_957, %dma_start3A_2287] : memref<256x100xi32, #tpu.memory_space<vmem>> -> memref<1x100xi32, #tpu.memory_space<vmem>>
        %dma_start3A_2289 = tpu.memref_squeeze %dma_start3A_2288 : memref<1x100xi32, #tpu.memory_space<vmem>> -> memref<100xi32, #tpu.memory_space<vmem>>
        %dma_start3A_2290 = arith.constant 0 : i32
        %dma_start3A_2291 = arith.constant 0 : i32
        %dma_start3A_2292 = tpu.memref_slice %arg4[%dma_start3A_2290, %dma_start3A_2291] : memref<100001x128xf32, #tpu.memory_space<hbm>> -> memref<100001x128xf32, #tpu.memory_space<hbm>>
        tpu.enqueue_indirect_dma source(%dma_start3A_2292 : memref<100001x128xf32, #tpu.memory_space<hbm>>) target(%dma_start3A_2286 : memref<100x128xf32, #tpu.memory_space<vmem>>) offsets(%dma_start3A_2289 : memref<100xi32, #tpu.memory_space<vmem>>) semaphore(%arg14 : memref<!tpu.dma_semaphore, #tpu.memory_space<semaphore_mem>>)
      } else {
      }
      %dma_wait3A_963 = arith.constant 0 : i32
      %dma_wait3A_964 = arith.constant 0 : i32
      %dma_wait3A_965 = arith.constant 0 : i32
      %dma_wait3A_966 = tpu.memref_slice %arg7[%dma_wait3A_963, %dma_wait3A_964, %dma_wait3A_965] : memref<4x100x128xf32, #tpu.memory_space<vmem>> -> memref<1x100x128xf32, #tpu.memory_space<vmem>>
      %dma_wait3A_967 = tpu.memref_squeeze %dma_wait3A_966 : memref<1x100x128xf32, #tpu.memory_space<vmem>> -> memref<100x128xf32, #tpu.memory_space<vmem>>
      %dma_wait3A_968 = arith.constant 0 : i32
      %dma_wait3A_969 = tpu.memref_slice %arg6[%add3A_955, %dma_wait3A_968] : memref<256x100xi32, #tpu.memory_space<vmem>> -> memref<1x100xi32, #tpu.memory_space<vmem>>
      %dma_wait3A_970 = tpu.memref_squeeze %dma_wait3A_969 : memref<1x100xi32, #tpu.memory_space<vmem>> -> memref<100xi32, #tpu.memory_space<vmem>>
      %dma_wait3A_971 = arith.constant 0 : i32
      %dma_wait3A_972 = arith.constant 0 : i32
      %dma_wait3A_973 = tpu.memref_slice %arg4[%dma_wait3A_971, %dma_wait3A_972] : memref<100001x128xf32, #tpu.memory_space<hbm>> -> memref<100001x128xf32, #tpu.memory_space<hbm>>
      tpu.wait_indirect_dma semaphore(%arg11 : memref<!tpu.dma_semaphore, #tpu.memory_space<semaphore_mem>>) src(%dma_wait3A_973 : memref<100001x128xf32, #tpu.memory_space<hbm>>) dst(%dma_wait3A_967 : memref<100x128xf32, #tpu.memory_space<vmem>>)
      %broadcast_in_dim3A_974 = arith.constant 0.000000e+00 : f32
      %broadcast_in_dim3A_975 = vector.broadcast %broadcast_in_dim3A_974 : f32 to vector<16xf32>
      %broadcast_in_dim3A_976 = arith.constant 0.000000e+00 : f32
      %broadcast_in_dim3A_977 = vector.broadcast %broadcast_in_dim3A_976 : f32 to vector<16xf32>
      %broadcast_in_dim3A_978 = arith.constant 0.000000e+00 : f32
      %broadcast_in_dim3A_979 = vector.broadcast %broadcast_in_dim3A_978 : f32 to vector<16xf32>
      %broadcast_in_dim3A_980 = arith.constant 0.000000e+00 : f32
      %broadcast_in_dim3A_981 = vector.broadcast %broadcast_in_dim3A_980 : f32 to vector<16xf32>
      %broadcast_in_dim3A_982 = arith.constant 0.000000e+00 : f32
      %broadcast_in_dim3A_983 = vector.broadcast %broadcast_in_dim3A_982 : f32 to vector<16xf32>
      %broadcast_in_dim3A_984 = arith.constant 0.000000e+00 : f32
      %broadcast_in_dim3A_985 = vector.broadcast %broadcast_in_dim3A_984 : f32 to vector<16xf32>
      %broadcast_in_dim3A_986 = arith.constant 0.000000e+00 : f32
      %broadcast_in_dim3A_987 = vector.broadcast %broadcast_in_dim3A_986 : f32 to vector<16xf32>
      %broadcast_in_dim3A_988 = arith.constant 0.000000e+00 : f32
      %broadcast_in_dim3A_989 = vector.broadcast %broadcast_in_dim3A_988 : f32 to vector<16xf32>
      %parallel_loop3A_990 = arith.constant 0 : i32
      %parallel_loop3A_991 = arith.constant 2 : i32
      %parallel_loop3A_992 = arith.constant 1 : i32
      %parallel_loop3A_993:8 = scf.for %parallel_loop3A_2282 = %parallel_loop3A_990 to %parallel_loop3A_991 step %parallel_loop3A_992 iter_args(%parallel_loop3A_2283 = %broadcast_in_dim3A_975, %parallel_loop3A_2284 = %broadcast_in_dim3A_977, %parallel_loop3A_2285 = %broadcast_in_dim3A_979, %parallel_loop3A_2286 = %broadcast_in_dim3A_981, %parallel_loop3A_2287 = %broadcast_in_dim3A_983, %parallel_loop3A_2288 = %broadcast_in_dim3A_985, %parallel_loop3A_2289 = %broadcast_in_dim3A_987, %parallel_loop3A_2290 = %broadcast_in_dim3A_989) -> (vector<16xf32>, vector<16xf32>, vector<16xf32>, vector<16xf32>, vector<16xf32>, vector<16xf32>, vector<16xf32>, vector<16xf32>)  : i32 {
        %parallel_loop3A_2291 = arith.constant 0 : i32
        %parallel_loop3A_2292 = arith.index_cast %parallel_loop3A_2291 : i32 to index
        %parallel_loop3A_2293 = arith.index_cast %parallel_loop3A_2282 : i32 to index
        %parallel_loop3A_2294 = arith.constant 0 : index
        %parallel_loop3A_2295 = tpu.vector_load %arg7[%parallel_loop3A_2292, %parallel_loop3A_2293, %parallel_loop3A_2294] {strides = array<i32>} : memref<4x100x128xf32, #tpu.memory_space<vmem>>, vector<1x1x16xf32>,
        %parallel_loop3A_2296 = vector.shape_cast %parallel_loop3A_2295 : vector<1x1x16xf32> to vector<16xf32>
        %parallel_loop3A_2297 = arith.addf %parallel_loop3A_2283, %parallel_loop3A_2296 : vector<16xf32>
        %parallel_loop3A_2298 = arith.constant 0 : i32
        %parallel_loop3A_2299 = arith.index_cast %parallel_loop3A_2298 : i32 to index
        %parallel_loop3A_2300 = arith.index_cast %parallel_loop3A_2282 : i32 to index
        %parallel_loop3A_2301 = arith.constant 16 : index
        %parallel_loop3A_2302 = tpu.vector_load %arg7[%parallel_loop3A_2299, %parallel_loop3A_2300, %parallel_loop3A_2301] {strides = array<i32>} : memref<4x100x128xf32, #tpu.memory_space<vmem>>, vector<1x1x16xf32>,
        %parallel_loop3A_2303 = vector.shape_cast %parallel_loop3A_2302 : vector<1x1x16xf32> to vector<16xf32>
        %parallel_loop3A_2304 = arith.addf %parallel_loop3A_2284, %parallel_loop3A_2303 : vector<16xf32>
        %parallel_loop3A_2305 = arith.constant 0 : i32
        %parallel_loop3A_2306 = arith.index_cast %parallel_loop3A_2305 : i32 to index
        %parallel_loop3A_2307 = arith.index_cast %parallel_loop3A_2282 : i32 to index
        %parallel_loop3A_2308 = arith.constant 32 : index
        %parallel_loop3A_2309 = tpu.vector_load %arg7[%parallel_loop3A_2306, %parallel_loop3A_2307, %parallel_loop3A_2308] {strides = array<i32>} : memref<4x100x128xf32, #tpu.memory_space<vmem>>, vector<1x1x16xf32>,
        %parallel_loop3A_2310 = vector.shape_cast %parallel_loop3A_2309 : vector<1x1x16xf32> to vector<16xf32>
        %parallel_loop3A_2311 = arith.addf %parallel_loop3A_2285, %parallel_loop3A_2310 : vector<16xf32>
        %parallel_loop3A_2312 = arith.constant 0 : i32
        %parallel_loop3A_2313 = arith.index_cast %parallel_loop3A_2312 : i32 to index
        %parallel_loop3A_2314 = arith.index_cast %parallel_loop3A_2282 : i32 to index
        %parallel_loop3A_2315 = arith.constant 48 : index
        %parallel_loop3A_2316 = tpu.vector_load %arg7[%parallel_loop3A_2313, %parallel_loop3A_2314, %parallel_loop3A_2315] {strides = array<i32>} : memref<4x100x128xf32, #tpu.memory_space<vmem>>, vector<1x1x16xf32>,
        %parallel_loop3A_2317 = vector.shape_cast %parallel_loop3A_2316 : vector<1x1x16xf32> to vector<16xf32>
        %parallel_loop3A_2318 = arith.addf %parallel_loop3A_2286, %parallel_loop3A_2317 : vector<16xf32>
        %parallel_loop3A_2319 = arith.constant 0 : i32
        %parallel_loop3A_2320 = arith.index_cast %parallel_loop3A_2319 : i32 to index
        %parallel_loop3A_2321 = arith.index_cast %parallel_loop3A_2282 : i32 to index
        %parallel_loop3A_2322 = arith.constant 64 : index
        %parallel_loop3A_2323 = tpu.vector_load %arg7[%parallel_loop3A_2320, %parallel_loop3A_2321, %parallel_loop3A_2322] {strides = array<i32>} : memref<4x100x128xf32, #tpu.memory_space<vmem>>, vector<1x1x16xf32>,
        %parallel_loop3A_2324 = vector.shape_cast %parallel_loop3A_2323 : vector<1x1x16xf32> to vector<16xf32>
        %parallel_loop3A_2325 = arith.addf %parallel_loop3A_2287, %parallel_loop3A_2324 : vector<16xf32>
        %parallel_loop3A_2326 = arith.constant 0 : i32
        %parallel_loop3A_2327 = arith.index_cast %parallel_loop3A_2326 : i32 to index
        %parallel_loop3A_2328 = arith.index_cast %parallel_loop3A_2282 : i32 to index
        %parallel_loop3A_2329 = arith.constant 80 : index
        %parallel_loop3A_2330 = tpu.vector_load %arg7[%parallel_loop3A_2327, %parallel_loop3A_2328, %parallel_loop3A_2329] {strides = array<i32>} : memref<4x100x128xf32, #tpu.memory_space<vmem>>, vector<1x1x16xf32>,
        %parallel_loop3A_2331 = vector.shape_cast %parallel_loop3A_2330 : vector<1x1x16xf32> to vector<16xf32>
        %parallel_loop3A_2332 = arith.addf %parallel_loop3A_2288, %parallel_loop3A_2331 : vector<16xf32>
        %parallel_loop3A_2333 = arith.constant 0 : i32
        %parallel_loop3A_2334 = arith.index_cast %parallel_loop3A_2333 : i32 to index
        %parallel_loop3A_2335 = arith.index_cast %parallel_loop3A_2282 : i32 to index
        %parallel_loop3A_2336 = arith.constant 96 : index
        %parallel_loop3A_2337 = tpu.vector_load %arg7[%parallel_loop3A_2334, %parallel_loop3A_2335, %parallel_loop3A_2336] {strides = array<i32>} : memref<4x100x128xf32, #tpu.memory_space<vmem>>, vector<1x1x16xf32>,
        %parallel_loop3A_2338 = vector.shape_cast %parallel_loop3A_2337 : vector<1x1x16xf32> to vector<16xf32>
        %parallel_loop3A_2339 = arith.addf %parallel_loop3A_2289, %parallel_loop3A_2338 : vector<16xf32>
        %parallel_loop3A_2340 = arith.constant 0 : i32
        %parallel_loop3A_2341 = arith.index_cast %parallel_loop3A_2340 : i32 to index
        %parallel_loop3A_2342 = arith.index_cast %parallel_loop3A_2282 : i32 to index
        %parallel_loop3A_2343 = arith.constant 112 : index
        %parallel_loop3A_2344 = tpu.vector_load %arg7[%parallel_loop3A_2341, %parallel_loop3A_2342, %parallel_loop3A_2343] {strides = array<i32>} : memref<4x100x128xf32, #tpu.memory_space<vmem>>, vector<1x1x16xf32>,
        %parallel_loop3A_2345 = vector.shape_cast %parallel_loop3A_2344 : vector<1x1x16xf32> to vector<16xf32>
        %parallel_loop3A_2346 = arith.addf %parallel_loop3A_2290, %parallel_loop3A_2345 : vector<16xf32>
        scf.yield %parallel_loop3A_2297, %parallel_loop3A_2304, %parallel_loop3A_2311, %parallel_loop3A_2318, %parallel_loop3A_2325, %parallel_loop3A_2332, %parallel_loop3A_2339, %parallel_loop3A_2346 : vector<16xf32>, vector<16xf32>, vector<16xf32>, vector<16xf32>, vector<16xf32>, vector<16xf32>, vector<16xf32>, vector<16xf32>
      } {sc.loop_unroll_factor = 1 : i64, sc.parallel_access}
      %mul3A_994 = arith.constant 32 : i32
      %mul3A_995 = arith.muli %scan3A_154, %mul3A_994 : i32
      %add3A_996 = arith.constant 13 : i32
      %add3A_997 = arith.addi %mul3A_995, %add3A_996 : i32
      %add3A_998 = arith.constant 3 : i32
      %add3A_999 = arith.addi %add3A_997, %add3A_998 : i32
      %lt3A_1000 = arith.constant 256 : i32
      %lt3A_1001 = arith.cmpi slt, %add3A_999, %lt3A_1000 : i32
      %convert_element_type3A_1002 = arith.extui %lt3A_1001 : i1 to i32
      %cond3A_1003 = arith.constant 0 : i32
      %cond3A_1004 = arith.cmpi ne, %convert_element_type3A_1002, %cond3A_1003 : i32
      scf.if %cond3A_1004 {
        %dma_start3A_2282 = arith.constant 0 : i32
        %dma_start3A_2283 = arith.constant 0 : i32
        %dma_start3A_2284 = arith.constant 0 : i32
        %dma_start3A_2285 = tpu.memref_slice %arg7[%dma_start3A_2282, %dma_start3A_2283, %dma_start3A_2284] : memref<4x100x128xf32, #tpu.memory_space<vmem>> -> memref<1x100x128xf32, #tpu.memory_space<vmem>>
        %dma_start3A_2286 = tpu.memref_squeeze %dma_start3A_2285 : memref<1x100x128xf32, #tpu.memory_space<vmem>> -> memref<100x128xf32, #tpu.memory_space<vmem>>
        %dma_start3A_2287 = arith.constant 0 : i32
        %dma_start3A_2288 = tpu.memref_slice %arg6[%add3A_999, %dma_start3A_2287] : memref<256x100xi32, #tpu.memory_space<vmem>> -> memref<1x100xi32, #tpu.memory_space<vmem>>
        %dma_start3A_2289 = tpu.memref_squeeze %dma_start3A_2288 : memref<1x100xi32, #tpu.memory_space<vmem>> -> memref<100xi32, #tpu.memory_space<vmem>>
        %dma_start3A_2290 = arith.constant 0 : i32
        %dma_start3A_2291 = arith.constant 0 : i32
        %dma_start3A_2292 = tpu.memref_slice %arg4[%dma_start3A_2290, %dma_start3A_2291] : memref<100001x128xf32, #tpu.memory_space<hbm>> -> memref<100001x128xf32, #tpu.memory_space<hbm>>
        tpu.enqueue_indirect_dma source(%dma_start3A_2292 : memref<100001x128xf32, #tpu.memory_space<hbm>>) target(%dma_start3A_2286 : memref<100x128xf32, #tpu.memory_space<vmem>>) offsets(%dma_start3A_2289 : memref<100xi32, #tpu.memory_space<vmem>>) semaphore(%arg11 : memref<!tpu.dma_semaphore, #tpu.memory_space<semaphore_mem>>)
      } else {
      }
      %dma_wait3A_1005 = arith.constant 1 : i32
      %dma_wait3A_1006 = arith.constant 0 : i32
      %dma_wait3A_1007 = arith.constant 0 : i32
      %dma_wait3A_1008 = tpu.memref_slice %arg7[%dma_wait3A_1005, %dma_wait3A_1006, %dma_wait3A_1007] : memref<4x100x128xf32, #tpu.memory_space<vmem>> -> memref<1x100x128xf32, #tpu.memory_space<vmem>>
      %dma_wait3A_1009 = tpu.memref_squeeze %dma_wait3A_1008 : memref<1x100x128xf32, #tpu.memory_space<vmem>> -> memref<100x128xf32, #tpu.memory_space<vmem>>
      %dma_wait3A_1010 = arith.constant 0 : i32
      %dma_wait3A_1011 = tpu.memref_slice %arg6[%add3A_997, %dma_wait3A_1010] : memref<256x100xi32, #tpu.memory_space<vmem>> -> memref<1x100xi32, #tpu.memory_space<vmem>>
      %dma_wait3A_1012 = tpu.memref_squeeze %dma_wait3A_1011 : memref<1x100xi32, #tpu.memory_space<vmem>> -> memref<100xi32, #tpu.memory_space<vmem>>
      %dma_wait3A_1013 = arith.constant 0 : i32
      %dma_wait3A_1014 = arith.constant 0 : i32
      %dma_wait3A_1015 = tpu.memref_slice %arg4[%dma_wait3A_1013, %dma_wait3A_1014] : memref<100001x128xf32, #tpu.memory_space<hbm>> -> memref<100001x128xf32, #tpu.memory_space<hbm>>
      tpu.wait_indirect_dma semaphore(%arg12 : memref<!tpu.dma_semaphore, #tpu.memory_space<semaphore_mem>>) src(%dma_wait3A_1015 : memref<100001x128xf32, #tpu.memory_space<hbm>>) dst(%dma_wait3A_1009 : memref<100x128xf32, #tpu.memory_space<vmem>>)
      %parallel_loop3A_1016 = arith.constant 0 : i32
      %parallel_loop3A_1017 = arith.constant 2 : i32
      %parallel_loop3A_1018 = arith.constant 1 : i32
      %parallel_loop3A_1019:8 = scf.for %parallel_loop3A_2282 = %parallel_loop3A_1016 to %parallel_loop3A_1017 step %parallel_loop3A_1018 iter_args(%parallel_loop3A_2283 = %parallel_loop3A_993#0, %parallel_loop3A_2284 = %parallel_loop3A_993#1, %parallel_loop3A_2285 = %parallel_loop3A_993#2, %parallel_loop3A_2286 = %parallel_loop3A_993#3, %parallel_loop3A_2287 = %parallel_loop3A_993#4, %parallel_loop3A_2288 = %parallel_loop3A_993#5, %parallel_loop3A_2289 = %parallel_loop3A_993#6, %parallel_loop3A_2290 = %parallel_loop3A_993#7) -> (vector<16xf32>, vector<16xf32>, vector<16xf32>, vector<16xf32>, vector<16xf32>, vector<16xf32>, vector<16xf32>, vector<16xf32>)  : i32 {
        %parallel_loop3A_2291 = arith.constant 1 : i32
        %parallel_loop3A_2292 = arith.index_cast %parallel_loop3A_2291 : i32 to index
        %parallel_loop3A_2293 = arith.index_cast %parallel_loop3A_2282 : i32 to index
        %parallel_loop3A_2294 = arith.constant 0 : index
        %parallel_loop3A_2295 = tpu.vector_load %arg7[%parallel_loop3A_2292, %parallel_loop3A_2293, %parallel_loop3A_2294] {strides = array<i32>} : memref<4x100x128xf32, #tpu.memory_space<vmem>>, vector<1x1x16xf32>,
        %parallel_loop3A_2296 = vector.shape_cast %parallel_loop3A_2295 : vector<1x1x16xf32> to vector<16xf32>
        %parallel_loop3A_2297 = arith.addf %parallel_loop3A_2283, %parallel_loop3A_2296 : vector<16xf32>
        %parallel_loop3A_2298 = arith.constant 1 : i32
        %parallel_loop3A_2299 = arith.index_cast %parallel_loop3A_2298 : i32 to index
        %parallel_loop3A_2300 = arith.index_cast %parallel_loop3A_2282 : i32 to index
        %parallel_loop3A_2301 = arith.constant 16 : index
        %parallel_loop3A_2302 = tpu.vector_load %arg7[%parallel_loop3A_2299, %parallel_loop3A_2300, %parallel_loop3A_2301] {strides = array<i32>} : memref<4x100x128xf32, #tpu.memory_space<vmem>>, vector<1x1x16xf32>,
        %parallel_loop3A_2303 = vector.shape_cast %parallel_loop3A_2302 : vector<1x1x16xf32> to vector<16xf32>
        %parallel_loop3A_2304 = arith.addf %parallel_loop3A_2284, %parallel_loop3A_2303 : vector<16xf32>
        %parallel_loop3A_2305 = arith.constant 1 : i32
        %parallel_loop3A_2306 = arith.index_cast %parallel_loop3A_2305 : i32 to index
        %parallel_loop3A_2307 = arith.index_cast %parallel_loop3A_2282 : i32 to index
        %parallel_loop3A_2308 = arith.constant 32 : index
        %parallel_loop3A_2309 = tpu.vector_load %arg7[%parallel_loop3A_2306, %parallel_loop3A_2307, %parallel_loop3A_2308] {strides = array<i32>} : memref<4x100x128xf32, #tpu.memory_space<vmem>>, vector<1x1x16xf32>,
        %parallel_loop3A_2310 = vector.shape_cast %parallel_loop3A_2309 : vector<1x1x16xf32> to vector<16xf32>
        %parallel_loop3A_2311 = arith.addf %parallel_loop3A_2285, %parallel_loop3A_2310 : vector<16xf32>
        %parallel_loop3A_2312 = arith.constant 1 : i32
        %parallel_loop3A_2313 = arith.index_cast %parallel_loop3A_2312 : i32 to index
        %parallel_loop3A_2314 = arith.index_cast %parallel_loop3A_2282 : i32 to index
        %parallel_loop3A_2315 = arith.constant 48 : index
        %parallel_loop3A_2316 = tpu.vector_load %arg7[%parallel_loop3A_2313, %parallel_loop3A_2314, %parallel_loop3A_2315] {strides = array<i32>} : memref<4x100x128xf32, #tpu.memory_space<vmem>>, vector<1x1x16xf32>,
        %parallel_loop3A_2317 = vector.shape_cast %parallel_loop3A_2316 : vector<1x1x16xf32> to vector<16xf32>
        %parallel_loop3A_2318 = arith.addf %parallel_loop3A_2286, %parallel_loop3A_2317 : vector<16xf32>
        %parallel_loop3A_2319 = arith.constant 1 : i32
        %parallel_loop3A_2320 = arith.index_cast %parallel_loop3A_2319 : i32 to index
        %parallel_loop3A_2321 = arith.index_cast %parallel_loop3A_2282 : i32 to index
        %parallel_loop3A_2322 = arith.constant 64 : index
        %parallel_loop3A_2323 = tpu.vector_load %arg7[%parallel_loop3A_2320, %parallel_loop3A_2321, %parallel_loop3A_2322] {strides = array<i32>} : memref<4x100x128xf32, #tpu.memory_space<vmem>>, vector<1x1x16xf32>,
        %parallel_loop3A_2324 = vector.shape_cast %parallel_loop3A_2323 : vector<1x1x16xf32> to vector<16xf32>
        %parallel_loop3A_2325 = arith.addf %parallel_loop3A_2287, %parallel_loop3A_2324 : vector<16xf32>
        %parallel_loop3A_2326 = arith.constant 1 : i32
        %parallel_loop3A_2327 = arith.index_cast %parallel_loop3A_2326 : i32 to index
        %parallel_loop3A_2328 = arith.index_cast %parallel_loop3A_2282 : i32 to index
        %parallel_loop3A_2329 = arith.constant 80 : index
        %parallel_loop3A_2330 = tpu.vector_load %arg7[%parallel_loop3A_2327, %parallel_loop3A_2328, %parallel_loop3A_2329] {strides = array<i32>} : memref<4x100x128xf32, #tpu.memory_space<vmem>>, vector<1x1x16xf32>,
        %parallel_loop3A_2331 = vector.shape_cast %parallel_loop3A_2330 : vector<1x1x16xf32> to vector<16xf32>
        %parallel_loop3A_2332 = arith.addf %parallel_loop3A_2288, %parallel_loop3A_2331 : vector<16xf32>
        %parallel_loop3A_2333 = arith.constant 1 : i32
        %parallel_loop3A_2334 = arith.index_cast %parallel_loop3A_2333 : i32 to index
        %parallel_loop3A_2335 = arith.index_cast %parallel_loop3A_2282 : i32 to index
        %parallel_loop3A_2336 = arith.constant 96 : index
        %parallel_loop3A_2337 = tpu.vector_load %arg7[%parallel_loop3A_2334, %parallel_loop3A_2335, %parallel_loop3A_2336] {strides = array<i32>} : memref<4x100x128xf32, #tpu.memory_space<vmem>>, vector<1x1x16xf32>,
        %parallel_loop3A_2338 = vector.shape_cast %parallel_loop3A_2337 : vector<1x1x16xf32> to vector<16xf32>
        %parallel_loop3A_2339 = arith.addf %parallel_loop3A_2289, %parallel_loop3A_2338 : vector<16xf32>
        %parallel_loop3A_2340 = arith.constant 1 : i32
        %parallel_loop3A_2341 = arith.index_cast %parallel_loop3A_2340 : i32 to index
        %parallel_loop3A_2342 = arith.index_cast %parallel_loop3A_2282 : i32 to index
        %parallel_loop3A_2343 = arith.constant 112 : index
        %parallel_loop3A_2344 = tpu.vector_load %arg7[%parallel_loop3A_2341, %parallel_loop3A_2342, %parallel_loop3A_2343] {strides = array<i32>} : memref<4x100x128xf32, #tpu.memory_space<vmem>>, vector<1x1x16xf32>,
        %parallel_loop3A_2345 = vector.shape_cast %parallel_loop3A_2344 : vector<1x1x16xf32> to vector<16xf32>
        %parallel_loop3A_2346 = arith.addf %parallel_loop3A_2290, %parallel_loop3A_2345 : vector<16xf32>
        scf.yield %parallel_loop3A_2297, %parallel_loop3A_2304, %parallel_loop3A_2311, %parallel_loop3A_2318, %parallel_loop3A_2325, %parallel_loop3A_2332, %parallel_loop3A_2339, %parallel_loop3A_2346 : vector<16xf32>, vector<16xf32>, vector<16xf32>, vector<16xf32>, vector<16xf32>, vector<16xf32>, vector<16xf32>, vector<16xf32>
      } {sc.loop_unroll_factor = 1 : i64, sc.parallel_access}
      %mul3A_1020 = arith.constant 16 : i32
      %mul3A_1021 = arith.muli %scan3A_154, %mul3A_1020 : i32
      %add3A_1022 = arith.constant 6 : i32
      %add3A_1023 = arith.addi %mul3A_1021, %add3A_1022 : i32
      %slice3A_1024 = vector.extract_strided_slice %get3A_159 {offsets = [6], sizes = [1], strides = [1]} : vector<16xf32> to vector<1xf32>
      %broadcast_in_dim3A_1025 = vector.shape_cast %slice3A_1024 : vector<1xf32> to vector<1xf32>
      %broadcast_in_dim3A_1026 = vector.broadcast %broadcast_in_dim3A_1025 : vector<1xf32> to vector<16xf32>
      %mul3A_1027 = arith.constant 128 : i32
      %mul3A_1028 = arith.muli %add3A_1023, %mul3A_1027 : i32
      %mul3A_1029 = arith.mulf %parallel_loop3A_1019#0, %broadcast_in_dim3A_1026 : vector<16xf32>
      %add3A_1030 = arith.constant 0 : i32
      %add3A_1031 = arith.addi %mul3A_1028, %add3A_1030 : i32
      %swap3A_1032 = arith.index_cast %add3A_1031 : i32 to index
      %swap3A_1033 = tpu.vector_load %arg8[%swap3A_1032] {strides = array<i32>} : memref<16384xf32, #tpu.memory_space<vmem>>, vector<16xf32>,
      %swap3A_1034 = vector.shape_cast %swap3A_1033 : vector<16xf32> to vector<16xf32>
      %swap3A_1035 = vector.shape_cast %mul3A_1029 : vector<16xf32> to vector<16xf32>
      tpu.vector_store %arg8[%swap3A_1032], %swap3A_1035 {strides = array<i32>} : memref<16384xf32, #tpu.memory_space<vmem>>, vector<16xf32>,
      %mul3A_1036 = arith.mulf %parallel_loop3A_1019#1, %broadcast_in_dim3A_1026 : vector<16xf32>
      %add3A_1037 = arith.constant 16 : i32
      %add3A_1038 = arith.addi %mul3A_1028, %add3A_1037 : i32
      %swap3A_1039 = arith.index_cast %add3A_1038 : i32 to index
      %swap3A_1040 = tpu.vector_load %arg8[%swap3A_1039] {strides = array<i32>} : memref<16384xf32, #tpu.memory_space<vmem>>, vector<16xf32>,
      %swap3A_1041 = vector.shape_cast %swap3A_1040 : vector<16xf32> to vector<16xf32>
      %swap3A_1042 = vector.shape_cast %mul3A_1036 : vector<16xf32> to vector<16xf32>
      tpu.vector_store %arg8[%swap3A_1039], %swap3A_1042 {strides = array<i32>} : memref<16384xf32, #tpu.memory_space<vmem>>, vector<16xf32>,
      %mul3A_1043 = arith.mulf %parallel_loop3A_1019#2, %broadcast_in_dim3A_1026 : vector<16xf32>
      %add3A_1044 = arith.constant 32 : i32
      %add3A_1045 = arith.addi %mul3A_1028, %add3A_1044 : i32
      %swap3A_1046 = arith.index_cast %add3A_1045 : i32 to index
      %swap3A_1047 = tpu.vector_load %arg8[%swap3A_1046] {strides = array<i32>} : memref<16384xf32, #tpu.memory_space<vmem>>, vector<16xf32>,
      %swap3A_1048 = vector.shape_cast %swap3A_1047 : vector<16xf32> to vector<16xf32>
      %swap3A_1049 = vector.shape_cast %mul3A_1043 : vector<16xf32> to vector<16xf32>
      tpu.vector_store %arg8[%swap3A_1046], %swap3A_1049 {strides = array<i32>} : memref<16384xf32, #tpu.memory_space<vmem>>, vector<16xf32>,
      %mul3A_1050 = arith.mulf %parallel_loop3A_1019#3, %broadcast_in_dim3A_1026 : vector<16xf32>
      %add3A_1051 = arith.constant 48 : i32
      %add3A_1052 = arith.addi %mul3A_1028, %add3A_1051 : i32
      %swap3A_1053 = arith.index_cast %add3A_1052 : i32 to index
      %swap3A_1054 = tpu.vector_load %arg8[%swap3A_1053] {strides = array<i32>} : memref<16384xf32, #tpu.memory_space<vmem>>, vector<16xf32>,
      %swap3A_1055 = vector.shape_cast %swap3A_1054 : vector<16xf32> to vector<16xf32>
      %swap3A_1056 = vector.shape_cast %mul3A_1050 : vector<16xf32> to vector<16xf32>
      tpu.vector_store %arg8[%swap3A_1053], %swap3A_1056 {strides = array<i32>} : memref<16384xf32, #tpu.memory_space<vmem>>, vector<16xf32>,
      %mul3A_1057 = arith.mulf %parallel_loop3A_1019#4, %broadcast_in_dim3A_1026 : vector<16xf32>
      %add3A_1058 = arith.constant 64 : i32
      %add3A_1059 = arith.addi %mul3A_1028, %add3A_1058 : i32
      %swap3A_1060 = arith.index_cast %add3A_1059 : i32 to index
      %swap3A_1061 = tpu.vector_load %arg8[%swap3A_1060] {strides = array<i32>} : memref<16384xf32, #tpu.memory_space<vmem>>, vector<16xf32>,
      %swap3A_1062 = vector.shape_cast %swap3A_1061 : vector<16xf32> to vector<16xf32>
      %swap3A_1063 = vector.shape_cast %mul3A_1057 : vector<16xf32> to vector<16xf32>
      tpu.vector_store %arg8[%swap3A_1060], %swap3A_1063 {strides = array<i32>} : memref<16384xf32, #tpu.memory_space<vmem>>, vector<16xf32>,
      %mul3A_1064 = arith.mulf %parallel_loop3A_1019#5, %broadcast_in_dim3A_1026 : vector<16xf32>
      %add3A_1065 = arith.constant 80 : i32
      %add3A_1066 = arith.addi %mul3A_1028, %add3A_1065 : i32
      %swap3A_1067 = arith.index_cast %add3A_1066 : i32 to index
      %swap3A_1068 = tpu.vector_load %arg8[%swap3A_1067] {strides = array<i32>} : memref<16384xf32, #tpu.memory_space<vmem>>, vector<16xf32>,
      %swap3A_1069 = vector.shape_cast %swap3A_1068 : vector<16xf32> to vector<16xf32>
      %swap3A_1070 = vector.shape_cast %mul3A_1064 : vector<16xf32> to vector<16xf32>
      tpu.vector_store %arg8[%swap3A_1067], %swap3A_1070 {strides = array<i32>} : memref<16384xf32, #tpu.memory_space<vmem>>, vector<16xf32>,
      %mul3A_1071 = arith.mulf %parallel_loop3A_1019#6, %broadcast_in_dim3A_1026 : vector<16xf32>
      %add3A_1072 = arith.constant 96 : i32
      %add3A_1073 = arith.addi %mul3A_1028, %add3A_1072 : i32
      %swap3A_1074 = arith.index_cast %add3A_1073 : i32 to index
      %swap3A_1075 = tpu.vector_load %arg8[%swap3A_1074] {strides = array<i32>} : memref<16384xf32, #tpu.memory_space<vmem>>, vector<16xf32>,
      %swap3A_1076 = vector.shape_cast %swap3A_1075 : vector<16xf32> to vector<16xf32>
      %swap3A_1077 = vector.shape_cast %mul3A_1071 : vector<16xf32> to vector<16xf32>
      tpu.vector_store %arg8[%swap3A_1074], %swap3A_1077 {strides = array<i32>} : memref<16384xf32, #tpu.memory_space<vmem>>, vector<16xf32>,
      %mul3A_1078 = arith.mulf %parallel_loop3A_1019#7, %broadcast_in_dim3A_1026 : vector<16xf32>
      %add3A_1079 = arith.constant 112 : i32
      %add3A_1080 = arith.addi %mul3A_1028, %add3A_1079 : i32
      %swap3A_1081 = arith.index_cast %add3A_1080 : i32 to index
      %swap3A_1082 = tpu.vector_load %arg8[%swap3A_1081] {strides = array<i32>} : memref<16384xf32, #tpu.memory_space<vmem>>, vector<16xf32>,
      %swap3A_1083 = vector.shape_cast %swap3A_1082 : vector<16xf32> to vector<16xf32>
      %swap3A_1084 = vector.shape_cast %mul3A_1078 : vector<16xf32> to vector<16xf32>
      tpu.vector_store %arg8[%swap3A_1081], %swap3A_1084 {strides = array<i32>} : memref<16384xf32, #tpu.memory_space<vmem>>, vector<16xf32>,
      %mul3A_1085 = arith.constant 32 : i32
      %mul3A_1086 = arith.muli %scan3A_154, %mul3A_1085 : i32
      %add3A_1087 = arith.constant 14 : i32
      %add3A_1088 = arith.addi %mul3A_1086, %add3A_1087 : i32
      %add3A_1089 = arith.constant 3 : i32
      %add3A_1090 = arith.addi %add3A_1088, %add3A_1089 : i32
      %lt3A_1091 = arith.constant 256 : i32
      %lt3A_1092 = arith.cmpi slt, %add3A_1090, %lt3A_1091 : i32
      %convert_element_type3A_1093 = arith.extui %lt3A_1092 : i1 to i32
      %cond3A_1094 = arith.constant 0 : i32
      %cond3A_1095 = arith.cmpi ne, %convert_element_type3A_1093, %cond3A_1094 : i32
      scf.if %cond3A_1095 {
        %dma_start3A_2282 = arith.constant 1 : i32
        %dma_start3A_2283 = arith.constant 0 : i32
        %dma_start3A_2284 = arith.constant 0 : i32
        %dma_start3A_2285 = tpu.memref_slice %arg7[%dma_start3A_2282, %dma_start3A_2283, %dma_start3A_2284] : memref<4x100x128xf32, #tpu.memory_space<vmem>> -> memref<1x100x128xf32, #tpu.memory_space<vmem>>
        %dma_start3A_2286 = tpu.memref_squeeze %dma_start3A_2285 : memref<1x100x128xf32, #tpu.memory_space<vmem>> -> memref<100x128xf32, #tpu.memory_space<vmem>>
        %dma_start3A_2287 = arith.constant 0 : i32
        %dma_start3A_2288 = tpu.memref_slice %arg6[%add3A_1090, %dma_start3A_2287] : memref<256x100xi32, #tpu.memory_space<vmem>> -> memref<1x100xi32, #tpu.memory_space<vmem>>
        %dma_start3A_2289 = tpu.memref_squeeze %dma_start3A_2288 : memref<1x100xi32, #tpu.memory_space<vmem>> -> memref<100xi32, #tpu.memory_space<vmem>>
        %dma_start3A_2290 = arith.constant 0 : i32
        %dma_start3A_2291 = arith.constant 0 : i32
        %dma_start3A_2292 = tpu.memref_slice %arg4[%dma_start3A_2290, %dma_start3A_2291] : memref<100001x128xf32, #tpu.memory_space<hbm>> -> memref<100001x128xf32, #tpu.memory_space<hbm>>
        tpu.enqueue_indirect_dma source(%dma_start3A_2292 : memref<100001x128xf32, #tpu.memory_space<hbm>>) target(%dma_start3A_2286 : memref<100x128xf32, #tpu.memory_space<vmem>>) offsets(%dma_start3A_2289 : memref<100xi32, #tpu.memory_space<vmem>>) semaphore(%arg12 : memref<!tpu.dma_semaphore, #tpu.memory_space<semaphore_mem>>)
      } else {
      }
      %dma_wait3A_1096 = arith.constant 2 : i32
      %dma_wait3A_1097 = arith.constant 0 : i32
      %dma_wait3A_1098 = arith.constant 0 : i32
      %dma_wait3A_1099 = tpu.memref_slice %arg7[%dma_wait3A_1096, %dma_wait3A_1097, %dma_wait3A_1098] : memref<4x100x128xf32, #tpu.memory_space<vmem>> -> memref<1x100x128xf32, #tpu.memory_space<vmem>>
      %dma_wait3A_1100 = tpu.memref_squeeze %dma_wait3A_1099 : memref<1x100x128xf32, #tpu.memory_space<vmem>> -> memref<100x128xf32, #tpu.memory_space<vmem>>
      %dma_wait3A_1101 = arith.constant 0 : i32
      %dma_wait3A_1102 = tpu.memref_slice %arg6[%add3A_1088, %dma_wait3A_1101] : memref<256x100xi32, #tpu.memory_space<vmem>> -> memref<1x100xi32, #tpu.memory_space<vmem>>
      %dma_wait3A_1103 = tpu.memref_squeeze %dma_wait3A_1102 : memref<1x100xi32, #tpu.memory_space<vmem>> -> memref<100xi32, #tpu.memory_space<vmem>>
      %dma_wait3A_1104 = arith.constant 0 : i32
      %dma_wait3A_1105 = arith.constant 0 : i32
      %dma_wait3A_1106 = tpu.memref_slice %arg4[%dma_wait3A_1104, %dma_wait3A_1105] : memref<100001x128xf32, #tpu.memory_space<hbm>> -> memref<100001x128xf32, #tpu.memory_space<hbm>>
      tpu.wait_indirect_dma semaphore(%arg13 : memref<!tpu.dma_semaphore, #tpu.memory_space<semaphore_mem>>) src(%dma_wait3A_1106 : memref<100001x128xf32, #tpu.memory_space<hbm>>) dst(%dma_wait3A_1100 : memref<100x128xf32, #tpu.memory_space<vmem>>)
      %broadcast_in_dim3A_1107 = arith.constant 0.000000e+00 : f32
      %broadcast_in_dim3A_1108 = vector.broadcast %broadcast_in_dim3A_1107 : f32 to vector<16xf32>
      %broadcast_in_dim3A_1109 = arith.constant 0.000000e+00 : f32
      %broadcast_in_dim3A_1110 = vector.broadcast %broadcast_in_dim3A_1109 : f32 to vector<16xf32>
      %broadcast_in_dim3A_1111 = arith.constant 0.000000e+00 : f32
      %broadcast_in_dim3A_1112 = vector.broadcast %broadcast_in_dim3A_1111 : f32 to vector<16xf32>
      %broadcast_in_dim3A_1113 = arith.constant 0.000000e+00 : f32
      %broadcast_in_dim3A_1114 = vector.broadcast %broadcast_in_dim3A_1113 : f32 to vector<16xf32>
      %broadcast_in_dim3A_1115 = arith.constant 0.000000e+00 : f32
      %broadcast_in_dim3A_1116 = vector.broadcast %broadcast_in_dim3A_1115 : f32 to vector<16xf32>
      %broadcast_in_dim3A_1117 = arith.constant 0.000000e+00 : f32
      %broadcast_in_dim3A_1118 = vector.broadcast %broadcast_in_dim3A_1117 : f32 to vector<16xf32>
      %broadcast_in_dim3A_1119 = arith.constant 0.000000e+00 : f32
      %broadcast_in_dim3A_1120 = vector.broadcast %broadcast_in_dim3A_1119 : f32 to vector<16xf32>
      %broadcast_in_dim3A_1121 = arith.constant 0.000000e+00 : f32
      %broadcast_in_dim3A_1122 = vector.broadcast %broadcast_in_dim3A_1121 : f32 to vector<16xf32>
      %parallel_loop3A_1123 = arith.constant 0 : i32
      %parallel_loop3A_1124 = arith.constant 2 : i32
      %parallel_loop3A_1125 = arith.constant 1 : i32
      %parallel_loop3A_1126:8 = scf.for %parallel_loop3A_2282 = %parallel_loop3A_1123 to %parallel_loop3A_1124 step %parallel_loop3A_1125 iter_args(%parallel_loop3A_2283 = %broadcast_in_dim3A_1108, %parallel_loop3A_2284 = %broadcast_in_dim3A_1110, %parallel_loop3A_2285 = %broadcast_in_dim3A_1112, %parallel_loop3A_2286 = %broadcast_in_dim3A_1114, %parallel_loop3A_2287 = %broadcast_in_dim3A_1116, %parallel_loop3A_2288 = %broadcast_in_dim3A_1118, %parallel_loop3A_2289 = %broadcast_in_dim3A_1120, %parallel_loop3A_2290 = %broadcast_in_dim3A_1122) -> (vector<16xf32>, vector<16xf32>, vector<16xf32>, vector<16xf32>, vector<16xf32>, vector<16xf32>, vector<16xf32>, vector<16xf32>)  : i32 {
        %parallel_loop3A_2291 = arith.constant 2 : i32
        %parallel_loop3A_2292 = arith.index_cast %parallel_loop3A_2291 : i32 to index
        %parallel_loop3A_2293 = arith.index_cast %parallel_loop3A_2282 : i32 to index
        %parallel_loop3A_2294 = arith.constant 0 : index
        %parallel_loop3A_2295 = tpu.vector_load %arg7[%parallel_loop3A_2292, %parallel_loop3A_2293, %parallel_loop3A_2294] {strides = array<i32>} : memref<4x100x128xf32, #tpu.memory_space<vmem>>, vector<1x1x16xf32>,
        %parallel_loop3A_2296 = vector.shape_cast %parallel_loop3A_2295 : vector<1x1x16xf32> to vector<16xf32>
        %parallel_loop3A_2297 = arith.addf %parallel_loop3A_2283, %parallel_loop3A_2296 : vector<16xf32>
        %parallel_loop3A_2298 = arith.constant 2 : i32
        %parallel_loop3A_2299 = arith.index_cast %parallel_loop3A_2298 : i32 to index
        %parallel_loop3A_2300 = arith.index_cast %parallel_loop3A_2282 : i32 to index
        %parallel_loop3A_2301 = arith.constant 16 : index
        %parallel_loop3A_2302 = tpu.vector_load %arg7[%parallel_loop3A_2299, %parallel_loop3A_2300, %parallel_loop3A_2301] {strides = array<i32>} : memref<4x100x128xf32, #tpu.memory_space<vmem>>, vector<1x1x16xf32>,
        %parallel_loop3A_2303 = vector.shape_cast %parallel_loop3A_2302 : vector<1x1x16xf32> to vector<16xf32>
        %parallel_loop3A_2304 = arith.addf %parallel_loop3A_2284, %parallel_loop3A_2303 : vector<16xf32>
        %parallel_loop3A_2305 = arith.constant 2 : i32
        %parallel_loop3A_2306 = arith.index_cast %parallel_loop3A_2305 : i32 to index
        %parallel_loop3A_2307 = arith.index_cast %parallel_loop3A_2282 : i32 to index
        %parallel_loop3A_2308 = arith.constant 32 : index
        %parallel_loop3A_2309 = tpu.vector_load %arg7[%parallel_loop3A_2306, %parallel_loop3A_2307, %parallel_loop3A_2308] {strides = array<i32>} : memref<4x100x128xf32, #tpu.memory_space<vmem>>, vector<1x1x16xf32>,
        %parallel_loop3A_2310 = vector.shape_cast %parallel_loop3A_2309 : vector<1x1x16xf32> to vector<16xf32>
        %parallel_loop3A_2311 = arith.addf %parallel_loop3A_2285, %parallel_loop3A_2310 : vector<16xf32>
        %parallel_loop3A_2312 = arith.constant 2 : i32
        %parallel_loop3A_2313 = arith.index_cast %parallel_loop3A_2312 : i32 to index
        %parallel_loop3A_2314 = arith.index_cast %parallel_loop3A_2282 : i32 to index
        %parallel_loop3A_2315 = arith.constant 48 : index
        %parallel_loop3A_2316 = tpu.vector_load %arg7[%parallel_loop3A_2313, %parallel_loop3A_2314, %parallel_loop3A_2315] {strides = array<i32>} : memref<4x100x128xf32, #tpu.memory_space<vmem>>, vector<1x1x16xf32>,
        %parallel_loop3A_2317 = vector.shape_cast %parallel_loop3A_2316 : vector<1x1x16xf32> to vector<16xf32>
        %parallel_loop3A_2318 = arith.addf %parallel_loop3A_2286, %parallel_loop3A_2317 : vector<16xf32>
        %parallel_loop3A_2319 = arith.constant 2 : i32
        %parallel_loop3A_2320 = arith.index_cast %parallel_loop3A_2319 : i32 to index
        %parallel_loop3A_2321 = arith.index_cast %parallel_loop3A_2282 : i32 to index
        %parallel_loop3A_2322 = arith.constant 64 : index
        %parallel_loop3A_2323 = tpu.vector_load %arg7[%parallel_loop3A_2320, %parallel_loop3A_2321, %parallel_loop3A_2322] {strides = array<i32>} : memref<4x100x128xf32, #tpu.memory_space<vmem>>, vector<1x1x16xf32>,
        %parallel_loop3A_2324 = vector.shape_cast %parallel_loop3A_2323 : vector<1x1x16xf32> to vector<16xf32>
        %parallel_loop3A_2325 = arith.addf %parallel_loop3A_2287, %parallel_loop3A_2324 : vector<16xf32>
        %parallel_loop3A_2326 = arith.constant 2 : i32
        %parallel_loop3A_2327 = arith.index_cast %parallel_loop3A_2326 : i32 to index
        %parallel_loop3A_2328 = arith.index_cast %parallel_loop3A_2282 : i32 to index
        %parallel_loop3A_2329 = arith.constant 80 : index
        %parallel_loop3A_2330 = tpu.vector_load %arg7[%parallel_loop3A_2327, %parallel_loop3A_2328, %parallel_loop3A_2329] {strides = array<i32>} : memref<4x100x128xf32, #tpu.memory_space<vmem>>, vector<1x1x16xf32>,
        %parallel_loop3A_2331 = vector.shape_cast %parallel_loop3A_2330 : vector<1x1x16xf32> to vector<16xf32>
        %parallel_loop3A_2332 = arith.addf %parallel_loop3A_2288, %parallel_loop3A_2331 : vector<16xf32>
        %parallel_loop3A_2333 = arith.constant 2 : i32
        %parallel_loop3A_2334 = arith.index_cast %parallel_loop3A_2333 : i32 to index
        %parallel_loop3A_2335 = arith.index_cast %parallel_loop3A_2282 : i32 to index
        %parallel_loop3A_2336 = arith.constant 96 : index
        %parallel_loop3A_2337 = tpu.vector_load %arg7[%parallel_loop3A_2334, %parallel_loop3A_2335, %parallel_loop3A_2336] {strides = array<i32>} : memref<4x100x128xf32, #tpu.memory_space<vmem>>, vector<1x1x16xf32>,
        %parallel_loop3A_2338 = vector.shape_cast %parallel_loop3A_2337 : vector<1x1x16xf32> to vector<16xf32>
        %parallel_loop3A_2339 = arith.addf %parallel_loop3A_2289, %parallel_loop3A_2338 : vector<16xf32>
        %parallel_loop3A_2340 = arith.constant 2 : i32
        %parallel_loop3A_2341 = arith.index_cast %parallel_loop3A_2340 : i32 to index
        %parallel_loop3A_2342 = arith.index_cast %parallel_loop3A_2282 : i32 to index
        %parallel_loop3A_2343 = arith.constant 112 : index
        %parallel_loop3A_2344 = tpu.vector_load %arg7[%parallel_loop3A_2341, %parallel_loop3A_2342, %parallel_loop3A_2343] {strides = array<i32>} : memref<4x100x128xf32, #tpu.memory_space<vmem>>, vector<1x1x16xf32>,
        %parallel_loop3A_2345 = vector.shape_cast %parallel_loop3A_2344 : vector<1x1x16xf32> to vector<16xf32>
        %parallel_loop3A_2346 = arith.addf %parallel_loop3A_2290, %parallel_loop3A_2345 : vector<16xf32>
        scf.yield %parallel_loop3A_2297, %parallel_loop3A_2304, %parallel_loop3A_2311, %parallel_loop3A_2318, %parallel_loop3A_2325, %parallel_loop3A_2332, %parallel_loop3A_2339, %parallel_loop3A_2346 : vector<16xf32>, vector<16xf32>, vector<16xf32>, vector<16xf32>, vector<16xf32>, vector<16xf32>, vector<16xf32>, vector<16xf32>
      } {sc.loop_unroll_factor = 1 : i64, sc.parallel_access}
      %mul3A_1127 = arith.constant 32 : i32
      %mul3A_1128 = arith.muli %scan3A_154, %mul3A_1127 : i32
      %add3A_1129 = arith.constant 15 : i32
      %add3A_1130 = arith.addi %mul3A_1128, %add3A_1129 : i32
      %add3A_1131 = arith.constant 3 : i32
      %add3A_1132 = arith.addi %add3A_1130, %add3A_1131 : i32
      %lt3A_1133 = arith.constant 256 : i32
      %lt3A_1134 = arith.cmpi slt, %add3A_1132, %lt3A_1133 : i32
      %convert_element_type3A_1135 = arith.extui %lt3A_1134 : i1 to i32
      %cond3A_1136 = arith.constant 0 : i32
      %cond3A_1137 = arith.cmpi ne, %convert_element_type3A_1135, %cond3A_1136 : i32
      scf.if %cond3A_1137 {
        %dma_start3A_2282 = arith.constant 2 : i32
        %dma_start3A_2283 = arith.constant 0 : i32
        %dma_start3A_2284 = arith.constant 0 : i32
        %dma_start3A_2285 = tpu.memref_slice %arg7[%dma_start3A_2282, %dma_start3A_2283, %dma_start3A_2284] : memref<4x100x128xf32, #tpu.memory_space<vmem>> -> memref<1x100x128xf32, #tpu.memory_space<vmem>>
        %dma_start3A_2286 = tpu.memref_squeeze %dma_start3A_2285 : memref<1x100x128xf32, #tpu.memory_space<vmem>> -> memref<100x128xf32, #tpu.memory_space<vmem>>
        %dma_start3A_2287 = arith.constant 0 : i32
        %dma_start3A_2288 = tpu.memref_slice %arg6[%add3A_1132, %dma_start3A_2287] : memref<256x100xi32, #tpu.memory_space<vmem>> -> memref<1x100xi32, #tpu.memory_space<vmem>>
        %dma_start3A_2289 = tpu.memref_squeeze %dma_start3A_2288 : memref<1x100xi32, #tpu.memory_space<vmem>> -> memref<100xi32, #tpu.memory_space<vmem>>
        %dma_start3A_2290 = arith.constant 0 : i32
        %dma_start3A_2291 = arith.constant 0 : i32
        %dma_start3A_2292 = tpu.memref_slice %arg4[%dma_start3A_2290, %dma_start3A_2291] : memref<100001x128xf32, #tpu.memory_space<hbm>> -> memref<100001x128xf32, #tpu.memory_space<hbm>>
        tpu.enqueue_indirect_dma source(%dma_start3A_2292 : memref<100001x128xf32, #tpu.memory_space<hbm>>) target(%dma_start3A_2286 : memref<100x128xf32, #tpu.memory_space<vmem>>) offsets(%dma_start3A_2289 : memref<100xi32, #tpu.memory_space<vmem>>) semaphore(%arg13 : memref<!tpu.dma_semaphore, #tpu.memory_space<semaphore_mem>>)
      } else {
      }
      %dma_wait3A_1138 = arith.constant 3 : i32
      %dma_wait3A_1139 = arith.constant 0 : i32
      %dma_wait3A_1140 = arith.constant 0 : i32
      %dma_wait3A_1141 = tpu.memref_slice %arg7[%dma_wait3A_1138, %dma_wait3A_1139, %dma_wait3A_1140] : memref<4x100x128xf32, #tpu.memory_space<vmem>> -> memref<1x100x128xf32, #tpu.memory_space<vmem>>
      %dma_wait3A_1142 = tpu.memref_squeeze %dma_wait3A_1141 : memref<1x100x128xf32, #tpu.memory_space<vmem>> -> memref<100x128xf32, #tpu.memory_space<vmem>>
      %dma_wait3A_1143 = arith.constant 0 : i32
      %dma_wait3A_1144 = tpu.memref_slice %arg6[%add3A_1130, %dma_wait3A_1143] : memref<256x100xi32, #tpu.memory_space<vmem>> -> memref<1x100xi32, #tpu.memory_space<vmem>>
      %dma_wait3A_1145 = tpu.memref_squeeze %dma_wait3A_1144 : memref<1x100xi32, #tpu.memory_space<vmem>> -> memref<100xi32, #tpu.memory_space<vmem>>
      %dma_wait3A_1146 = arith.constant 0 : i32
      %dma_wait3A_1147 = arith.constant 0 : i32
      %dma_wait3A_1148 = tpu.memref_slice %arg4[%dma_wait3A_1146, %dma_wait3A_1147] : memref<100001x128xf32, #tpu.memory_space<hbm>> -> memref<100001x128xf32, #tpu.memory_space<hbm>>
      tpu.wait_indirect_dma semaphore(%arg14 : memref<!tpu.dma_semaphore, #tpu.memory_space<semaphore_mem>>) src(%dma_wait3A_1148 : memref<100001x128xf32, #tpu.memory_space<hbm>>) dst(%dma_wait3A_1142 : memref<100x128xf32, #tpu.memory_space<vmem>>)
      %parallel_loop3A_1149 = arith.constant 0 : i32
      %parallel_loop3A_1150 = arith.constant 2 : i32
      %parallel_loop3A_1151 = arith.constant 1 : i32
      %parallel_loop3A_1152:8 = scf.for %parallel_loop3A_2282 = %parallel_loop3A_1149 to %parallel_loop3A_1150 step %parallel_loop3A_1151 iter_args(%parallel_loop3A_2283 = %parallel_loop3A_1126#0, %parallel_loop3A_2284 = %parallel_loop3A_1126#1, %parallel_loop3A_2285 = %parallel_loop3A_1126#2, %parallel_loop3A_2286 = %parallel_loop3A_1126#3, %parallel_loop3A_2287 = %parallel_loop3A_1126#4, %parallel_loop3A_2288 = %parallel_loop3A_1126#5, %parallel_loop3A_2289 = %parallel_loop3A_1126#6, %parallel_loop3A_2290 = %parallel_loop3A_1126#7) -> (vector<16xf32>, vector<16xf32>, vector<16xf32>, vector<16xf32>, vector<16xf32>, vector<16xf32>, vector<16xf32>, vector<16xf32>)  : i32 {
        %parallel_loop3A_2291 = arith.constant 3 : i32
        %parallel_loop3A_2292 = arith.index_cast %parallel_loop3A_2291 : i32 to index
        %parallel_loop3A_2293 = arith.index_cast %parallel_loop3A_2282 : i32 to index
        %parallel_loop3A_2294 = arith.constant 0 : index
        %parallel_loop3A_2295 = tpu.vector_load %arg7[%parallel_loop3A_2292, %parallel_loop3A_2293, %parallel_loop3A_2294] {strides = array<i32>} : memref<4x100x128xf32, #tpu.memory_space<vmem>>, vector<1x1x16xf32>,
        %parallel_loop3A_2296 = vector.shape_cast %parallel_loop3A_2295 : vector<1x1x16xf32> to vector<16xf32>
        %parallel_loop3A_2297 = arith.addf %parallel_loop3A_2283, %parallel_loop3A_2296 : vector<16xf32>
        %parallel_loop3A_2298 = arith.constant 3 : i32
        %parallel_loop3A_2299 = arith.index_cast %parallel_loop3A_2298 : i32 to index
        %parallel_loop3A_2300 = arith.index_cast %parallel_loop3A_2282 : i32 to index
        %parallel_loop3A_2301 = arith.constant 16 : index
        %parallel_loop3A_2302 = tpu.vector_load %arg7[%parallel_loop3A_2299, %parallel_loop3A_2300, %parallel_loop3A_2301] {strides = array<i32>} : memref<4x100x128xf32, #tpu.memory_space<vmem>>, vector<1x1x16xf32>,
        %parallel_loop3A_2303 = vector.shape_cast %parallel_loop3A_2302 : vector<1x1x16xf32> to vector<16xf32>
        %parallel_loop3A_2304 = arith.addf %parallel_loop3A_2284, %parallel_loop3A_2303 : vector<16xf32>
        %parallel_loop3A_2305 = arith.constant 3 : i32
        %parallel_loop3A_2306 = arith.index_cast %parallel_loop3A_2305 : i32 to index
        %parallel_loop3A_2307 = arith.index_cast %parallel_loop3A_2282 : i32 to index
        %parallel_loop3A_2308 = arith.constant 32 : index
        %parallel_loop3A_2309 = tpu.vector_load %arg7[%parallel_loop3A_2306, %parallel_loop3A_2307, %parallel_loop3A_2308] {strides = array<i32>} : memref<4x100x128xf32, #tpu.memory_space<vmem>>, vector<1x1x16xf32>,
        %parallel_loop3A_2310 = vector.shape_cast %parallel_loop3A_2309 : vector<1x1x16xf32> to vector<16xf32>
        %parallel_loop3A_2311 = arith.addf %parallel_loop3A_2285, %parallel_loop3A_2310 : vector<16xf32>
        %parallel_loop3A_2312 = arith.constant 3 : i32
        %parallel_loop3A_2313 = arith.index_cast %parallel_loop3A_2312 : i32 to index
        %parallel_loop3A_2314 = arith.index_cast %parallel_loop3A_2282 : i32 to index
        %parallel_loop3A_2315 = arith.constant 48 : index
        %parallel_loop3A_2316 = tpu.vector_load %arg7[%parallel_loop3A_2313, %parallel_loop3A_2314, %parallel_loop3A_2315] {strides = array<i32>} : memref<4x100x128xf32, #tpu.memory_space<vmem>>, vector<1x1x16xf32>,
        %parallel_loop3A_2317 = vector.shape_cast %parallel_loop3A_2316 : vector<1x1x16xf32> to vector<16xf32>
        %parallel_loop3A_2318 = arith.addf %parallel_loop3A_2286, %parallel_loop3A_2317 : vector<16xf32>
        %parallel_loop3A_2319 = arith.constant 3 : i32
        %parallel_loop3A_2320 = arith.index_cast %parallel_loop3A_2319 : i32 to index
        %parallel_loop3A_2321 = arith.index_cast %parallel_loop3A_2282 : i32 to index
        %parallel_loop3A_2322 = arith.constant 64 : index
        %parallel_loop3A_2323 = tpu.vector_load %arg7[%parallel_loop3A_2320, %parallel_loop3A_2321, %parallel_loop3A_2322] {strides = array<i32>} : memref<4x100x128xf32, #tpu.memory_space<vmem>>, vector<1x1x16xf32>,
        %parallel_loop3A_2324 = vector.shape_cast %parallel_loop3A_2323 : vector<1x1x16xf32> to vector<16xf32>
        %parallel_loop3A_2325 = arith.addf %parallel_loop3A_2287, %parallel_loop3A_2324 : vector<16xf32>
        %parallel_loop3A_2326 = arith.constant 3 : i32
        %parallel_loop3A_2327 = arith.index_cast %parallel_loop3A_2326 : i32 to index
        %parallel_loop3A_2328 = arith.index_cast %parallel_loop3A_2282 : i32 to index
        %parallel_loop3A_2329 = arith.constant 80 : index
        %parallel_loop3A_2330 = tpu.vector_load %arg7[%parallel_loop3A_2327, %parallel_loop3A_2328, %parallel_loop3A_2329] {strides = array<i32>} : memref<4x100x128xf32, #tpu.memory_space<vmem>>, vector<1x1x16xf32>,
        %parallel_loop3A_2331 = vector.shape_cast %parallel_loop3A_2330 : vector<1x1x16xf32> to vector<16xf32>
        %parallel_loop3A_2332 = arith.addf %parallel_loop3A_2288, %parallel_loop3A_2331 : vector<16xf32>
        %parallel_loop3A_2333 = arith.constant 3 : i32
        %parallel_loop3A_2334 = arith.index_cast %parallel_loop3A_2333 : i32 to index
        %parallel_loop3A_2335 = arith.index_cast %parallel_loop3A_2282 : i32 to index
        %parallel_loop3A_2336 = arith.constant 96 : index
        %parallel_loop3A_2337 = tpu.vector_load %arg7[%parallel_loop3A_2334, %parallel_loop3A_2335, %parallel_loop3A_2336] {strides = array<i32>} : memref<4x100x128xf32, #tpu.memory_space<vmem>>, vector<1x1x16xf32>,
        %parallel_loop3A_2338 = vector.shape_cast %parallel_loop3A_2337 : vector<1x1x16xf32> to vector<16xf32>
        %parallel_loop3A_2339 = arith.addf %parallel_loop3A_2289, %parallel_loop3A_2338 : vector<16xf32>
        %parallel_loop3A_2340 = arith.constant 3 : i32
        %parallel_loop3A_2341 = arith.index_cast %parallel_loop3A_2340 : i32 to index
        %parallel_loop3A_2342 = arith.index_cast %parallel_loop3A_2282 : i32 to index
        %parallel_loop3A_2343 = arith.constant 112 : index
        %parallel_loop3A_2344 = tpu.vector_load %arg7[%parallel_loop3A_2341, %parallel_loop3A_2342, %parallel_loop3A_2343] {strides = array<i32>} : memref<4x100x128xf32, #tpu.memory_space<vmem>>, vector<1x1x16xf32>,
        %parallel_loop3A_2345 = vector.shape_cast %parallel_loop3A_2344 : vector<1x1x16xf32> to vector<16xf32>
        %parallel_loop3A_2346 = arith.addf %parallel_loop3A_2290, %parallel_loop3A_2345 : vector<16xf32>
        scf.yield %parallel_loop3A_2297, %parallel_loop3A_2304, %parallel_loop3A_2311, %parallel_loop3A_2318, %parallel_loop3A_2325, %parallel_loop3A_2332, %parallel_loop3A_2339, %parallel_loop3A_2346 : vector<16xf32>, vector<16xf32>, vector<16xf32>, vector<16xf32>, vector<16xf32>, vector<16xf32>, vector<16xf32>, vector<16xf32>
      } {sc.loop_unroll_factor = 1 : i64, sc.parallel_access}
      %mul3A_1153 = arith.constant 16 : i32
      %mul3A_1154 = arith.muli %scan3A_154, %mul3A_1153 : i32
      %add3A_1155 = arith.constant 7 : i32
      %add3A_1156 = arith.addi %mul3A_1154, %add3A_1155 : i32
      %slice3A_1157 = vector.extract_strided_slice %get3A_159 {offsets = [7], sizes = [1], strides = [1]} : vector<16xf32> to vector<1xf32>
      %broadcast_in_dim3A_1158 = vector.shape_cast %slice3A_1157 : vector<1xf32> to vector<1xf32>
      %broadcast_in_dim3A_1159 = vector.broadcast %broadcast_in_dim3A_1158 : vector<1xf32> to vector<16xf32>
      %mul3A_1160 = arith.constant 128 : i32
      %mul3A_1161 = arith.muli %add3A_1156, %mul3A_1160 : i32
      %mul3A_1162 = arith.mulf %parallel_loop3A_1152#0, %broadcast_in_dim3A_1159 : vector<16xf32>
      %add3A_1163 = arith.constant 0 : i32
      %add3A_1164 = arith.addi %mul3A_1161, %add3A_1163 : i32
      %swap3A_1165 = arith.index_cast %add3A_1164 : i32 to index
      %swap3A_1166 = tpu.vector_load %arg8[%swap3A_1165] {strides = array<i32>} : memref<16384xf32, #tpu.memory_space<vmem>>, vector<16xf32>,
      %swap3A_1167 = vector.shape_cast %swap3A_1166 : vector<16xf32> to vector<16xf32>
      %swap3A_1168 = vector.shape_cast %mul3A_1162 : vector<16xf32> to vector<16xf32>
      tpu.vector_store %arg8[%swap3A_1165], %swap3A_1168 {strides = array<i32>} : memref<16384xf32, #tpu.memory_space<vmem>>, vector<16xf32>,
      %mul3A_1169 = arith.mulf %parallel_loop3A_1152#1, %broadcast_in_dim3A_1159 : vector<16xf32>
      %add3A_1170 = arith.constant 16 : i32
      %add3A_1171 = arith.addi %mul3A_1161, %add3A_1170 : i32
      %swap3A_1172 = arith.index_cast %add3A_1171 : i32 to index
      %swap3A_1173 = tpu.vector_load %arg8[%swap3A_1172] {strides = array<i32>} : memref<16384xf32, #tpu.memory_space<vmem>>, vector<16xf32>,
      %swap3A_1174 = vector.shape_cast %swap3A_1173 : vector<16xf32> to vector<16xf32>
      %swap3A_1175 = vector.shape_cast %mul3A_1169 : vector<16xf32> to vector<16xf32>
      tpu.vector_store %arg8[%swap3A_1172], %swap3A_1175 {strides = array<i32>} : memref<16384xf32, #tpu.memory_space<vmem>>, vector<16xf32>,
      %mul3A_1176 = arith.mulf %parallel_loop3A_1152#2, %broadcast_in_dim3A_1159 : vector<16xf32>
      %add3A_1177 = arith.constant 32 : i32
      %add3A_1178 = arith.addi %mul3A_1161, %add3A_1177 : i32
      %swap3A_1179 = arith.index_cast %add3A_1178 : i32 to index
      %swap3A_1180 = tpu.vector_load %arg8[%swap3A_1179] {strides = array<i32>} : memref<16384xf32, #tpu.memory_space<vmem>>, vector<16xf32>,
      %swap3A_1181 = vector.shape_cast %swap3A_1180 : vector<16xf32> to vector<16xf32>
      %swap3A_1182 = vector.shape_cast %mul3A_1176 : vector<16xf32> to vector<16xf32>
      tpu.vector_store %arg8[%swap3A_1179], %swap3A_1182 {strides = array<i32>} : memref<16384xf32, #tpu.memory_space<vmem>>, vector<16xf32>,
      %mul3A_1183 = arith.mulf %parallel_loop3A_1152#3, %broadcast_in_dim3A_1159 : vector<16xf32>
      %add3A_1184 = arith.constant 48 : i32
      %add3A_1185 = arith.addi %mul3A_1161, %add3A_1184 : i32
      %swap3A_1186 = arith.index_cast %add3A_1185 : i32 to index
      %swap3A_1187 = tpu.vector_load %arg8[%swap3A_1186] {strides = array<i32>} : memref<16384xf32, #tpu.memory_space<vmem>>, vector<16xf32>,
      %swap3A_1188 = vector.shape_cast %swap3A_1187 : vector<16xf32> to vector<16xf32>
      %swap3A_1189 = vector.shape_cast %mul3A_1183 : vector<16xf32> to vector<16xf32>
      tpu.vector_store %arg8[%swap3A_1186], %swap3A_1189 {strides = array<i32>} : memref<16384xf32, #tpu.memory_space<vmem>>, vector<16xf32>,
      %mul3A_1190 = arith.mulf %parallel_loop3A_1152#4, %broadcast_in_dim3A_1159 : vector<16xf32>
      %add3A_1191 = arith.constant 64 : i32
      %add3A_1192 = arith.addi %mul3A_1161, %add3A_1191 : i32
      %swap3A_1193 = arith.index_cast %add3A_1192 : i32 to index
      %swap3A_1194 = tpu.vector_load %arg8[%swap3A_1193] {strides = array<i32>} : memref<16384xf32, #tpu.memory_space<vmem>>, vector<16xf32>,
      %swap3A_1195 = vector.shape_cast %swap3A_1194 : vector<16xf32> to vector<16xf32>
      %swap3A_1196 = vector.shape_cast %mul3A_1190 : vector<16xf32> to vector<16xf32>
      tpu.vector_store %arg8[%swap3A_1193], %swap3A_1196 {strides = array<i32>} : memref<16384xf32, #tpu.memory_space<vmem>>, vector<16xf32>,
      %mul3A_1197 = arith.mulf %parallel_loop3A_1152#5, %broadcast_in_dim3A_1159 : vector<16xf32>
      %add3A_1198 = arith.constant 80 : i32
      %add3A_1199 = arith.addi %mul3A_1161, %add3A_1198 : i32
      %swap3A_1200 = arith.index_cast %add3A_1199 : i32 to index
      %swap3A_1201 = tpu.vector_load %arg8[%swap3A_1200] {strides = array<i32>} : memref<16384xf32, #tpu.memory_space<vmem>>, vector<16xf32>,
      %swap3A_1202 = vector.shape_cast %swap3A_1201 : vector<16xf32> to vector<16xf32>
      %swap3A_1203 = vector.shape_cast %mul3A_1197 : vector<16xf32> to vector<16xf32>
      tpu.vector_store %arg8[%swap3A_1200], %swap3A_1203 {strides = array<i32>} : memref<16384xf32, #tpu.memory_space<vmem>>, vector<16xf32>,
      %mul3A_1204 = arith.mulf %parallel_loop3A_1152#6, %broadcast_in_dim3A_1159 : vector<16xf32>
      %add3A_1205 = arith.constant 96 : i32
      %add3A_1206 = arith.addi %mul3A_1161, %add3A_1205 : i32
      %swap3A_1207 = arith.index_cast %add3A_1206 : i32 to index
      %swap3A_1208 = tpu.vector_load %arg8[%swap3A_1207] {strides = array<i32>} : memref<16384xf32, #tpu.memory_space<vmem>>, vector<16xf32>,
      %swap3A_1209 = vector.shape_cast %swap3A_1208 : vector<16xf32> to vector<16xf32>
      %swap3A_1210 = vector.shape_cast %mul3A_1204 : vector<16xf32> to vector<16xf32>
      tpu.vector_store %arg8[%swap3A_1207], %swap3A_1210 {strides = array<i32>} : memref<16384xf32, #tpu.memory_space<vmem>>, vector<16xf32>,
      %mul3A_1211 = arith.mulf %parallel_loop3A_1152#7, %broadcast_in_dim3A_1159 : vector<16xf32>
      %add3A_1212 = arith.constant 112 : i32
      %add3A_1213 = arith.addi %mul3A_1161, %add3A_1212 : i32
      %swap3A_1214 = arith.index_cast %add3A_1213 : i32 to index
      %swap3A_1215 = tpu.vector_load %arg8[%swap3A_1214] {strides = array<i32>} : memref<16384xf32, #tpu.memory_space<vmem>>, vector<16xf32>,
      %swap3A_1216 = vector.shape_cast %swap3A_1215 : vector<16xf32> to vector<16xf32>
      %swap3A_1217 = vector.shape_cast %mul3A_1211 : vector<16xf32> to vector<16xf32>
      tpu.vector_store %arg8[%swap3A_1214], %swap3A_1217 {strides = array<i32>} : memref<16384xf32, #tpu.memory_space<vmem>>, vector<16xf32>,
      %mul3A_1218 = arith.constant 32 : i32
      %mul3A_1219 = arith.muli %scan3A_154, %mul3A_1218 : i32
      %add3A_1220 = arith.constant 16 : i32
      %add3A_1221 = arith.addi %mul3A_1219, %add3A_1220 : i32
      %add3A_1222 = arith.constant 3 : i32
      %add3A_1223 = arith.addi %add3A_1221, %add3A_1222 : i32
      %lt3A_1224 = arith.constant 256 : i32
      %lt3A_1225 = arith.cmpi slt, %add3A_1223, %lt3A_1224 : i32
      %convert_element_type3A_1226 = arith.extui %lt3A_1225 : i1 to i32
      %cond3A_1227 = arith.constant 0 : i32
      %cond3A_1228 = arith.cmpi ne, %convert_element_type3A_1226, %cond3A_1227 : i32
      scf.if %cond3A_1228 {
        %dma_start3A_2282 = arith.constant 3 : i32
        %dma_start3A_2283 = arith.constant 0 : i32
        %dma_start3A_2284 = arith.constant 0 : i32
        %dma_start3A_2285 = tpu.memref_slice %arg7[%dma_start3A_2282, %dma_start3A_2283, %dma_start3A_2284] : memref<4x100x128xf32, #tpu.memory_space<vmem>> -> memref<1x100x128xf32, #tpu.memory_space<vmem>>
        %dma_start3A_2286 = tpu.memref_squeeze %dma_start3A_2285 : memref<1x100x128xf32, #tpu.memory_space<vmem>> -> memref<100x128xf32, #tpu.memory_space<vmem>>
        %dma_start3A_2287 = arith.constant 0 : i32
        %dma_start3A_2288 = tpu.memref_slice %arg6[%add3A_1223, %dma_start3A_2287] : memref<256x100xi32, #tpu.memory_space<vmem>> -> memref<1x100xi32, #tpu.memory_space<vmem>>
        %dma_start3A_2289 = tpu.memref_squeeze %dma_start3A_2288 : memref<1x100xi32, #tpu.memory_space<vmem>> -> memref<100xi32, #tpu.memory_space<vmem>>
        %dma_start3A_2290 = arith.constant 0 : i32
        %dma_start3A_2291 = arith.constant 0 : i32
        %dma_start3A_2292 = tpu.memref_slice %arg4[%dma_start3A_2290, %dma_start3A_2291] : memref<100001x128xf32, #tpu.memory_space<hbm>> -> memref<100001x128xf32, #tpu.memory_space<hbm>>
        tpu.enqueue_indirect_dma source(%dma_start3A_2292 : memref<100001x128xf32, #tpu.memory_space<hbm>>) target(%dma_start3A_2286 : memref<100x128xf32, #tpu.memory_space<vmem>>) offsets(%dma_start3A_2289 : memref<100xi32, #tpu.memory_space<vmem>>) semaphore(%arg14 : memref<!tpu.dma_semaphore, #tpu.memory_space<semaphore_mem>>)
      } else {
      }
      %dma_wait3A_1229 = arith.constant 0 : i32
      %dma_wait3A_1230 = arith.constant 0 : i32
      %dma_wait3A_1231 = arith.constant 0 : i32
      %dma_wait3A_1232 = tpu.memref_slice %arg7[%dma_wait3A_1229, %dma_wait3A_1230, %dma_wait3A_1231] : memref<4x100x128xf32, #tpu.memory_space<vmem>> -> memref<1x100x128xf32, #tpu.memory_space<vmem>>
      %dma_wait3A_1233 = tpu.memref_squeeze %dma_wait3A_1232 : memref<1x100x128xf32, #tpu.memory_space<vmem>> -> memref<100x128xf32, #tpu.memory_space<vmem>>
      %dma_wait3A_1234 = arith.constant 0 : i32
      %dma_wait3A_1235 = tpu.memref_slice %arg6[%add3A_1221, %dma_wait3A_1234] : memref<256x100xi32, #tpu.memory_space<vmem>> -> memref<1x100xi32, #tpu.memory_space<vmem>>
      %dma_wait3A_1236 = tpu.memref_squeeze %dma_wait3A_1235 : memref<1x100xi32, #tpu.memory_space<vmem>> -> memref<100xi32, #tpu.memory_space<vmem>>
      %dma_wait3A_1237 = arith.constant 0 : i32
      %dma_wait3A_1238 = arith.constant 0 : i32
      %dma_wait3A_1239 = tpu.memref_slice %arg4[%dma_wait3A_1237, %dma_wait3A_1238] : memref<100001x128xf32, #tpu.memory_space<hbm>> -> memref<100001x128xf32, #tpu.memory_space<hbm>>
      tpu.wait_indirect_dma semaphore(%arg11 : memref<!tpu.dma_semaphore, #tpu.memory_space<semaphore_mem>>) src(%dma_wait3A_1239 : memref<100001x128xf32, #tpu.memory_space<hbm>>) dst(%dma_wait3A_1233 : memref<100x128xf32, #tpu.memory_space<vmem>>)
      %broadcast_in_dim3A_1240 = arith.constant 0.000000e+00 : f32
      %broadcast_in_dim3A_1241 = vector.broadcast %broadcast_in_dim3A_1240 : f32 to vector<16xf32>
      %broadcast_in_dim3A_1242 = arith.constant 0.000000e+00 : f32
      %broadcast_in_dim3A_1243 = vector.broadcast %broadcast_in_dim3A_1242 : f32 to vector<16xf32>
      %broadcast_in_dim3A_1244 = arith.constant 0.000000e+00 : f32
      %broadcast_in_dim3A_1245 = vector.broadcast %broadcast_in_dim3A_1244 : f32 to vector<16xf32>
      %broadcast_in_dim3A_1246 = arith.constant 0.000000e+00 : f32
      %broadcast_in_dim3A_1247 = vector.broadcast %broadcast_in_dim3A_1246 : f32 to vector<16xf32>
      %broadcast_in_dim3A_1248 = arith.constant 0.000000e+00 : f32
      %broadcast_in_dim3A_1249 = vector.broadcast %broadcast_in_dim3A_1248 : f32 to vector<16xf32>
      %broadcast_in_dim3A_1250 = arith.constant 0.000000e+00 : f32
      %broadcast_in_dim3A_1251 = vector.broadcast %broadcast_in_dim3A_1250 : f32 to vector<16xf32>
      %broadcast_in_dim3A_1252 = arith.constant 0.000000e+00 : f32
      %broadcast_in_dim3A_1253 = vector.broadcast %broadcast_in_dim3A_1252 : f32 to vector<16xf32>
      %broadcast_in_dim3A_1254 = arith.constant 0.000000e+00 : f32
      %broadcast_in_dim3A_1255 = vector.broadcast %broadcast_in_dim3A_1254 : f32 to vector<16xf32>
      %parallel_loop3A_1256 = arith.constant 0 : i32
      %parallel_loop3A_1257 = arith.constant 2 : i32
      %parallel_loop3A_1258 = arith.constant 1 : i32
      %parallel_loop3A_1259:8 = scf.for %parallel_loop3A_2282 = %parallel_loop3A_1256 to %parallel_loop3A_1257 step %parallel_loop3A_1258 iter_args(%parallel_loop3A_2283 = %broadcast_in_dim3A_1241, %parallel_loop3A_2284 = %broadcast_in_dim3A_1243, %parallel_loop3A_2285 = %broadcast_in_dim3A_1245, %parallel_loop3A_2286 = %broadcast_in_dim3A_1247, %parallel_loop3A_2287 = %broadcast_in_dim3A_1249, %parallel_loop3A_2288 = %broadcast_in_dim3A_1251, %parallel_loop3A_2289 = %broadcast_in_dim3A_1253, %parallel_loop3A_2290 = %broadcast_in_dim3A_1255) -> (vector<16xf32>, vector<16xf32>, vector<16xf32>, vector<16xf32>, vector<16xf32>, vector<16xf32>, vector<16xf32>, vector<16xf32>)  : i32 {
        %parallel_loop3A_2291 = arith.constant 0 : i32
        %parallel_loop3A_2292 = arith.index_cast %parallel_loop3A_2291 : i32 to index
        %parallel_loop3A_2293 = arith.index_cast %parallel_loop3A_2282 : i32 to index
        %parallel_loop3A_2294 = arith.constant 0 : index
        %parallel_loop3A_2295 = tpu.vector_load %arg7[%parallel_loop3A_2292, %parallel_loop3A_2293, %parallel_loop3A_2294] {strides = array<i32>} : memref<4x100x128xf32, #tpu.memory_space<vmem>>, vector<1x1x16xf32>,
        %parallel_loop3A_2296 = vector.shape_cast %parallel_loop3A_2295 : vector<1x1x16xf32> to vector<16xf32>
        %parallel_loop3A_2297 = arith.addf %parallel_loop3A_2283, %parallel_loop3A_2296 : vector<16xf32>
        %parallel_loop3A_2298 = arith.constant 0 : i32
        %parallel_loop3A_2299 = arith.index_cast %parallel_loop3A_2298 : i32 to index
        %parallel_loop3A_2300 = arith.index_cast %parallel_loop3A_2282 : i32 to index
        %parallel_loop3A_2301 = arith.constant 16 : index
        %parallel_loop3A_2302 = tpu.vector_load %arg7[%parallel_loop3A_2299, %parallel_loop3A_2300, %parallel_loop3A_2301] {strides = array<i32>} : memref<4x100x128xf32, #tpu.memory_space<vmem>>, vector<1x1x16xf32>,
        %parallel_loop3A_2303 = vector.shape_cast %parallel_loop3A_2302 : vector<1x1x16xf32> to vector<16xf32>
        %parallel_loop3A_2304 = arith.addf %parallel_loop3A_2284, %parallel_loop3A_2303 : vector<16xf32>
        %parallel_loop3A_2305 = arith.constant 0 : i32
        %parallel_loop3A_2306 = arith.index_cast %parallel_loop3A_2305 : i32 to index
        %parallel_loop3A_2307 = arith.index_cast %parallel_loop3A_2282 : i32 to index
        %parallel_loop3A_2308 = arith.constant 32 : index
        %parallel_loop3A_2309 = tpu.vector_load %arg7[%parallel_loop3A_2306, %parallel_loop3A_2307, %parallel_loop3A_2308] {strides = array<i32>} : memref<4x100x128xf32, #tpu.memory_space<vmem>>, vector<1x1x16xf32>,
        %parallel_loop3A_2310 = vector.shape_cast %parallel_loop3A_2309 : vector<1x1x16xf32> to vector<16xf32>
        %parallel_loop3A_2311 = arith.addf %parallel_loop3A_2285, %parallel_loop3A_2310 : vector<16xf32>
        %parallel_loop3A_2312 = arith.constant 0 : i32
        %parallel_loop3A_2313 = arith.index_cast %parallel_loop3A_2312 : i32 to index
        %parallel_loop3A_2314 = arith.index_cast %parallel_loop3A_2282 : i32 to index
        %parallel_loop3A_2315 = arith.constant 48 : index
        %parallel_loop3A_2316 = tpu.vector_load %arg7[%parallel_loop3A_2313, %parallel_loop3A_2314, %parallel_loop3A_2315] {strides = array<i32>} : memref<4x100x128xf32, #tpu.memory_space<vmem>>, vector<1x1x16xf32>,
        %parallel_loop3A_2317 = vector.shape_cast %parallel_loop3A_2316 : vector<1x1x16xf32> to vector<16xf32>
        %parallel_loop3A_2318 = arith.addf %parallel_loop3A_2286, %parallel_loop3A_2317 : vector<16xf32>
        %parallel_loop3A_2319 = arith.constant 0 : i32
        %parallel_loop3A_2320 = arith.index_cast %parallel_loop3A_2319 : i32 to index
        %parallel_loop3A_2321 = arith.index_cast %parallel_loop3A_2282 : i32 to index
        %parallel_loop3A_2322 = arith.constant 64 : index
        %parallel_loop3A_2323 = tpu.vector_load %arg7[%parallel_loop3A_2320, %parallel_loop3A_2321, %parallel_loop3A_2322] {strides = array<i32>} : memref<4x100x128xf32, #tpu.memory_space<vmem>>, vector<1x1x16xf32>,
        %parallel_loop3A_2324 = vector.shape_cast %parallel_loop3A_2323 : vector<1x1x16xf32> to vector<16xf32>
        %parallel_loop3A_2325 = arith.addf %parallel_loop3A_2287, %parallel_loop3A_2324 : vector<16xf32>
        %parallel_loop3A_2326 = arith.constant 0 : i32
        %parallel_loop3A_2327 = arith.index_cast %parallel_loop3A_2326 : i32 to index
        %parallel_loop3A_2328 = arith.index_cast %parallel_loop3A_2282 : i32 to index
        %parallel_loop3A_2329 = arith.constant 80 : index
        %parallel_loop3A_2330 = tpu.vector_load %arg7[%parallel_loop3A_2327, %parallel_loop3A_2328, %parallel_loop3A_2329] {strides = array<i32>} : memref<4x100x128xf32, #tpu.memory_space<vmem>>, vector<1x1x16xf32>,
        %parallel_loop3A_2331 = vector.shape_cast %parallel_loop3A_2330 : vector<1x1x16xf32> to vector<16xf32>
        %parallel_loop3A_2332 = arith.addf %parallel_loop3A_2288, %parallel_loop3A_2331 : vector<16xf32>
        %parallel_loop3A_2333 = arith.constant 0 : i32
        %parallel_loop3A_2334 = arith.index_cast %parallel_loop3A_2333 : i32 to index
        %parallel_loop3A_2335 = arith.index_cast %parallel_loop3A_2282 : i32 to index
        %parallel_loop3A_2336 = arith.constant 96 : index
        %parallel_loop3A_2337 = tpu.vector_load %arg7[%parallel_loop3A_2334, %parallel_loop3A_2335, %parallel_loop3A_2336] {strides = array<i32>} : memref<4x100x128xf32, #tpu.memory_space<vmem>>, vector<1x1x16xf32>,
        %parallel_loop3A_2338 = vector.shape_cast %parallel_loop3A_2337 : vector<1x1x16xf32> to vector<16xf32>
        %parallel_loop3A_2339 = arith.addf %parallel_loop3A_2289, %parallel_loop3A_2338 : vector<16xf32>
        %parallel_loop3A_2340 = arith.constant 0 : i32
        %parallel_loop3A_2341 = arith.index_cast %parallel_loop3A_2340 : i32 to index
        %parallel_loop3A_2342 = arith.index_cast %parallel_loop3A_2282 : i32 to index
        %parallel_loop3A_2343 = arith.constant 112 : index
        %parallel_loop3A_2344 = tpu.vector_load %arg7[%parallel_loop3A_2341, %parallel_loop3A_2342, %parallel_loop3A_2343] {strides = array<i32>} : memref<4x100x128xf32, #tpu.memory_space<vmem>>, vector<1x1x16xf32>,
        %parallel_loop3A_2345 = vector.shape_cast %parallel_loop3A_2344 : vector<1x1x16xf32> to vector<16xf32>
        %parallel_loop3A_2346 = arith.addf %parallel_loop3A_2290, %parallel_loop3A_2345 : vector<16xf32>
        scf.yield %parallel_loop3A_2297, %parallel_loop3A_2304, %parallel_loop3A_2311, %parallel_loop3A_2318, %parallel_loop3A_2325, %parallel_loop3A_2332, %parallel_loop3A_2339, %parallel_loop3A_2346 : vector<16xf32>, vector<16xf32>, vector<16xf32>, vector<16xf32>, vector<16xf32>, vector<16xf32>, vector<16xf32>, vector<16xf32>
      } {sc.loop_unroll_factor = 1 : i64, sc.parallel_access}
      %mul3A_1260 = arith.constant 32 : i32
      %mul3A_1261 = arith.muli %scan3A_154, %mul3A_1260 : i32
      %add3A_1262 = arith.constant 17 : i32
      %add3A_1263 = arith.addi %mul3A_1261, %add3A_1262 : i32
      %add3A_1264 = arith.constant 3 : i32
      %add3A_1265 = arith.addi %add3A_1263, %add3A_1264 : i32
      %lt3A_1266 = arith.constant 256 : i32
      %lt3A_1267 = arith.cmpi slt, %add3A_1265, %lt3A_1266 : i32
      %convert_element_type3A_1268 = arith.extui %lt3A_1267 : i1 to i32
      %cond3A_1269 = arith.constant 0 : i32
      %cond3A_1270 = arith.cmpi ne, %convert_element_type3A_1268, %cond3A_1269 : i32
      scf.if %cond3A_1270 {
        %dma_start3A_2282 = arith.constant 0 : i32
        %dma_start3A_2283 = arith.constant 0 : i32
        %dma_start3A_2284 = arith.constant 0 : i32
        %dma_start3A_2285 = tpu.memref_slice %arg7[%dma_start3A_2282, %dma_start3A_2283, %dma_start3A_2284] : memref<4x100x128xf32, #tpu.memory_space<vmem>> -> memref<1x100x128xf32, #tpu.memory_space<vmem>>
        %dma_start3A_2286 = tpu.memref_squeeze %dma_start3A_2285 : memref<1x100x128xf32, #tpu.memory_space<vmem>> -> memref<100x128xf32, #tpu.memory_space<vmem>>
        %dma_start3A_2287 = arith.constant 0 : i32
        %dma_start3A_2288 = tpu.memref_slice %arg6[%add3A_1265, %dma_start3A_2287] : memref<256x100xi32, #tpu.memory_space<vmem>> -> memref<1x100xi32, #tpu.memory_space<vmem>>
        %dma_start3A_2289 = tpu.memref_squeeze %dma_start3A_2288 : memref<1x100xi32, #tpu.memory_space<vmem>> -> memref<100xi32, #tpu.memory_space<vmem>>
        %dma_start3A_2290 = arith.constant 0 : i32
        %dma_start3A_2291 = arith.constant 0 : i32
        %dma_start3A_2292 = tpu.memref_slice %arg4[%dma_start3A_2290, %dma_start3A_2291] : memref<100001x128xf32, #tpu.memory_space<hbm>> -> memref<100001x128xf32, #tpu.memory_space<hbm>>
        tpu.enqueue_indirect_dma source(%dma_start3A_2292 : memref<100001x128xf32, #tpu.memory_space<hbm>>) target(%dma_start3A_2286 : memref<100x128xf32, #tpu.memory_space<vmem>>) offsets(%dma_start3A_2289 : memref<100xi32, #tpu.memory_space<vmem>>) semaphore(%arg11 : memref<!tpu.dma_semaphore, #tpu.memory_space<semaphore_mem>>)
      } else {
      }
      %dma_wait3A_1271 = arith.constant 1 : i32
      %dma_wait3A_1272 = arith.constant 0 : i32
      %dma_wait3A_1273 = arith.constant 0 : i32
      %dma_wait3A_1274 = tpu.memref_slice %arg7[%dma_wait3A_1271, %dma_wait3A_1272, %dma_wait3A_1273] : memref<4x100x128xf32, #tpu.memory_space<vmem>> -> memref<1x100x128xf32, #tpu.memory_space<vmem>>
      %dma_wait3A_1275 = tpu.memref_squeeze %dma_wait3A_1274 : memref<1x100x128xf32, #tpu.memory_space<vmem>> -> memref<100x128xf32, #tpu.memory_space<vmem>>
      %dma_wait3A_1276 = arith.constant 0 : i32
      %dma_wait3A_1277 = tpu.memref_slice %arg6[%add3A_1263, %dma_wait3A_1276] : memref<256x100xi32, #tpu.memory_space<vmem>> -> memref<1x100xi32, #tpu.memory_space<vmem>>
      %dma_wait3A_1278 = tpu.memref_squeeze %dma_wait3A_1277 : memref<1x100xi32, #tpu.memory_space<vmem>> -> memref<100xi32, #tpu.memory_space<vmem>>
      %dma_wait3A_1279 = arith.constant 0 : i32
      %dma_wait3A_1280 = arith.constant 0 : i32
      %dma_wait3A_1281 = tpu.memref_slice %arg4[%dma_wait3A_1279, %dma_wait3A_1280] : memref<100001x128xf32, #tpu.memory_space<hbm>> -> memref<100001x128xf32, #tpu.memory_space<hbm>>
      tpu.wait_indirect_dma semaphore(%arg12 : memref<!tpu.dma_semaphore, #tpu.memory_space<semaphore_mem>>) src(%dma_wait3A_1281 : memref<100001x128xf32, #tpu.memory_space<hbm>>) dst(%dma_wait3A_1275 : memref<100x128xf32, #tpu.memory_space<vmem>>)
      %parallel_loop3A_1282 = arith.constant 0 : i32
      %parallel_loop3A_1283 = arith.constant 2 : i32
      %parallel_loop3A_1284 = arith.constant 1 : i32
      %parallel_loop3A_1285:8 = scf.for %parallel_loop3A_2282 = %parallel_loop3A_1282 to %parallel_loop3A_1283 step %parallel_loop3A_1284 iter_args(%parallel_loop3A_2283 = %parallel_loop3A_1259#0, %parallel_loop3A_2284 = %parallel_loop3A_1259#1, %parallel_loop3A_2285 = %parallel_loop3A_1259#2, %parallel_loop3A_2286 = %parallel_loop3A_1259#3, %parallel_loop3A_2287 = %parallel_loop3A_1259#4, %parallel_loop3A_2288 = %parallel_loop3A_1259#5, %parallel_loop3A_2289 = %parallel_loop3A_1259#6, %parallel_loop3A_2290 = %parallel_loop3A_1259#7) -> (vector<16xf32>, vector<16xf32>, vector<16xf32>, vector<16xf32>, vector<16xf32>, vector<16xf32>, vector<16xf32>, vector<16xf32>)  : i32 {
        %parallel_loop3A_2291 = arith.constant 1 : i32
        %parallel_loop3A_2292 = arith.index_cast %parallel_loop3A_2291 : i32 to index
        %parallel_loop3A_2293 = arith.index_cast %parallel_loop3A_2282 : i32 to index
        %parallel_loop3A_2294 = arith.constant 0 : index
        %parallel_loop3A_2295 = tpu.vector_load %arg7[%parallel_loop3A_2292, %parallel_loop3A_2293, %parallel_loop3A_2294] {strides = array<i32>} : memref<4x100x128xf32, #tpu.memory_space<vmem>>, vector<1x1x16xf32>,
        %parallel_loop3A_2296 = vector.shape_cast %parallel_loop3A_2295 : vector<1x1x16xf32> to vector<16xf32>
        %parallel_loop3A_2297 = arith.addf %parallel_loop3A_2283, %parallel_loop3A_2296 : vector<16xf32>
        %parallel_loop3A_2298 = arith.constant 1 : i32
        %parallel_loop3A_2299 = arith.index_cast %parallel_loop3A_2298 : i32 to index
        %parallel_loop3A_2300 = arith.index_cast %parallel_loop3A_2282 : i32 to index
        %parallel_loop3A_2301 = arith.constant 16 : index
        %parallel_loop3A_2302 = tpu.vector_load %arg7[%parallel_loop3A_2299, %parallel_loop3A_2300, %parallel_loop3A_2301] {strides = array<i32>} : memref<4x100x128xf32, #tpu.memory_space<vmem>>, vector<1x1x16xf32>,
        %parallel_loop3A_2303 = vector.shape_cast %parallel_loop3A_2302 : vector<1x1x16xf32> to vector<16xf32>
        %parallel_loop3A_2304 = arith.addf %parallel_loop3A_2284, %parallel_loop3A_2303 : vector<16xf32>
        %parallel_loop3A_2305 = arith.constant 1 : i32
        %parallel_loop3A_2306 = arith.index_cast %parallel_loop3A_2305 : i32 to index
        %parallel_loop3A_2307 = arith.index_cast %parallel_loop3A_2282 : i32 to index
        %parallel_loop3A_2308 = arith.constant 32 : index
        %parallel_loop3A_2309 = tpu.vector_load %arg7[%parallel_loop3A_2306, %parallel_loop3A_2307, %parallel_loop3A_2308] {strides = array<i32>} : memref<4x100x128xf32, #tpu.memory_space<vmem>>, vector<1x1x16xf32>,
        %parallel_loop3A_2310 = vector.shape_cast %parallel_loop3A_2309 : vector<1x1x16xf32> to vector<16xf32>
        %parallel_loop3A_2311 = arith.addf %parallel_loop3A_2285, %parallel_loop3A_2310 : vector<16xf32>
        %parallel_loop3A_2312 = arith.constant 1 : i32
        %parallel_loop3A_2313 = arith.index_cast %parallel_loop3A_2312 : i32 to index
        %parallel_loop3A_2314 = arith.index_cast %parallel_loop3A_2282 : i32 to index
        %parallel_loop3A_2315 = arith.constant 48 : index
        %parallel_loop3A_2316 = tpu.vector_load %arg7[%parallel_loop3A_2313, %parallel_loop3A_2314, %parallel_loop3A_2315] {strides = array<i32>} : memref<4x100x128xf32, #tpu.memory_space<vmem>>, vector<1x1x16xf32>,
        %parallel_loop3A_2317 = vector.shape_cast %parallel_loop3A_2316 : vector<1x1x16xf32> to vector<16xf32>
        %parallel_loop3A_2318 = arith.addf %parallel_loop3A_2286, %parallel_loop3A_2317 : vector<16xf32>
        %parallel_loop3A_2319 = arith.constant 1 : i32
        %parallel_loop3A_2320 = arith.index_cast %parallel_loop3A_2319 : i32 to index
        %parallel_loop3A_2321 = arith.index_cast %parallel_loop3A_2282 : i32 to index
        %parallel_loop3A_2322 = arith.constant 64 : index
        %parallel_loop3A_2323 = tpu.vector_load %arg7[%parallel_loop3A_2320, %parallel_loop3A_2321, %parallel_loop3A_2322] {strides = array<i32>} : memref<4x100x128xf32, #tpu.memory_space<vmem>>, vector<1x1x16xf32>,
        %parallel_loop3A_2324 = vector.shape_cast %parallel_loop3A_2323 : vector<1x1x16xf32> to vector<16xf32>
        %parallel_loop3A_2325 = arith.addf %parallel_loop3A_2287, %parallel_loop3A_2324 : vector<16xf32>
        %parallel_loop3A_2326 = arith.constant 1 : i32
        %parallel_loop3A_2327 = arith.index_cast %parallel_loop3A_2326 : i32 to index
        %parallel_loop3A_2328 = arith.index_cast %parallel_loop3A_2282 : i32 to index
        %parallel_loop3A_2329 = arith.constant 80 : index
        %parallel_loop3A_2330 = tpu.vector_load %arg7[%parallel_loop3A_2327, %parallel_loop3A_2328, %parallel_loop3A_2329] {strides = array<i32>} : memref<4x100x128xf32, #tpu.memory_space<vmem>>, vector<1x1x16xf32>,
        %parallel_loop3A_2331 = vector.shape_cast %parallel_loop3A_2330 : vector<1x1x16xf32> to vector<16xf32>
        %parallel_loop3A_2332 = arith.addf %parallel_loop3A_2288, %parallel_loop3A_2331 : vector<16xf32>
        %parallel_loop3A_2333 = arith.constant 1 : i32
        %parallel_loop3A_2334 = arith.index_cast %parallel_loop3A_2333 : i32 to index
        %parallel_loop3A_2335 = arith.index_cast %parallel_loop3A_2282 : i32 to index
        %parallel_loop3A_2336 = arith.constant 96 : index
        %parallel_loop3A_2337 = tpu.vector_load %arg7[%parallel_loop3A_2334, %parallel_loop3A_2335, %parallel_loop3A_2336] {strides = array<i32>} : memref<4x100x128xf32, #tpu.memory_space<vmem>>, vector<1x1x16xf32>,
        %parallel_loop3A_2338 = vector.shape_cast %parallel_loop3A_2337 : vector<1x1x16xf32> to vector<16xf32>
        %parallel_loop3A_2339 = arith.addf %parallel_loop3A_2289, %parallel_loop3A_2338 : vector<16xf32>
        %parallel_loop3A_2340 = arith.constant 1 : i32
        %parallel_loop3A_2341 = arith.index_cast %parallel_loop3A_2340 : i32 to index
        %parallel_loop3A_2342 = arith.index_cast %parallel_loop3A_2282 : i32 to index
        %parallel_loop3A_2343 = arith.constant 112 : index
        %parallel_loop3A_2344 = tpu.vector_load %arg7[%parallel_loop3A_2341, %parallel_loop3A_2342, %parallel_loop3A_2343] {strides = array<i32>} : memref<4x100x128xf32, #tpu.memory_space<vmem>>, vector<1x1x16xf32>,
        %parallel_loop3A_2345 = vector.shape_cast %parallel_loop3A_2344 : vector<1x1x16xf32> to vector<16xf32>
        %parallel_loop3A_2346 = arith.addf %parallel_loop3A_2290, %parallel_loop3A_2345 : vector<16xf32>
        scf.yield %parallel_loop3A_2297, %parallel_loop3A_2304, %parallel_loop3A_2311, %parallel_loop3A_2318, %parallel_loop3A_2325, %parallel_loop3A_2332, %parallel_loop3A_2339, %parallel_loop3A_2346 : vector<16xf32>, vector<16xf32>, vector<16xf32>, vector<16xf32>, vector<16xf32>, vector<16xf32>, vector<16xf32>, vector<16xf32>
      } {sc.loop_unroll_factor = 1 : i64, sc.parallel_access}
      %mul3A_1286 = arith.constant 16 : i32
      %mul3A_1287 = arith.muli %scan3A_154, %mul3A_1286 : i32
      %add3A_1288 = arith.constant 8 : i32
      %add3A_1289 = arith.addi %mul3A_1287, %add3A_1288 : i32
      %slice3A_1290 = vector.extract_strided_slice %get3A_159 {offsets = [8], sizes = [1], strides = [1]} : vector<16xf32> to vector<1xf32>
      %broadcast_in_dim3A_1291 = vector.shape_cast %slice3A_1290 : vector<1xf32> to vector<1xf32>
      %broadcast_in_dim3A_1292 = vector.broadcast %broadcast_in_dim3A_1291 : vector<1xf32> to vector<16xf32>
      %mul3A_1293 = arith.constant 128 : i32
      %mul3A_1294 = arith.muli %add3A_1289, %mul3A_1293 : i32
      %mul3A_1295 = arith.mulf %parallel_loop3A_1285#0, %broadcast_in_dim3A_1292 : vector<16xf32>
      %add3A_1296 = arith.constant 0 : i32
      %add3A_1297 = arith.addi %mul3A_1294, %add3A_1296 : i32
      %swap3A_1298 = arith.index_cast %add3A_1297 : i32 to index
      %swap3A_1299 = tpu.vector_load %arg8[%swap3A_1298] {strides = array<i32>} : memref<16384xf32, #tpu.memory_space<vmem>>, vector<16xf32>,
      %swap3A_1300 = vector.shape_cast %swap3A_1299 : vector<16xf32> to vector<16xf32>
      %swap3A_1301 = vector.shape_cast %mul3A_1295 : vector<16xf32> to vector<16xf32>
      tpu.vector_store %arg8[%swap3A_1298], %swap3A_1301 {strides = array<i32>} : memref<16384xf32, #tpu.memory_space<vmem>>, vector<16xf32>,
      %mul3A_1302 = arith.mulf %parallel_loop3A_1285#1, %broadcast_in_dim3A_1292 : vector<16xf32>
      %add3A_1303 = arith.constant 16 : i32
      %add3A_1304 = arith.addi %mul3A_1294, %add3A_1303 : i32
      %swap3A_1305 = arith.index_cast %add3A_1304 : i32 to index
      %swap3A_1306 = tpu.vector_load %arg8[%swap3A_1305] {strides = array<i32>} : memref<16384xf32, #tpu.memory_space<vmem>>, vector<16xf32>,
      %swap3A_1307 = vector.shape_cast %swap3A_1306 : vector<16xf32> to vector<16xf32>
      %swap3A_1308 = vector.shape_cast %mul3A_1302 : vector<16xf32> to vector<16xf32>
      tpu.vector_store %arg8[%swap3A_1305], %swap3A_1308 {strides = array<i32>} : memref<16384xf32, #tpu.memory_space<vmem>>, vector<16xf32>,
      %mul3A_1309 = arith.mulf %parallel_loop3A_1285#2, %broadcast_in_dim3A_1292 : vector<16xf32>
      %add3A_1310 = arith.constant 32 : i32
      %add3A_1311 = arith.addi %mul3A_1294, %add3A_1310 : i32
      %swap3A_1312 = arith.index_cast %add3A_1311 : i32 to index
      %swap3A_1313 = tpu.vector_load %arg8[%swap3A_1312] {strides = array<i32>} : memref<16384xf32, #tpu.memory_space<vmem>>, vector<16xf32>,
      %swap3A_1314 = vector.shape_cast %swap3A_1313 : vector<16xf32> to vector<16xf32>
      %swap3A_1315 = vector.shape_cast %mul3A_1309 : vector<16xf32> to vector<16xf32>
      tpu.vector_store %arg8[%swap3A_1312], %swap3A_1315 {strides = array<i32>} : memref<16384xf32, #tpu.memory_space<vmem>>, vector<16xf32>,
      %mul3A_1316 = arith.mulf %parallel_loop3A_1285#3, %broadcast_in_dim3A_1292 : vector<16xf32>
      %add3A_1317 = arith.constant 48 : i32
      %add3A_1318 = arith.addi %mul3A_1294, %add3A_1317 : i32
      %swap3A_1319 = arith.index_cast %add3A_1318 : i32 to index
      %swap3A_1320 = tpu.vector_load %arg8[%swap3A_1319] {strides = array<i32>} : memref<16384xf32, #tpu.memory_space<vmem>>, vector<16xf32>,
      %swap3A_1321 = vector.shape_cast %swap3A_1320 : vector<16xf32> to vector<16xf32>
      %swap3A_1322 = vector.shape_cast %mul3A_1316 : vector<16xf32> to vector<16xf32>
      tpu.vector_store %arg8[%swap3A_1319], %swap3A_1322 {strides = array<i32>} : memref<16384xf32, #tpu.memory_space<vmem>>, vector<16xf32>,
      %mul3A_1323 = arith.mulf %parallel_loop3A_1285#4, %broadcast_in_dim3A_1292 : vector<16xf32>
      %add3A_1324 = arith.constant 64 : i32
      %add3A_1325 = arith.addi %mul3A_1294, %add3A_1324 : i32
      %swap3A_1326 = arith.index_cast %add3A_1325 : i32 to index
      %swap3A_1327 = tpu.vector_load %arg8[%swap3A_1326] {strides = array<i32>} : memref<16384xf32, #tpu.memory_space<vmem>>, vector<16xf32>,
      %swap3A_1328 = vector.shape_cast %swap3A_1327 : vector<16xf32> to vector<16xf32>
      %swap3A_1329 = vector.shape_cast %mul3A_1323 : vector<16xf32> to vector<16xf32>
      tpu.vector_store %arg8[%swap3A_1326], %swap3A_1329 {strides = array<i32>} : memref<16384xf32, #tpu.memory_space<vmem>>, vector<16xf32>,
      %mul3A_1330 = arith.mulf %parallel_loop3A_1285#5, %broadcast_in_dim3A_1292 : vector<16xf32>
      %add3A_1331 = arith.constant 80 : i32
      %add3A_1332 = arith.addi %mul3A_1294, %add3A_1331 : i32
      %swap3A_1333 = arith.index_cast %add3A_1332 : i32 to index
      %swap3A_1334 = tpu.vector_load %arg8[%swap3A_1333] {strides = array<i32>} : memref<16384xf32, #tpu.memory_space<vmem>>, vector<16xf32>,
      %swap3A_1335 = vector.shape_cast %swap3A_1334 : vector<16xf32> to vector<16xf32>
      %swap3A_1336 = vector.shape_cast %mul3A_1330 : vector<16xf32> to vector<16xf32>
      tpu.vector_store %arg8[%swap3A_1333], %swap3A_1336 {strides = array<i32>} : memref<16384xf32, #tpu.memory_space<vmem>>, vector<16xf32>,
      %mul3A_1337 = arith.mulf %parallel_loop3A_1285#6, %broadcast_in_dim3A_1292 : vector<16xf32>
      %add3A_1338 = arith.constant 96 : i32
      %add3A_1339 = arith.addi %mul3A_1294, %add3A_1338 : i32
      %swap3A_1340 = arith.index_cast %add3A_1339 : i32 to index
      %swap3A_1341 = tpu.vector_load %arg8[%swap3A_1340] {strides = array<i32>} : memref<16384xf32, #tpu.memory_space<vmem>>, vector<16xf32>,
      %swap3A_1342 = vector.shape_cast %swap3A_1341 : vector<16xf32> to vector<16xf32>
      %swap3A_1343 = vector.shape_cast %mul3A_1337 : vector<16xf32> to vector<16xf32>
      tpu.vector_store %arg8[%swap3A_1340], %swap3A_1343 {strides = array<i32>} : memref<16384xf32, #tpu.memory_space<vmem>>, vector<16xf32>,
      %mul3A_1344 = arith.mulf %parallel_loop3A_1285#7, %broadcast_in_dim3A_1292 : vector<16xf32>
      %add3A_1345 = arith.constant 112 : i32
      %add3A_1346 = arith.addi %mul3A_1294, %add3A_1345 : i32
      %swap3A_1347 = arith.index_cast %add3A_1346 : i32 to index
      %swap3A_1348 = tpu.vector_load %arg8[%swap3A_1347] {strides = array<i32>} : memref<16384xf32, #tpu.memory_space<vmem>>, vector<16xf32>,
      %swap3A_1349 = vector.shape_cast %swap3A_1348 : vector<16xf32> to vector<16xf32>
      %swap3A_1350 = vector.shape_cast %mul3A_1344 : vector<16xf32> to vector<16xf32>
      tpu.vector_store %arg8[%swap3A_1347], %swap3A_1350 {strides = array<i32>} : memref<16384xf32, #tpu.memory_space<vmem>>, vector<16xf32>,
      %mul3A_1351 = arith.constant 32 : i32
      %mul3A_1352 = arith.muli %scan3A_154, %mul3A_1351 : i32
      %add3A_1353 = arith.constant 18 : i32
      %add3A_1354 = arith.addi %mul3A_1352, %add3A_1353 : i32
      %add3A_1355 = arith.constant 3 : i32
      %add3A_1356 = arith.addi %add3A_1354, %add3A_1355 : i32
      %lt3A_1357 = arith.constant 256 : i32
      %lt3A_1358 = arith.cmpi slt, %add3A_1356, %lt3A_1357 : i32
      %convert_element_type3A_1359 = arith.extui %lt3A_1358 : i1 to i32
      %cond3A_1360 = arith.constant 0 : i32
      %cond3A_1361 = arith.cmpi ne, %convert_element_type3A_1359, %cond3A_1360 : i32
      scf.if %cond3A_1361 {
        %dma_start3A_2282 = arith.constant 1 : i32
        %dma_start3A_2283 = arith.constant 0 : i32
        %dma_start3A_2284 = arith.constant 0 : i32
        %dma_start3A_2285 = tpu.memref_slice %arg7[%dma_start3A_2282, %dma_start3A_2283, %dma_start3A_2284] : memref<4x100x128xf32, #tpu.memory_space<vmem>> -> memref<1x100x128xf32, #tpu.memory_space<vmem>>
        %dma_start3A_2286 = tpu.memref_squeeze %dma_start3A_2285 : memref<1x100x128xf32, #tpu.memory_space<vmem>> -> memref<100x128xf32, #tpu.memory_space<vmem>>
        %dma_start3A_2287 = arith.constant 0 : i32
        %dma_start3A_2288 = tpu.memref_slice %arg6[%add3A_1356, %dma_start3A_2287] : memref<256x100xi32, #tpu.memory_space<vmem>> -> memref<1x100xi32, #tpu.memory_space<vmem>>
        %dma_start3A_2289 = tpu.memref_squeeze %dma_start3A_2288 : memref<1x100xi32, #tpu.memory_space<vmem>> -> memref<100xi32, #tpu.memory_space<vmem>>
        %dma_start3A_2290 = arith.constant 0 : i32
        %dma_start3A_2291 = arith.constant 0 : i32
        %dma_start3A_2292 = tpu.memref_slice %arg4[%dma_start3A_2290, %dma_start3A_2291] : memref<100001x128xf32, #tpu.memory_space<hbm>> -> memref<100001x128xf32, #tpu.memory_space<hbm>>
        tpu.enqueue_indirect_dma source(%dma_start3A_2292 : memref<100001x128xf32, #tpu.memory_space<hbm>>) target(%dma_start3A_2286 : memref<100x128xf32, #tpu.memory_space<vmem>>) offsets(%dma_start3A_2289 : memref<100xi32, #tpu.memory_space<vmem>>) semaphore(%arg12 : memref<!tpu.dma_semaphore, #tpu.memory_space<semaphore_mem>>)
      } else {
      }
      %dma_wait3A_1362 = arith.constant 2 : i32
      %dma_wait3A_1363 = arith.constant 0 : i32
      %dma_wait3A_1364 = arith.constant 0 : i32
      %dma_wait3A_1365 = tpu.memref_slice %arg7[%dma_wait3A_1362, %dma_wait3A_1363, %dma_wait3A_1364] : memref<4x100x128xf32, #tpu.memory_space<vmem>> -> memref<1x100x128xf32, #tpu.memory_space<vmem>>
      %dma_wait3A_1366 = tpu.memref_squeeze %dma_wait3A_1365 : memref<1x100x128xf32, #tpu.memory_space<vmem>> -> memref<100x128xf32, #tpu.memory_space<vmem>>
      %dma_wait3A_1367 = arith.constant 0 : i32
      %dma_wait3A_1368 = tpu.memref_slice %arg6[%add3A_1354, %dma_wait3A_1367] : memref<256x100xi32, #tpu.memory_space<vmem>> -> memref<1x100xi32, #tpu.memory_space<vmem>>
      %dma_wait3A_1369 = tpu.memref_squeeze %dma_wait3A_1368 : memref<1x100xi32, #tpu.memory_space<vmem>> -> memref<100xi32, #tpu.memory_space<vmem>>
      %dma_wait3A_1370 = arith.constant 0 : i32
      %dma_wait3A_1371 = arith.constant 0 : i32
      %dma_wait3A_1372 = tpu.memref_slice %arg4[%dma_wait3A_1370, %dma_wait3A_1371] : memref<100001x128xf32, #tpu.memory_space<hbm>> -> memref<100001x128xf32, #tpu.memory_space<hbm>>
      tpu.wait_indirect_dma semaphore(%arg13 : memref<!tpu.dma_semaphore, #tpu.memory_space<semaphore_mem>>) src(%dma_wait3A_1372 : memref<100001x128xf32, #tpu.memory_space<hbm>>) dst(%dma_wait3A_1366 : memref<100x128xf32, #tpu.memory_space<vmem>>)
      %broadcast_in_dim3A_1373 = arith.constant 0.000000e+00 : f32
      %broadcast_in_dim3A_1374 = vector.broadcast %broadcast_in_dim3A_1373 : f32 to vector<16xf32>
      %broadcast_in_dim3A_1375 = arith.constant 0.000000e+00 : f32
      %broadcast_in_dim3A_1376 = vector.broadcast %broadcast_in_dim3A_1375 : f32 to vector<16xf32>
      %broadcast_in_dim3A_1377 = arith.constant 0.000000e+00 : f32
      %broadcast_in_dim3A_1378 = vector.broadcast %broadcast_in_dim3A_1377 : f32 to vector<16xf32>
      %broadcast_in_dim3A_1379 = arith.constant 0.000000e+00 : f32
      %broadcast_in_dim3A_1380 = vector.broadcast %broadcast_in_dim3A_1379 : f32 to vector<16xf32>
      %broadcast_in_dim3A_1381 = arith.constant 0.000000e+00 : f32
      %broadcast_in_dim3A_1382 = vector.broadcast %broadcast_in_dim3A_1381 : f32 to vector<16xf32>
      %broadcast_in_dim3A_1383 = arith.constant 0.000000e+00 : f32
      %broadcast_in_dim3A_1384 = vector.broadcast %broadcast_in_dim3A_1383 : f32 to vector<16xf32>
      %broadcast_in_dim3A_1385 = arith.constant 0.000000e+00 : f32
      %broadcast_in_dim3A_1386 = vector.broadcast %broadcast_in_dim3A_1385 : f32 to vector<16xf32>
      %broadcast_in_dim3A_1387 = arith.constant 0.000000e+00 : f32
      %broadcast_in_dim3A_1388 = vector.broadcast %broadcast_in_dim3A_1387 : f32 to vector<16xf32>
      %parallel_loop3A_1389 = arith.constant 0 : i32
      %parallel_loop3A_1390 = arith.constant 2 : i32
      %parallel_loop3A_1391 = arith.constant 1 : i32
      %parallel_loop3A_1392:8 = scf.for %parallel_loop3A_2282 = %parallel_loop3A_1389 to %parallel_loop3A_1390 step %parallel_loop3A_1391 iter_args(%parallel_loop3A_2283 = %broadcast_in_dim3A_1374, %parallel_loop3A_2284 = %broadcast_in_dim3A_1376, %parallel_loop3A_2285 = %broadcast_in_dim3A_1378, %parallel_loop3A_2286 = %broadcast_in_dim3A_1380, %parallel_loop3A_2287 = %broadcast_in_dim3A_1382, %parallel_loop3A_2288 = %broadcast_in_dim3A_1384, %parallel_loop3A_2289 = %broadcast_in_dim3A_1386, %parallel_loop3A_2290 = %broadcast_in_dim3A_1388) -> (vector<16xf32>, vector<16xf32>, vector<16xf32>, vector<16xf32>, vector<16xf32>, vector<16xf32>, vector<16xf32>, vector<16xf32>)  : i32 {
        %parallel_loop3A_2291 = arith.constant 2 : i32
        %parallel_loop3A_2292 = arith.index_cast %parallel_loop3A_2291 : i32 to index
        %parallel_loop3A_2293 = arith.index_cast %parallel_loop3A_2282 : i32 to index
        %parallel_loop3A_2294 = arith.constant 0 : index
        %parallel_loop3A_2295 = tpu.vector_load %arg7[%parallel_loop3A_2292, %parallel_loop3A_2293, %parallel_loop3A_2294] {strides = array<i32>} : memref<4x100x128xf32, #tpu.memory_space<vmem>>, vector<1x1x16xf32>,
        %parallel_loop3A_2296 = vector.shape_cast %parallel_loop3A_2295 : vector<1x1x16xf32> to vector<16xf32>
        %parallel_loop3A_2297 = arith.addf %parallel_loop3A_2283, %parallel_loop3A_2296 : vector<16xf32>
        %parallel_loop3A_2298 = arith.constant 2 : i32
        %parallel_loop3A_2299 = arith.index_cast %parallel_loop3A_2298 : i32 to index
        %parallel_loop3A_2300 = arith.index_cast %parallel_loop3A_2282 : i32 to index
        %parallel_loop3A_2301 = arith.constant 16 : index
        %parallel_loop3A_2302 = tpu.vector_load %arg7[%parallel_loop3A_2299, %parallel_loop3A_2300, %parallel_loop3A_2301] {strides = array<i32>} : memref<4x100x128xf32, #tpu.memory_space<vmem>>, vector<1x1x16xf32>,
        %parallel_loop3A_2303 = vector.shape_cast %parallel_loop3A_2302 : vector<1x1x16xf32> to vector<16xf32>
        %parallel_loop3A_2304 = arith.addf %parallel_loop3A_2284, %parallel_loop3A_2303 : vector<16xf32>
        %parallel_loop3A_2305 = arith.constant 2 : i32
        %parallel_loop3A_2306 = arith.index_cast %parallel_loop3A_2305 : i32 to index
        %parallel_loop3A_2307 = arith.index_cast %parallel_loop3A_2282 : i32 to index
        %parallel_loop3A_2308 = arith.constant 32 : index
        %parallel_loop3A_2309 = tpu.vector_load %arg7[%parallel_loop3A_2306, %parallel_loop3A_2307, %parallel_loop3A_2308] {strides = array<i32>} : memref<4x100x128xf32, #tpu.memory_space<vmem>>, vector<1x1x16xf32>,
        %parallel_loop3A_2310 = vector.shape_cast %parallel_loop3A_2309 : vector<1x1x16xf32> to vector<16xf32>
        %parallel_loop3A_2311 = arith.addf %parallel_loop3A_2285, %parallel_loop3A_2310 : vector<16xf32>
        %parallel_loop3A_2312 = arith.constant 2 : i32
        %parallel_loop3A_2313 = arith.index_cast %parallel_loop3A_2312 : i32 to index
        %parallel_loop3A_2314 = arith.index_cast %parallel_loop3A_2282 : i32 to index
        %parallel_loop3A_2315 = arith.constant 48 : index
        %parallel_loop3A_2316 = tpu.vector_load %arg7[%parallel_loop3A_2313, %parallel_loop3A_2314, %parallel_loop3A_2315] {strides = array<i32>} : memref<4x100x128xf32, #tpu.memory_space<vmem>>, vector<1x1x16xf32>,
        %parallel_loop3A_2317 = vector.shape_cast %parallel_loop3A_2316 : vector<1x1x16xf32> to vector<16xf32>
        %parallel_loop3A_2318 = arith.addf %parallel_loop3A_2286, %parallel_loop3A_2317 : vector<16xf32>
        %parallel_loop3A_2319 = arith.constant 2 : i32
        %parallel_loop3A_2320 = arith.index_cast %parallel_loop3A_2319 : i32 to index
        %parallel_loop3A_2321 = arith.index_cast %parallel_loop3A_2282 : i32 to index
        %parallel_loop3A_2322 = arith.constant 64 : index
        %parallel_loop3A_2323 = tpu.vector_load %arg7[%parallel_loop3A_2320, %parallel_loop3A_2321, %parallel_loop3A_2322] {strides = array<i32>} : memref<4x100x128xf32, #tpu.memory_space<vmem>>, vector<1x1x16xf32>,
        %parallel_loop3A_2324 = vector.shape_cast %parallel_loop3A_2323 : vector<1x1x16xf32> to vector<16xf32>
        %parallel_loop3A_2325 = arith.addf %parallel_loop3A_2287, %parallel_loop3A_2324 : vector<16xf32>
        %parallel_loop3A_2326 = arith.constant 2 : i32
        %parallel_loop3A_2327 = arith.index_cast %parallel_loop3A_2326 : i32 to index
        %parallel_loop3A_2328 = arith.index_cast %parallel_loop3A_2282 : i32 to index
        %parallel_loop3A_2329 = arith.constant 80 : index
        %parallel_loop3A_2330 = tpu.vector_load %arg7[%parallel_loop3A_2327, %parallel_loop3A_2328, %parallel_loop3A_2329] {strides = array<i32>} : memref<4x100x128xf32, #tpu.memory_space<vmem>>, vector<1x1x16xf32>,
        %parallel_loop3A_2331 = vector.shape_cast %parallel_loop3A_2330 : vector<1x1x16xf32> to vector<16xf32>
        %parallel_loop3A_2332 = arith.addf %parallel_loop3A_2288, %parallel_loop3A_2331 : vector<16xf32>
        %parallel_loop3A_2333 = arith.constant 2 : i32
        %parallel_loop3A_2334 = arith.index_cast %parallel_loop3A_2333 : i32 to index
        %parallel_loop3A_2335 = arith.index_cast %parallel_loop3A_2282 : i32 to index
        %parallel_loop3A_2336 = arith.constant 96 : index
        %parallel_loop3A_2337 = tpu.vector_load %arg7[%parallel_loop3A_2334, %parallel_loop3A_2335, %parallel_loop3A_2336] {strides = array<i32>} : memref<4x100x128xf32, #tpu.memory_space<vmem>>, vector<1x1x16xf32>,
        %parallel_loop3A_2338 = vector.shape_cast %parallel_loop3A_2337 : vector<1x1x16xf32> to vector<16xf32>
        %parallel_loop3A_2339 = arith.addf %parallel_loop3A_2289, %parallel_loop3A_2338 : vector<16xf32>
        %parallel_loop3A_2340 = arith.constant 2 : i32
        %parallel_loop3A_2341 = arith.index_cast %parallel_loop3A_2340 : i32 to index
        %parallel_loop3A_2342 = arith.index_cast %parallel_loop3A_2282 : i32 to index
        %parallel_loop3A_2343 = arith.constant 112 : index
        %parallel_loop3A_2344 = tpu.vector_load %arg7[%parallel_loop3A_2341, %parallel_loop3A_2342, %parallel_loop3A_2343] {strides = array<i32>} : memref<4x100x128xf32, #tpu.memory_space<vmem>>, vector<1x1x16xf32>,
        %parallel_loop3A_2345 = vector.shape_cast %parallel_loop3A_2344 : vector<1x1x16xf32> to vector<16xf32>
        %parallel_loop3A_2346 = arith.addf %parallel_loop3A_2290, %parallel_loop3A_2345 : vector<16xf32>
        scf.yield %parallel_loop3A_2297, %parallel_loop3A_2304, %parallel_loop3A_2311, %parallel_loop3A_2318, %parallel_loop3A_2325, %parallel_loop3A_2332, %parallel_loop3A_2339, %parallel_loop3A_2346 : vector<16xf32>, vector<16xf32>, vector<16xf32>, vector<16xf32>, vector<16xf32>, vector<16xf32>, vector<16xf32>, vector<16xf32>
      } {sc.loop_unroll_factor = 1 : i64, sc.parallel_access}
      %mul3A_1393 = arith.constant 32 : i32
      %mul3A_1394 = arith.muli %scan3A_154, %mul3A_1393 : i32
      %add3A_1395 = arith.constant 19 : i32
      %add3A_1396 = arith.addi %mul3A_1394, %add3A_1395 : i32
      %add3A_1397 = arith.constant 3 : i32
      %add3A_1398 = arith.addi %add3A_1396, %add3A_1397 : i32
      %lt3A_1399 = arith.constant 256 : i32
      %lt3A_1400 = arith.cmpi slt, %add3A_1398, %lt3A_1399 : i32
      %convert_element_type3A_1401 = arith.extui %lt3A_1400 : i1 to i32
      %cond3A_1402 = arith.constant 0 : i32
      %cond3A_1403 = arith.cmpi ne, %convert_element_type3A_1401, %cond3A_1402 : i32
      scf.if %cond3A_1403 {
        %dma_start3A_2282 = arith.constant 2 : i32
        %dma_start3A_2283 = arith.constant 0 : i32
        %dma_start3A_2284 = arith.constant 0 : i32
        %dma_start3A_2285 = tpu.memref_slice %arg7[%dma_start3A_2282, %dma_start3A_2283, %dma_start3A_2284] : memref<4x100x128xf32, #tpu.memory_space<vmem>> -> memref<1x100x128xf32, #tpu.memory_space<vmem>>
        %dma_start3A_2286 = tpu.memref_squeeze %dma_start3A_2285 : memref<1x100x128xf32, #tpu.memory_space<vmem>> -> memref<100x128xf32, #tpu.memory_space<vmem>>
        %dma_start3A_2287 = arith.constant 0 : i32
        %dma_start3A_2288 = tpu.memref_slice %arg6[%add3A_1398, %dma_start3A_2287] : memref<256x100xi32, #tpu.memory_space<vmem>> -> memref<1x100xi32, #tpu.memory_space<vmem>>
        %dma_start3A_2289 = tpu.memref_squeeze %dma_start3A_2288 : memref<1x100xi32, #tpu.memory_space<vmem>> -> memref<100xi32, #tpu.memory_space<vmem>>
        %dma_start3A_2290 = arith.constant 0 : i32
        %dma_start3A_2291 = arith.constant 0 : i32
        %dma_start3A_2292 = tpu.memref_slice %arg4[%dma_start3A_2290, %dma_start3A_2291] : memref<100001x128xf32, #tpu.memory_space<hbm>> -> memref<100001x128xf32, #tpu.memory_space<hbm>>
        tpu.enqueue_indirect_dma source(%dma_start3A_2292 : memref<100001x128xf32, #tpu.memory_space<hbm>>) target(%dma_start3A_2286 : memref<100x128xf32, #tpu.memory_space<vmem>>) offsets(%dma_start3A_2289 : memref<100xi32, #tpu.memory_space<vmem>>) semaphore(%arg13 : memref<!tpu.dma_semaphore, #tpu.memory_space<semaphore_mem>>)
      } else {
      }
      %dma_wait3A_1404 = arith.constant 3 : i32
      %dma_wait3A_1405 = arith.constant 0 : i32
      %dma_wait3A_1406 = arith.constant 0 : i32
      %dma_wait3A_1407 = tpu.memref_slice %arg7[%dma_wait3A_1404, %dma_wait3A_1405, %dma_wait3A_1406] : memref<4x100x128xf32, #tpu.memory_space<vmem>> -> memref<1x100x128xf32, #tpu.memory_space<vmem>>
      %dma_wait3A_1408 = tpu.memref_squeeze %dma_wait3A_1407 : memref<1x100x128xf32, #tpu.memory_space<vmem>> -> memref<100x128xf32, #tpu.memory_space<vmem>>
      %dma_wait3A_1409 = arith.constant 0 : i32
      %dma_wait3A_1410 = tpu.memref_slice %arg6[%add3A_1396, %dma_wait3A_1409] : memref<256x100xi32, #tpu.memory_space<vmem>> -> memref<1x100xi32, #tpu.memory_space<vmem>>
      %dma_wait3A_1411 = tpu.memref_squeeze %dma_wait3A_1410 : memref<1x100xi32, #tpu.memory_space<vmem>> -> memref<100xi32, #tpu.memory_space<vmem>>
      %dma_wait3A_1412 = arith.constant 0 : i32
      %dma_wait3A_1413 = arith.constant 0 : i32
      %dma_wait3A_1414 = tpu.memref_slice %arg4[%dma_wait3A_1412, %dma_wait3A_1413] : memref<100001x128xf32, #tpu.memory_space<hbm>> -> memref<100001x128xf32, #tpu.memory_space<hbm>>
      tpu.wait_indirect_dma semaphore(%arg14 : memref<!tpu.dma_semaphore, #tpu.memory_space<semaphore_mem>>) src(%dma_wait3A_1414 : memref<100001x128xf32, #tpu.memory_space<hbm>>) dst(%dma_wait3A_1408 : memref<100x128xf32, #tpu.memory_space<vmem>>)
      %parallel_loop3A_1415 = arith.constant 0 : i32
      %parallel_loop3A_1416 = arith.constant 2 : i32
      %parallel_loop3A_1417 = arith.constant 1 : i32
      %parallel_loop3A_1418:8 = scf.for %parallel_loop3A_2282 = %parallel_loop3A_1415 to %parallel_loop3A_1416 step %parallel_loop3A_1417 iter_args(%parallel_loop3A_2283 = %parallel_loop3A_1392#0, %parallel_loop3A_2284 = %parallel_loop3A_1392#1, %parallel_loop3A_2285 = %parallel_loop3A_1392#2, %parallel_loop3A_2286 = %parallel_loop3A_1392#3, %parallel_loop3A_2287 = %parallel_loop3A_1392#4, %parallel_loop3A_2288 = %parallel_loop3A_1392#5, %parallel_loop3A_2289 = %parallel_loop3A_1392#6, %parallel_loop3A_2290 = %parallel_loop3A_1392#7) -> (vector<16xf32>, vector<16xf32>, vector<16xf32>, vector<16xf32>, vector<16xf32>, vector<16xf32>, vector<16xf32>, vector<16xf32>)  : i32 {
        %parallel_loop3A_2291 = arith.constant 3 : i32
        %parallel_loop3A_2292 = arith.index_cast %parallel_loop3A_2291 : i32 to index
        %parallel_loop3A_2293 = arith.index_cast %parallel_loop3A_2282 : i32 to index
        %parallel_loop3A_2294 = arith.constant 0 : index
        %parallel_loop3A_2295 = tpu.vector_load %arg7[%parallel_loop3A_2292, %parallel_loop3A_2293, %parallel_loop3A_2294] {strides = array<i32>} : memref<4x100x128xf32, #tpu.memory_space<vmem>>, vector<1x1x16xf32>,
        %parallel_loop3A_2296 = vector.shape_cast %parallel_loop3A_2295 : vector<1x1x16xf32> to vector<16xf32>
        %parallel_loop3A_2297 = arith.addf %parallel_loop3A_2283, %parallel_loop3A_2296 : vector<16xf32>
        %parallel_loop3A_2298 = arith.constant 3 : i32
        %parallel_loop3A_2299 = arith.index_cast %parallel_loop3A_2298 : i32 to index
        %parallel_loop3A_2300 = arith.index_cast %parallel_loop3A_2282 : i32 to index
        %parallel_loop3A_2301 = arith.constant 16 : index
        %parallel_loop3A_2302 = tpu.vector_load %arg7[%parallel_loop3A_2299, %parallel_loop3A_2300, %parallel_loop3A_2301] {strides = array<i32>} : memref<4x100x128xf32, #tpu.memory_space<vmem>>, vector<1x1x16xf32>,
        %parallel_loop3A_2303 = vector.shape_cast %parallel_loop3A_2302 : vector<1x1x16xf32> to vector<16xf32>
        %parallel_loop3A_2304 = arith.addf %parallel_loop3A_2284, %parallel_loop3A_2303 : vector<16xf32>
        %parallel_loop3A_2305 = arith.constant 3 : i32
        %parallel_loop3A_2306 = arith.index_cast %parallel_loop3A_2305 : i32 to index
        %parallel_loop3A_2307 = arith.index_cast %parallel_loop3A_2282 : i32 to index
        %parallel_loop3A_2308 = arith.constant 32 : index
        %parallel_loop3A_2309 = tpu.vector_load %arg7[%parallel_loop3A_2306, %parallel_loop3A_2307, %parallel_loop3A_2308] {strides = array<i32>} : memref<4x100x128xf32, #tpu.memory_space<vmem>>, vector<1x1x16xf32>,
        %parallel_loop3A_2310 = vector.shape_cast %parallel_loop3A_2309 : vector<1x1x16xf32> to vector<16xf32>
        %parallel_loop3A_2311 = arith.addf %parallel_loop3A_2285, %parallel_loop3A_2310 : vector<16xf32>
        %parallel_loop3A_2312 = arith.constant 3 : i32
        %parallel_loop3A_2313 = arith.index_cast %parallel_loop3A_2312 : i32 to index
        %parallel_loop3A_2314 = arith.index_cast %parallel_loop3A_2282 : i32 to index
        %parallel_loop3A_2315 = arith.constant 48 : index
        %parallel_loop3A_2316 = tpu.vector_load %arg7[%parallel_loop3A_2313, %parallel_loop3A_2314, %parallel_loop3A_2315] {strides = array<i32>} : memref<4x100x128xf32, #tpu.memory_space<vmem>>, vector<1x1x16xf32>,
        %parallel_loop3A_2317 = vector.shape_cast %parallel_loop3A_2316 : vector<1x1x16xf32> to vector<16xf32>
        %parallel_loop3A_2318 = arith.addf %parallel_loop3A_2286, %parallel_loop3A_2317 : vector<16xf32>
        %parallel_loop3A_2319 = arith.constant 3 : i32
        %parallel_loop3A_2320 = arith.index_cast %parallel_loop3A_2319 : i32 to index
        %parallel_loop3A_2321 = arith.index_cast %parallel_loop3A_2282 : i32 to index
        %parallel_loop3A_2322 = arith.constant 64 : index
        %parallel_loop3A_2323 = tpu.vector_load %arg7[%parallel_loop3A_2320, %parallel_loop3A_2321, %parallel_loop3A_2322] {strides = array<i32>} : memref<4x100x128xf32, #tpu.memory_space<vmem>>, vector<1x1x16xf32>,
        %parallel_loop3A_2324 = vector.shape_cast %parallel_loop3A_2323 : vector<1x1x16xf32> to vector<16xf32>
        %parallel_loop3A_2325 = arith.addf %parallel_loop3A_2287, %parallel_loop3A_2324 : vector<16xf32>
        %parallel_loop3A_2326 = arith.constant 3 : i32
        %parallel_loop3A_2327 = arith.index_cast %parallel_loop3A_2326 : i32 to index
        %parallel_loop3A_2328 = arith.index_cast %parallel_loop3A_2282 : i32 to index
        %parallel_loop3A_2329 = arith.constant 80 : index
        %parallel_loop3A_2330 = tpu.vector_load %arg7[%parallel_loop3A_2327, %parallel_loop3A_2328, %parallel_loop3A_2329] {strides = array<i32>} : memref<4x100x128xf32, #tpu.memory_space<vmem>>, vector<1x1x16xf32>,
        %parallel_loop3A_2331 = vector.shape_cast %parallel_loop3A_2330 : vector<1x1x16xf32> to vector<16xf32>
        %parallel_loop3A_2332 = arith.addf %parallel_loop3A_2288, %parallel_loop3A_2331 : vector<16xf32>
        %parallel_loop3A_2333 = arith.constant 3 : i32
        %parallel_loop3A_2334 = arith.index_cast %parallel_loop3A_2333 : i32 to index
        %parallel_loop3A_2335 = arith.index_cast %parallel_loop3A_2282 : i32 to index
        %parallel_loop3A_2336 = arith.constant 96 : index
        %parallel_loop3A_2337 = tpu.vector_load %arg7[%parallel_loop3A_2334, %parallel_loop3A_2335, %parallel_loop3A_2336] {strides = array<i32>} : memref<4x100x128xf32, #tpu.memory_space<vmem>>, vector<1x1x16xf32>,
        %parallel_loop3A_2338 = vector.shape_cast %parallel_loop3A_2337 : vector<1x1x16xf32> to vector<16xf32>
        %parallel_loop3A_2339 = arith.addf %parallel_loop3A_2289, %parallel_loop3A_2338 : vector<16xf32>
        %parallel_loop3A_2340 = arith.constant 3 : i32
        %parallel_loop3A_2341 = arith.index_cast %parallel_loop3A_2340 : i32 to index
        %parallel_loop3A_2342 = arith.index_cast %parallel_loop3A_2282 : i32 to index
        %parallel_loop3A_2343 = arith.constant 112 : index
        %parallel_loop3A_2344 = tpu.vector_load %arg7[%parallel_loop3A_2341, %parallel_loop3A_2342, %parallel_loop3A_2343] {strides = array<i32>} : memref<4x100x128xf32, #tpu.memory_space<vmem>>, vector<1x1x16xf32>,
        %parallel_loop3A_2345 = vector.shape_cast %parallel_loop3A_2344 : vector<1x1x16xf32> to vector<16xf32>
        %parallel_loop3A_2346 = arith.addf %parallel_loop3A_2290, %parallel_loop3A_2345 : vector<16xf32>
        scf.yield %parallel_loop3A_2297, %parallel_loop3A_2304, %parallel_loop3A_2311, %parallel_loop3A_2318, %parallel_loop3A_2325, %parallel_loop3A_2332, %parallel_loop3A_2339, %parallel_loop3A_2346 : vector<16xf32>, vector<16xf32>, vector<16xf32>, vector<16xf32>, vector<16xf32>, vector<16xf32>, vector<16xf32>, vector<16xf32>
      } {sc.loop_unroll_factor = 1 : i64, sc.parallel_access}
      %mul3A_1419 = arith.constant 16 : i32
      %mul3A_1420 = arith.muli %scan3A_154, %mul3A_1419 : i32
      %add3A_1421 = arith.constant 9 : i32
      %add3A_1422 = arith.addi %mul3A_1420, %add3A_1421 : i32
      %slice3A_1423 = vector.extract_strided_slice %get3A_159 {offsets = [9], sizes = [1], strides = [1]} : vector<16xf32> to vector<1xf32>
      %broadcast_in_dim3A_1424 = vector.shape_cast %slice3A_1423 : vector<1xf32> to vector<1xf32>
      %broadcast_in_dim3A_1425 = vector.broadcast %broadcast_in_dim3A_1424 : vector<1xf32> to vector<16xf32>
      %mul3A_1426 = arith.constant 128 : i32
      %mul3A_1427 = arith.muli %add3A_1422, %mul3A_1426 : i32
      %mul3A_1428 = arith.mulf %parallel_loop3A_1418#0, %broadcast_in_dim3A_1425 : vector<16xf32>
      %add3A_1429 = arith.constant 0 : i32
      %add3A_1430 = arith.addi %mul3A_1427, %add3A_1429 : i32
      %swap3A_1431 = arith.index_cast %add3A_1430 : i32 to index
      %swap3A_1432 = tpu.vector_load %arg8[%swap3A_1431] {strides = array<i32>} : memref<16384xf32, #tpu.memory_space<vmem>>, vector<16xf32>,
      %swap3A_1433 = vector.shape_cast %swap3A_1432 : vector<16xf32> to vector<16xf32>
      %swap3A_1434 = vector.shape_cast %mul3A_1428 : vector<16xf32> to vector<16xf32>
      tpu.vector_store %arg8[%swap3A_1431], %swap3A_1434 {strides = array<i32>} : memref<16384xf32, #tpu.memory_space<vmem>>, vector<16xf32>,
      %mul3A_1435 = arith.mulf %parallel_loop3A_1418#1, %broadcast_in_dim3A_1425 : vector<16xf32>
      %add3A_1436 = arith.constant 16 : i32
      %add3A_1437 = arith.addi %mul3A_1427, %add3A_1436 : i32
      %swap3A_1438 = arith.index_cast %add3A_1437 : i32 to index
      %swap3A_1439 = tpu.vector_load %arg8[%swap3A_1438] {strides = array<i32>} : memref<16384xf32, #tpu.memory_space<vmem>>, vector<16xf32>,
      %swap3A_1440 = vector.shape_cast %swap3A_1439 : vector<16xf32> to vector<16xf32>
      %swap3A_1441 = vector.shape_cast %mul3A_1435 : vector<16xf32> to vector<16xf32>
      tpu.vector_store %arg8[%swap3A_1438], %swap3A_1441 {strides = array<i32>} : memref<16384xf32, #tpu.memory_space<vmem>>, vector<16xf32>,
      %mul3A_1442 = arith.mulf %parallel_loop3A_1418#2, %broadcast_in_dim3A_1425 : vector<16xf32>
      %add3A_1443 = arith.constant 32 : i32
      %add3A_1444 = arith.addi %mul3A_1427, %add3A_1443 : i32
      %swap3A_1445 = arith.index_cast %add3A_1444 : i32 to index
      %swap3A_1446 = tpu.vector_load %arg8[%swap3A_1445] {strides = array<i32>} : memref<16384xf32, #tpu.memory_space<vmem>>, vector<16xf32>,
      %swap3A_1447 = vector.shape_cast %swap3A_1446 : vector<16xf32> to vector<16xf32>
      %swap3A_1448 = vector.shape_cast %mul3A_1442 : vector<16xf32> to vector<16xf32>
      tpu.vector_store %arg8[%swap3A_1445], %swap3A_1448 {strides = array<i32>} : memref<16384xf32, #tpu.memory_space<vmem>>, vector<16xf32>,
      %mul3A_1449 = arith.mulf %parallel_loop3A_1418#3, %broadcast_in_dim3A_1425 : vector<16xf32>
      %add3A_1450 = arith.constant 48 : i32
      %add3A_1451 = arith.addi %mul3A_1427, %add3A_1450 : i32
      %swap3A_1452 = arith.index_cast %add3A_1451 : i32 to index
      %swap3A_1453 = tpu.vector_load %arg8[%swap3A_1452] {strides = array<i32>} : memref<16384xf32, #tpu.memory_space<vmem>>, vector<16xf32>,
      %swap3A_1454 = vector.shape_cast %swap3A_1453 : vector<16xf32> to vector<16xf32>
      %swap3A_1455 = vector.shape_cast %mul3A_1449 : vector<16xf32> to vector<16xf32>
      tpu.vector_store %arg8[%swap3A_1452], %swap3A_1455 {strides = array<i32>} : memref<16384xf32, #tpu.memory_space<vmem>>, vector<16xf32>,
      %mul3A_1456 = arith.mulf %parallel_loop3A_1418#4, %broadcast_in_dim3A_1425 : vector<16xf32>
      %add3A_1457 = arith.constant 64 : i32
      %add3A_1458 = arith.addi %mul3A_1427, %add3A_1457 : i32
      %swap3A_1459 = arith.index_cast %add3A_1458 : i32 to index
      %swap3A_1460 = tpu.vector_load %arg8[%swap3A_1459] {strides = array<i32>} : memref<16384xf32, #tpu.memory_space<vmem>>, vector<16xf32>,
      %swap3A_1461 = vector.shape_cast %swap3A_1460 : vector<16xf32> to vector<16xf32>
      %swap3A_1462 = vector.shape_cast %mul3A_1456 : vector<16xf32> to vector<16xf32>
      tpu.vector_store %arg8[%swap3A_1459], %swap3A_1462 {strides = array<i32>} : memref<16384xf32, #tpu.memory_space<vmem>>, vector<16xf32>,
      %mul3A_1463 = arith.mulf %parallel_loop3A_1418#5, %broadcast_in_dim3A_1425 : vector<16xf32>
      %add3A_1464 = arith.constant 80 : i32
      %add3A_1465 = arith.addi %mul3A_1427, %add3A_1464 : i32
      %swap3A_1466 = arith.index_cast %add3A_1465 : i32 to index
      %swap3A_1467 = tpu.vector_load %arg8[%swap3A_1466] {strides = array<i32>} : memref<16384xf32, #tpu.memory_space<vmem>>, vector<16xf32>,
      %swap3A_1468 = vector.shape_cast %swap3A_1467 : vector<16xf32> to vector<16xf32>
      %swap3A_1469 = vector.shape_cast %mul3A_1463 : vector<16xf32> to vector<16xf32>
      tpu.vector_store %arg8[%swap3A_1466], %swap3A_1469 {strides = array<i32>} : memref<16384xf32, #tpu.memory_space<vmem>>, vector<16xf32>,
      %mul3A_1470 = arith.mulf %parallel_loop3A_1418#6, %broadcast_in_dim3A_1425 : vector<16xf32>
      %add3A_1471 = arith.constant 96 : i32
      %add3A_1472 = arith.addi %mul3A_1427, %add3A_1471 : i32
      %swap3A_1473 = arith.index_cast %add3A_1472 : i32 to index
      %swap3A_1474 = tpu.vector_load %arg8[%swap3A_1473] {strides = array<i32>} : memref<16384xf32, #tpu.memory_space<vmem>>, vector<16xf32>,
      %swap3A_1475 = vector.shape_cast %swap3A_1474 : vector<16xf32> to vector<16xf32>
      %swap3A_1476 = vector.shape_cast %mul3A_1470 : vector<16xf32> to vector<16xf32>
      tpu.vector_store %arg8[%swap3A_1473], %swap3A_1476 {strides = array<i32>} : memref<16384xf32, #tpu.memory_space<vmem>>, vector<16xf32>,
      %mul3A_1477 = arith.mulf %parallel_loop3A_1418#7, %broadcast_in_dim3A_1425 : vector<16xf32>
      %add3A_1478 = arith.constant 112 : i32
      %add3A_1479 = arith.addi %mul3A_1427, %add3A_1478 : i32
      %swap3A_1480 = arith.index_cast %add3A_1479 : i32 to index
      %swap3A_1481 = tpu.vector_load %arg8[%swap3A_1480] {strides = array<i32>} : memref<16384xf32, #tpu.memory_space<vmem>>, vector<16xf32>,
      %swap3A_1482 = vector.shape_cast %swap3A_1481 : vector<16xf32> to vector<16xf32>
      %swap3A_1483 = vector.shape_cast %mul3A_1477 : vector<16xf32> to vector<16xf32>
      tpu.vector_store %arg8[%swap3A_1480], %swap3A_1483 {strides = array<i32>} : memref<16384xf32, #tpu.memory_space<vmem>>, vector<16xf32>,
      %mul3A_1484 = arith.constant 32 : i32
      %mul3A_1485 = arith.muli %scan3A_154, %mul3A_1484 : i32
      %add3A_1486 = arith.constant 20 : i32
      %add3A_1487 = arith.addi %mul3A_1485, %add3A_1486 : i32
      %add3A_1488 = arith.constant 3 : i32
      %add3A_1489 = arith.addi %add3A_1487, %add3A_1488 : i32
      %lt3A_1490 = arith.constant 256 : i32
      %lt3A_1491 = arith.cmpi slt, %add3A_1489, %lt3A_1490 : i32
      %convert_element_type3A_1492 = arith.extui %lt3A_1491 : i1 to i32
      %cond3A_1493 = arith.constant 0 : i32
      %cond3A_1494 = arith.cmpi ne, %convert_element_type3A_1492, %cond3A_1493 : i32
      scf.if %cond3A_1494 {
        %dma_start3A_2282 = arith.constant 3 : i32
        %dma_start3A_2283 = arith.constant 0 : i32
        %dma_start3A_2284 = arith.constant 0 : i32
        %dma_start3A_2285 = tpu.memref_slice %arg7[%dma_start3A_2282, %dma_start3A_2283, %dma_start3A_2284] : memref<4x100x128xf32, #tpu.memory_space<vmem>> -> memref<1x100x128xf32, #tpu.memory_space<vmem>>
        %dma_start3A_2286 = tpu.memref_squeeze %dma_start3A_2285 : memref<1x100x128xf32, #tpu.memory_space<vmem>> -> memref<100x128xf32, #tpu.memory_space<vmem>>
        %dma_start3A_2287 = arith.constant 0 : i32
        %dma_start3A_2288 = tpu.memref_slice %arg6[%add3A_1489, %dma_start3A_2287] : memref<256x100xi32, #tpu.memory_space<vmem>> -> memref<1x100xi32, #tpu.memory_space<vmem>>
        %dma_start3A_2289 = tpu.memref_squeeze %dma_start3A_2288 : memref<1x100xi32, #tpu.memory_space<vmem>> -> memref<100xi32, #tpu.memory_space<vmem>>
        %dma_start3A_2290 = arith.constant 0 : i32
        %dma_start3A_2291 = arith.constant 0 : i32
        %dma_start3A_2292 = tpu.memref_slice %arg4[%dma_start3A_2290, %dma_start3A_2291] : memref<100001x128xf32, #tpu.memory_space<hbm>> -> memref<100001x128xf32, #tpu.memory_space<hbm>>
        tpu.enqueue_indirect_dma source(%dma_start3A_2292 : memref<100001x128xf32, #tpu.memory_space<hbm>>) target(%dma_start3A_2286 : memref<100x128xf32, #tpu.memory_space<vmem>>) offsets(%dma_start3A_2289 : memref<100xi32, #tpu.memory_space<vmem>>) semaphore(%arg14 : memref<!tpu.dma_semaphore, #tpu.memory_space<semaphore_mem>>)
      } else {
      }
      %dma_wait3A_1495 = arith.constant 0 : i32
      %dma_wait3A_1496 = arith.constant 0 : i32
      %dma_wait3A_1497 = arith.constant 0 : i32
      %dma_wait3A_1498 = tpu.memref_slice %arg7[%dma_wait3A_1495, %dma_wait3A_1496, %dma_wait3A_1497] : memref<4x100x128xf32, #tpu.memory_space<vmem>> -> memref<1x100x128xf32, #tpu.memory_space<vmem>>
      %dma_wait3A_1499 = tpu.memref_squeeze %dma_wait3A_1498 : memref<1x100x128xf32, #tpu.memory_space<vmem>> -> memref<100x128xf32, #tpu.memory_space<vmem>>
      %dma_wait3A_1500 = arith.constant 0 : i32
      %dma_wait3A_1501 = tpu.memref_slice %arg6[%add3A_1487, %dma_wait3A_1500] : memref<256x100xi32, #tpu.memory_space<vmem>> -> memref<1x100xi32, #tpu.memory_space<vmem>>
      %dma_wait3A_1502 = tpu.memref_squeeze %dma_wait3A_1501 : memref<1x100xi32, #tpu.memory_space<vmem>> -> memref<100xi32, #tpu.memory_space<vmem>>
      %dma_wait3A_1503 = arith.constant 0 : i32
      %dma_wait3A_1504 = arith.constant 0 : i32
      %dma_wait3A_1505 = tpu.memref_slice %arg4[%dma_wait3A_1503, %dma_wait3A_1504] : memref<100001x128xf32, #tpu.memory_space<hbm>> -> memref<100001x128xf32, #tpu.memory_space<hbm>>
      tpu.wait_indirect_dma semaphore(%arg11 : memref<!tpu.dma_semaphore, #tpu.memory_space<semaphore_mem>>) src(%dma_wait3A_1505 : memref<100001x128xf32, #tpu.memory_space<hbm>>) dst(%dma_wait3A_1499 : memref<100x128xf32, #tpu.memory_space<vmem>>)
      %broadcast_in_dim3A_1506 = arith.constant 0.000000e+00 : f32
      %broadcast_in_dim3A_1507 = vector.broadcast %broadcast_in_dim3A_1506 : f32 to vector<16xf32>
      %broadcast_in_dim3A_1508 = arith.constant 0.000000e+00 : f32
      %broadcast_in_dim3A_1509 = vector.broadcast %broadcast_in_dim3A_1508 : f32 to vector<16xf32>
      %broadcast_in_dim3A_1510 = arith.constant 0.000000e+00 : f32
      %broadcast_in_dim3A_1511 = vector.broadcast %broadcast_in_dim3A_1510 : f32 to vector<16xf32>
      %broadcast_in_dim3A_1512 = arith.constant 0.000000e+00 : f32
      %broadcast_in_dim3A_1513 = vector.broadcast %broadcast_in_dim3A_1512 : f32 to vector<16xf32>
      %broadcast_in_dim3A_1514 = arith.constant 0.000000e+00 : f32
      %broadcast_in_dim3A_1515 = vector.broadcast %broadcast_in_dim3A_1514 : f32 to vector<16xf32>
      %broadcast_in_dim3A_1516 = arith.constant 0.000000e+00 : f32
      %broadcast_in_dim3A_1517 = vector.broadcast %broadcast_in_dim3A_1516 : f32 to vector<16xf32>
      %broadcast_in_dim3A_1518 = arith.constant 0.000000e+00 : f32
      %broadcast_in_dim3A_1519 = vector.broadcast %broadcast_in_dim3A_1518 : f32 to vector<16xf32>
      %broadcast_in_dim3A_1520 = arith.constant 0.000000e+00 : f32
      %broadcast_in_dim3A_1521 = vector.broadcast %broadcast_in_dim3A_1520 : f32 to vector<16xf32>
      %parallel_loop3A_1522 = arith.constant 0 : i32
      %parallel_loop3A_1523 = arith.constant 2 : i32
      %parallel_loop3A_1524 = arith.constant 1 : i32
      %parallel_loop3A_1525:8 = scf.for %parallel_loop3A_2282 = %parallel_loop3A_1522 to %parallel_loop3A_1523 step %parallel_loop3A_1524 iter_args(%parallel_loop3A_2283 = %broadcast_in_dim3A_1507, %parallel_loop3A_2284 = %broadcast_in_dim3A_1509, %parallel_loop3A_2285 = %broadcast_in_dim3A_1511, %parallel_loop3A_2286 = %broadcast_in_dim3A_1513, %parallel_loop3A_2287 = %broadcast_in_dim3A_1515, %parallel_loop3A_2288 = %broadcast_in_dim3A_1517, %parallel_loop3A_2289 = %broadcast_in_dim3A_1519, %parallel_loop3A_2290 = %broadcast_in_dim3A_1521) -> (vector<16xf32>, vector<16xf32>, vector<16xf32>, vector<16xf32>, vector<16xf32>, vector<16xf32>, vector<16xf32>, vector<16xf32>)  : i32 {
        %parallel_loop3A_2291 = arith.constant 0 : i32
        %parallel_loop3A_2292 = arith.index_cast %parallel_loop3A_2291 : i32 to index
        %parallel_loop3A_2293 = arith.index_cast %parallel_loop3A_2282 : i32 to index
        %parallel_loop3A_2294 = arith.constant 0 : index
        %parallel_loop3A_2295 = tpu.vector_load %arg7[%parallel_loop3A_2292, %parallel_loop3A_2293, %parallel_loop3A_2294] {strides = array<i32>} : memref<4x100x128xf32, #tpu.memory_space<vmem>>, vector<1x1x16xf32>,
        %parallel_loop3A_2296 = vector.shape_cast %parallel_loop3A_2295 : vector<1x1x16xf32> to vector<16xf32>
        %parallel_loop3A_2297 = arith.addf %parallel_loop3A_2283, %parallel_loop3A_2296 : vector<16xf32>
        %parallel_loop3A_2298 = arith.constant 0 : i32
        %parallel_loop3A_2299 = arith.index_cast %parallel_loop3A_2298 : i32 to index
        %parallel_loop3A_2300 = arith.index_cast %parallel_loop3A_2282 : i32 to index
        %parallel_loop3A_2301 = arith.constant 16 : index
        %parallel_loop3A_2302 = tpu.vector_load %arg7[%parallel_loop3A_2299, %parallel_loop3A_2300, %parallel_loop3A_2301] {strides = array<i32>} : memref<4x100x128xf32, #tpu.memory_space<vmem>>, vector<1x1x16xf32>,
        %parallel_loop3A_2303 = vector.shape_cast %parallel_loop3A_2302 : vector<1x1x16xf32> to vector<16xf32>
        %parallel_loop3A_2304 = arith.addf %parallel_loop3A_2284, %parallel_loop3A_2303 : vector<16xf32>
        %parallel_loop3A_2305 = arith.constant 0 : i32
        %parallel_loop3A_2306 = arith.index_cast %parallel_loop3A_2305 : i32 to index
        %parallel_loop3A_2307 = arith.index_cast %parallel_loop3A_2282 : i32 to index
        %parallel_loop3A_2308 = arith.constant 32 : index
        %parallel_loop3A_2309 = tpu.vector_load %arg7[%parallel_loop3A_2306, %parallel_loop3A_2307, %parallel_loop3A_2308] {strides = array<i32>} : memref<4x100x128xf32, #tpu.memory_space<vmem>>, vector<1x1x16xf32>,
        %parallel_loop3A_2310 = vector.shape_cast %parallel_loop3A_2309 : vector<1x1x16xf32> to vector<16xf32>
        %parallel_loop3A_2311 = arith.addf %parallel_loop3A_2285, %parallel_loop3A_2310 : vector<16xf32>
        %parallel_loop3A_2312 = arith.constant 0 : i32
        %parallel_loop3A_2313 = arith.index_cast %parallel_loop3A_2312 : i32 to index
        %parallel_loop3A_2314 = arith.index_cast %parallel_loop3A_2282 : i32 to index
        %parallel_loop3A_2315 = arith.constant 48 : index
        %parallel_loop3A_2316 = tpu.vector_load %arg7[%parallel_loop3A_2313, %parallel_loop3A_2314, %parallel_loop3A_2315] {strides = array<i32>} : memref<4x100x128xf32, #tpu.memory_space<vmem>>, vector<1x1x16xf32>,
        %parallel_loop3A_2317 = vector.shape_cast %parallel_loop3A_2316 : vector<1x1x16xf32> to vector<16xf32>
        %parallel_loop3A_2318 = arith.addf %parallel_loop3A_2286, %parallel_loop3A_2317 : vector<16xf32>
        %parallel_loop3A_2319 = arith.constant 0 : i32
        %parallel_loop3A_2320 = arith.index_cast %parallel_loop3A_2319 : i32 to index
        %parallel_loop3A_2321 = arith.index_cast %parallel_loop3A_2282 : i32 to index
        %parallel_loop3A_2322 = arith.constant 64 : index
        %parallel_loop3A_2323 = tpu.vector_load %arg7[%parallel_loop3A_2320, %parallel_loop3A_2321, %parallel_loop3A_2322] {strides = array<i32>} : memref<4x100x128xf32, #tpu.memory_space<vmem>>, vector<1x1x16xf32>,
        %parallel_loop3A_2324 = vector.shape_cast %parallel_loop3A_2323 : vector<1x1x16xf32> to vector<16xf32>
        %parallel_loop3A_2325 = arith.addf %parallel_loop3A_2287, %parallel_loop3A_2324 : vector<16xf32>
        %parallel_loop3A_2326 = arith.constant 0 : i32
        %parallel_loop3A_2327 = arith.index_cast %parallel_loop3A_2326 : i32 to index
        %parallel_loop3A_2328 = arith.index_cast %parallel_loop3A_2282 : i32 to index
        %parallel_loop3A_2329 = arith.constant 80 : index
        %parallel_loop3A_2330 = tpu.vector_load %arg7[%parallel_loop3A_2327, %parallel_loop3A_2328, %parallel_loop3A_2329] {strides = array<i32>} : memref<4x100x128xf32, #tpu.memory_space<vmem>>, vector<1x1x16xf32>,
        %parallel_loop3A_2331 = vector.shape_cast %parallel_loop3A_2330 : vector<1x1x16xf32> to vector<16xf32>
        %parallel_loop3A_2332 = arith.addf %parallel_loop3A_2288, %parallel_loop3A_2331 : vector<16xf32>
        %parallel_loop3A_2333 = arith.constant 0 : i32
        %parallel_loop3A_2334 = arith.index_cast %parallel_loop3A_2333 : i32 to index
        %parallel_loop3A_2335 = arith.index_cast %parallel_loop3A_2282 : i32 to index
        %parallel_loop3A_2336 = arith.constant 96 : index
        %parallel_loop3A_2337 = tpu.vector_load %arg7[%parallel_loop3A_2334, %parallel_loop3A_2335, %parallel_loop3A_2336] {strides = array<i32>} : memref<4x100x128xf32, #tpu.memory_space<vmem>>, vector<1x1x16xf32>,
        %parallel_loop3A_2338 = vector.shape_cast %parallel_loop3A_2337 : vector<1x1x16xf32> to vector<16xf32>
        %parallel_loop3A_2339 = arith.addf %parallel_loop3A_2289, %parallel_loop3A_2338 : vector<16xf32>
        %parallel_loop3A_2340 = arith.constant 0 : i32
        %parallel_loop3A_2341 = arith.index_cast %parallel_loop3A_2340 : i32 to index
        %parallel_loop3A_2342 = arith.index_cast %parallel_loop3A_2282 : i32 to index
        %parallel_loop3A_2343 = arith.constant 112 : index
        %parallel_loop3A_2344 = tpu.vector_load %arg7[%parallel_loop3A_2341, %parallel_loop3A_2342, %parallel_loop3A_2343] {strides = array<i32>} : memref<4x100x128xf32, #tpu.memory_space<vmem>>, vector<1x1x16xf32>,
        %parallel_loop3A_2345 = vector.shape_cast %parallel_loop3A_2344 : vector<1x1x16xf32> to vector<16xf32>
        %parallel_loop3A_2346 = arith.addf %parallel_loop3A_2290, %parallel_loop3A_2345 : vector<16xf32>
        scf.yield %parallel_loop3A_2297, %parallel_loop3A_2304, %parallel_loop3A_2311, %parallel_loop3A_2318, %parallel_loop3A_2325, %parallel_loop3A_2332, %parallel_loop3A_2339, %parallel_loop3A_2346 : vector<16xf32>, vector<16xf32>, vector<16xf32>, vector<16xf32>, vector<16xf32>, vector<16xf32>, vector<16xf32>, vector<16xf32>
      } {sc.loop_unroll_factor = 1 : i64, sc.parallel_access}
      %mul3A_1526 = arith.constant 32 : i32
      %mul3A_1527 = arith.muli %scan3A_154, %mul3A_1526 : i32
      %add3A_1528 = arith.constant 21 : i32
      %add3A_1529 = arith.addi %mul3A_1527, %add3A_1528 : i32
      %add3A_1530 = arith.constant 3 : i32
      %add3A_1531 = arith.addi %add3A_1529, %add3A_1530 : i32
      %lt3A_1532 = arith.constant 256 : i32
      %lt3A_1533 = arith.cmpi slt, %add3A_1531, %lt3A_1532 : i32
      %convert_element_type3A_1534 = arith.extui %lt3A_1533 : i1 to i32
      %cond3A_1535 = arith.constant 0 : i32
      %cond3A_1536 = arith.cmpi ne, %convert_element_type3A_1534, %cond3A_1535 : i32
      scf.if %cond3A_1536 {
        %dma_start3A_2282 = arith.constant 0 : i32
        %dma_start3A_2283 = arith.constant 0 : i32
        %dma_start3A_2284 = arith.constant 0 : i32
        %dma_start3A_2285 = tpu.memref_slice %arg7[%dma_start3A_2282, %dma_start3A_2283, %dma_start3A_2284] : memref<4x100x128xf32, #tpu.memory_space<vmem>> -> memref<1x100x128xf32, #tpu.memory_space<vmem>>
        %dma_start3A_2286 = tpu.memref_squeeze %dma_start3A_2285 : memref<1x100x128xf32, #tpu.memory_space<vmem>> -> memref<100x128xf32, #tpu.memory_space<vmem>>
        %dma_start3A_2287 = arith.constant 0 : i32
        %dma_start3A_2288 = tpu.memref_slice %arg6[%add3A_1531, %dma_start3A_2287] : memref<256x100xi32, #tpu.memory_space<vmem>> -> memref<1x100xi32, #tpu.memory_space<vmem>>
        %dma_start3A_2289 = tpu.memref_squeeze %dma_start3A_2288 : memref<1x100xi32, #tpu.memory_space<vmem>> -> memref<100xi32, #tpu.memory_space<vmem>>
        %dma_start3A_2290 = arith.constant 0 : i32
        %dma_start3A_2291 = arith.constant 0 : i32
        %dma_start3A_2292 = tpu.memref_slice %arg4[%dma_start3A_2290, %dma_start3A_2291] : memref<100001x128xf32, #tpu.memory_space<hbm>> -> memref<100001x128xf32, #tpu.memory_space<hbm>>
        tpu.enqueue_indirect_dma source(%dma_start3A_2292 : memref<100001x128xf32, #tpu.memory_space<hbm>>) target(%dma_start3A_2286 : memref<100x128xf32, #tpu.memory_space<vmem>>) offsets(%dma_start3A_2289 : memref<100xi32, #tpu.memory_space<vmem>>) semaphore(%arg11 : memref<!tpu.dma_semaphore, #tpu.memory_space<semaphore_mem>>)
      } else {
      }
      %dma_wait3A_1537 = arith.constant 1 : i32
      %dma_wait3A_1538 = arith.constant 0 : i32
      %dma_wait3A_1539 = arith.constant 0 : i32
      %dma_wait3A_1540 = tpu.memref_slice %arg7[%dma_wait3A_1537, %dma_wait3A_1538, %dma_wait3A_1539] : memref<4x100x128xf32, #tpu.memory_space<vmem>> -> memref<1x100x128xf32, #tpu.memory_space<vmem>>
      %dma_wait3A_1541 = tpu.memref_squeeze %dma_wait3A_1540 : memref<1x100x128xf32, #tpu.memory_space<vmem>> -> memref<100x128xf32, #tpu.memory_space<vmem>>
      %dma_wait3A_1542 = arith.constant 0 : i32
      %dma_wait3A_1543 = tpu.memref_slice %arg6[%add3A_1529, %dma_wait3A_1542] : memref<256x100xi32, #tpu.memory_space<vmem>> -> memref<1x100xi32, #tpu.memory_space<vmem>>
      %dma_wait3A_1544 = tpu.memref_squeeze %dma_wait3A_1543 : memref<1x100xi32, #tpu.memory_space<vmem>> -> memref<100xi32, #tpu.memory_space<vmem>>
      %dma_wait3A_1545 = arith.constant 0 : i32
      %dma_wait3A_1546 = arith.constant 0 : i32
      %dma_wait3A_1547 = tpu.memref_slice %arg4[%dma_wait3A_1545, %dma_wait3A_1546] : memref<100001x128xf32, #tpu.memory_space<hbm>> -> memref<100001x128xf32, #tpu.memory_space<hbm>>
      tpu.wait_indirect_dma semaphore(%arg12 : memref<!tpu.dma_semaphore, #tpu.memory_space<semaphore_mem>>) src(%dma_wait3A_1547 : memref<100001x128xf32, #tpu.memory_space<hbm>>) dst(%dma_wait3A_1541 : memref<100x128xf32, #tpu.memory_space<vmem>>)
      %parallel_loop3A_1548 = arith.constant 0 : i32
      %parallel_loop3A_1549 = arith.constant 2 : i32
      %parallel_loop3A_1550 = arith.constant 1 : i32
      %parallel_loop3A_1551:8 = scf.for %parallel_loop3A_2282 = %parallel_loop3A_1548 to %parallel_loop3A_1549 step %parallel_loop3A_1550 iter_args(%parallel_loop3A_2283 = %parallel_loop3A_1525#0, %parallel_loop3A_2284 = %parallel_loop3A_1525#1, %parallel_loop3A_2285 = %parallel_loop3A_1525#2, %parallel_loop3A_2286 = %parallel_loop3A_1525#3, %parallel_loop3A_2287 = %parallel_loop3A_1525#4, %parallel_loop3A_2288 = %parallel_loop3A_1525#5, %parallel_loop3A_2289 = %parallel_loop3A_1525#6, %parallel_loop3A_2290 = %parallel_loop3A_1525#7) -> (vector<16xf32>, vector<16xf32>, vector<16xf32>, vector<16xf32>, vector<16xf32>, vector<16xf32>, vector<16xf32>, vector<16xf32>)  : i32 {
        %parallel_loop3A_2291 = arith.constant 1 : i32
        %parallel_loop3A_2292 = arith.index_cast %parallel_loop3A_2291 : i32 to index
        %parallel_loop3A_2293 = arith.index_cast %parallel_loop3A_2282 : i32 to index
        %parallel_loop3A_2294 = arith.constant 0 : index
        %parallel_loop3A_2295 = tpu.vector_load %arg7[%parallel_loop3A_2292, %parallel_loop3A_2293, %parallel_loop3A_2294] {strides = array<i32>} : memref<4x100x128xf32, #tpu.memory_space<vmem>>, vector<1x1x16xf32>,
        %parallel_loop3A_2296 = vector.shape_cast %parallel_loop3A_2295 : vector<1x1x16xf32> to vector<16xf32>
        %parallel_loop3A_2297 = arith.addf %parallel_loop3A_2283, %parallel_loop3A_2296 : vector<16xf32>
        %parallel_loop3A_2298 = arith.constant 1 : i32
        %parallel_loop3A_2299 = arith.index_cast %parallel_loop3A_2298 : i32 to index
        %parallel_loop3A_2300 = arith.index_cast %parallel_loop3A_2282 : i32 to index
        %parallel_loop3A_2301 = arith.constant 16 : index
        %parallel_loop3A_2302 = tpu.vector_load %arg7[%parallel_loop3A_2299, %parallel_loop3A_2300, %parallel_loop3A_2301] {strides = array<i32>} : memref<4x100x128xf32, #tpu.memory_space<vmem>>, vector<1x1x16xf32>,
        %parallel_loop3A_2303 = vector.shape_cast %parallel_loop3A_2302 : vector<1x1x16xf32> to vector<16xf32>
        %parallel_loop3A_2304 = arith.addf %parallel_loop3A_2284, %parallel_loop3A_2303 : vector<16xf32>
        %parallel_loop3A_2305 = arith.constant 1 : i32
        %parallel_loop3A_2306 = arith.index_cast %parallel_loop3A_2305 : i32 to index
        %parallel_loop3A_2307 = arith.index_cast %parallel_loop3A_2282 : i32 to index
        %parallel_loop3A_2308 = arith.constant 32 : index
        %parallel_loop3A_2309 = tpu.vector_load %arg7[%parallel_loop3A_2306, %parallel_loop3A_2307, %parallel_loop3A_2308] {strides = array<i32>} : memref<4x100x128xf32, #tpu.memory_space<vmem>>, vector<1x1x16xf32>,
        %parallel_loop3A_2310 = vector.shape_cast %parallel_loop3A_2309 : vector<1x1x16xf32> to vector<16xf32>
        %parallel_loop3A_2311 = arith.addf %parallel_loop3A_2285, %parallel_loop3A_2310 : vector<16xf32>
        %parallel_loop3A_2312 = arith.constant 1 : i32
        %parallel_loop3A_2313 = arith.index_cast %parallel_loop3A_2312 : i32 to index
        %parallel_loop3A_2314 = arith.index_cast %parallel_loop3A_2282 : i32 to index
        %parallel_loop3A_2315 = arith.constant 48 : index
        %parallel_loop3A_2316 = tpu.vector_load %arg7[%parallel_loop3A_2313, %parallel_loop3A_2314, %parallel_loop3A_2315] {strides = array<i32>} : memref<4x100x128xf32, #tpu.memory_space<vmem>>, vector<1x1x16xf32>,
        %parallel_loop3A_2317 = vector.shape_cast %parallel_loop3A_2316 : vector<1x1x16xf32> to vector<16xf32>
        %parallel_loop3A_2318 = arith.addf %parallel_loop3A_2286, %parallel_loop3A_2317 : vector<16xf32>
        %parallel_loop3A_2319 = arith.constant 1 : i32
        %parallel_loop3A_2320 = arith.index_cast %parallel_loop3A_2319 : i32 to index
        %parallel_loop3A_2321 = arith.index_cast %parallel_loop3A_2282 : i32 to index
        %parallel_loop3A_2322 = arith.constant 64 : index
        %parallel_loop3A_2323 = tpu.vector_load %arg7[%parallel_loop3A_2320, %parallel_loop3A_2321, %parallel_loop3A_2322] {strides = array<i32>} : memref<4x100x128xf32, #tpu.memory_space<vmem>>, vector<1x1x16xf32>,
        %parallel_loop3A_2324 = vector.shape_cast %parallel_loop3A_2323 : vector<1x1x16xf32> to vector<16xf32>
        %parallel_loop3A_2325 = arith.addf %parallel_loop3A_2287, %parallel_loop3A_2324 : vector<16xf32>
        %parallel_loop3A_2326 = arith.constant 1 : i32
        %parallel_loop3A_2327 = arith.index_cast %parallel_loop3A_2326 : i32 to index
        %parallel_loop3A_2328 = arith.index_cast %parallel_loop3A_2282 : i32 to index
        %parallel_loop3A_2329 = arith.constant 80 : index
        %parallel_loop3A_2330 = tpu.vector_load %arg7[%parallel_loop3A_2327, %parallel_loop3A_2328, %parallel_loop3A_2329] {strides = array<i32>} : memref<4x100x128xf32, #tpu.memory_space<vmem>>, vector<1x1x16xf32>,
        %parallel_loop3A_2331 = vector.shape_cast %parallel_loop3A_2330 : vector<1x1x16xf32> to vector<16xf32>
        %parallel_loop3A_2332 = arith.addf %parallel_loop3A_2288, %parallel_loop3A_2331 : vector<16xf32>
        %parallel_loop3A_2333 = arith.constant 1 : i32
        %parallel_loop3A_2334 = arith.index_cast %parallel_loop3A_2333 : i32 to index
        %parallel_loop3A_2335 = arith.index_cast %parallel_loop3A_2282 : i32 to index
        %parallel_loop3A_2336 = arith.constant 96 : index
        %parallel_loop3A_2337 = tpu.vector_load %arg7[%parallel_loop3A_2334, %parallel_loop3A_2335, %parallel_loop3A_2336] {strides = array<i32>} : memref<4x100x128xf32, #tpu.memory_space<vmem>>, vector<1x1x16xf32>,
        %parallel_loop3A_2338 = vector.shape_cast %parallel_loop3A_2337 : vector<1x1x16xf32> to vector<16xf32>
        %parallel_loop3A_2339 = arith.addf %parallel_loop3A_2289, %parallel_loop3A_2338 : vector<16xf32>
        %parallel_loop3A_2340 = arith.constant 1 : i32
        %parallel_loop3A_2341 = arith.index_cast %parallel_loop3A_2340 : i32 to index
        %parallel_loop3A_2342 = arith.index_cast %parallel_loop3A_2282 : i32 to index
        %parallel_loop3A_2343 = arith.constant 112 : index
        %parallel_loop3A_2344 = tpu.vector_load %arg7[%parallel_loop3A_2341, %parallel_loop3A_2342, %parallel_loop3A_2343] {strides = array<i32>} : memref<4x100x128xf32, #tpu.memory_space<vmem>>, vector<1x1x16xf32>,
        %parallel_loop3A_2345 = vector.shape_cast %parallel_loop3A_2344 : vector<1x1x16xf32> to vector<16xf32>
        %parallel_loop3A_2346 = arith.addf %parallel_loop3A_2290, %parallel_loop3A_2345 : vector<16xf32>
        scf.yield %parallel_loop3A_2297, %parallel_loop3A_2304, %parallel_loop3A_2311, %parallel_loop3A_2318, %parallel_loop3A_2325, %parallel_loop3A_2332, %parallel_loop3A_2339, %parallel_loop3A_2346 : vector<16xf32>, vector<16xf32>, vector<16xf32>, vector<16xf32>, vector<16xf32>, vector<16xf32>, vector<16xf32>, vector<16xf32>
      } {sc.loop_unroll_factor = 1 : i64, sc.parallel_access}
      %mul3A_1552 = arith.constant 16 : i32
      %mul3A_1553 = arith.muli %scan3A_154, %mul3A_1552 : i32
      %add3A_1554 = arith.constant 10 : i32
      %add3A_1555 = arith.addi %mul3A_1553, %add3A_1554 : i32
      %slice3A_1556 = vector.extract_strided_slice %get3A_159 {offsets = [10], sizes = [1], strides = [1]} : vector<16xf32> to vector<1xf32>
      %broadcast_in_dim3A_1557 = vector.shape_cast %slice3A_1556 : vector<1xf32> to vector<1xf32>
      %broadcast_in_dim3A_1558 = vector.broadcast %broadcast_in_dim3A_1557 : vector<1xf32> to vector<16xf32>
      %mul3A_1559 = arith.constant 128 : i32
      %mul3A_1560 = arith.muli %add3A_1555, %mul3A_1559 : i32
      %mul3A_1561 = arith.mulf %parallel_loop3A_1551#0, %broadcast_in_dim3A_1558 : vector<16xf32>
      %add3A_1562 = arith.constant 0 : i32
      %add3A_1563 = arith.addi %mul3A_1560, %add3A_1562 : i32
      %swap3A_1564 = arith.index_cast %add3A_1563 : i32 to index
      %swap3A_1565 = tpu.vector_load %arg8[%swap3A_1564] {strides = array<i32>} : memref<16384xf32, #tpu.memory_space<vmem>>, vector<16xf32>,
      %swap3A_1566 = vector.shape_cast %swap3A_1565 : vector<16xf32> to vector<16xf32>
      %swap3A_1567 = vector.shape_cast %mul3A_1561 : vector<16xf32> to vector<16xf32>
      tpu.vector_store %arg8[%swap3A_1564], %swap3A_1567 {strides = array<i32>} : memref<16384xf32, #tpu.memory_space<vmem>>, vector<16xf32>,
      %mul3A_1568 = arith.mulf %parallel_loop3A_1551#1, %broadcast_in_dim3A_1558 : vector<16xf32>
      %add3A_1569 = arith.constant 16 : i32
      %add3A_1570 = arith.addi %mul3A_1560, %add3A_1569 : i32
      %swap3A_1571 = arith.index_cast %add3A_1570 : i32 to index
      %swap3A_1572 = tpu.vector_load %arg8[%swap3A_1571] {strides = array<i32>} : memref<16384xf32, #tpu.memory_space<vmem>>, vector<16xf32>,
      %swap3A_1573 = vector.shape_cast %swap3A_1572 : vector<16xf32> to vector<16xf32>
      %swap3A_1574 = vector.shape_cast %mul3A_1568 : vector<16xf32> to vector<16xf32>
      tpu.vector_store %arg8[%swap3A_1571], %swap3A_1574 {strides = array<i32>} : memref<16384xf32, #tpu.memory_space<vmem>>, vector<16xf32>,
      %mul3A_1575 = arith.mulf %parallel_loop3A_1551#2, %broadcast_in_dim3A_1558 : vector<16xf32>
      %add3A_1576 = arith.constant 32 : i32
      %add3A_1577 = arith.addi %mul3A_1560, %add3A_1576 : i32
      %swap3A_1578 = arith.index_cast %add3A_1577 : i32 to index
      %swap3A_1579 = tpu.vector_load %arg8[%swap3A_1578] {strides = array<i32>} : memref<16384xf32, #tpu.memory_space<vmem>>, vector<16xf32>,
      %swap3A_1580 = vector.shape_cast %swap3A_1579 : vector<16xf32> to vector<16xf32>
      %swap3A_1581 = vector.shape_cast %mul3A_1575 : vector<16xf32> to vector<16xf32>
      tpu.vector_store %arg8[%swap3A_1578], %swap3A_1581 {strides = array<i32>} : memref<16384xf32, #tpu.memory_space<vmem>>, vector<16xf32>,
      %mul3A_1582 = arith.mulf %parallel_loop3A_1551#3, %broadcast_in_dim3A_1558 : vector<16xf32>
      %add3A_1583 = arith.constant 48 : i32
      %add3A_1584 = arith.addi %mul3A_1560, %add3A_1583 : i32
      %swap3A_1585 = arith.index_cast %add3A_1584 : i32 to index
      %swap3A_1586 = tpu.vector_load %arg8[%swap3A_1585] {strides = array<i32>} : memref<16384xf32, #tpu.memory_space<vmem>>, vector<16xf32>,
      %swap3A_1587 = vector.shape_cast %swap3A_1586 : vector<16xf32> to vector<16xf32>
      %swap3A_1588 = vector.shape_cast %mul3A_1582 : vector<16xf32> to vector<16xf32>
      tpu.vector_store %arg8[%swap3A_1585], %swap3A_1588 {strides = array<i32>} : memref<16384xf32, #tpu.memory_space<vmem>>, vector<16xf32>,
      %mul3A_1589 = arith.mulf %parallel_loop3A_1551#4, %broadcast_in_dim3A_1558 : vector<16xf32>
      %add3A_1590 = arith.constant 64 : i32
      %add3A_1591 = arith.addi %mul3A_1560, %add3A_1590 : i32
      %swap3A_1592 = arith.index_cast %add3A_1591 : i32 to index
      %swap3A_1593 = tpu.vector_load %arg8[%swap3A_1592] {strides = array<i32>} : memref<16384xf32, #tpu.memory_space<vmem>>, vector<16xf32>,
      %swap3A_1594 = vector.shape_cast %swap3A_1593 : vector<16xf32> to vector<16xf32>
      %swap3A_1595 = vector.shape_cast %mul3A_1589 : vector<16xf32> to vector<16xf32>
      tpu.vector_store %arg8[%swap3A_1592], %swap3A_1595 {strides = array<i32>} : memref<16384xf32, #tpu.memory_space<vmem>>, vector<16xf32>,
      %mul3A_1596 = arith.mulf %parallel_loop3A_1551#5, %broadcast_in_dim3A_1558 : vector<16xf32>
      %add3A_1597 = arith.constant 80 : i32
      %add3A_1598 = arith.addi %mul3A_1560, %add3A_1597 : i32
      %swap3A_1599 = arith.index_cast %add3A_1598 : i32 to index
      %swap3A_1600 = tpu.vector_load %arg8[%swap3A_1599] {strides = array<i32>} : memref<16384xf32, #tpu.memory_space<vmem>>, vector<16xf32>,
      %swap3A_1601 = vector.shape_cast %swap3A_1600 : vector<16xf32> to vector<16xf32>
      %swap3A_1602 = vector.shape_cast %mul3A_1596 : vector<16xf32> to vector<16xf32>
      tpu.vector_store %arg8[%swap3A_1599], %swap3A_1602 {strides = array<i32>} : memref<16384xf32, #tpu.memory_space<vmem>>, vector<16xf32>,
      %mul3A_1603 = arith.mulf %parallel_loop3A_1551#6, %broadcast_in_dim3A_1558 : vector<16xf32>
      %add3A_1604 = arith.constant 96 : i32
      %add3A_1605 = arith.addi %mul3A_1560, %add3A_1604 : i32
      %swap3A_1606 = arith.index_cast %add3A_1605 : i32 to index
      %swap3A_1607 = tpu.vector_load %arg8[%swap3A_1606] {strides = array<i32>} : memref<16384xf32, #tpu.memory_space<vmem>>, vector<16xf32>,
      %swap3A_1608 = vector.shape_cast %swap3A_1607 : vector<16xf32> to vector<16xf32>
      %swap3A_1609 = vector.shape_cast %mul3A_1603 : vector<16xf32> to vector<16xf32>
      tpu.vector_store %arg8[%swap3A_1606], %swap3A_1609 {strides = array<i32>} : memref<16384xf32, #tpu.memory_space<vmem>>, vector<16xf32>,
      %mul3A_1610 = arith.mulf %parallel_loop3A_1551#7, %broadcast_in_dim3A_1558 : vector<16xf32>
      %add3A_1611 = arith.constant 112 : i32
      %add3A_1612 = arith.addi %mul3A_1560, %add3A_1611 : i32
      %swap3A_1613 = arith.index_cast %add3A_1612 : i32 to index
      %swap3A_1614 = tpu.vector_load %arg8[%swap3A_1613] {strides = array<i32>} : memref<16384xf32, #tpu.memory_space<vmem>>, vector<16xf32>,
      %swap3A_1615 = vector.shape_cast %swap3A_1614 : vector<16xf32> to vector<16xf32>
      %swap3A_1616 = vector.shape_cast %mul3A_1610 : vector<16xf32> to vector<16xf32>
      tpu.vector_store %arg8[%swap3A_1613], %swap3A_1616 {strides = array<i32>} : memref<16384xf32, #tpu.memory_space<vmem>>, vector<16xf32>,
      %mul3A_1617 = arith.constant 32 : i32
      %mul3A_1618 = arith.muli %scan3A_154, %mul3A_1617 : i32
      %add3A_1619 = arith.constant 22 : i32
      %add3A_1620 = arith.addi %mul3A_1618, %add3A_1619 : i32
      %add3A_1621 = arith.constant 3 : i32
      %add3A_1622 = arith.addi %add3A_1620, %add3A_1621 : i32
      %lt3A_1623 = arith.constant 256 : i32
      %lt3A_1624 = arith.cmpi slt, %add3A_1622, %lt3A_1623 : i32
      %convert_element_type3A_1625 = arith.extui %lt3A_1624 : i1 to i32
      %cond3A_1626 = arith.constant 0 : i32
      %cond3A_1627 = arith.cmpi ne, %convert_element_type3A_1625, %cond3A_1626 : i32
      scf.if %cond3A_1627 {
        %dma_start3A_2282 = arith.constant 1 : i32
        %dma_start3A_2283 = arith.constant 0 : i32
        %dma_start3A_2284 = arith.constant 0 : i32
        %dma_start3A_2285 = tpu.memref_slice %arg7[%dma_start3A_2282, %dma_start3A_2283, %dma_start3A_2284] : memref<4x100x128xf32, #tpu.memory_space<vmem>> -> memref<1x100x128xf32, #tpu.memory_space<vmem>>
        %dma_start3A_2286 = tpu.memref_squeeze %dma_start3A_2285 : memref<1x100x128xf32, #tpu.memory_space<vmem>> -> memref<100x128xf32, #tpu.memory_space<vmem>>
        %dma_start3A_2287 = arith.constant 0 : i32
        %dma_start3A_2288 = tpu.memref_slice %arg6[%add3A_1622, %dma_start3A_2287] : memref<256x100xi32, #tpu.memory_space<vmem>> -> memref<1x100xi32, #tpu.memory_space<vmem>>
        %dma_start3A_2289 = tpu.memref_squeeze %dma_start3A_2288 : memref<1x100xi32, #tpu.memory_space<vmem>> -> memref<100xi32, #tpu.memory_space<vmem>>
        %dma_start3A_2290 = arith.constant 0 : i32
        %dma_start3A_2291 = arith.constant 0 : i32
        %dma_start3A_2292 = tpu.memref_slice %arg4[%dma_start3A_2290, %dma_start3A_2291] : memref<100001x128xf32, #tpu.memory_space<hbm>> -> memref<100001x128xf32, #tpu.memory_space<hbm>>
        tpu.enqueue_indirect_dma source(%dma_start3A_2292 : memref<100001x128xf32, #tpu.memory_space<hbm>>) target(%dma_start3A_2286 : memref<100x128xf32, #tpu.memory_space<vmem>>) offsets(%dma_start3A_2289 : memref<100xi32, #tpu.memory_space<vmem>>) semaphore(%arg12 : memref<!tpu.dma_semaphore, #tpu.memory_space<semaphore_mem>>)
      } else {
      }
      %dma_wait3A_1628 = arith.constant 2 : i32
      %dma_wait3A_1629 = arith.constant 0 : i32
      %dma_wait3A_1630 = arith.constant 0 : i32
      %dma_wait3A_1631 = tpu.memref_slice %arg7[%dma_wait3A_1628, %dma_wait3A_1629, %dma_wait3A_1630] : memref<4x100x128xf32, #tpu.memory_space<vmem>> -> memref<1x100x128xf32, #tpu.memory_space<vmem>>
      %dma_wait3A_1632 = tpu.memref_squeeze %dma_wait3A_1631 : memref<1x100x128xf32, #tpu.memory_space<vmem>> -> memref<100x128xf32, #tpu.memory_space<vmem>>
      %dma_wait3A_1633 = arith.constant 0 : i32
      %dma_wait3A_1634 = tpu.memref_slice %arg6[%add3A_1620, %dma_wait3A_1633] : memref<256x100xi32, #tpu.memory_space<vmem>> -> memref<1x100xi32, #tpu.memory_space<vmem>>
      %dma_wait3A_1635 = tpu.memref_squeeze %dma_wait3A_1634 : memref<1x100xi32, #tpu.memory_space<vmem>> -> memref<100xi32, #tpu.memory_space<vmem>>
      %dma_wait3A_1636 = arith.constant 0 : i32
      %dma_wait3A_1637 = arith.constant 0 : i32
      %dma_wait3A_1638 = tpu.memref_slice %arg4[%dma_wait3A_1636, %dma_wait3A_1637] : memref<100001x128xf32, #tpu.memory_space<hbm>> -> memref<100001x128xf32, #tpu.memory_space<hbm>>
      tpu.wait_indirect_dma semaphore(%arg13 : memref<!tpu.dma_semaphore, #tpu.memory_space<semaphore_mem>>) src(%dma_wait3A_1638 : memref<100001x128xf32, #tpu.memory_space<hbm>>) dst(%dma_wait3A_1632 : memref<100x128xf32, #tpu.memory_space<vmem>>)
      %broadcast_in_dim3A_1639 = arith.constant 0.000000e+00 : f32
      %broadcast_in_dim3A_1640 = vector.broadcast %broadcast_in_dim3A_1639 : f32 to vector<16xf32>
      %broadcast_in_dim3A_1641 = arith.constant 0.000000e+00 : f32
      %broadcast_in_dim3A_1642 = vector.broadcast %broadcast_in_dim3A_1641 : f32 to vector<16xf32>
      %broadcast_in_dim3A_1643 = arith.constant 0.000000e+00 : f32
      %broadcast_in_dim3A_1644 = vector.broadcast %broadcast_in_dim3A_1643 : f32 to vector<16xf32>
      %broadcast_in_dim3A_1645 = arith.constant 0.000000e+00 : f32
      %broadcast_in_dim3A_1646 = vector.broadcast %broadcast_in_dim3A_1645 : f32 to vector<16xf32>
      %broadcast_in_dim3A_1647 = arith.constant 0.000000e+00 : f32
      %broadcast_in_dim3A_1648 = vector.broadcast %broadcast_in_dim3A_1647 : f32 to vector<16xf32>
      %broadcast_in_dim3A_1649 = arith.constant 0.000000e+00 : f32
      %broadcast_in_dim3A_1650 = vector.broadcast %broadcast_in_dim3A_1649 : f32 to vector<16xf32>
      %broadcast_in_dim3A_1651 = arith.constant 0.000000e+00 : f32
      %broadcast_in_dim3A_1652 = vector.broadcast %broadcast_in_dim3A_1651 : f32 to vector<16xf32>
      %broadcast_in_dim3A_1653 = arith.constant 0.000000e+00 : f32
      %broadcast_in_dim3A_1654 = vector.broadcast %broadcast_in_dim3A_1653 : f32 to vector<16xf32>
      %parallel_loop3A_1655 = arith.constant 0 : i32
      %parallel_loop3A_1656 = arith.constant 2 : i32
      %parallel_loop3A_1657 = arith.constant 1 : i32
      %parallel_loop3A_1658:8 = scf.for %parallel_loop3A_2282 = %parallel_loop3A_1655 to %parallel_loop3A_1656 step %parallel_loop3A_1657 iter_args(%parallel_loop3A_2283 = %broadcast_in_dim3A_1640, %parallel_loop3A_2284 = %broadcast_in_dim3A_1642, %parallel_loop3A_2285 = %broadcast_in_dim3A_1644, %parallel_loop3A_2286 = %broadcast_in_dim3A_1646, %parallel_loop3A_2287 = %broadcast_in_dim3A_1648, %parallel_loop3A_2288 = %broadcast_in_dim3A_1650, %parallel_loop3A_2289 = %broadcast_in_dim3A_1652, %parallel_loop3A_2290 = %broadcast_in_dim3A_1654) -> (vector<16xf32>, vector<16xf32>, vector<16xf32>, vector<16xf32>, vector<16xf32>, vector<16xf32>, vector<16xf32>, vector<16xf32>)  : i32 {
        %parallel_loop3A_2291 = arith.constant 2 : i32
        %parallel_loop3A_2292 = arith.index_cast %parallel_loop3A_2291 : i32 to index
        %parallel_loop3A_2293 = arith.index_cast %parallel_loop3A_2282 : i32 to index
        %parallel_loop3A_2294 = arith.constant 0 : index
        %parallel_loop3A_2295 = tpu.vector_load %arg7[%parallel_loop3A_2292, %parallel_loop3A_2293, %parallel_loop3A_2294] {strides = array<i32>} : memref<4x100x128xf32, #tpu.memory_space<vmem>>, vector<1x1x16xf32>,
        %parallel_loop3A_2296 = vector.shape_cast %parallel_loop3A_2295 : vector<1x1x16xf32> to vector<16xf32>
        %parallel_loop3A_2297 = arith.addf %parallel_loop3A_2283, %parallel_loop3A_2296 : vector<16xf32>
        %parallel_loop3A_2298 = arith.constant 2 : i32
        %parallel_loop3A_2299 = arith.index_cast %parallel_loop3A_2298 : i32 to index
        %parallel_loop3A_2300 = arith.index_cast %parallel_loop3A_2282 : i32 to index
        %parallel_loop3A_2301 = arith.constant 16 : index
        %parallel_loop3A_2302 = tpu.vector_load %arg7[%parallel_loop3A_2299, %parallel_loop3A_2300, %parallel_loop3A_2301] {strides = array<i32>} : memref<4x100x128xf32, #tpu.memory_space<vmem>>, vector<1x1x16xf32>,
        %parallel_loop3A_2303 = vector.shape_cast %parallel_loop3A_2302 : vector<1x1x16xf32> to vector<16xf32>
        %parallel_loop3A_2304 = arith.addf %parallel_loop3A_2284, %parallel_loop3A_2303 : vector<16xf32>
        %parallel_loop3A_2305 = arith.constant 2 : i32
        %parallel_loop3A_2306 = arith.index_cast %parallel_loop3A_2305 : i32 to index
        %parallel_loop3A_2307 = arith.index_cast %parallel_loop3A_2282 : i32 to index
        %parallel_loop3A_2308 = arith.constant 32 : index
        %parallel_loop3A_2309 = tpu.vector_load %arg7[%parallel_loop3A_2306, %parallel_loop3A_2307, %parallel_loop3A_2308] {strides = array<i32>} : memref<4x100x128xf32, #tpu.memory_space<vmem>>, vector<1x1x16xf32>,
        %parallel_loop3A_2310 = vector.shape_cast %parallel_loop3A_2309 : vector<1x1x16xf32> to vector<16xf32>
        %parallel_loop3A_2311 = arith.addf %parallel_loop3A_2285, %parallel_loop3A_2310 : vector<16xf32>
        %parallel_loop3A_2312 = arith.constant 2 : i32
        %parallel_loop3A_2313 = arith.index_cast %parallel_loop3A_2312 : i32 to index
        %parallel_loop3A_2314 = arith.index_cast %parallel_loop3A_2282 : i32 to index
        %parallel_loop3A_2315 = arith.constant 48 : index
        %parallel_loop3A_2316 = tpu.vector_load %arg7[%parallel_loop3A_2313, %parallel_loop3A_2314, %parallel_loop3A_2315] {strides = array<i32>} : memref<4x100x128xf32, #tpu.memory_space<vmem>>, vector<1x1x16xf32>,
        %parallel_loop3A_2317 = vector.shape_cast %parallel_loop3A_2316 : vector<1x1x16xf32> to vector<16xf32>
        %parallel_loop3A_2318 = arith.addf %parallel_loop3A_2286, %parallel_loop3A_2317 : vector<16xf32>
        %parallel_loop3A_2319 = arith.constant 2 : i32
        %parallel_loop3A_2320 = arith.index_cast %parallel_loop3A_2319 : i32 to index
        %parallel_loop3A_2321 = arith.index_cast %parallel_loop3A_2282 : i32 to index
        %parallel_loop3A_2322 = arith.constant 64 : index
        %parallel_loop3A_2323 = tpu.vector_load %arg7[%parallel_loop3A_2320, %parallel_loop3A_2321, %parallel_loop3A_2322] {strides = array<i32>} : memref<4x100x128xf32, #tpu.memory_space<vmem>>, vector<1x1x16xf32>,
        %parallel_loop3A_2324 = vector.shape_cast %parallel_loop3A_2323 : vector<1x1x16xf32> to vector<16xf32>
        %parallel_loop3A_2325 = arith.addf %parallel_loop3A_2287, %parallel_loop3A_2324 : vector<16xf32>
        %parallel_loop3A_2326 = arith.constant 2 : i32
        %parallel_loop3A_2327 = arith.index_cast %parallel_loop3A_2326 : i32 to index
        %parallel_loop3A_2328 = arith.index_cast %parallel_loop3A_2282 : i32 to index
        %parallel_loop3A_2329 = arith.constant 80 : index
        %parallel_loop3A_2330 = tpu.vector_load %arg7[%parallel_loop3A_2327, %parallel_loop3A_2328, %parallel_loop3A_2329] {strides = array<i32>} : memref<4x100x128xf32, #tpu.memory_space<vmem>>, vector<1x1x16xf32>,
        %parallel_loop3A_2331 = vector.shape_cast %parallel_loop3A_2330 : vector<1x1x16xf32> to vector<16xf32>
        %parallel_loop3A_2332 = arith.addf %parallel_loop3A_2288, %parallel_loop3A_2331 : vector<16xf32>
        %parallel_loop3A_2333 = arith.constant 2 : i32
        %parallel_loop3A_2334 = arith.index_cast %parallel_loop3A_2333 : i32 to index
        %parallel_loop3A_2335 = arith.index_cast %parallel_loop3A_2282 : i32 to index
        %parallel_loop3A_2336 = arith.constant 96 : index
        %parallel_loop3A_2337 = tpu.vector_load %arg7[%parallel_loop3A_2334, %parallel_loop3A_2335, %parallel_loop3A_2336] {strides = array<i32>} : memref<4x100x128xf32, #tpu.memory_space<vmem>>, vector<1x1x16xf32>,
        %parallel_loop3A_2338 = vector.shape_cast %parallel_loop3A_2337 : vector<1x1x16xf32> to vector<16xf32>
        %parallel_loop3A_2339 = arith.addf %parallel_loop3A_2289, %parallel_loop3A_2338 : vector<16xf32>
        %parallel_loop3A_2340 = arith.constant 2 : i32
        %parallel_loop3A_2341 = arith.index_cast %parallel_loop3A_2340 : i32 to index
        %parallel_loop3A_2342 = arith.index_cast %parallel_loop3A_2282 : i32 to index
        %parallel_loop3A_2343 = arith.constant 112 : index
        %parallel_loop3A_2344 = tpu.vector_load %arg7[%parallel_loop3A_2341, %parallel_loop3A_2342, %parallel_loop3A_2343] {strides = array<i32>} : memref<4x100x128xf32, #tpu.memory_space<vmem>>, vector<1x1x16xf32>,
        %parallel_loop3A_2345 = vector.shape_cast %parallel_loop3A_2344 : vector<1x1x16xf32> to vector<16xf32>
        %parallel_loop3A_2346 = arith.addf %parallel_loop3A_2290, %parallel_loop3A_2345 : vector<16xf32>
        scf.yield %parallel_loop3A_2297, %parallel_loop3A_2304, %parallel_loop3A_2311, %parallel_loop3A_2318, %parallel_loop3A_2325, %parallel_loop3A_2332, %parallel_loop3A_2339, %parallel_loop3A_2346 : vector<16xf32>, vector<16xf32>, vector<16xf32>, vector<16xf32>, vector<16xf32>, vector<16xf32>, vector<16xf32>, vector<16xf32>
      } {sc.loop_unroll_factor = 1 : i64, sc.parallel_access}
      %mul3A_1659 = arith.constant 32 : i32
      %mul3A_1660 = arith.muli %scan3A_154, %mul3A_1659 : i32
      %add3A_1661 = arith.constant 23 : i32
      %add3A_1662 = arith.addi %mul3A_1660, %add3A_1661 : i32
      %add3A_1663 = arith.constant 3 : i32
      %add3A_1664 = arith.addi %add3A_1662, %add3A_1663 : i32
      %lt3A_1665 = arith.constant 256 : i32
      %lt3A_1666 = arith.cmpi slt, %add3A_1664, %lt3A_1665 : i32
      %convert_element_type3A_1667 = arith.extui %lt3A_1666 : i1 to i32
      %cond3A_1668 = arith.constant 0 : i32
      %cond3A_1669 = arith.cmpi ne, %convert_element_type3A_1667, %cond3A_1668 : i32
      scf.if %cond3A_1669 {
        %dma_start3A_2282 = arith.constant 2 : i32
        %dma_start3A_2283 = arith.constant 0 : i32
        %dma_start3A_2284 = arith.constant 0 : i32
        %dma_start3A_2285 = tpu.memref_slice %arg7[%dma_start3A_2282, %dma_start3A_2283, %dma_start3A_2284] : memref<4x100x128xf32, #tpu.memory_space<vmem>> -> memref<1x100x128xf32, #tpu.memory_space<vmem>>
        %dma_start3A_2286 = tpu.memref_squeeze %dma_start3A_2285 : memref<1x100x128xf32, #tpu.memory_space<vmem>> -> memref<100x128xf32, #tpu.memory_space<vmem>>
        %dma_start3A_2287 = arith.constant 0 : i32
        %dma_start3A_2288 = tpu.memref_slice %arg6[%add3A_1664, %dma_start3A_2287] : memref<256x100xi32, #tpu.memory_space<vmem>> -> memref<1x100xi32, #tpu.memory_space<vmem>>
        %dma_start3A_2289 = tpu.memref_squeeze %dma_start3A_2288 : memref<1x100xi32, #tpu.memory_space<vmem>> -> memref<100xi32, #tpu.memory_space<vmem>>
        %dma_start3A_2290 = arith.constant 0 : i32
        %dma_start3A_2291 = arith.constant 0 : i32
        %dma_start3A_2292 = tpu.memref_slice %arg4[%dma_start3A_2290, %dma_start3A_2291] : memref<100001x128xf32, #tpu.memory_space<hbm>> -> memref<100001x128xf32, #tpu.memory_space<hbm>>
        tpu.enqueue_indirect_dma source(%dma_start3A_2292 : memref<100001x128xf32, #tpu.memory_space<hbm>>) target(%dma_start3A_2286 : memref<100x128xf32, #tpu.memory_space<vmem>>) offsets(%dma_start3A_2289 : memref<100xi32, #tpu.memory_space<vmem>>) semaphore(%arg13 : memref<!tpu.dma_semaphore, #tpu.memory_space<semaphore_mem>>)
      } else {
      }
      %dma_wait3A_1670 = arith.constant 3 : i32
      %dma_wait3A_1671 = arith.constant 0 : i32
      %dma_wait3A_1672 = arith.constant 0 : i32
      %dma_wait3A_1673 = tpu.memref_slice %arg7[%dma_wait3A_1670, %dma_wait3A_1671, %dma_wait3A_1672] : memref<4x100x128xf32, #tpu.memory_space<vmem>> -> memref<1x100x128xf32, #tpu.memory_space<vmem>>
      %dma_wait3A_1674 = tpu.memref_squeeze %dma_wait3A_1673 : memref<1x100x128xf32, #tpu.memory_space<vmem>> -> memref<100x128xf32, #tpu.memory_space<vmem>>
      %dma_wait3A_1675 = arith.constant 0 : i32
      %dma_wait3A_1676 = tpu.memref_slice %arg6[%add3A_1662, %dma_wait3A_1675] : memref<256x100xi32, #tpu.memory_space<vmem>> -> memref<1x100xi32, #tpu.memory_space<vmem>>
      %dma_wait3A_1677 = tpu.memref_squeeze %dma_wait3A_1676 : memref<1x100xi32, #tpu.memory_space<vmem>> -> memref<100xi32, #tpu.memory_space<vmem>>
      %dma_wait3A_1678 = arith.constant 0 : i32
      %dma_wait3A_1679 = arith.constant 0 : i32
      %dma_wait3A_1680 = tpu.memref_slice %arg4[%dma_wait3A_1678, %dma_wait3A_1679] : memref<100001x128xf32, #tpu.memory_space<hbm>> -> memref<100001x128xf32, #tpu.memory_space<hbm>>
      tpu.wait_indirect_dma semaphore(%arg14 : memref<!tpu.dma_semaphore, #tpu.memory_space<semaphore_mem>>) src(%dma_wait3A_1680 : memref<100001x128xf32, #tpu.memory_space<hbm>>) dst(%dma_wait3A_1674 : memref<100x128xf32, #tpu.memory_space<vmem>>)
      %parallel_loop3A_1681 = arith.constant 0 : i32
      %parallel_loop3A_1682 = arith.constant 2 : i32
      %parallel_loop3A_1683 = arith.constant 1 : i32
      %parallel_loop3A_1684:8 = scf.for %parallel_loop3A_2282 = %parallel_loop3A_1681 to %parallel_loop3A_1682 step %parallel_loop3A_1683 iter_args(%parallel_loop3A_2283 = %parallel_loop3A_1658#0, %parallel_loop3A_2284 = %parallel_loop3A_1658#1, %parallel_loop3A_2285 = %parallel_loop3A_1658#2, %parallel_loop3A_2286 = %parallel_loop3A_1658#3, %parallel_loop3A_2287 = %parallel_loop3A_1658#4, %parallel_loop3A_2288 = %parallel_loop3A_1658#5, %parallel_loop3A_2289 = %parallel_loop3A_1658#6, %parallel_loop3A_2290 = %parallel_loop3A_1658#7) -> (vector<16xf32>, vector<16xf32>, vector<16xf32>, vector<16xf32>, vector<16xf32>, vector<16xf32>, vector<16xf32>, vector<16xf32>)  : i32 {
        %parallel_loop3A_2291 = arith.constant 3 : i32
        %parallel_loop3A_2292 = arith.index_cast %parallel_loop3A_2291 : i32 to index
        %parallel_loop3A_2293 = arith.index_cast %parallel_loop3A_2282 : i32 to index
        %parallel_loop3A_2294 = arith.constant 0 : index
        %parallel_loop3A_2295 = tpu.vector_load %arg7[%parallel_loop3A_2292, %parallel_loop3A_2293, %parallel_loop3A_2294] {strides = array<i32>} : memref<4x100x128xf32, #tpu.memory_space<vmem>>, vector<1x1x16xf32>,
        %parallel_loop3A_2296 = vector.shape_cast %parallel_loop3A_2295 : vector<1x1x16xf32> to vector<16xf32>
        %parallel_loop3A_2297 = arith.addf %parallel_loop3A_2283, %parallel_loop3A_2296 : vector<16xf32>
        %parallel_loop3A_2298 = arith.constant 3 : i32
        %parallel_loop3A_2299 = arith.index_cast %parallel_loop3A_2298 : i32 to index
        %parallel_loop3A_2300 = arith.index_cast %parallel_loop3A_2282 : i32 to index
        %parallel_loop3A_2301 = arith.constant 16 : index
        %parallel_loop3A_2302 = tpu.vector_load %arg7[%parallel_loop3A_2299, %parallel_loop3A_2300, %parallel_loop3A_2301] {strides = array<i32>} : memref<4x100x128xf32, #tpu.memory_space<vmem>>, vector<1x1x16xf32>,
        %parallel_loop3A_2303 = vector.shape_cast %parallel_loop3A_2302 : vector<1x1x16xf32> to vector<16xf32>
        %parallel_loop3A_2304 = arith.addf %parallel_loop3A_2284, %parallel_loop3A_2303 : vector<16xf32>
        %parallel_loop3A_2305 = arith.constant 3 : i32
        %parallel_loop3A_2306 = arith.index_cast %parallel_loop3A_2305 : i32 to index
        %parallel_loop3A_2307 = arith.index_cast %parallel_loop3A_2282 : i32 to index
        %parallel_loop3A_2308 = arith.constant 32 : index
        %parallel_loop3A_2309 = tpu.vector_load %arg7[%parallel_loop3A_2306, %parallel_loop3A_2307, %parallel_loop3A_2308] {strides = array<i32>} : memref<4x100x128xf32, #tpu.memory_space<vmem>>, vector<1x1x16xf32>,
        %parallel_loop3A_2310 = vector.shape_cast %parallel_loop3A_2309 : vector<1x1x16xf32> to vector<16xf32>
        %parallel_loop3A_2311 = arith.addf %parallel_loop3A_2285, %parallel_loop3A_2310 : vector<16xf32>
        %parallel_loop3A_2312 = arith.constant 3 : i32
        %parallel_loop3A_2313 = arith.index_cast %parallel_loop3A_2312 : i32 to index
        %parallel_loop3A_2314 = arith.index_cast %parallel_loop3A_2282 : i32 to index
        %parallel_loop3A_2315 = arith.constant 48 : index
        %parallel_loop3A_2316 = tpu.vector_load %arg7[%parallel_loop3A_2313, %parallel_loop3A_2314, %parallel_loop3A_2315] {strides = array<i32>} : memref<4x100x128xf32, #tpu.memory_space<vmem>>, vector<1x1x16xf32>,
        %parallel_loop3A_2317 = vector.shape_cast %parallel_loop3A_2316 : vector<1x1x16xf32> to vector<16xf32>
        %parallel_loop3A_2318 = arith.addf %parallel_loop3A_2286, %parallel_loop3A_2317 : vector<16xf32>
        %parallel_loop3A_2319 = arith.constant 3 : i32
        %parallel_loop3A_2320 = arith.index_cast %parallel_loop3A_2319 : i32 to index
        %parallel_loop3A_2321 = arith.index_cast %parallel_loop3A_2282 : i32 to index
        %parallel_loop3A_2322 = arith.constant 64 : index
        %parallel_loop3A_2323 = tpu.vector_load %arg7[%parallel_loop3A_2320, %parallel_loop3A_2321, %parallel_loop3A_2322] {strides = array<i32>} : memref<4x100x128xf32, #tpu.memory_space<vmem>>, vector<1x1x16xf32>,
        %parallel_loop3A_2324 = vector.shape_cast %parallel_loop3A_2323 : vector<1x1x16xf32> to vector<16xf32>
        %parallel_loop3A_2325 = arith.addf %parallel_loop3A_2287, %parallel_loop3A_2324 : vector<16xf32>
        %parallel_loop3A_2326 = arith.constant 3 : i32
        %parallel_loop3A_2327 = arith.index_cast %parallel_loop3A_2326 : i32 to index
        %parallel_loop3A_2328 = arith.index_cast %parallel_loop3A_2282 : i32 to index
        %parallel_loop3A_2329 = arith.constant 80 : index
        %parallel_loop3A_2330 = tpu.vector_load %arg7[%parallel_loop3A_2327, %parallel_loop3A_2328, %parallel_loop3A_2329] {strides = array<i32>} : memref<4x100x128xf32, #tpu.memory_space<vmem>>, vector<1x1x16xf32>,
        %parallel_loop3A_2331 = vector.shape_cast %parallel_loop3A_2330 : vector<1x1x16xf32> to vector<16xf32>
        %parallel_loop3A_2332 = arith.addf %parallel_loop3A_2288, %parallel_loop3A_2331 : vector<16xf32>
        %parallel_loop3A_2333 = arith.constant 3 : i32
        %parallel_loop3A_2334 = arith.index_cast %parallel_loop3A_2333 : i32 to index
        %parallel_loop3A_2335 = arith.index_cast %parallel_loop3A_2282 : i32 to index
        %parallel_loop3A_2336 = arith.constant 96 : index
        %parallel_loop3A_2337 = tpu.vector_load %arg7[%parallel_loop3A_2334, %parallel_loop3A_2335, %parallel_loop3A_2336] {strides = array<i32>} : memref<4x100x128xf32, #tpu.memory_space<vmem>>, vector<1x1x16xf32>,
        %parallel_loop3A_2338 = vector.shape_cast %parallel_loop3A_2337 : vector<1x1x16xf32> to vector<16xf32>
        %parallel_loop3A_2339 = arith.addf %parallel_loop3A_2289, %parallel_loop3A_2338 : vector<16xf32>
        %parallel_loop3A_2340 = arith.constant 3 : i32
        %parallel_loop3A_2341 = arith.index_cast %parallel_loop3A_2340 : i32 to index
        %parallel_loop3A_2342 = arith.index_cast %parallel_loop3A_2282 : i32 to index
        %parallel_loop3A_2343 = arith.constant 112 : index
        %parallel_loop3A_2344 = tpu.vector_load %arg7[%parallel_loop3A_2341, %parallel_loop3A_2342, %parallel_loop3A_2343] {strides = array<i32>} : memref<4x100x128xf32, #tpu.memory_space<vmem>>, vector<1x1x16xf32>,
        %parallel_loop3A_2345 = vector.shape_cast %parallel_loop3A_2344 : vector<1x1x16xf32> to vector<16xf32>
        %parallel_loop3A_2346 = arith.addf %parallel_loop3A_2290, %parallel_loop3A_2345 : vector<16xf32>
        scf.yield %parallel_loop3A_2297, %parallel_loop3A_2304, %parallel_loop3A_2311, %parallel_loop3A_2318, %parallel_loop3A_2325, %parallel_loop3A_2332, %parallel_loop3A_2339, %parallel_loop3A_2346 : vector<16xf32>, vector<16xf32>, vector<16xf32>, vector<16xf32>, vector<16xf32>, vector<16xf32>, vector<16xf32>, vector<16xf32>
      } {sc.loop_unroll_factor = 1 : i64, sc.parallel_access}
      %mul3A_1685 = arith.constant 16 : i32
      %mul3A_1686 = arith.muli %scan3A_154, %mul3A_1685 : i32
      %add3A_1687 = arith.constant 11 : i32
      %add3A_1688 = arith.addi %mul3A_1686, %add3A_1687 : i32
      %slice3A_1689 = vector.extract_strided_slice %get3A_159 {offsets = [11], sizes = [1], strides = [1]} : vector<16xf32> to vector<1xf32>
      %broadcast_in_dim3A_1690 = vector.shape_cast %slice3A_1689 : vector<1xf32> to vector<1xf32>
      %broadcast_in_dim3A_1691 = vector.broadcast %broadcast_in_dim3A_1690 : vector<1xf32> to vector<16xf32>
      %mul3A_1692 = arith.constant 128 : i32
      %mul3A_1693 = arith.muli %add3A_1688, %mul3A_1692 : i32
      %mul3A_1694 = arith.mulf %parallel_loop3A_1684#0, %broadcast_in_dim3A_1691 : vector<16xf32>
      %add3A_1695 = arith.constant 0 : i32
      %add3A_1696 = arith.addi %mul3A_1693, %add3A_1695 : i32
      %swap3A_1697 = arith.index_cast %add3A_1696 : i32 to index
      %swap3A_1698 = tpu.vector_load %arg8[%swap3A_1697] {strides = array<i32>} : memref<16384xf32, #tpu.memory_space<vmem>>, vector<16xf32>,
      %swap3A_1699 = vector.shape_cast %swap3A_1698 : vector<16xf32> to vector<16xf32>
      %swap3A_1700 = vector.shape_cast %mul3A_1694 : vector<16xf32> to vector<16xf32>
      tpu.vector_store %arg8[%swap3A_1697], %swap3A_1700 {strides = array<i32>} : memref<16384xf32, #tpu.memory_space<vmem>>, vector<16xf32>,
      %mul3A_1701 = arith.mulf %parallel_loop3A_1684#1, %broadcast_in_dim3A_1691 : vector<16xf32>
      %add3A_1702 = arith.constant 16 : i32
      %add3A_1703 = arith.addi %mul3A_1693, %add3A_1702 : i32
      %swap3A_1704 = arith.index_cast %add3A_1703 : i32 to index
      %swap3A_1705 = tpu.vector_load %arg8[%swap3A_1704] {strides = array<i32>} : memref<16384xf32, #tpu.memory_space<vmem>>, vector<16xf32>,
      %swap3A_1706 = vector.shape_cast %swap3A_1705 : vector<16xf32> to vector<16xf32>
      %swap3A_1707 = vector.shape_cast %mul3A_1701 : vector<16xf32> to vector<16xf32>
      tpu.vector_store %arg8[%swap3A_1704], %swap3A_1707 {strides = array<i32>} : memref<16384xf32, #tpu.memory_space<vmem>>, vector<16xf32>,
      %mul3A_1708 = arith.mulf %parallel_loop3A_1684#2, %broadcast_in_dim3A_1691 : vector<16xf32>
      %add3A_1709 = arith.constant 32 : i32
      %add3A_1710 = arith.addi %mul3A_1693, %add3A_1709 : i32
      %swap3A_1711 = arith.index_cast %add3A_1710 : i32 to index
      %swap3A_1712 = tpu.vector_load %arg8[%swap3A_1711] {strides = array<i32>} : memref<16384xf32, #tpu.memory_space<vmem>>, vector<16xf32>,
      %swap3A_1713 = vector.shape_cast %swap3A_1712 : vector<16xf32> to vector<16xf32>
      %swap3A_1714 = vector.shape_cast %mul3A_1708 : vector<16xf32> to vector<16xf32>
      tpu.vector_store %arg8[%swap3A_1711], %swap3A_1714 {strides = array<i32>} : memref<16384xf32, #tpu.memory_space<vmem>>, vector<16xf32>,
      %mul3A_1715 = arith.mulf %parallel_loop3A_1684#3, %broadcast_in_dim3A_1691 : vector<16xf32>
      %add3A_1716 = arith.constant 48 : i32
      %add3A_1717 = arith.addi %mul3A_1693, %add3A_1716 : i32
      %swap3A_1718 = arith.index_cast %add3A_1717 : i32 to index
      %swap3A_1719 = tpu.vector_load %arg8[%swap3A_1718] {strides = array<i32>} : memref<16384xf32, #tpu.memory_space<vmem>>, vector<16xf32>,
      %swap3A_1720 = vector.shape_cast %swap3A_1719 : vector<16xf32> to vector<16xf32>
      %swap3A_1721 = vector.shape_cast %mul3A_1715 : vector<16xf32> to vector<16xf32>
      tpu.vector_store %arg8[%swap3A_1718], %swap3A_1721 {strides = array<i32>} : memref<16384xf32, #tpu.memory_space<vmem>>, vector<16xf32>,
      %mul3A_1722 = arith.mulf %parallel_loop3A_1684#4, %broadcast_in_dim3A_1691 : vector<16xf32>
      %add3A_1723 = arith.constant 64 : i32
      %add3A_1724 = arith.addi %mul3A_1693, %add3A_1723 : i32
      %swap3A_1725 = arith.index_cast %add3A_1724 : i32 to index
      %swap3A_1726 = tpu.vector_load %arg8[%swap3A_1725] {strides = array<i32>} : memref<16384xf32, #tpu.memory_space<vmem>>, vector<16xf32>,
      %swap3A_1727 = vector.shape_cast %swap3A_1726 : vector<16xf32> to vector<16xf32>
      %swap3A_1728 = vector.shape_cast %mul3A_1722 : vector<16xf32> to vector<16xf32>
      tpu.vector_store %arg8[%swap3A_1725], %swap3A_1728 {strides = array<i32>} : memref<16384xf32, #tpu.memory_space<vmem>>, vector<16xf32>,
      %mul3A_1729 = arith.mulf %parallel_loop3A_1684#5, %broadcast_in_dim3A_1691 : vector<16xf32>
      %add3A_1730 = arith.constant 80 : i32
      %add3A_1731 = arith.addi %mul3A_1693, %add3A_1730 : i32
      %swap3A_1732 = arith.index_cast %add3A_1731 : i32 to index
      %swap3A_1733 = tpu.vector_load %arg8[%swap3A_1732] {strides = array<i32>} : memref<16384xf32, #tpu.memory_space<vmem>>, vector<16xf32>,
      %swap3A_1734 = vector.shape_cast %swap3A_1733 : vector<16xf32> to vector<16xf32>
      %swap3A_1735 = vector.shape_cast %mul3A_1729 : vector<16xf32> to vector<16xf32>
      tpu.vector_store %arg8[%swap3A_1732], %swap3A_1735 {strides = array<i32>} : memref<16384xf32, #tpu.memory_space<vmem>>, vector<16xf32>,
      %mul3A_1736 = arith.mulf %parallel_loop3A_1684#6, %broadcast_in_dim3A_1691 : vector<16xf32>
      %add3A_1737 = arith.constant 96 : i32
      %add3A_1738 = arith.addi %mul3A_1693, %add3A_1737 : i32
      %swap3A_1739 = arith.index_cast %add3A_1738 : i32 to index
      %swap3A_1740 = tpu.vector_load %arg8[%swap3A_1739] {strides = array<i32>} : memref<16384xf32, #tpu.memory_space<vmem>>, vector<16xf32>,
      %swap3A_1741 = vector.shape_cast %swap3A_1740 : vector<16xf32> to vector<16xf32>
      %swap3A_1742 = vector.shape_cast %mul3A_1736 : vector<16xf32> to vector<16xf32>
      tpu.vector_store %arg8[%swap3A_1739], %swap3A_1742 {strides = array<i32>} : memref<16384xf32, #tpu.memory_space<vmem>>, vector<16xf32>,
      %mul3A_1743 = arith.mulf %parallel_loop3A_1684#7, %broadcast_in_dim3A_1691 : vector<16xf32>
      %add3A_1744 = arith.constant 112 : i32
      %add3A_1745 = arith.addi %mul3A_1693, %add3A_1744 : i32
      %swap3A_1746 = arith.index_cast %add3A_1745 : i32 to index
      %swap3A_1747 = tpu.vector_load %arg8[%swap3A_1746] {strides = array<i32>} : memref<16384xf32, #tpu.memory_space<vmem>>, vector<16xf32>,
      %swap3A_1748 = vector.shape_cast %swap3A_1747 : vector<16xf32> to vector<16xf32>
      %swap3A_1749 = vector.shape_cast %mul3A_1743 : vector<16xf32> to vector<16xf32>
      tpu.vector_store %arg8[%swap3A_1746], %swap3A_1749 {strides = array<i32>} : memref<16384xf32, #tpu.memory_space<vmem>>, vector<16xf32>,
      %mul3A_1750 = arith.constant 32 : i32
      %mul3A_1751 = arith.muli %scan3A_154, %mul3A_1750 : i32
      %add3A_1752 = arith.constant 24 : i32
      %add3A_1753 = arith.addi %mul3A_1751, %add3A_1752 : i32
      %add3A_1754 = arith.constant 3 : i32
      %add3A_1755 = arith.addi %add3A_1753, %add3A_1754 : i32
      %lt3A_1756 = arith.constant 256 : i32
      %lt3A_1757 = arith.cmpi slt, %add3A_1755, %lt3A_1756 : i32
      %convert_element_type3A_1758 = arith.extui %lt3A_1757 : i1 to i32
      %cond3A_1759 = arith.constant 0 : i32
      %cond3A_1760 = arith.cmpi ne, %convert_element_type3A_1758, %cond3A_1759 : i32
      scf.if %cond3A_1760 {
        %dma_start3A_2282 = arith.constant 3 : i32
        %dma_start3A_2283 = arith.constant 0 : i32
        %dma_start3A_2284 = arith.constant 0 : i32
        %dma_start3A_2285 = tpu.memref_slice %arg7[%dma_start3A_2282, %dma_start3A_2283, %dma_start3A_2284] : memref<4x100x128xf32, #tpu.memory_space<vmem>> -> memref<1x100x128xf32, #tpu.memory_space<vmem>>
        %dma_start3A_2286 = tpu.memref_squeeze %dma_start3A_2285 : memref<1x100x128xf32, #tpu.memory_space<vmem>> -> memref<100x128xf32, #tpu.memory_space<vmem>>
        %dma_start3A_2287 = arith.constant 0 : i32
        %dma_start3A_2288 = tpu.memref_slice %arg6[%add3A_1755, %dma_start3A_2287] : memref<256x100xi32, #tpu.memory_space<vmem>> -> memref<1x100xi32, #tpu.memory_space<vmem>>
        %dma_start3A_2289 = tpu.memref_squeeze %dma_start3A_2288 : memref<1x100xi32, #tpu.memory_space<vmem>> -> memref<100xi32, #tpu.memory_space<vmem>>
        %dma_start3A_2290 = arith.constant 0 : i32
        %dma_start3A_2291 = arith.constant 0 : i32
        %dma_start3A_2292 = tpu.memref_slice %arg4[%dma_start3A_2290, %dma_start3A_2291] : memref<100001x128xf32, #tpu.memory_space<hbm>> -> memref<100001x128xf32, #tpu.memory_space<hbm>>
        tpu.enqueue_indirect_dma source(%dma_start3A_2292 : memref<100001x128xf32, #tpu.memory_space<hbm>>) target(%dma_start3A_2286 : memref<100x128xf32, #tpu.memory_space<vmem>>) offsets(%dma_start3A_2289 : memref<100xi32, #tpu.memory_space<vmem>>) semaphore(%arg14 : memref<!tpu.dma_semaphore, #tpu.memory_space<semaphore_mem>>)
      } else {
      }
      %dma_wait3A_1761 = arith.constant 0 : i32
      %dma_wait3A_1762 = arith.constant 0 : i32
      %dma_wait3A_1763 = arith.constant 0 : i32
      %dma_wait3A_1764 = tpu.memref_slice %arg7[%dma_wait3A_1761, %dma_wait3A_1762, %dma_wait3A_1763] : memref<4x100x128xf32, #tpu.memory_space<vmem>> -> memref<1x100x128xf32, #tpu.memory_space<vmem>>
      %dma_wait3A_1765 = tpu.memref_squeeze %dma_wait3A_1764 : memref<1x100x128xf32, #tpu.memory_space<vmem>> -> memref<100x128xf32, #tpu.memory_space<vmem>>
      %dma_wait3A_1766 = arith.constant 0 : i32
      %dma_wait3A_1767 = tpu.memref_slice %arg6[%add3A_1753, %dma_wait3A_1766] : memref<256x100xi32, #tpu.memory_space<vmem>> -> memref<1x100xi32, #tpu.memory_space<vmem>>
      %dma_wait3A_1768 = tpu.memref_squeeze %dma_wait3A_1767 : memref<1x100xi32, #tpu.memory_space<vmem>> -> memref<100xi32, #tpu.memory_space<vmem>>
      %dma_wait3A_1769 = arith.constant 0 : i32
      %dma_wait3A_1770 = arith.constant 0 : i32
      %dma_wait3A_1771 = tpu.memref_slice %arg4[%dma_wait3A_1769, %dma_wait3A_1770] : memref<100001x128xf32, #tpu.memory_space<hbm>> -> memref<100001x128xf32, #tpu.memory_space<hbm>>
      tpu.wait_indirect_dma semaphore(%arg11 : memref<!tpu.dma_semaphore, #tpu.memory_space<semaphore_mem>>) src(%dma_wait3A_1771 : memref<100001x128xf32, #tpu.memory_space<hbm>>) dst(%dma_wait3A_1765 : memref<100x128xf32, #tpu.memory_space<vmem>>)
      %broadcast_in_dim3A_1772 = arith.constant 0.000000e+00 : f32
      %broadcast_in_dim3A_1773 = vector.broadcast %broadcast_in_dim3A_1772 : f32 to vector<16xf32>
      %broadcast_in_dim3A_1774 = arith.constant 0.000000e+00 : f32
      %broadcast_in_dim3A_1775 = vector.broadcast %broadcast_in_dim3A_1774 : f32 to vector<16xf32>
      %broadcast_in_dim3A_1776 = arith.constant 0.000000e+00 : f32
      %broadcast_in_dim3A_1777 = vector.broadcast %broadcast_in_dim3A_1776 : f32 to vector<16xf32>
      %broadcast_in_dim3A_1778 = arith.constant 0.000000e+00 : f32
      %broadcast_in_dim3A_1779 = vector.broadcast %broadcast_in_dim3A_1778 : f32 to vector<16xf32>
      %broadcast_in_dim3A_1780 = arith.constant 0.000000e+00 : f32
      %broadcast_in_dim3A_1781 = vector.broadcast %broadcast_in_dim3A_1780 : f32 to vector<16xf32>
      %broadcast_in_dim3A_1782 = arith.constant 0.000000e+00 : f32
      %broadcast_in_dim3A_1783 = vector.broadcast %broadcast_in_dim3A_1782 : f32 to vector<16xf32>
      %broadcast_in_dim3A_1784 = arith.constant 0.000000e+00 : f32
      %broadcast_in_dim3A_1785 = vector.broadcast %broadcast_in_dim3A_1784 : f32 to vector<16xf32>
      %broadcast_in_dim3A_1786 = arith.constant 0.000000e+00 : f32
      %broadcast_in_dim3A_1787 = vector.broadcast %broadcast_in_dim3A_1786 : f32 to vector<16xf32>
      %parallel_loop3A_1788 = arith.constant 0 : i32
      %parallel_loop3A_1789 = arith.constant 2 : i32
      %parallel_loop3A_1790 = arith.constant 1 : i32
      %parallel_loop3A_1791:8 = scf.for %parallel_loop3A_2282 = %parallel_loop3A_1788 to %parallel_loop3A_1789 step %parallel_loop3A_1790 iter_args(%parallel_loop3A_2283 = %broadcast_in_dim3A_1773, %parallel_loop3A_2284 = %broadcast_in_dim3A_1775, %parallel_loop3A_2285 = %broadcast_in_dim3A_1777, %parallel_loop3A_2286 = %broadcast_in_dim3A_1779, %parallel_loop3A_2287 = %broadcast_in_dim3A_1781, %parallel_loop3A_2288 = %broadcast_in_dim3A_1783, %parallel_loop3A_2289 = %broadcast_in_dim3A_1785, %parallel_loop3A_2290 = %broadcast_in_dim3A_1787) -> (vector<16xf32>, vector<16xf32>, vector<16xf32>, vector<16xf32>, vector<16xf32>, vector<16xf32>, vector<16xf32>, vector<16xf32>)  : i32 {
        %parallel_loop3A_2291 = arith.constant 0 : i32
        %parallel_loop3A_2292 = arith.index_cast %parallel_loop3A_2291 : i32 to index
        %parallel_loop3A_2293 = arith.index_cast %parallel_loop3A_2282 : i32 to index
        %parallel_loop3A_2294 = arith.constant 0 : index
        %parallel_loop3A_2295 = tpu.vector_load %arg7[%parallel_loop3A_2292, %parallel_loop3A_2293, %parallel_loop3A_2294] {strides = array<i32>} : memref<4x100x128xf32, #tpu.memory_space<vmem>>, vector<1x1x16xf32>,
        %parallel_loop3A_2296 = vector.shape_cast %parallel_loop3A_2295 : vector<1x1x16xf32> to vector<16xf32>
        %parallel_loop3A_2297 = arith.addf %parallel_loop3A_2283, %parallel_loop3A_2296 : vector<16xf32>
        %parallel_loop3A_2298 = arith.constant 0 : i32
        %parallel_loop3A_2299 = arith.index_cast %parallel_loop3A_2298 : i32 to index
        %parallel_loop3A_2300 = arith.index_cast %parallel_loop3A_2282 : i32 to index
        %parallel_loop3A_2301 = arith.constant 16 : index
        %parallel_loop3A_2302 = tpu.vector_load %arg7[%parallel_loop3A_2299, %parallel_loop3A_2300, %parallel_loop3A_2301] {strides = array<i32>} : memref<4x100x128xf32, #tpu.memory_space<vmem>>, vector<1x1x16xf32>,
        %parallel_loop3A_2303 = vector.shape_cast %parallel_loop3A_2302 : vector<1x1x16xf32> to vector<16xf32>
        %parallel_loop3A_2304 = arith.addf %parallel_loop3A_2284, %parallel_loop3A_2303 : vector<16xf32>
        %parallel_loop3A_2305 = arith.constant 0 : i32
        %parallel_loop3A_2306 = arith.index_cast %parallel_loop3A_2305 : i32 to index
        %parallel_loop3A_2307 = arith.index_cast %parallel_loop3A_2282 : i32 to index
        %parallel_loop3A_2308 = arith.constant 32 : index
        %parallel_loop3A_2309 = tpu.vector_load %arg7[%parallel_loop3A_2306, %parallel_loop3A_2307, %parallel_loop3A_2308] {strides = array<i32>} : memref<4x100x128xf32, #tpu.memory_space<vmem>>, vector<1x1x16xf32>,
        %parallel_loop3A_2310 = vector.shape_cast %parallel_loop3A_2309 : vector<1x1x16xf32> to vector<16xf32>
        %parallel_loop3A_2311 = arith.addf %parallel_loop3A_2285, %parallel_loop3A_2310 : vector<16xf32>
        %parallel_loop3A_2312 = arith.constant 0 : i32
        %parallel_loop3A_2313 = arith.index_cast %parallel_loop3A_2312 : i32 to index
        %parallel_loop3A_2314 = arith.index_cast %parallel_loop3A_2282 : i32 to index
        %parallel_loop3A_2315 = arith.constant 48 : index
        %parallel_loop3A_2316 = tpu.vector_load %arg7[%parallel_loop3A_2313, %parallel_loop3A_2314, %parallel_loop3A_2315] {strides = array<i32>} : memref<4x100x128xf32, #tpu.memory_space<vmem>>, vector<1x1x16xf32>,
        %parallel_loop3A_2317 = vector.shape_cast %parallel_loop3A_2316 : vector<1x1x16xf32> to vector<16xf32>
        %parallel_loop3A_2318 = arith.addf %parallel_loop3A_2286, %parallel_loop3A_2317 : vector<16xf32>
        %parallel_loop3A_2319 = arith.constant 0 : i32
        %parallel_loop3A_2320 = arith.index_cast %parallel_loop3A_2319 : i32 to index
        %parallel_loop3A_2321 = arith.index_cast %parallel_loop3A_2282 : i32 to index
        %parallel_loop3A_2322 = arith.constant 64 : index
        %parallel_loop3A_2323 = tpu.vector_load %arg7[%parallel_loop3A_2320, %parallel_loop3A_2321, %parallel_loop3A_2322] {strides = array<i32>} : memref<4x100x128xf32, #tpu.memory_space<vmem>>, vector<1x1x16xf32>,
        %parallel_loop3A_2324 = vector.shape_cast %parallel_loop3A_2323 : vector<1x1x16xf32> to vector<16xf32>
        %parallel_loop3A_2325 = arith.addf %parallel_loop3A_2287, %parallel_loop3A_2324 : vector<16xf32>
        %parallel_loop3A_2326 = arith.constant 0 : i32
        %parallel_loop3A_2327 = arith.index_cast %parallel_loop3A_2326 : i32 to index
        %parallel_loop3A_2328 = arith.index_cast %parallel_loop3A_2282 : i32 to index
        %parallel_loop3A_2329 = arith.constant 80 : index
        %parallel_loop3A_2330 = tpu.vector_load %arg7[%parallel_loop3A_2327, %parallel_loop3A_2328, %parallel_loop3A_2329] {strides = array<i32>} : memref<4x100x128xf32, #tpu.memory_space<vmem>>, vector<1x1x16xf32>,
        %parallel_loop3A_2331 = vector.shape_cast %parallel_loop3A_2330 : vector<1x1x16xf32> to vector<16xf32>
        %parallel_loop3A_2332 = arith.addf %parallel_loop3A_2288, %parallel_loop3A_2331 : vector<16xf32>
        %parallel_loop3A_2333 = arith.constant 0 : i32
        %parallel_loop3A_2334 = arith.index_cast %parallel_loop3A_2333 : i32 to index
        %parallel_loop3A_2335 = arith.index_cast %parallel_loop3A_2282 : i32 to index
        %parallel_loop3A_2336 = arith.constant 96 : index
        %parallel_loop3A_2337 = tpu.vector_load %arg7[%parallel_loop3A_2334, %parallel_loop3A_2335, %parallel_loop3A_2336] {strides = array<i32>} : memref<4x100x128xf32, #tpu.memory_space<vmem>>, vector<1x1x16xf32>,
        %parallel_loop3A_2338 = vector.shape_cast %parallel_loop3A_2337 : vector<1x1x16xf32> to vector<16xf32>
        %parallel_loop3A_2339 = arith.addf %parallel_loop3A_2289, %parallel_loop3A_2338 : vector<16xf32>
        %parallel_loop3A_2340 = arith.constant 0 : i32
        %parallel_loop3A_2341 = arith.index_cast %parallel_loop3A_2340 : i32 to index
        %parallel_loop3A_2342 = arith.index_cast %parallel_loop3A_2282 : i32 to index
        %parallel_loop3A_2343 = arith.constant 112 : index
        %parallel_loop3A_2344 = tpu.vector_load %arg7[%parallel_loop3A_2341, %parallel_loop3A_2342, %parallel_loop3A_2343] {strides = array<i32>} : memref<4x100x128xf32, #tpu.memory_space<vmem>>, vector<1x1x16xf32>,
        %parallel_loop3A_2345 = vector.shape_cast %parallel_loop3A_2344 : vector<1x1x16xf32> to vector<16xf32>
        %parallel_loop3A_2346 = arith.addf %parallel_loop3A_2290, %parallel_loop3A_2345 : vector<16xf32>
        scf.yield %parallel_loop3A_2297, %parallel_loop3A_2304, %parallel_loop3A_2311, %parallel_loop3A_2318, %parallel_loop3A_2325, %parallel_loop3A_2332, %parallel_loop3A_2339, %parallel_loop3A_2346 : vector<16xf32>, vector<16xf32>, vector<16xf32>, vector<16xf32>, vector<16xf32>, vector<16xf32>, vector<16xf32>, vector<16xf32>
      } {sc.loop_unroll_factor = 1 : i64, sc.parallel_access}
      %mul3A_1792 = arith.constant 32 : i32
      %mul3A_1793 = arith.muli %scan3A_154, %mul3A_1792 : i32
      %add3A_1794 = arith.constant 25 : i32
      %add3A_1795 = arith.addi %mul3A_1793, %add3A_1794 : i32
      %add3A_1796 = arith.constant 3 : i32
      %add3A_1797 = arith.addi %add3A_1795, %add3A_1796 : i32
      %lt3A_1798 = arith.constant 256 : i32
      %lt3A_1799 = arith.cmpi slt, %add3A_1797, %lt3A_1798 : i32
      %convert_element_type3A_1800 = arith.extui %lt3A_1799 : i1 to i32
      %cond3A_1801 = arith.constant 0 : i32
      %cond3A_1802 = arith.cmpi ne, %convert_element_type3A_1800, %cond3A_1801 : i32
      scf.if %cond3A_1802 {
        %dma_start3A_2282 = arith.constant 0 : i32
        %dma_start3A_2283 = arith.constant 0 : i32
        %dma_start3A_2284 = arith.constant 0 : i32
        %dma_start3A_2285 = tpu.memref_slice %arg7[%dma_start3A_2282, %dma_start3A_2283, %dma_start3A_2284] : memref<4x100x128xf32, #tpu.memory_space<vmem>> -> memref<1x100x128xf32, #tpu.memory_space<vmem>>
        %dma_start3A_2286 = tpu.memref_squeeze %dma_start3A_2285 : memref<1x100x128xf32, #tpu.memory_space<vmem>> -> memref<100x128xf32, #tpu.memory_space<vmem>>
        %dma_start3A_2287 = arith.constant 0 : i32
        %dma_start3A_2288 = tpu.memref_slice %arg6[%add3A_1797, %dma_start3A_2287] : memref<256x100xi32, #tpu.memory_space<vmem>> -> memref<1x100xi32, #tpu.memory_space<vmem>>
        %dma_start3A_2289 = tpu.memref_squeeze %dma_start3A_2288 : memref<1x100xi32, #tpu.memory_space<vmem>> -> memref<100xi32, #tpu.memory_space<vmem>>
        %dma_start3A_2290 = arith.constant 0 : i32
        %dma_start3A_2291 = arith.constant 0 : i32
        %dma_start3A_2292 = tpu.memref_slice %arg4[%dma_start3A_2290, %dma_start3A_2291] : memref<100001x128xf32, #tpu.memory_space<hbm>> -> memref<100001x128xf32, #tpu.memory_space<hbm>>
        tpu.enqueue_indirect_dma source(%dma_start3A_2292 : memref<100001x128xf32, #tpu.memory_space<hbm>>) target(%dma_start3A_2286 : memref<100x128xf32, #tpu.memory_space<vmem>>) offsets(%dma_start3A_2289 : memref<100xi32, #tpu.memory_space<vmem>>) semaphore(%arg11 : memref<!tpu.dma_semaphore, #tpu.memory_space<semaphore_mem>>)
      } else {
      }
      %dma_wait3A_1803 = arith.constant 1 : i32
      %dma_wait3A_1804 = arith.constant 0 : i32
      %dma_wait3A_1805 = arith.constant 0 : i32
      %dma_wait3A_1806 = tpu.memref_slice %arg7[%dma_wait3A_1803, %dma_wait3A_1804, %dma_wait3A_1805] : memref<4x100x128xf32, #tpu.memory_space<vmem>> -> memref<1x100x128xf32, #tpu.memory_space<vmem>>
      %dma_wait3A_1807 = tpu.memref_squeeze %dma_wait3A_1806 : memref<1x100x128xf32, #tpu.memory_space<vmem>> -> memref<100x128xf32, #tpu.memory_space<vmem>>
      %dma_wait3A_1808 = arith.constant 0 : i32
      %dma_wait3A_1809 = tpu.memref_slice %arg6[%add3A_1795, %dma_wait3A_1808] : memref<256x100xi32, #tpu.memory_space<vmem>> -> memref<1x100xi32, #tpu.memory_space<vmem>>
      %dma_wait3A_1810 = tpu.memref_squeeze %dma_wait3A_1809 : memref<1x100xi32, #tpu.memory_space<vmem>> -> memref<100xi32, #tpu.memory_space<vmem>>
      %dma_wait3A_1811 = arith.constant 0 : i32
      %dma_wait3A_1812 = arith.constant 0 : i32
      %dma_wait3A_1813 = tpu.memref_slice %arg4[%dma_wait3A_1811, %dma_wait3A_1812] : memref<100001x128xf32, #tpu.memory_space<hbm>> -> memref<100001x128xf32, #tpu.memory_space<hbm>>
      tpu.wait_indirect_dma semaphore(%arg12 : memref<!tpu.dma_semaphore, #tpu.memory_space<semaphore_mem>>) src(%dma_wait3A_1813 : memref<100001x128xf32, #tpu.memory_space<hbm>>) dst(%dma_wait3A_1807 : memref<100x128xf32, #tpu.memory_space<vmem>>)
      %parallel_loop3A_1814 = arith.constant 0 : i32
      %parallel_loop3A_1815 = arith.constant 2 : i32
      %parallel_loop3A_1816 = arith.constant 1 : i32
      %parallel_loop3A_1817:8 = scf.for %parallel_loop3A_2282 = %parallel_loop3A_1814 to %parallel_loop3A_1815 step %parallel_loop3A_1816 iter_args(%parallel_loop3A_2283 = %parallel_loop3A_1791#0, %parallel_loop3A_2284 = %parallel_loop3A_1791#1, %parallel_loop3A_2285 = %parallel_loop3A_1791#2, %parallel_loop3A_2286 = %parallel_loop3A_1791#3, %parallel_loop3A_2287 = %parallel_loop3A_1791#4, %parallel_loop3A_2288 = %parallel_loop3A_1791#5, %parallel_loop3A_2289 = %parallel_loop3A_1791#6, %parallel_loop3A_2290 = %parallel_loop3A_1791#7) -> (vector<16xf32>, vector<16xf32>, vector<16xf32>, vector<16xf32>, vector<16xf32>, vector<16xf32>, vector<16xf32>, vector<16xf32>)  : i32 {
        %parallel_loop3A_2291 = arith.constant 1 : i32
        %parallel_loop3A_2292 = arith.index_cast %parallel_loop3A_2291 : i32 to index
        %parallel_loop3A_2293 = arith.index_cast %parallel_loop3A_2282 : i32 to index
        %parallel_loop3A_2294 = arith.constant 0 : index
        %parallel_loop3A_2295 = tpu.vector_load %arg7[%parallel_loop3A_2292, %parallel_loop3A_2293, %parallel_loop3A_2294] {strides = array<i32>} : memref<4x100x128xf32, #tpu.memory_space<vmem>>, vector<1x1x16xf32>,
        %parallel_loop3A_2296 = vector.shape_cast %parallel_loop3A_2295 : vector<1x1x16xf32> to vector<16xf32>
        %parallel_loop3A_2297 = arith.addf %parallel_loop3A_2283, %parallel_loop3A_2296 : vector<16xf32>
        %parallel_loop3A_2298 = arith.constant 1 : i32
        %parallel_loop3A_2299 = arith.index_cast %parallel_loop3A_2298 : i32 to index
        %parallel_loop3A_2300 = arith.index_cast %parallel_loop3A_2282 : i32 to index
        %parallel_loop3A_2301 = arith.constant 16 : index
        %parallel_loop3A_2302 = tpu.vector_load %arg7[%parallel_loop3A_2299, %parallel_loop3A_2300, %parallel_loop3A_2301] {strides = array<i32>} : memref<4x100x128xf32, #tpu.memory_space<vmem>>, vector<1x1x16xf32>,
        %parallel_loop3A_2303 = vector.shape_cast %parallel_loop3A_2302 : vector<1x1x16xf32> to vector<16xf32>
        %parallel_loop3A_2304 = arith.addf %parallel_loop3A_2284, %parallel_loop3A_2303 : vector<16xf32>
        %parallel_loop3A_2305 = arith.constant 1 : i32
        %parallel_loop3A_2306 = arith.index_cast %parallel_loop3A_2305 : i32 to index
        %parallel_loop3A_2307 = arith.index_cast %parallel_loop3A_2282 : i32 to index
        %parallel_loop3A_2308 = arith.constant 32 : index
        %parallel_loop3A_2309 = tpu.vector_load %arg7[%parallel_loop3A_2306, %parallel_loop3A_2307, %parallel_loop3A_2308] {strides = array<i32>} : memref<4x100x128xf32, #tpu.memory_space<vmem>>, vector<1x1x16xf32>,
        %parallel_loop3A_2310 = vector.shape_cast %parallel_loop3A_2309 : vector<1x1x16xf32> to vector<16xf32>
        %parallel_loop3A_2311 = arith.addf %parallel_loop3A_2285, %parallel_loop3A_2310 : vector<16xf32>
        %parallel_loop3A_2312 = arith.constant 1 : i32
        %parallel_loop3A_2313 = arith.index_cast %parallel_loop3A_2312 : i32 to index
        %parallel_loop3A_2314 = arith.index_cast %parallel_loop3A_2282 : i32 to index
        %parallel_loop3A_2315 = arith.constant 48 : index
        %parallel_loop3A_2316 = tpu.vector_load %arg7[%parallel_loop3A_2313, %parallel_loop3A_2314, %parallel_loop3A_2315] {strides = array<i32>} : memref<4x100x128xf32, #tpu.memory_space<vmem>>, vector<1x1x16xf32>,
        %parallel_loop3A_2317 = vector.shape_cast %parallel_loop3A_2316 : vector<1x1x16xf32> to vector<16xf32>
        %parallel_loop3A_2318 = arith.addf %parallel_loop3A_2286, %parallel_loop3A_2317 : vector<16xf32>
        %parallel_loop3A_2319 = arith.constant 1 : i32
        %parallel_loop3A_2320 = arith.index_cast %parallel_loop3A_2319 : i32 to index
        %parallel_loop3A_2321 = arith.index_cast %parallel_loop3A_2282 : i32 to index
        %parallel_loop3A_2322 = arith.constant 64 : index
        %parallel_loop3A_2323 = tpu.vector_load %arg7[%parallel_loop3A_2320, %parallel_loop3A_2321, %parallel_loop3A_2322] {strides = array<i32>} : memref<4x100x128xf32, #tpu.memory_space<vmem>>, vector<1x1x16xf32>,
        %parallel_loop3A_2324 = vector.shape_cast %parallel_loop3A_2323 : vector<1x1x16xf32> to vector<16xf32>
        %parallel_loop3A_2325 = arith.addf %parallel_loop3A_2287, %parallel_loop3A_2324 : vector<16xf32>
        %parallel_loop3A_2326 = arith.constant 1 : i32
        %parallel_loop3A_2327 = arith.index_cast %parallel_loop3A_2326 : i32 to index
        %parallel_loop3A_2328 = arith.index_cast %parallel_loop3A_2282 : i32 to index
        %parallel_loop3A_2329 = arith.constant 80 : index
        %parallel_loop3A_2330 = tpu.vector_load %arg7[%parallel_loop3A_2327, %parallel_loop3A_2328, %parallel_loop3A_2329] {strides = array<i32>} : memref<4x100x128xf32, #tpu.memory_space<vmem>>, vector<1x1x16xf32>,
        %parallel_loop3A_2331 = vector.shape_cast %parallel_loop3A_2330 : vector<1x1x16xf32> to vector<16xf32>
        %parallel_loop3A_2332 = arith.addf %parallel_loop3A_2288, %parallel_loop3A_2331 : vector<16xf32>
        %parallel_loop3A_2333 = arith.constant 1 : i32
        %parallel_loop3A_2334 = arith.index_cast %parallel_loop3A_2333 : i32 to index
        %parallel_loop3A_2335 = arith.index_cast %parallel_loop3A_2282 : i32 to index
        %parallel_loop3A_2336 = arith.constant 96 : index
        %parallel_loop3A_2337 = tpu.vector_load %arg7[%parallel_loop3A_2334, %parallel_loop3A_2335, %parallel_loop3A_2336] {strides = array<i32>} : memref<4x100x128xf32, #tpu.memory_space<vmem>>, vector<1x1x16xf32>,
        %parallel_loop3A_2338 = vector.shape_cast %parallel_loop3A_2337 : vector<1x1x16xf32> to vector<16xf32>
        %parallel_loop3A_2339 = arith.addf %parallel_loop3A_2289, %parallel_loop3A_2338 : vector<16xf32>
        %parallel_loop3A_2340 = arith.constant 1 : i32
        %parallel_loop3A_2341 = arith.index_cast %parallel_loop3A_2340 : i32 to index
        %parallel_loop3A_2342 = arith.index_cast %parallel_loop3A_2282 : i32 to index
        %parallel_loop3A_2343 = arith.constant 112 : index
        %parallel_loop3A_2344 = tpu.vector_load %arg7[%parallel_loop3A_2341, %parallel_loop3A_2342, %parallel_loop3A_2343] {strides = array<i32>} : memref<4x100x128xf32, #tpu.memory_space<vmem>>, vector<1x1x16xf32>,
        %parallel_loop3A_2345 = vector.shape_cast %parallel_loop3A_2344 : vector<1x1x16xf32> to vector<16xf32>
        %parallel_loop3A_2346 = arith.addf %parallel_loop3A_2290, %parallel_loop3A_2345 : vector<16xf32>
        scf.yield %parallel_loop3A_2297, %parallel_loop3A_2304, %parallel_loop3A_2311, %parallel_loop3A_2318, %parallel_loop3A_2325, %parallel_loop3A_2332, %parallel_loop3A_2339, %parallel_loop3A_2346 : vector<16xf32>, vector<16xf32>, vector<16xf32>, vector<16xf32>, vector<16xf32>, vector<16xf32>, vector<16xf32>, vector<16xf32>
      } {sc.loop_unroll_factor = 1 : i64, sc.parallel_access}
      %mul3A_1818 = arith.constant 16 : i32
      %mul3A_1819 = arith.muli %scan3A_154, %mul3A_1818 : i32
      %add3A_1820 = arith.constant 12 : i32
      %add3A_1821 = arith.addi %mul3A_1819, %add3A_1820 : i32
      %slice3A_1822 = vector.extract_strided_slice %get3A_159 {offsets = [12], sizes = [1], strides = [1]} : vector<16xf32> to vector<1xf32>
      %broadcast_in_dim3A_1823 = vector.shape_cast %slice3A_1822 : vector<1xf32> to vector<1xf32>
      %broadcast_in_dim3A_1824 = vector.broadcast %broadcast_in_dim3A_1823 : vector<1xf32> to vector<16xf32>
      %mul3A_1825 = arith.constant 128 : i32
      %mul3A_1826 = arith.muli %add3A_1821, %mul3A_1825 : i32
      %mul3A_1827 = arith.mulf %parallel_loop3A_1817#0, %broadcast_in_dim3A_1824 : vector<16xf32>
      %add3A_1828 = arith.constant 0 : i32
      %add3A_1829 = arith.addi %mul3A_1826, %add3A_1828 : i32
      %swap3A_1830 = arith.index_cast %add3A_1829 : i32 to index
      %swap3A_1831 = tpu.vector_load %arg8[%swap3A_1830] {strides = array<i32>} : memref<16384xf32, #tpu.memory_space<vmem>>, vector<16xf32>,
      %swap3A_1832 = vector.shape_cast %swap3A_1831 : vector<16xf32> to vector<16xf32>
      %swap3A_1833 = vector.shape_cast %mul3A_1827 : vector<16xf32> to vector<16xf32>
      tpu.vector_store %arg8[%swap3A_1830], %swap3A_1833 {strides = array<i32>} : memref<16384xf32, #tpu.memory_space<vmem>>, vector<16xf32>,
      %mul3A_1834 = arith.mulf %parallel_loop3A_1817#1, %broadcast_in_dim3A_1824 : vector<16xf32>
      %add3A_1835 = arith.constant 16 : i32
      %add3A_1836 = arith.addi %mul3A_1826, %add3A_1835 : i32
      %swap3A_1837 = arith.index_cast %add3A_1836 : i32 to index
      %swap3A_1838 = tpu.vector_load %arg8[%swap3A_1837] {strides = array<i32>} : memref<16384xf32, #tpu.memory_space<vmem>>, vector<16xf32>,
      %swap3A_1839 = vector.shape_cast %swap3A_1838 : vector<16xf32> to vector<16xf32>
      %swap3A_1840 = vector.shape_cast %mul3A_1834 : vector<16xf32> to vector<16xf32>
      tpu.vector_store %arg8[%swap3A_1837], %swap3A_1840 {strides = array<i32>} : memref<16384xf32, #tpu.memory_space<vmem>>, vector<16xf32>,
      %mul3A_1841 = arith.mulf %parallel_loop3A_1817#2, %broadcast_in_dim3A_1824 : vector<16xf32>
      %add3A_1842 = arith.constant 32 : i32
      %add3A_1843 = arith.addi %mul3A_1826, %add3A_1842 : i32
      %swap3A_1844 = arith.index_cast %add3A_1843 : i32 to index
      %swap3A_1845 = tpu.vector_load %arg8[%swap3A_1844] {strides = array<i32>} : memref<16384xf32, #tpu.memory_space<vmem>>, vector<16xf32>,
      %swap3A_1846 = vector.shape_cast %swap3A_1845 : vector<16xf32> to vector<16xf32>
      %swap3A_1847 = vector.shape_cast %mul3A_1841 : vector<16xf32> to vector<16xf32>
      tpu.vector_store %arg8[%swap3A_1844], %swap3A_1847 {strides = array<i32>} : memref<16384xf32, #tpu.memory_space<vmem>>, vector<16xf32>,
      %mul3A_1848 = arith.mulf %parallel_loop3A_1817#3, %broadcast_in_dim3A_1824 : vector<16xf32>
      %add3A_1849 = arith.constant 48 : i32
      %add3A_1850 = arith.addi %mul3A_1826, %add3A_1849 : i32
      %swap3A_1851 = arith.index_cast %add3A_1850 : i32 to index
      %swap3A_1852 = tpu.vector_load %arg8[%swap3A_1851] {strides = array<i32>} : memref<16384xf32, #tpu.memory_space<vmem>>, vector<16xf32>,
      %swap3A_1853 = vector.shape_cast %swap3A_1852 : vector<16xf32> to vector<16xf32>
      %swap3A_1854 = vector.shape_cast %mul3A_1848 : vector<16xf32> to vector<16xf32>
      tpu.vector_store %arg8[%swap3A_1851], %swap3A_1854 {strides = array<i32>} : memref<16384xf32, #tpu.memory_space<vmem>>, vector<16xf32>,
      %mul3A_1855 = arith.mulf %parallel_loop3A_1817#4, %broadcast_in_dim3A_1824 : vector<16xf32>
      %add3A_1856 = arith.constant 64 : i32
      %add3A_1857 = arith.addi %mul3A_1826, %add3A_1856 : i32
      %swap3A_1858 = arith.index_cast %add3A_1857 : i32 to index
      %swap3A_1859 = tpu.vector_load %arg8[%swap3A_1858] {strides = array<i32>} : memref<16384xf32, #tpu.memory_space<vmem>>, vector<16xf32>,
      %swap3A_1860 = vector.shape_cast %swap3A_1859 : vector<16xf32> to vector<16xf32>
      %swap3A_1861 = vector.shape_cast %mul3A_1855 : vector<16xf32> to vector<16xf32>
      tpu.vector_store %arg8[%swap3A_1858], %swap3A_1861 {strides = array<i32>} : memref<16384xf32, #tpu.memory_space<vmem>>, vector<16xf32>,
      %mul3A_1862 = arith.mulf %parallel_loop3A_1817#5, %broadcast_in_dim3A_1824 : vector<16xf32>
      %add3A_1863 = arith.constant 80 : i32
      %add3A_1864 = arith.addi %mul3A_1826, %add3A_1863 : i32
      %swap3A_1865 = arith.index_cast %add3A_1864 : i32 to index
      %swap3A_1866 = tpu.vector_load %arg8[%swap3A_1865] {strides = array<i32>} : memref<16384xf32, #tpu.memory_space<vmem>>, vector<16xf32>,
      %swap3A_1867 = vector.shape_cast %swap3A_1866 : vector<16xf32> to vector<16xf32>
      %swap3A_1868 = vector.shape_cast %mul3A_1862 : vector<16xf32> to vector<16xf32>
      tpu.vector_store %arg8[%swap3A_1865], %swap3A_1868 {strides = array<i32>} : memref<16384xf32, #tpu.memory_space<vmem>>, vector<16xf32>,
      %mul3A_1869 = arith.mulf %parallel_loop3A_1817#6, %broadcast_in_dim3A_1824 : vector<16xf32>
      %add3A_1870 = arith.constant 96 : i32
      %add3A_1871 = arith.addi %mul3A_1826, %add3A_1870 : i32
      %swap3A_1872 = arith.index_cast %add3A_1871 : i32 to index
      %swap3A_1873 = tpu.vector_load %arg8[%swap3A_1872] {strides = array<i32>} : memref<16384xf32, #tpu.memory_space<vmem>>, vector<16xf32>,
      %swap3A_1874 = vector.shape_cast %swap3A_1873 : vector<16xf32> to vector<16xf32>
      %swap3A_1875 = vector.shape_cast %mul3A_1869 : vector<16xf32> to vector<16xf32>
      tpu.vector_store %arg8[%swap3A_1872], %swap3A_1875 {strides = array<i32>} : memref<16384xf32, #tpu.memory_space<vmem>>, vector<16xf32>,
      %mul3A_1876 = arith.mulf %parallel_loop3A_1817#7, %broadcast_in_dim3A_1824 : vector<16xf32>
      %add3A_1877 = arith.constant 112 : i32
      %add3A_1878 = arith.addi %mul3A_1826, %add3A_1877 : i32
      %swap3A_1879 = arith.index_cast %add3A_1878 : i32 to index
      %swap3A_1880 = tpu.vector_load %arg8[%swap3A_1879] {strides = array<i32>} : memref<16384xf32, #tpu.memory_space<vmem>>, vector<16xf32>,
      %swap3A_1881 = vector.shape_cast %swap3A_1880 : vector<16xf32> to vector<16xf32>
      %swap3A_1882 = vector.shape_cast %mul3A_1876 : vector<16xf32> to vector<16xf32>
      tpu.vector_store %arg8[%swap3A_1879], %swap3A_1882 {strides = array<i32>} : memref<16384xf32, #tpu.memory_space<vmem>>, vector<16xf32>,
      %mul3A_1883 = arith.constant 32 : i32
      %mul3A_1884 = arith.muli %scan3A_154, %mul3A_1883 : i32
      %add3A_1885 = arith.constant 26 : i32
      %add3A_1886 = arith.addi %mul3A_1884, %add3A_1885 : i32
      %add3A_1887 = arith.constant 3 : i32
      %add3A_1888 = arith.addi %add3A_1886, %add3A_1887 : i32
      %lt3A_1889 = arith.constant 256 : i32
      %lt3A_1890 = arith.cmpi slt, %add3A_1888, %lt3A_1889 : i32
      %convert_element_type3A_1891 = arith.extui %lt3A_1890 : i1 to i32
      %cond3A_1892 = arith.constant 0 : i32
      %cond3A_1893 = arith.cmpi ne, %convert_element_type3A_1891, %cond3A_1892 : i32
      scf.if %cond3A_1893 {
        %dma_start3A_2282 = arith.constant 1 : i32
        %dma_start3A_2283 = arith.constant 0 : i32
        %dma_start3A_2284 = arith.constant 0 : i32
        %dma_start3A_2285 = tpu.memref_slice %arg7[%dma_start3A_2282, %dma_start3A_2283, %dma_start3A_2284] : memref<4x100x128xf32, #tpu.memory_space<vmem>> -> memref<1x100x128xf32, #tpu.memory_space<vmem>>
        %dma_start3A_2286 = tpu.memref_squeeze %dma_start3A_2285 : memref<1x100x128xf32, #tpu.memory_space<vmem>> -> memref<100x128xf32, #tpu.memory_space<vmem>>
        %dma_start3A_2287 = arith.constant 0 : i32
        %dma_start3A_2288 = tpu.memref_slice %arg6[%add3A_1888, %dma_start3A_2287] : memref<256x100xi32, #tpu.memory_space<vmem>> -> memref<1x100xi32, #tpu.memory_space<vmem>>
        %dma_start3A_2289 = tpu.memref_squeeze %dma_start3A_2288 : memref<1x100xi32, #tpu.memory_space<vmem>> -> memref<100xi32, #tpu.memory_space<vmem>>
        %dma_start3A_2290 = arith.constant 0 : i32
        %dma_start3A_2291 = arith.constant 0 : i32
        %dma_start3A_2292 = tpu.memref_slice %arg4[%dma_start3A_2290, %dma_start3A_2291] : memref<100001x128xf32, #tpu.memory_space<hbm>> -> memref<100001x128xf32, #tpu.memory_space<hbm>>
        tpu.enqueue_indirect_dma source(%dma_start3A_2292 : memref<100001x128xf32, #tpu.memory_space<hbm>>) target(%dma_start3A_2286 : memref<100x128xf32, #tpu.memory_space<vmem>>) offsets(%dma_start3A_2289 : memref<100xi32, #tpu.memory_space<vmem>>) semaphore(%arg12 : memref<!tpu.dma_semaphore, #tpu.memory_space<semaphore_mem>>)
      } else {
      }
      %dma_wait3A_1894 = arith.constant 2 : i32
      %dma_wait3A_1895 = arith.constant 0 : i32
      %dma_wait3A_1896 = arith.constant 0 : i32
      %dma_wait3A_1897 = tpu.memref_slice %arg7[%dma_wait3A_1894, %dma_wait3A_1895, %dma_wait3A_1896] : memref<4x100x128xf32, #tpu.memory_space<vmem>> -> memref<1x100x128xf32, #tpu.memory_space<vmem>>
      %dma_wait3A_1898 = tpu.memref_squeeze %dma_wait3A_1897 : memref<1x100x128xf32, #tpu.memory_space<vmem>> -> memref<100x128xf32, #tpu.memory_space<vmem>>
      %dma_wait3A_1899 = arith.constant 0 : i32
      %dma_wait3A_1900 = tpu.memref_slice %arg6[%add3A_1886, %dma_wait3A_1899] : memref<256x100xi32, #tpu.memory_space<vmem>> -> memref<1x100xi32, #tpu.memory_space<vmem>>
      %dma_wait3A_1901 = tpu.memref_squeeze %dma_wait3A_1900 : memref<1x100xi32, #tpu.memory_space<vmem>> -> memref<100xi32, #tpu.memory_space<vmem>>
      %dma_wait3A_1902 = arith.constant 0 : i32
      %dma_wait3A_1903 = arith.constant 0 : i32
      %dma_wait3A_1904 = tpu.memref_slice %arg4[%dma_wait3A_1902, %dma_wait3A_1903] : memref<100001x128xf32, #tpu.memory_space<hbm>> -> memref<100001x128xf32, #tpu.memory_space<hbm>>
      tpu.wait_indirect_dma semaphore(%arg13 : memref<!tpu.dma_semaphore, #tpu.memory_space<semaphore_mem>>) src(%dma_wait3A_1904 : memref<100001x128xf32, #tpu.memory_space<hbm>>) dst(%dma_wait3A_1898 : memref<100x128xf32, #tpu.memory_space<vmem>>)
      %broadcast_in_dim3A_1905 = arith.constant 0.000000e+00 : f32
      %broadcast_in_dim3A_1906 = vector.broadcast %broadcast_in_dim3A_1905 : f32 to vector<16xf32>
      %broadcast_in_dim3A_1907 = arith.constant 0.000000e+00 : f32
      %broadcast_in_dim3A_1908 = vector.broadcast %broadcast_in_dim3A_1907 : f32 to vector<16xf32>
      %broadcast_in_dim3A_1909 = arith.constant 0.000000e+00 : f32
      %broadcast_in_dim3A_1910 = vector.broadcast %broadcast_in_dim3A_1909 : f32 to vector<16xf32>
      %broadcast_in_dim3A_1911 = arith.constant 0.000000e+00 : f32
      %broadcast_in_dim3A_1912 = vector.broadcast %broadcast_in_dim3A_1911 : f32 to vector<16xf32>
      %broadcast_in_dim3A_1913 = arith.constant 0.000000e+00 : f32
      %broadcast_in_dim3A_1914 = vector.broadcast %broadcast_in_dim3A_1913 : f32 to vector<16xf32>
      %broadcast_in_dim3A_1915 = arith.constant 0.000000e+00 : f32
      %broadcast_in_dim3A_1916 = vector.broadcast %broadcast_in_dim3A_1915 : f32 to vector<16xf32>
      %broadcast_in_dim3A_1917 = arith.constant 0.000000e+00 : f32
      %broadcast_in_dim3A_1918 = vector.broadcast %broadcast_in_dim3A_1917 : f32 to vector<16xf32>
      %broadcast_in_dim3A_1919 = arith.constant 0.000000e+00 : f32
      %broadcast_in_dim3A_1920 = vector.broadcast %broadcast_in_dim3A_1919 : f32 to vector<16xf32>
      %parallel_loop3A_1921 = arith.constant 0 : i32
      %parallel_loop3A_1922 = arith.constant 2 : i32
      %parallel_loop3A_1923 = arith.constant 1 : i32
      %parallel_loop3A_1924:8 = scf.for %parallel_loop3A_2282 = %parallel_loop3A_1921 to %parallel_loop3A_1922 step %parallel_loop3A_1923 iter_args(%parallel_loop3A_2283 = %broadcast_in_dim3A_1906, %parallel_loop3A_2284 = %broadcast_in_dim3A_1908, %parallel_loop3A_2285 = %broadcast_in_dim3A_1910, %parallel_loop3A_2286 = %broadcast_in_dim3A_1912, %parallel_loop3A_2287 = %broadcast_in_dim3A_1914, %parallel_loop3A_2288 = %broadcast_in_dim3A_1916, %parallel_loop3A_2289 = %broadcast_in_dim3A_1918, %parallel_loop3A_2290 = %broadcast_in_dim3A_1920) -> (vector<16xf32>, vector<16xf32>, vector<16xf32>, vector<16xf32>, vector<16xf32>, vector<16xf32>, vector<16xf32>, vector<16xf32>)  : i32 {
        %parallel_loop3A_2291 = arith.constant 2 : i32
        %parallel_loop3A_2292 = arith.index_cast %parallel_loop3A_2291 : i32 to index
        %parallel_loop3A_2293 = arith.index_cast %parallel_loop3A_2282 : i32 to index
        %parallel_loop3A_2294 = arith.constant 0 : index
        %parallel_loop3A_2295 = tpu.vector_load %arg7[%parallel_loop3A_2292, %parallel_loop3A_2293, %parallel_loop3A_2294] {strides = array<i32>} : memref<4x100x128xf32, #tpu.memory_space<vmem>>, vector<1x1x16xf32>,
        %parallel_loop3A_2296 = vector.shape_cast %parallel_loop3A_2295 : vector<1x1x16xf32> to vector<16xf32>
        %parallel_loop3A_2297 = arith.addf %parallel_loop3A_2283, %parallel_loop3A_2296 : vector<16xf32>
        %parallel_loop3A_2298 = arith.constant 2 : i32
        %parallel_loop3A_2299 = arith.index_cast %parallel_loop3A_2298 : i32 to index
        %parallel_loop3A_2300 = arith.index_cast %parallel_loop3A_2282 : i32 to index
        %parallel_loop3A_2301 = arith.constant 16 : index
        %parallel_loop3A_2302 = tpu.vector_load %arg7[%parallel_loop3A_2299, %parallel_loop3A_2300, %parallel_loop3A_2301] {strides = array<i32>} : memref<4x100x128xf32, #tpu.memory_space<vmem>>, vector<1x1x16xf32>,
        %parallel_loop3A_2303 = vector.shape_cast %parallel_loop3A_2302 : vector<1x1x16xf32> to vector<16xf32>
        %parallel_loop3A_2304 = arith.addf %parallel_loop3A_2284, %parallel_loop3A_2303 : vector<16xf32>
        %parallel_loop3A_2305 = arith.constant 2 : i32
        %parallel_loop3A_2306 = arith.index_cast %parallel_loop3A_2305 : i32 to index
        %parallel_loop3A_2307 = arith.index_cast %parallel_loop3A_2282 : i32 to index
        %parallel_loop3A_2308 = arith.constant 32 : index
        %parallel_loop3A_2309 = tpu.vector_load %arg7[%parallel_loop3A_2306, %parallel_loop3A_2307, %parallel_loop3A_2308] {strides = array<i32>} : memref<4x100x128xf32, #tpu.memory_space<vmem>>, vector<1x1x16xf32>,
        %parallel_loop3A_2310 = vector.shape_cast %parallel_loop3A_2309 : vector<1x1x16xf32> to vector<16xf32>
        %parallel_loop3A_2311 = arith.addf %parallel_loop3A_2285, %parallel_loop3A_2310 : vector<16xf32>
        %parallel_loop3A_2312 = arith.constant 2 : i32
        %parallel_loop3A_2313 = arith.index_cast %parallel_loop3A_2312 : i32 to index
        %parallel_loop3A_2314 = arith.index_cast %parallel_loop3A_2282 : i32 to index
        %parallel_loop3A_2315 = arith.constant 48 : index
        %parallel_loop3A_2316 = tpu.vector_load %arg7[%parallel_loop3A_2313, %parallel_loop3A_2314, %parallel_loop3A_2315] {strides = array<i32>} : memref<4x100x128xf32, #tpu.memory_space<vmem>>, vector<1x1x16xf32>,
        %parallel_loop3A_2317 = vector.shape_cast %parallel_loop3A_2316 : vector<1x1x16xf32> to vector<16xf32>
        %parallel_loop3A_2318 = arith.addf %parallel_loop3A_2286, %parallel_loop3A_2317 : vector<16xf32>
        %parallel_loop3A_2319 = arith.constant 2 : i32
        %parallel_loop3A_2320 = arith.index_cast %parallel_loop3A_2319 : i32 to index
        %parallel_loop3A_2321 = arith.index_cast %parallel_loop3A_2282 : i32 to index
        %parallel_loop3A_2322 = arith.constant 64 : index
        %parallel_loop3A_2323 = tpu.vector_load %arg7[%parallel_loop3A_2320, %parallel_loop3A_2321, %parallel_loop3A_2322] {strides = array<i32>} : memref<4x100x128xf32, #tpu.memory_space<vmem>>, vector<1x1x16xf32>,
        %parallel_loop3A_2324 = vector.shape_cast %parallel_loop3A_2323 : vector<1x1x16xf32> to vector<16xf32>
        %parallel_loop3A_2325 = arith.addf %parallel_loop3A_2287, %parallel_loop3A_2324 : vector<16xf32>
        %parallel_loop3A_2326 = arith.constant 2 : i32
        %parallel_loop3A_2327 = arith.index_cast %parallel_loop3A_2326 : i32 to index
        %parallel_loop3A_2328 = arith.index_cast %parallel_loop3A_2282 : i32 to index
        %parallel_loop3A_2329 = arith.constant 80 : index
        %parallel_loop3A_2330 = tpu.vector_load %arg7[%parallel_loop3A_2327, %parallel_loop3A_2328, %parallel_loop3A_2329] {strides = array<i32>} : memref<4x100x128xf32, #tpu.memory_space<vmem>>, vector<1x1x16xf32>,
        %parallel_loop3A_2331 = vector.shape_cast %parallel_loop3A_2330 : vector<1x1x16xf32> to vector<16xf32>
        %parallel_loop3A_2332 = arith.addf %parallel_loop3A_2288, %parallel_loop3A_2331 : vector<16xf32>
        %parallel_loop3A_2333 = arith.constant 2 : i32
        %parallel_loop3A_2334 = arith.index_cast %parallel_loop3A_2333 : i32 to index
        %parallel_loop3A_2335 = arith.index_cast %parallel_loop3A_2282 : i32 to index
        %parallel_loop3A_2336 = arith.constant 96 : index
        %parallel_loop3A_2337 = tpu.vector_load %arg7[%parallel_loop3A_2334, %parallel_loop3A_2335, %parallel_loop3A_2336] {strides = array<i32>} : memref<4x100x128xf32, #tpu.memory_space<vmem>>, vector<1x1x16xf32>,
        %parallel_loop3A_2338 = vector.shape_cast %parallel_loop3A_2337 : vector<1x1x16xf32> to vector<16xf32>
        %parallel_loop3A_2339 = arith.addf %parallel_loop3A_2289, %parallel_loop3A_2338 : vector<16xf32>
        %parallel_loop3A_2340 = arith.constant 2 : i32
        %parallel_loop3A_2341 = arith.index_cast %parallel_loop3A_2340 : i32 to index
        %parallel_loop3A_2342 = arith.index_cast %parallel_loop3A_2282 : i32 to index
        %parallel_loop3A_2343 = arith.constant 112 : index
        %parallel_loop3A_2344 = tpu.vector_load %arg7[%parallel_loop3A_2341, %parallel_loop3A_2342, %parallel_loop3A_2343] {strides = array<i32>} : memref<4x100x128xf32, #tpu.memory_space<vmem>>, vector<1x1x16xf32>,
        %parallel_loop3A_2345 = vector.shape_cast %parallel_loop3A_2344 : vector<1x1x16xf32> to vector<16xf32>
        %parallel_loop3A_2346 = arith.addf %parallel_loop3A_2290, %parallel_loop3A_2345 : vector<16xf32>
        scf.yield %parallel_loop3A_2297, %parallel_loop3A_2304, %parallel_loop3A_2311, %parallel_loop3A_2318, %parallel_loop3A_2325, %parallel_loop3A_2332, %parallel_loop3A_2339, %parallel_loop3A_2346 : vector<16xf32>, vector<16xf32>, vector<16xf32>, vector<16xf32>, vector<16xf32>, vector<16xf32>, vector<16xf32>, vector<16xf32>
      } {sc.loop_unroll_factor = 1 : i64, sc.parallel_access}
      %mul3A_1925 = arith.constant 32 : i32
      %mul3A_1926 = arith.muli %scan3A_154, %mul3A_1925 : i32
      %add3A_1927 = arith.constant 27 : i32
      %add3A_1928 = arith.addi %mul3A_1926, %add3A_1927 : i32
      %add3A_1929 = arith.constant 3 : i32
      %add3A_1930 = arith.addi %add3A_1928, %add3A_1929 : i32
      %lt3A_1931 = arith.constant 256 : i32
      %lt3A_1932 = arith.cmpi slt, %add3A_1930, %lt3A_1931 : i32
      %convert_element_type3A_1933 = arith.extui %lt3A_1932 : i1 to i32
      %cond3A_1934 = arith.constant 0 : i32
      %cond3A_1935 = arith.cmpi ne, %convert_element_type3A_1933, %cond3A_1934 : i32
      scf.if %cond3A_1935 {
        %dma_start3A_2282 = arith.constant 2 : i32
        %dma_start3A_2283 = arith.constant 0 : i32
        %dma_start3A_2284 = arith.constant 0 : i32
        %dma_start3A_2285 = tpu.memref_slice %arg7[%dma_start3A_2282, %dma_start3A_2283, %dma_start3A_2284] : memref<4x100x128xf32, #tpu.memory_space<vmem>> -> memref<1x100x128xf32, #tpu.memory_space<vmem>>
        %dma_start3A_2286 = tpu.memref_squeeze %dma_start3A_2285 : memref<1x100x128xf32, #tpu.memory_space<vmem>> -> memref<100x128xf32, #tpu.memory_space<vmem>>
        %dma_start3A_2287 = arith.constant 0 : i32
        %dma_start3A_2288 = tpu.memref_slice %arg6[%add3A_1930, %dma_start3A_2287] : memref<256x100xi32, #tpu.memory_space<vmem>> -> memref<1x100xi32, #tpu.memory_space<vmem>>
        %dma_start3A_2289 = tpu.memref_squeeze %dma_start3A_2288 : memref<1x100xi32, #tpu.memory_space<vmem>> -> memref<100xi32, #tpu.memory_space<vmem>>
        %dma_start3A_2290 = arith.constant 0 : i32
        %dma_start3A_2291 = arith.constant 0 : i32
        %dma_start3A_2292 = tpu.memref_slice %arg4[%dma_start3A_2290, %dma_start3A_2291] : memref<100001x128xf32, #tpu.memory_space<hbm>> -> memref<100001x128xf32, #tpu.memory_space<hbm>>
        tpu.enqueue_indirect_dma source(%dma_start3A_2292 : memref<100001x128xf32, #tpu.memory_space<hbm>>) target(%dma_start3A_2286 : memref<100x128xf32, #tpu.memory_space<vmem>>) offsets(%dma_start3A_2289 : memref<100xi32, #tpu.memory_space<vmem>>) semaphore(%arg13 : memref<!tpu.dma_semaphore, #tpu.memory_space<semaphore_mem>>)
      } else {
      }
      %dma_wait3A_1936 = arith.constant 3 : i32
      %dma_wait3A_1937 = arith.constant 0 : i32
      %dma_wait3A_1938 = arith.constant 0 : i32
      %dma_wait3A_1939 = tpu.memref_slice %arg7[%dma_wait3A_1936, %dma_wait3A_1937, %dma_wait3A_1938] : memref<4x100x128xf32, #tpu.memory_space<vmem>> -> memref<1x100x128xf32, #tpu.memory_space<vmem>>
      %dma_wait3A_1940 = tpu.memref_squeeze %dma_wait3A_1939 : memref<1x100x128xf32, #tpu.memory_space<vmem>> -> memref<100x128xf32, #tpu.memory_space<vmem>>
      %dma_wait3A_1941 = arith.constant 0 : i32
      %dma_wait3A_1942 = tpu.memref_slice %arg6[%add3A_1928, %dma_wait3A_1941] : memref<256x100xi32, #tpu.memory_space<vmem>> -> memref<1x100xi32, #tpu.memory_space<vmem>>
      %dma_wait3A_1943 = tpu.memref_squeeze %dma_wait3A_1942 : memref<1x100xi32, #tpu.memory_space<vmem>> -> memref<100xi32, #tpu.memory_space<vmem>>
      %dma_wait3A_1944 = arith.constant 0 : i32
      %dma_wait3A_1945 = arith.constant 0 : i32
      %dma_wait3A_1946 = tpu.memref_slice %arg4[%dma_wait3A_1944, %dma_wait3A_1945] : memref<100001x128xf32, #tpu.memory_space<hbm>> -> memref<100001x128xf32, #tpu.memory_space<hbm>>
      tpu.wait_indirect_dma semaphore(%arg14 : memref<!tpu.dma_semaphore, #tpu.memory_space<semaphore_mem>>) src(%dma_wait3A_1946 : memref<100001x128xf32, #tpu.memory_space<hbm>>) dst(%dma_wait3A_1940 : memref<100x128xf32, #tpu.memory_space<vmem>>)
      %parallel_loop3A_1947 = arith.constant 0 : i32
      %parallel_loop3A_1948 = arith.constant 2 : i32
      %parallel_loop3A_1949 = arith.constant 1 : i32
      %parallel_loop3A_1950:8 = scf.for %parallel_loop3A_2282 = %parallel_loop3A_1947 to %parallel_loop3A_1948 step %parallel_loop3A_1949 iter_args(%parallel_loop3A_2283 = %parallel_loop3A_1924#0, %parallel_loop3A_2284 = %parallel_loop3A_1924#1, %parallel_loop3A_2285 = %parallel_loop3A_1924#2, %parallel_loop3A_2286 = %parallel_loop3A_1924#3, %parallel_loop3A_2287 = %parallel_loop3A_1924#4, %parallel_loop3A_2288 = %parallel_loop3A_1924#5, %parallel_loop3A_2289 = %parallel_loop3A_1924#6, %parallel_loop3A_2290 = %parallel_loop3A_1924#7) -> (vector<16xf32>, vector<16xf32>, vector<16xf32>, vector<16xf32>, vector<16xf32>, vector<16xf32>, vector<16xf32>, vector<16xf32>)  : i32 {
        %parallel_loop3A_2291 = arith.constant 3 : i32
        %parallel_loop3A_2292 = arith.index_cast %parallel_loop3A_2291 : i32 to index
        %parallel_loop3A_2293 = arith.index_cast %parallel_loop3A_2282 : i32 to index
        %parallel_loop3A_2294 = arith.constant 0 : index
        %parallel_loop3A_2295 = tpu.vector_load %arg7[%parallel_loop3A_2292, %parallel_loop3A_2293, %parallel_loop3A_2294] {strides = array<i32>} : memref<4x100x128xf32, #tpu.memory_space<vmem>>, vector<1x1x16xf32>,
        %parallel_loop3A_2296 = vector.shape_cast %parallel_loop3A_2295 : vector<1x1x16xf32> to vector<16xf32>
        %parallel_loop3A_2297 = arith.addf %parallel_loop3A_2283, %parallel_loop3A_2296 : vector<16xf32>
        %parallel_loop3A_2298 = arith.constant 3 : i32
        %parallel_loop3A_2299 = arith.index_cast %parallel_loop3A_2298 : i32 to index
        %parallel_loop3A_2300 = arith.index_cast %parallel_loop3A_2282 : i32 to index
        %parallel_loop3A_2301 = arith.constant 16 : index
        %parallel_loop3A_2302 = tpu.vector_load %arg7[%parallel_loop3A_2299, %parallel_loop3A_2300, %parallel_loop3A_2301] {strides = array<i32>} : memref<4x100x128xf32, #tpu.memory_space<vmem>>, vector<1x1x16xf32>,
        %parallel_loop3A_2303 = vector.shape_cast %parallel_loop3A_2302 : vector<1x1x16xf32> to vector<16xf32>
        %parallel_loop3A_2304 = arith.addf %parallel_loop3A_2284, %parallel_loop3A_2303 : vector<16xf32>
        %parallel_loop3A_2305 = arith.constant 3 : i32
        %parallel_loop3A_2306 = arith.index_cast %parallel_loop3A_2305 : i32 to index
        %parallel_loop3A_2307 = arith.index_cast %parallel_loop3A_2282 : i32 to index
        %parallel_loop3A_2308 = arith.constant 32 : index
        %parallel_loop3A_2309 = tpu.vector_load %arg7[%parallel_loop3A_2306, %parallel_loop3A_2307, %parallel_loop3A_2308] {strides = array<i32>} : memref<4x100x128xf32, #tpu.memory_space<vmem>>, vector<1x1x16xf32>,
        %parallel_loop3A_2310 = vector.shape_cast %parallel_loop3A_2309 : vector<1x1x16xf32> to vector<16xf32>
        %parallel_loop3A_2311 = arith.addf %parallel_loop3A_2285, %parallel_loop3A_2310 : vector<16xf32>
        %parallel_loop3A_2312 = arith.constant 3 : i32
        %parallel_loop3A_2313 = arith.index_cast %parallel_loop3A_2312 : i32 to index
        %parallel_loop3A_2314 = arith.index_cast %parallel_loop3A_2282 : i32 to index
        %parallel_loop3A_2315 = arith.constant 48 : index
        %parallel_loop3A_2316 = tpu.vector_load %arg7[%parallel_loop3A_2313, %parallel_loop3A_2314, %parallel_loop3A_2315] {strides = array<i32>} : memref<4x100x128xf32, #tpu.memory_space<vmem>>, vector<1x1x16xf32>,
        %parallel_loop3A_2317 = vector.shape_cast %parallel_loop3A_2316 : vector<1x1x16xf32> to vector<16xf32>
        %parallel_loop3A_2318 = arith.addf %parallel_loop3A_2286, %parallel_loop3A_2317 : vector<16xf32>
        %parallel_loop3A_2319 = arith.constant 3 : i32
        %parallel_loop3A_2320 = arith.index_cast %parallel_loop3A_2319 : i32 to index
        %parallel_loop3A_2321 = arith.index_cast %parallel_loop3A_2282 : i32 to index
        %parallel_loop3A_2322 = arith.constant 64 : index
        %parallel_loop3A_2323 = tpu.vector_load %arg7[%parallel_loop3A_2320, %parallel_loop3A_2321, %parallel_loop3A_2322] {strides = array<i32>} : memref<4x100x128xf32, #tpu.memory_space<vmem>>, vector<1x1x16xf32>,
        %parallel_loop3A_2324 = vector.shape_cast %parallel_loop3A_2323 : vector<1x1x16xf32> to vector<16xf32>
        %parallel_loop3A_2325 = arith.addf %parallel_loop3A_2287, %parallel_loop3A_2324 : vector<16xf32>
        %parallel_loop3A_2326 = arith.constant 3 : i32
        %parallel_loop3A_2327 = arith.index_cast %parallel_loop3A_2326 : i32 to index
        %parallel_loop3A_2328 = arith.index_cast %parallel_loop3A_2282 : i32 to index
        %parallel_loop3A_2329 = arith.constant 80 : index
        %parallel_loop3A_2330 = tpu.vector_load %arg7[%parallel_loop3A_2327, %parallel_loop3A_2328, %parallel_loop3A_2329] {strides = array<i32>} : memref<4x100x128xf32, #tpu.memory_space<vmem>>, vector<1x1x16xf32>,
        %parallel_loop3A_2331 = vector.shape_cast %parallel_loop3A_2330 : vector<1x1x16xf32> to vector<16xf32>
        %parallel_loop3A_2332 = arith.addf %parallel_loop3A_2288, %parallel_loop3A_2331 : vector<16xf32>
        %parallel_loop3A_2333 = arith.constant 3 : i32
        %parallel_loop3A_2334 = arith.index_cast %parallel_loop3A_2333 : i32 to index
        %parallel_loop3A_2335 = arith.index_cast %parallel_loop3A_2282 : i32 to index
        %parallel_loop3A_2336 = arith.constant 96 : index
        %parallel_loop3A_2337 = tpu.vector_load %arg7[%parallel_loop3A_2334, %parallel_loop3A_2335, %parallel_loop3A_2336] {strides = array<i32>} : memref<4x100x128xf32, #tpu.memory_space<vmem>>, vector<1x1x16xf32>,
        %parallel_loop3A_2338 = vector.shape_cast %parallel_loop3A_2337 : vector<1x1x16xf32> to vector<16xf32>
        %parallel_loop3A_2339 = arith.addf %parallel_loop3A_2289, %parallel_loop3A_2338 : vector<16xf32>
        %parallel_loop3A_2340 = arith.constant 3 : i32
        %parallel_loop3A_2341 = arith.index_cast %parallel_loop3A_2340 : i32 to index
        %parallel_loop3A_2342 = arith.index_cast %parallel_loop3A_2282 : i32 to index
        %parallel_loop3A_2343 = arith.constant 112 : index
        %parallel_loop3A_2344 = tpu.vector_load %arg7[%parallel_loop3A_2341, %parallel_loop3A_2342, %parallel_loop3A_2343] {strides = array<i32>} : memref<4x100x128xf32, #tpu.memory_space<vmem>>, vector<1x1x16xf32>,
        %parallel_loop3A_2345 = vector.shape_cast %parallel_loop3A_2344 : vector<1x1x16xf32> to vector<16xf32>
        %parallel_loop3A_2346 = arith.addf %parallel_loop3A_2290, %parallel_loop3A_2345 : vector<16xf32>
        scf.yield %parallel_loop3A_2297, %parallel_loop3A_2304, %parallel_loop3A_2311, %parallel_loop3A_2318, %parallel_loop3A_2325, %parallel_loop3A_2332, %parallel_loop3A_2339, %parallel_loop3A_2346 : vector<16xf32>, vector<16xf32>, vector<16xf32>, vector<16xf32>, vector<16xf32>, vector<16xf32>, vector<16xf32>, vector<16xf32>
      } {sc.loop_unroll_factor = 1 : i64, sc.parallel_access}
      %mul3A_1951 = arith.constant 16 : i32
      %mul3A_1952 = arith.muli %scan3A_154, %mul3A_1951 : i32
      %add3A_1953 = arith.constant 13 : i32
      %add3A_1954 = arith.addi %mul3A_1952, %add3A_1953 : i32
      %slice3A_1955 = vector.extract_strided_slice %get3A_159 {offsets = [13], sizes = [1], strides = [1]} : vector<16xf32> to vector<1xf32>
      %broadcast_in_dim3A_1956 = vector.shape_cast %slice3A_1955 : vector<1xf32> to vector<1xf32>
      %broadcast_in_dim3A_1957 = vector.broadcast %broadcast_in_dim3A_1956 : vector<1xf32> to vector<16xf32>
      %mul3A_1958 = arith.constant 128 : i32
      %mul3A_1959 = arith.muli %add3A_1954, %mul3A_1958 : i32
      %mul3A_1960 = arith.mulf %parallel_loop3A_1950#0, %broadcast_in_dim3A_1957 : vector<16xf32>
      %add3A_1961 = arith.constant 0 : i32
      %add3A_1962 = arith.addi %mul3A_1959, %add3A_1961 : i32
      %swap3A_1963 = arith.index_cast %add3A_1962 : i32 to index
      %swap3A_1964 = tpu.vector_load %arg8[%swap3A_1963] {strides = array<i32>} : memref<16384xf32, #tpu.memory_space<vmem>>, vector<16xf32>,
      %swap3A_1965 = vector.shape_cast %swap3A_1964 : vector<16xf32> to vector<16xf32>
      %swap3A_1966 = vector.shape_cast %mul3A_1960 : vector<16xf32> to vector<16xf32>
      tpu.vector_store %arg8[%swap3A_1963], %swap3A_1966 {strides = array<i32>} : memref<16384xf32, #tpu.memory_space<vmem>>, vector<16xf32>,
      %mul3A_1967 = arith.mulf %parallel_loop3A_1950#1, %broadcast_in_dim3A_1957 : vector<16xf32>
      %add3A_1968 = arith.constant 16 : i32
      %add3A_1969 = arith.addi %mul3A_1959, %add3A_1968 : i32
      %swap3A_1970 = arith.index_cast %add3A_1969 : i32 to index
      %swap3A_1971 = tpu.vector_load %arg8[%swap3A_1970] {strides = array<i32>} : memref<16384xf32, #tpu.memory_space<vmem>>, vector<16xf32>,
      %swap3A_1972 = vector.shape_cast %swap3A_1971 : vector<16xf32> to vector<16xf32>
      %swap3A_1973 = vector.shape_cast %mul3A_1967 : vector<16xf32> to vector<16xf32>
      tpu.vector_store %arg8[%swap3A_1970], %swap3A_1973 {strides = array<i32>} : memref<16384xf32, #tpu.memory_space<vmem>>, vector<16xf32>,
      %mul3A_1974 = arith.mulf %parallel_loop3A_1950#2, %broadcast_in_dim3A_1957 : vector<16xf32>
      %add3A_1975 = arith.constant 32 : i32
      %add3A_1976 = arith.addi %mul3A_1959, %add3A_1975 : i32
      %swap3A_1977 = arith.index_cast %add3A_1976 : i32 to index
      %swap3A_1978 = tpu.vector_load %arg8[%swap3A_1977] {strides = array<i32>} : memref<16384xf32, #tpu.memory_space<vmem>>, vector<16xf32>,
      %swap3A_1979 = vector.shape_cast %swap3A_1978 : vector<16xf32> to vector<16xf32>
      %swap3A_1980 = vector.shape_cast %mul3A_1974 : vector<16xf32> to vector<16xf32>
      tpu.vector_store %arg8[%swap3A_1977], %swap3A_1980 {strides = array<i32>} : memref<16384xf32, #tpu.memory_space<vmem>>, vector<16xf32>,
      %mul3A_1981 = arith.mulf %parallel_loop3A_1950#3, %broadcast_in_dim3A_1957 : vector<16xf32>
      %add3A_1982 = arith.constant 48 : i32
      %add3A_1983 = arith.addi %mul3A_1959, %add3A_1982 : i32
      %swap3A_1984 = arith.index_cast %add3A_1983 : i32 to index
      %swap3A_1985 = tpu.vector_load %arg8[%swap3A_1984] {strides = array<i32>} : memref<16384xf32, #tpu.memory_space<vmem>>, vector<16xf32>,
      %swap3A_1986 = vector.shape_cast %swap3A_1985 : vector<16xf32> to vector<16xf32>
      %swap3A_1987 = vector.shape_cast %mul3A_1981 : vector<16xf32> to vector<16xf32>
      tpu.vector_store %arg8[%swap3A_1984], %swap3A_1987 {strides = array<i32>} : memref<16384xf32, #tpu.memory_space<vmem>>, vector<16xf32>,
      %mul3A_1988 = arith.mulf %parallel_loop3A_1950#4, %broadcast_in_dim3A_1957 : vector<16xf32>
      %add3A_1989 = arith.constant 64 : i32
      %add3A_1990 = arith.addi %mul3A_1959, %add3A_1989 : i32
      %swap3A_1991 = arith.index_cast %add3A_1990 : i32 to index
      %swap3A_1992 = tpu.vector_load %arg8[%swap3A_1991] {strides = array<i32>} : memref<16384xf32, #tpu.memory_space<vmem>>, vector<16xf32>,
      %swap3A_1993 = vector.shape_cast %swap3A_1992 : vector<16xf32> to vector<16xf32>
      %swap3A_1994 = vector.shape_cast %mul3A_1988 : vector<16xf32> to vector<16xf32>
      tpu.vector_store %arg8[%swap3A_1991], %swap3A_1994 {strides = array<i32>} : memref<16384xf32, #tpu.memory_space<vmem>>, vector<16xf32>,
      %mul3A_1995 = arith.mulf %parallel_loop3A_1950#5, %broadcast_in_dim3A_1957 : vector<16xf32>
      %add3A_1996 = arith.constant 80 : i32
      %add3A_1997 = arith.addi %mul3A_1959, %add3A_1996 : i32
      %swap3A_1998 = arith.index_cast %add3A_1997 : i32 to index
      %swap3A_1999 = tpu.vector_load %arg8[%swap3A_1998] {strides = array<i32>} : memref<16384xf32, #tpu.memory_space<vmem>>, vector<16xf32>,
      %swap3A_2000 = vector.shape_cast %swap3A_1999 : vector<16xf32> to vector<16xf32>
      %swap3A_2001 = vector.shape_cast %mul3A_1995 : vector<16xf32> to vector<16xf32>
      tpu.vector_store %arg8[%swap3A_1998], %swap3A_2001 {strides = array<i32>} : memref<16384xf32, #tpu.memory_space<vmem>>, vector<16xf32>,
      %mul3A_2002 = arith.mulf %parallel_loop3A_1950#6, %broadcast_in_dim3A_1957 : vector<16xf32>
      %add3A_2003 = arith.constant 96 : i32
      %add3A_2004 = arith.addi %mul3A_1959, %add3A_2003 : i32
      %swap3A_2005 = arith.index_cast %add3A_2004 : i32 to index
      %swap3A_2006 = tpu.vector_load %arg8[%swap3A_2005] {strides = array<i32>} : memref<16384xf32, #tpu.memory_space<vmem>>, vector<16xf32>,
      %swap3A_2007 = vector.shape_cast %swap3A_2006 : vector<16xf32> to vector<16xf32>
      %swap3A_2008 = vector.shape_cast %mul3A_2002 : vector<16xf32> to vector<16xf32>
      tpu.vector_store %arg8[%swap3A_2005], %swap3A_2008 {strides = array<i32>} : memref<16384xf32, #tpu.memory_space<vmem>>, vector<16xf32>,
      %mul3A_2009 = arith.mulf %parallel_loop3A_1950#7, %broadcast_in_dim3A_1957 : vector<16xf32>
      %add3A_2010 = arith.constant 112 : i32
      %add3A_2011 = arith.addi %mul3A_1959, %add3A_2010 : i32
      %swap3A_2012 = arith.index_cast %add3A_2011 : i32 to index
      %swap3A_2013 = tpu.vector_load %arg8[%swap3A_2012] {strides = array<i32>} : memref<16384xf32, #tpu.memory_space<vmem>>, vector<16xf32>,
      %swap3A_2014 = vector.shape_cast %swap3A_2013 : vector<16xf32> to vector<16xf32>
      %swap3A_2015 = vector.shape_cast %mul3A_2009 : vector<16xf32> to vector<16xf32>
      tpu.vector_store %arg8[%swap3A_2012], %swap3A_2015 {strides = array<i32>} : memref<16384xf32, #tpu.memory_space<vmem>>, vector<16xf32>,
      %mul3A_2016 = arith.constant 32 : i32
      %mul3A_2017 = arith.muli %scan3A_154, %mul3A_2016 : i32
      %add3A_2018 = arith.constant 28 : i32
      %add3A_2019 = arith.addi %mul3A_2017, %add3A_2018 : i32
      %add3A_2020 = arith.constant 3 : i32
      %add3A_2021 = arith.addi %add3A_2019, %add3A_2020 : i32
      %lt3A_2022 = arith.constant 256 : i32
      %lt3A_2023 = arith.cmpi slt, %add3A_2021, %lt3A_2022 : i32
      %convert_element_type3A_2024 = arith.extui %lt3A_2023 : i1 to i32
      %cond3A_2025 = arith.constant 0 : i32
      %cond3A_2026 = arith.cmpi ne, %convert_element_type3A_2024, %cond3A_2025 : i32
      scf.if %cond3A_2026 {
        %dma_start3A_2282 = arith.constant 3 : i32
        %dma_start3A_2283 = arith.constant 0 : i32
        %dma_start3A_2284 = arith.constant 0 : i32
        %dma_start3A_2285 = tpu.memref_slice %arg7[%dma_start3A_2282, %dma_start3A_2283, %dma_start3A_2284] : memref<4x100x128xf32, #tpu.memory_space<vmem>> -> memref<1x100x128xf32, #tpu.memory_space<vmem>>
        %dma_start3A_2286 = tpu.memref_squeeze %dma_start3A_2285 : memref<1x100x128xf32, #tpu.memory_space<vmem>> -> memref<100x128xf32, #tpu.memory_space<vmem>>
        %dma_start3A_2287 = arith.constant 0 : i32
        %dma_start3A_2288 = tpu.memref_slice %arg6[%add3A_2021, %dma_start3A_2287] : memref<256x100xi32, #tpu.memory_space<vmem>> -> memref<1x100xi32, #tpu.memory_space<vmem>>
        %dma_start3A_2289 = tpu.memref_squeeze %dma_start3A_2288 : memref<1x100xi32, #tpu.memory_space<vmem>> -> memref<100xi32, #tpu.memory_space<vmem>>
        %dma_start3A_2290 = arith.constant 0 : i32
        %dma_start3A_2291 = arith.constant 0 : i32
        %dma_start3A_2292 = tpu.memref_slice %arg4[%dma_start3A_2290, %dma_start3A_2291] : memref<100001x128xf32, #tpu.memory_space<hbm>> -> memref<100001x128xf32, #tpu.memory_space<hbm>>
        tpu.enqueue_indirect_dma source(%dma_start3A_2292 : memref<100001x128xf32, #tpu.memory_space<hbm>>) target(%dma_start3A_2286 : memref<100x128xf32, #tpu.memory_space<vmem>>) offsets(%dma_start3A_2289 : memref<100xi32, #tpu.memory_space<vmem>>) semaphore(%arg14 : memref<!tpu.dma_semaphore, #tpu.memory_space<semaphore_mem>>)
      } else {
      }
      %dma_wait3A_2027 = arith.constant 0 : i32
      %dma_wait3A_2028 = arith.constant 0 : i32
      %dma_wait3A_2029 = arith.constant 0 : i32
      %dma_wait3A_2030 = tpu.memref_slice %arg7[%dma_wait3A_2027, %dma_wait3A_2028, %dma_wait3A_2029] : memref<4x100x128xf32, #tpu.memory_space<vmem>> -> memref<1x100x128xf32, #tpu.memory_space<vmem>>
      %dma_wait3A_2031 = tpu.memref_squeeze %dma_wait3A_2030 : memref<1x100x128xf32, #tpu.memory_space<vmem>> -> memref<100x128xf32, #tpu.memory_space<vmem>>
      %dma_wait3A_2032 = arith.constant 0 : i32
      %dma_wait3A_2033 = tpu.memref_slice %arg6[%add3A_2019, %dma_wait3A_2032] : memref<256x100xi32, #tpu.memory_space<vmem>> -> memref<1x100xi32, #tpu.memory_space<vmem>>
      %dma_wait3A_2034 = tpu.memref_squeeze %dma_wait3A_2033 : memref<1x100xi32, #tpu.memory_space<vmem>> -> memref<100xi32, #tpu.memory_space<vmem>>
      %dma_wait3A_2035 = arith.constant 0 : i32
      %dma_wait3A_2036 = arith.constant 0 : i32
      %dma_wait3A_2037 = tpu.memref_slice %arg4[%dma_wait3A_2035, %dma_wait3A_2036] : memref<100001x128xf32, #tpu.memory_space<hbm>> -> memref<100001x128xf32, #tpu.memory_space<hbm>>
      tpu.wait_indirect_dma semaphore(%arg11 : memref<!tpu.dma_semaphore, #tpu.memory_space<semaphore_mem>>) src(%dma_wait3A_2037 : memref<100001x128xf32, #tpu.memory_space<hbm>>) dst(%dma_wait3A_2031 : memref<100x128xf32, #tpu.memory_space<vmem>>)
      %broadcast_in_dim3A_2038 = arith.constant 0.000000e+00 : f32
      %broadcast_in_dim3A_2039 = vector.broadcast %broadcast_in_dim3A_2038 : f32 to vector<16xf32>
      %broadcast_in_dim3A_2040 = arith.constant 0.000000e+00 : f32
      %broadcast_in_dim3A_2041 = vector.broadcast %broadcast_in_dim3A_2040 : f32 to vector<16xf32>
      %broadcast_in_dim3A_2042 = arith.constant 0.000000e+00 : f32
      %broadcast_in_dim3A_2043 = vector.broadcast %broadcast_in_dim3A_2042 : f32 to vector<16xf32>
      %broadcast_in_dim3A_2044 = arith.constant 0.000000e+00 : f32
      %broadcast_in_dim3A_2045 = vector.broadcast %broadcast_in_dim3A_2044 : f32 to vector<16xf32>
      %broadcast_in_dim3A_2046 = arith.constant 0.000000e+00 : f32
      %broadcast_in_dim3A_2047 = vector.broadcast %broadcast_in_dim3A_2046 : f32 to vector<16xf32>
      %broadcast_in_dim3A_2048 = arith.constant 0.000000e+00 : f32
      %broadcast_in_dim3A_2049 = vector.broadcast %broadcast_in_dim3A_2048 : f32 to vector<16xf32>
      %broadcast_in_dim3A_2050 = arith.constant 0.000000e+00 : f32
      %broadcast_in_dim3A_2051 = vector.broadcast %broadcast_in_dim3A_2050 : f32 to vector<16xf32>
      %broadcast_in_dim3A_2052 = arith.constant 0.000000e+00 : f32
      %broadcast_in_dim3A_2053 = vector.broadcast %broadcast_in_dim3A_2052 : f32 to vector<16xf32>
      %parallel_loop3A_2054 = arith.constant 0 : i32
      %parallel_loop3A_2055 = arith.constant 2 : i32
      %parallel_loop3A_2056 = arith.constant 1 : i32
      %parallel_loop3A_2057:8 = scf.for %parallel_loop3A_2282 = %parallel_loop3A_2054 to %parallel_loop3A_2055 step %parallel_loop3A_2056 iter_args(%parallel_loop3A_2283 = %broadcast_in_dim3A_2039, %parallel_loop3A_2284 = %broadcast_in_dim3A_2041, %parallel_loop3A_2285 = %broadcast_in_dim3A_2043, %parallel_loop3A_2286 = %broadcast_in_dim3A_2045, %parallel_loop3A_2287 = %broadcast_in_dim3A_2047, %parallel_loop3A_2288 = %broadcast_in_dim3A_2049, %parallel_loop3A_2289 = %broadcast_in_dim3A_2051, %parallel_loop3A_2290 = %broadcast_in_dim3A_2053) -> (vector<16xf32>, vector<16xf32>, vector<16xf32>, vector<16xf32>, vector<16xf32>, vector<16xf32>, vector<16xf32>, vector<16xf32>)  : i32 {
        %parallel_loop3A_2291 = arith.constant 0 : i32
        %parallel_loop3A_2292 = arith.index_cast %parallel_loop3A_2291 : i32 to index
        %parallel_loop3A_2293 = arith.index_cast %parallel_loop3A_2282 : i32 to index
        %parallel_loop3A_2294 = arith.constant 0 : index
        %parallel_loop3A_2295 = tpu.vector_load %arg7[%parallel_loop3A_2292, %parallel_loop3A_2293, %parallel_loop3A_2294] {strides = array<i32>} : memref<4x100x128xf32, #tpu.memory_space<vmem>>, vector<1x1x16xf32>,
        %parallel_loop3A_2296 = vector.shape_cast %parallel_loop3A_2295 : vector<1x1x16xf32> to vector<16xf32>
        %parallel_loop3A_2297 = arith.addf %parallel_loop3A_2283, %parallel_loop3A_2296 : vector<16xf32>
        %parallel_loop3A_2298 = arith.constant 0 : i32
        %parallel_loop3A_2299 = arith.index_cast %parallel_loop3A_2298 : i32 to index
        %parallel_loop3A_2300 = arith.index_cast %parallel_loop3A_2282 : i32 to index
        %parallel_loop3A_2301 = arith.constant 16 : index
        %parallel_loop3A_2302 = tpu.vector_load %arg7[%parallel_loop3A_2299, %parallel_loop3A_2300, %parallel_loop3A_2301] {strides = array<i32>} : memref<4x100x128xf32, #tpu.memory_space<vmem>>, vector<1x1x16xf32>,
        %parallel_loop3A_2303 = vector.shape_cast %parallel_loop3A_2302 : vector<1x1x16xf32> to vector<16xf32>
        %parallel_loop3A_2304 = arith.addf %parallel_loop3A_2284, %parallel_loop3A_2303 : vector<16xf32>
        %parallel_loop3A_2305 = arith.constant 0 : i32
        %parallel_loop3A_2306 = arith.index_cast %parallel_loop3A_2305 : i32 to index
        %parallel_loop3A_2307 = arith.index_cast %parallel_loop3A_2282 : i32 to index
        %parallel_loop3A_2308 = arith.constant 32 : index
        %parallel_loop3A_2309 = tpu.vector_load %arg7[%parallel_loop3A_2306, %parallel_loop3A_2307, %parallel_loop3A_2308] {strides = array<i32>} : memref<4x100x128xf32, #tpu.memory_space<vmem>>, vector<1x1x16xf32>,
        %parallel_loop3A_2310 = vector.shape_cast %parallel_loop3A_2309 : vector<1x1x16xf32> to vector<16xf32>
        %parallel_loop3A_2311 = arith.addf %parallel_loop3A_2285, %parallel_loop3A_2310 : vector<16xf32>
        %parallel_loop3A_2312 = arith.constant 0 : i32
        %parallel_loop3A_2313 = arith.index_cast %parallel_loop3A_2312 : i32 to index
        %parallel_loop3A_2314 = arith.index_cast %parallel_loop3A_2282 : i32 to index
        %parallel_loop3A_2315 = arith.constant 48 : index
        %parallel_loop3A_2316 = tpu.vector_load %arg7[%parallel_loop3A_2313, %parallel_loop3A_2314, %parallel_loop3A_2315] {strides = array<i32>} : memref<4x100x128xf32, #tpu.memory_space<vmem>>, vector<1x1x16xf32>,
        %parallel_loop3A_2317 = vector.shape_cast %parallel_loop3A_2316 : vector<1x1x16xf32> to vector<16xf32>
        %parallel_loop3A_2318 = arith.addf %parallel_loop3A_2286, %parallel_loop3A_2317 : vector<16xf32>
        %parallel_loop3A_2319 = arith.constant 0 : i32
        %parallel_loop3A_2320 = arith.index_cast %parallel_loop3A_2319 : i32 to index
        %parallel_loop3A_2321 = arith.index_cast %parallel_loop3A_2282 : i32 to index
        %parallel_loop3A_2322 = arith.constant 64 : index
        %parallel_loop3A_2323 = tpu.vector_load %arg7[%parallel_loop3A_2320, %parallel_loop3A_2321, %parallel_loop3A_2322] {strides = array<i32>} : memref<4x100x128xf32, #tpu.memory_space<vmem>>, vector<1x1x16xf32>,
        %parallel_loop3A_2324 = vector.shape_cast %parallel_loop3A_2323 : vector<1x1x16xf32> to vector<16xf32>
        %parallel_loop3A_2325 = arith.addf %parallel_loop3A_2287, %parallel_loop3A_2324 : vector<16xf32>
        %parallel_loop3A_2326 = arith.constant 0 : i32
        %parallel_loop3A_2327 = arith.index_cast %parallel_loop3A_2326 : i32 to index
        %parallel_loop3A_2328 = arith.index_cast %parallel_loop3A_2282 : i32 to index
        %parallel_loop3A_2329 = arith.constant 80 : index
        %parallel_loop3A_2330 = tpu.vector_load %arg7[%parallel_loop3A_2327, %parallel_loop3A_2328, %parallel_loop3A_2329] {strides = array<i32>} : memref<4x100x128xf32, #tpu.memory_space<vmem>>, vector<1x1x16xf32>,
        %parallel_loop3A_2331 = vector.shape_cast %parallel_loop3A_2330 : vector<1x1x16xf32> to vector<16xf32>
        %parallel_loop3A_2332 = arith.addf %parallel_loop3A_2288, %parallel_loop3A_2331 : vector<16xf32>
        %parallel_loop3A_2333 = arith.constant 0 : i32
        %parallel_loop3A_2334 = arith.index_cast %parallel_loop3A_2333 : i32 to index
        %parallel_loop3A_2335 = arith.index_cast %parallel_loop3A_2282 : i32 to index
        %parallel_loop3A_2336 = arith.constant 96 : index
        %parallel_loop3A_2337 = tpu.vector_load %arg7[%parallel_loop3A_2334, %parallel_loop3A_2335, %parallel_loop3A_2336] {strides = array<i32>} : memref<4x100x128xf32, #tpu.memory_space<vmem>>, vector<1x1x16xf32>,
        %parallel_loop3A_2338 = vector.shape_cast %parallel_loop3A_2337 : vector<1x1x16xf32> to vector<16xf32>
        %parallel_loop3A_2339 = arith.addf %parallel_loop3A_2289, %parallel_loop3A_2338 : vector<16xf32>
        %parallel_loop3A_2340 = arith.constant 0 : i32
        %parallel_loop3A_2341 = arith.index_cast %parallel_loop3A_2340 : i32 to index
        %parallel_loop3A_2342 = arith.index_cast %parallel_loop3A_2282 : i32 to index
        %parallel_loop3A_2343 = arith.constant 112 : index
        %parallel_loop3A_2344 = tpu.vector_load %arg7[%parallel_loop3A_2341, %parallel_loop3A_2342, %parallel_loop3A_2343] {strides = array<i32>} : memref<4x100x128xf32, #tpu.memory_space<vmem>>, vector<1x1x16xf32>,
        %parallel_loop3A_2345 = vector.shape_cast %parallel_loop3A_2344 : vector<1x1x16xf32> to vector<16xf32>
        %parallel_loop3A_2346 = arith.addf %parallel_loop3A_2290, %parallel_loop3A_2345 : vector<16xf32>
        scf.yield %parallel_loop3A_2297, %parallel_loop3A_2304, %parallel_loop3A_2311, %parallel_loop3A_2318, %parallel_loop3A_2325, %parallel_loop3A_2332, %parallel_loop3A_2339, %parallel_loop3A_2346 : vector<16xf32>, vector<16xf32>, vector<16xf32>, vector<16xf32>, vector<16xf32>, vector<16xf32>, vector<16xf32>, vector<16xf32>
      } {sc.loop_unroll_factor = 1 : i64, sc.parallel_access}
      %mul3A_2058 = arith.constant 32 : i32
      %mul3A_2059 = arith.muli %scan3A_154, %mul3A_2058 : i32
      %add3A_2060 = arith.constant 29 : i32
      %add3A_2061 = arith.addi %mul3A_2059, %add3A_2060 : i32
      %add3A_2062 = arith.constant 3 : i32
      %add3A_2063 = arith.addi %add3A_2061, %add3A_2062 : i32
      %lt3A_2064 = arith.constant 256 : i32
      %lt3A_2065 = arith.cmpi slt, %add3A_2063, %lt3A_2064 : i32
      %convert_element_type3A_2066 = arith.extui %lt3A_2065 : i1 to i32
      %cond3A_2067 = arith.constant 0 : i32
      %cond3A_2068 = arith.cmpi ne, %convert_element_type3A_2066, %cond3A_2067 : i32
      scf.if %cond3A_2068 {
        %dma_start3A_2282 = arith.constant 0 : i32
        %dma_start3A_2283 = arith.constant 0 : i32
        %dma_start3A_2284 = arith.constant 0 : i32
        %dma_start3A_2285 = tpu.memref_slice %arg7[%dma_start3A_2282, %dma_start3A_2283, %dma_start3A_2284] : memref<4x100x128xf32, #tpu.memory_space<vmem>> -> memref<1x100x128xf32, #tpu.memory_space<vmem>>
        %dma_start3A_2286 = tpu.memref_squeeze %dma_start3A_2285 : memref<1x100x128xf32, #tpu.memory_space<vmem>> -> memref<100x128xf32, #tpu.memory_space<vmem>>
        %dma_start3A_2287 = arith.constant 0 : i32
        %dma_start3A_2288 = tpu.memref_slice %arg6[%add3A_2063, %dma_start3A_2287] : memref<256x100xi32, #tpu.memory_space<vmem>> -> memref<1x100xi32, #tpu.memory_space<vmem>>
        %dma_start3A_2289 = tpu.memref_squeeze %dma_start3A_2288 : memref<1x100xi32, #tpu.memory_space<vmem>> -> memref<100xi32, #tpu.memory_space<vmem>>
        %dma_start3A_2290 = arith.constant 0 : i32
        %dma_start3A_2291 = arith.constant 0 : i32
        %dma_start3A_2292 = tpu.memref_slice %arg4[%dma_start3A_2290, %dma_start3A_2291] : memref<100001x128xf32, #tpu.memory_space<hbm>> -> memref<100001x128xf32, #tpu.memory_space<hbm>>
        tpu.enqueue_indirect_dma source(%dma_start3A_2292 : memref<100001x128xf32, #tpu.memory_space<hbm>>) target(%dma_start3A_2286 : memref<100x128xf32, #tpu.memory_space<vmem>>) offsets(%dma_start3A_2289 : memref<100xi32, #tpu.memory_space<vmem>>) semaphore(%arg11 : memref<!tpu.dma_semaphore, #tpu.memory_space<semaphore_mem>>)
      } else {
      }
      %dma_wait3A_2069 = arith.constant 1 : i32
      %dma_wait3A_2070 = arith.constant 0 : i32
      %dma_wait3A_2071 = arith.constant 0 : i32
      %dma_wait3A_2072 = tpu.memref_slice %arg7[%dma_wait3A_2069, %dma_wait3A_2070, %dma_wait3A_2071] : memref<4x100x128xf32, #tpu.memory_space<vmem>> -> memref<1x100x128xf32, #tpu.memory_space<vmem>>
      %dma_wait3A_2073 = tpu.memref_squeeze %dma_wait3A_2072 : memref<1x100x128xf32, #tpu.memory_space<vmem>> -> memref<100x128xf32, #tpu.memory_space<vmem>>
      %dma_wait3A_2074 = arith.constant 0 : i32
      %dma_wait3A_2075 = tpu.memref_slice %arg6[%add3A_2061, %dma_wait3A_2074] : memref<256x100xi32, #tpu.memory_space<vmem>> -> memref<1x100xi32, #tpu.memory_space<vmem>>
      %dma_wait3A_2076 = tpu.memref_squeeze %dma_wait3A_2075 : memref<1x100xi32, #tpu.memory_space<vmem>> -> memref<100xi32, #tpu.memory_space<vmem>>
      %dma_wait3A_2077 = arith.constant 0 : i32
      %dma_wait3A_2078 = arith.constant 0 : i32
      %dma_wait3A_2079 = tpu.memref_slice %arg4[%dma_wait3A_2077, %dma_wait3A_2078] : memref<100001x128xf32, #tpu.memory_space<hbm>> -> memref<100001x128xf32, #tpu.memory_space<hbm>>
      tpu.wait_indirect_dma semaphore(%arg12 : memref<!tpu.dma_semaphore, #tpu.memory_space<semaphore_mem>>) src(%dma_wait3A_2079 : memref<100001x128xf32, #tpu.memory_space<hbm>>) dst(%dma_wait3A_2073 : memref<100x128xf32, #tpu.memory_space<vmem>>)
      %parallel_loop3A_2080 = arith.constant 0 : i32
      %parallel_loop3A_2081 = arith.constant 2 : i32
      %parallel_loop3A_2082 = arith.constant 1 : i32
      %parallel_loop3A_2083:8 = scf.for %parallel_loop3A_2282 = %parallel_loop3A_2080 to %parallel_loop3A_2081 step %parallel_loop3A_2082 iter_args(%parallel_loop3A_2283 = %parallel_loop3A_2057#0, %parallel_loop3A_2284 = %parallel_loop3A_2057#1, %parallel_loop3A_2285 = %parallel_loop3A_2057#2, %parallel_loop3A_2286 = %parallel_loop3A_2057#3, %parallel_loop3A_2287 = %parallel_loop3A_2057#4, %parallel_loop3A_2288 = %parallel_loop3A_2057#5, %parallel_loop3A_2289 = %parallel_loop3A_2057#6, %parallel_loop3A_2290 = %parallel_loop3A_2057#7) -> (vector<16xf32>, vector<16xf32>, vector<16xf32>, vector<16xf32>, vector<16xf32>, vector<16xf32>, vector<16xf32>, vector<16xf32>)  : i32 {
        %parallel_loop3A_2291 = arith.constant 1 : i32
        %parallel_loop3A_2292 = arith.index_cast %parallel_loop3A_2291 : i32 to index
        %parallel_loop3A_2293 = arith.index_cast %parallel_loop3A_2282 : i32 to index
        %parallel_loop3A_2294 = arith.constant 0 : index
        %parallel_loop3A_2295 = tpu.vector_load %arg7[%parallel_loop3A_2292, %parallel_loop3A_2293, %parallel_loop3A_2294] {strides = array<i32>} : memref<4x100x128xf32, #tpu.memory_space<vmem>>, vector<1x1x16xf32>,
        %parallel_loop3A_2296 = vector.shape_cast %parallel_loop3A_2295 : vector<1x1x16xf32> to vector<16xf32>
        %parallel_loop3A_2297 = arith.addf %parallel_loop3A_2283, %parallel_loop3A_2296 : vector<16xf32>
        %parallel_loop3A_2298 = arith.constant 1 : i32
        %parallel_loop3A_2299 = arith.index_cast %parallel_loop3A_2298 : i32 to index
        %parallel_loop3A_2300 = arith.index_cast %parallel_loop3A_2282 : i32 to index
        %parallel_loop3A_2301 = arith.constant 16 : index
        %parallel_loop3A_2302 = tpu.vector_load %arg7[%parallel_loop3A_2299, %parallel_loop3A_2300, %parallel_loop3A_2301] {strides = array<i32>} : memref<4x100x128xf32, #tpu.memory_space<vmem>>, vector<1x1x16xf32>,
        %parallel_loop3A_2303 = vector.shape_cast %parallel_loop3A_2302 : vector<1x1x16xf32> to vector<16xf32>
        %parallel_loop3A_2304 = arith.addf %parallel_loop3A_2284, %parallel_loop3A_2303 : vector<16xf32>
        %parallel_loop3A_2305 = arith.constant 1 : i32
        %parallel_loop3A_2306 = arith.index_cast %parallel_loop3A_2305 : i32 to index
        %parallel_loop3A_2307 = arith.index_cast %parallel_loop3A_2282 : i32 to index
        %parallel_loop3A_2308 = arith.constant 32 : index
        %parallel_loop3A_2309 = tpu.vector_load %arg7[%parallel_loop3A_2306, %parallel_loop3A_2307, %parallel_loop3A_2308] {strides = array<i32>} : memref<4x100x128xf32, #tpu.memory_space<vmem>>, vector<1x1x16xf32>,
        %parallel_loop3A_2310 = vector.shape_cast %parallel_loop3A_2309 : vector<1x1x16xf32> to vector<16xf32>
        %parallel_loop3A_2311 = arith.addf %parallel_loop3A_2285, %parallel_loop3A_2310 : vector<16xf32>
        %parallel_loop3A_2312 = arith.constant 1 : i32
        %parallel_loop3A_2313 = arith.index_cast %parallel_loop3A_2312 : i32 to index
        %parallel_loop3A_2314 = arith.index_cast %parallel_loop3A_2282 : i32 to index
        %parallel_loop3A_2315 = arith.constant 48 : index
        %parallel_loop3A_2316 = tpu.vector_load %arg7[%parallel_loop3A_2313, %parallel_loop3A_2314, %parallel_loop3A_2315] {strides = array<i32>} : memref<4x100x128xf32, #tpu.memory_space<vmem>>, vector<1x1x16xf32>,
        %parallel_loop3A_2317 = vector.shape_cast %parallel_loop3A_2316 : vector<1x1x16xf32> to vector<16xf32>
        %parallel_loop3A_2318 = arith.addf %parallel_loop3A_2286, %parallel_loop3A_2317 : vector<16xf32>
        %parallel_loop3A_2319 = arith.constant 1 : i32
        %parallel_loop3A_2320 = arith.index_cast %parallel_loop3A_2319 : i32 to index
        %parallel_loop3A_2321 = arith.index_cast %parallel_loop3A_2282 : i32 to index
        %parallel_loop3A_2322 = arith.constant 64 : index
        %parallel_loop3A_2323 = tpu.vector_load %arg7[%parallel_loop3A_2320, %parallel_loop3A_2321, %parallel_loop3A_2322] {strides = array<i32>} : memref<4x100x128xf32, #tpu.memory_space<vmem>>, vector<1x1x16xf32>,
        %parallel_loop3A_2324 = vector.shape_cast %parallel_loop3A_2323 : vector<1x1x16xf32> to vector<16xf32>
        %parallel_loop3A_2325 = arith.addf %parallel_loop3A_2287, %parallel_loop3A_2324 : vector<16xf32>
        %parallel_loop3A_2326 = arith.constant 1 : i32
        %parallel_loop3A_2327 = arith.index_cast %parallel_loop3A_2326 : i32 to index
        %parallel_loop3A_2328 = arith.index_cast %parallel_loop3A_2282 : i32 to index
        %parallel_loop3A_2329 = arith.constant 80 : index
        %parallel_loop3A_2330 = tpu.vector_load %arg7[%parallel_loop3A_2327, %parallel_loop3A_2328, %parallel_loop3A_2329] {strides = array<i32>} : memref<4x100x128xf32, #tpu.memory_space<vmem>>, vector<1x1x16xf32>,
        %parallel_loop3A_2331 = vector.shape_cast %parallel_loop3A_2330 : vector<1x1x16xf32> to vector<16xf32>
        %parallel_loop3A_2332 = arith.addf %parallel_loop3A_2288, %parallel_loop3A_2331 : vector<16xf32>
        %parallel_loop3A_2333 = arith.constant 1 : i32
        %parallel_loop3A_2334 = arith.index_cast %parallel_loop3A_2333 : i32 to index
        %parallel_loop3A_2335 = arith.index_cast %parallel_loop3A_2282 : i32 to index
        %parallel_loop3A_2336 = arith.constant 96 : index
        %parallel_loop3A_2337 = tpu.vector_load %arg7[%parallel_loop3A_2334, %parallel_loop3A_2335, %parallel_loop3A_2336] {strides = array<i32>} : memref<4x100x128xf32, #tpu.memory_space<vmem>>, vector<1x1x16xf32>,
        %parallel_loop3A_2338 = vector.shape_cast %parallel_loop3A_2337 : vector<1x1x16xf32> to vector<16xf32>
        %parallel_loop3A_2339 = arith.addf %parallel_loop3A_2289, %parallel_loop3A_2338 : vector<16xf32>
        %parallel_loop3A_2340 = arith.constant 1 : i32
        %parallel_loop3A_2341 = arith.index_cast %parallel_loop3A_2340 : i32 to index
        %parallel_loop3A_2342 = arith.index_cast %parallel_loop3A_2282 : i32 to index
        %parallel_loop3A_2343 = arith.constant 112 : index
        %parallel_loop3A_2344 = tpu.vector_load %arg7[%parallel_loop3A_2341, %parallel_loop3A_2342, %parallel_loop3A_2343] {strides = array<i32>} : memref<4x100x128xf32, #tpu.memory_space<vmem>>, vector<1x1x16xf32>,
        %parallel_loop3A_2345 = vector.shape_cast %parallel_loop3A_2344 : vector<1x1x16xf32> to vector<16xf32>
        %parallel_loop3A_2346 = arith.addf %parallel_loop3A_2290, %parallel_loop3A_2345 : vector<16xf32>
        scf.yield %parallel_loop3A_2297, %parallel_loop3A_2304, %parallel_loop3A_2311, %parallel_loop3A_2318, %parallel_loop3A_2325, %parallel_loop3A_2332, %parallel_loop3A_2339, %parallel_loop3A_2346 : vector<16xf32>, vector<16xf32>, vector<16xf32>, vector<16xf32>, vector<16xf32>, vector<16xf32>, vector<16xf32>, vector<16xf32>
      } {sc.loop_unroll_factor = 1 : i64, sc.parallel_access}
      %mul3A_2084 = arith.constant 16 : i32
      %mul3A_2085 = arith.muli %scan3A_154, %mul3A_2084 : i32
      %add3A_2086 = arith.constant 14 : i32
      %add3A_2087 = arith.addi %mul3A_2085, %add3A_2086 : i32
      %slice3A_2088 = vector.extract_strided_slice %get3A_159 {offsets = [14], sizes = [1], strides = [1]} : vector<16xf32> to vector<1xf32>
      %broadcast_in_dim3A_2089 = vector.shape_cast %slice3A_2088 : vector<1xf32> to vector<1xf32>
      %broadcast_in_dim3A_2090 = vector.broadcast %broadcast_in_dim3A_2089 : vector<1xf32> to vector<16xf32>
      %mul3A_2091 = arith.constant 128 : i32
      %mul3A_2092 = arith.muli %add3A_2087, %mul3A_2091 : i32
      %mul3A_2093 = arith.mulf %parallel_loop3A_2083#0, %broadcast_in_dim3A_2090 : vector<16xf32>
      %add3A_2094 = arith.constant 0 : i32
      %add3A_2095 = arith.addi %mul3A_2092, %add3A_2094 : i32
      %swap3A_2096 = arith.index_cast %add3A_2095 : i32 to index
      %swap3A_2097 = tpu.vector_load %arg8[%swap3A_2096] {strides = array<i32>} : memref<16384xf32, #tpu.memory_space<vmem>>, vector<16xf32>,
      %swap3A_2098 = vector.shape_cast %swap3A_2097 : vector<16xf32> to vector<16xf32>
      %swap3A_2099 = vector.shape_cast %mul3A_2093 : vector<16xf32> to vector<16xf32>
      tpu.vector_store %arg8[%swap3A_2096], %swap3A_2099 {strides = array<i32>} : memref<16384xf32, #tpu.memory_space<vmem>>, vector<16xf32>,
      %mul3A_2100 = arith.mulf %parallel_loop3A_2083#1, %broadcast_in_dim3A_2090 : vector<16xf32>
      %add3A_2101 = arith.constant 16 : i32
      %add3A_2102 = arith.addi %mul3A_2092, %add3A_2101 : i32
      %swap3A_2103 = arith.index_cast %add3A_2102 : i32 to index
      %swap3A_2104 = tpu.vector_load %arg8[%swap3A_2103] {strides = array<i32>} : memref<16384xf32, #tpu.memory_space<vmem>>, vector<16xf32>,
      %swap3A_2105 = vector.shape_cast %swap3A_2104 : vector<16xf32> to vector<16xf32>
      %swap3A_2106 = vector.shape_cast %mul3A_2100 : vector<16xf32> to vector<16xf32>
      tpu.vector_store %arg8[%swap3A_2103], %swap3A_2106 {strides = array<i32>} : memref<16384xf32, #tpu.memory_space<vmem>>, vector<16xf32>,
      %mul3A_2107 = arith.mulf %parallel_loop3A_2083#2, %broadcast_in_dim3A_2090 : vector<16xf32>
      %add3A_2108 = arith.constant 32 : i32
      %add3A_2109 = arith.addi %mul3A_2092, %add3A_2108 : i32
      %swap3A_2110 = arith.index_cast %add3A_2109 : i32 to index
      %swap3A_2111 = tpu.vector_load %arg8[%swap3A_2110] {strides = array<i32>} : memref<16384xf32, #tpu.memory_space<vmem>>, vector<16xf32>,
      %swap3A_2112 = vector.shape_cast %swap3A_2111 : vector<16xf32> to vector<16xf32>
      %swap3A_2113 = vector.shape_cast %mul3A_2107 : vector<16xf32> to vector<16xf32>
      tpu.vector_store %arg8[%swap3A_2110], %swap3A_2113 {strides = array<i32>} : memref<16384xf32, #tpu.memory_space<vmem>>, vector<16xf32>,
      %mul3A_2114 = arith.mulf %parallel_loop3A_2083#3, %broadcast_in_dim3A_2090 : vector<16xf32>
      %add3A_2115 = arith.constant 48 : i32
      %add3A_2116 = arith.addi %mul3A_2092, %add3A_2115 : i32
      %swap3A_2117 = arith.index_cast %add3A_2116 : i32 to index
      %swap3A_2118 = tpu.vector_load %arg8[%swap3A_2117] {strides = array<i32>} : memref<16384xf32, #tpu.memory_space<vmem>>, vector<16xf32>,
      %swap3A_2119 = vector.shape_cast %swap3A_2118 : vector<16xf32> to vector<16xf32>
      %swap3A_2120 = vector.shape_cast %mul3A_2114 : vector<16xf32> to vector<16xf32>
      tpu.vector_store %arg8[%swap3A_2117], %swap3A_2120 {strides = array<i32>} : memref<16384xf32, #tpu.memory_space<vmem>>, vector<16xf32>,
      %mul3A_2121 = arith.mulf %parallel_loop3A_2083#4, %broadcast_in_dim3A_2090 : vector<16xf32>
      %add3A_2122 = arith.constant 64 : i32
      %add3A_2123 = arith.addi %mul3A_2092, %add3A_2122 : i32
      %swap3A_2124 = arith.index_cast %add3A_2123 : i32 to index
      %swap3A_2125 = tpu.vector_load %arg8[%swap3A_2124] {strides = array<i32>} : memref<16384xf32, #tpu.memory_space<vmem>>, vector<16xf32>,
      %swap3A_2126 = vector.shape_cast %swap3A_2125 : vector<16xf32> to vector<16xf32>
      %swap3A_2127 = vector.shape_cast %mul3A_2121 : vector<16xf32> to vector<16xf32>
      tpu.vector_store %arg8[%swap3A_2124], %swap3A_2127 {strides = array<i32>} : memref<16384xf32, #tpu.memory_space<vmem>>, vector<16xf32>,
      %mul3A_2128 = arith.mulf %parallel_loop3A_2083#5, %broadcast_in_dim3A_2090 : vector<16xf32>
      %add3A_2129 = arith.constant 80 : i32
      %add3A_2130 = arith.addi %mul3A_2092, %add3A_2129 : i32
      %swap3A_2131 = arith.index_cast %add3A_2130 : i32 to index
      %swap3A_2132 = tpu.vector_load %arg8[%swap3A_2131] {strides = array<i32>} : memref<16384xf32, #tpu.memory_space<vmem>>, vector<16xf32>,
      %swap3A_2133 = vector.shape_cast %swap3A_2132 : vector<16xf32> to vector<16xf32>
      %swap3A_2134 = vector.shape_cast %mul3A_2128 : vector<16xf32> to vector<16xf32>
      tpu.vector_store %arg8[%swap3A_2131], %swap3A_2134 {strides = array<i32>} : memref<16384xf32, #tpu.memory_space<vmem>>, vector<16xf32>,
      %mul3A_2135 = arith.mulf %parallel_loop3A_2083#6, %broadcast_in_dim3A_2090 : vector<16xf32>
      %add3A_2136 = arith.constant 96 : i32
      %add3A_2137 = arith.addi %mul3A_2092, %add3A_2136 : i32
      %swap3A_2138 = arith.index_cast %add3A_2137 : i32 to index
      %swap3A_2139 = tpu.vector_load %arg8[%swap3A_2138] {strides = array<i32>} : memref<16384xf32, #tpu.memory_space<vmem>>, vector<16xf32>,
      %swap3A_2140 = vector.shape_cast %swap3A_2139 : vector<16xf32> to vector<16xf32>
      %swap3A_2141 = vector.shape_cast %mul3A_2135 : vector<16xf32> to vector<16xf32>
      tpu.vector_store %arg8[%swap3A_2138], %swap3A_2141 {strides = array<i32>} : memref<16384xf32, #tpu.memory_space<vmem>>, vector<16xf32>,
      %mul3A_2142 = arith.mulf %parallel_loop3A_2083#7, %broadcast_in_dim3A_2090 : vector<16xf32>
      %add3A_2143 = arith.constant 112 : i32
      %add3A_2144 = arith.addi %mul3A_2092, %add3A_2143 : i32
      %swap3A_2145 = arith.index_cast %add3A_2144 : i32 to index
      %swap3A_2146 = tpu.vector_load %arg8[%swap3A_2145] {strides = array<i32>} : memref<16384xf32, #tpu.memory_space<vmem>>, vector<16xf32>,
      %swap3A_2147 = vector.shape_cast %swap3A_2146 : vector<16xf32> to vector<16xf32>
      %swap3A_2148 = vector.shape_cast %mul3A_2142 : vector<16xf32> to vector<16xf32>
      tpu.vector_store %arg8[%swap3A_2145], %swap3A_2148 {strides = array<i32>} : memref<16384xf32, #tpu.memory_space<vmem>>, vector<16xf32>,
      %mul3A_2149 = arith.constant 32 : i32
      %mul3A_2150 = arith.muli %scan3A_154, %mul3A_2149 : i32
      %add3A_2151 = arith.constant 30 : i32
      %add3A_2152 = arith.addi %mul3A_2150, %add3A_2151 : i32
      %add3A_2153 = arith.constant 3 : i32
      %add3A_2154 = arith.addi %add3A_2152, %add3A_2153 : i32
      %lt3A_2155 = arith.constant 256 : i32
      %lt3A_2156 = arith.cmpi slt, %add3A_2154, %lt3A_2155 : i32
      %convert_element_type3A_2157 = arith.extui %lt3A_2156 : i1 to i32
      %cond3A_2158 = arith.constant 0 : i32
      %cond3A_2159 = arith.cmpi ne, %convert_element_type3A_2157, %cond3A_2158 : i32
      scf.if %cond3A_2159 {
        %dma_start3A_2282 = arith.constant 1 : i32
        %dma_start3A_2283 = arith.constant 0 : i32
        %dma_start3A_2284 = arith.constant 0 : i32
        %dma_start3A_2285 = tpu.memref_slice %arg7[%dma_start3A_2282, %dma_start3A_2283, %dma_start3A_2284] : memref<4x100x128xf32, #tpu.memory_space<vmem>> -> memref<1x100x128xf32, #tpu.memory_space<vmem>>
        %dma_start3A_2286 = tpu.memref_squeeze %dma_start3A_2285 : memref<1x100x128xf32, #tpu.memory_space<vmem>> -> memref<100x128xf32, #tpu.memory_space<vmem>>
        %dma_start3A_2287 = arith.constant 0 : i32
        %dma_start3A_2288 = tpu.memref_slice %arg6[%add3A_2154, %dma_start3A_2287] : memref<256x100xi32, #tpu.memory_space<vmem>> -> memref<1x100xi32, #tpu.memory_space<vmem>>
        %dma_start3A_2289 = tpu.memref_squeeze %dma_start3A_2288 : memref<1x100xi32, #tpu.memory_space<vmem>> -> memref<100xi32, #tpu.memory_space<vmem>>
        %dma_start3A_2290 = arith.constant 0 : i32
        %dma_start3A_2291 = arith.constant 0 : i32
        %dma_start3A_2292 = tpu.memref_slice %arg4[%dma_start3A_2290, %dma_start3A_2291] : memref<100001x128xf32, #tpu.memory_space<hbm>> -> memref<100001x128xf32, #tpu.memory_space<hbm>>
        tpu.enqueue_indirect_dma source(%dma_start3A_2292 : memref<100001x128xf32, #tpu.memory_space<hbm>>) target(%dma_start3A_2286 : memref<100x128xf32, #tpu.memory_space<vmem>>) offsets(%dma_start3A_2289 : memref<100xi32, #tpu.memory_space<vmem>>) semaphore(%arg12 : memref<!tpu.dma_semaphore, #tpu.memory_space<semaphore_mem>>)
      } else {
      }
      %dma_wait3A_2160 = arith.constant 2 : i32
      %dma_wait3A_2161 = arith.constant 0 : i32
      %dma_wait3A_2162 = arith.constant 0 : i32
      %dma_wait3A_2163 = tpu.memref_slice %arg7[%dma_wait3A_2160, %dma_wait3A_2161, %dma_wait3A_2162] : memref<4x100x128xf32, #tpu.memory_space<vmem>> -> memref<1x100x128xf32, #tpu.memory_space<vmem>>
      %dma_wait3A_2164 = tpu.memref_squeeze %dma_wait3A_2163 : memref<1x100x128xf32, #tpu.memory_space<vmem>> -> memref<100x128xf32, #tpu.memory_space<vmem>>
      %dma_wait3A_2165 = arith.constant 0 : i32
      %dma_wait3A_2166 = tpu.memref_slice %arg6[%add3A_2152, %dma_wait3A_2165] : memref<256x100xi32, #tpu.memory_space<vmem>> -> memref<1x100xi32, #tpu.memory_space<vmem>>
      %dma_wait3A_2167 = tpu.memref_squeeze %dma_wait3A_2166 : memref<1x100xi32, #tpu.memory_space<vmem>> -> memref<100xi32, #tpu.memory_space<vmem>>
      %dma_wait3A_2168 = arith.constant 0 : i32
      %dma_wait3A_2169 = arith.constant 0 : i32
      %dma_wait3A_2170 = tpu.memref_slice %arg4[%dma_wait3A_2168, %dma_wait3A_2169] : memref<100001x128xf32, #tpu.memory_space<hbm>> -> memref<100001x128xf32, #tpu.memory_space<hbm>>
      tpu.wait_indirect_dma semaphore(%arg13 : memref<!tpu.dma_semaphore, #tpu.memory_space<semaphore_mem>>) src(%dma_wait3A_2170 : memref<100001x128xf32, #tpu.memory_space<hbm>>) dst(%dma_wait3A_2164 : memref<100x128xf32, #tpu.memory_space<vmem>>)
      %broadcast_in_dim3A_2171 = arith.constant 0.000000e+00 : f32
      %broadcast_in_dim3A_2172 = vector.broadcast %broadcast_in_dim3A_2171 : f32 to vector<16xf32>
      %broadcast_in_dim3A_2173 = arith.constant 0.000000e+00 : f32
      %broadcast_in_dim3A_2174 = vector.broadcast %broadcast_in_dim3A_2173 : f32 to vector<16xf32>
      %broadcast_in_dim3A_2175 = arith.constant 0.000000e+00 : f32
      %broadcast_in_dim3A_2176 = vector.broadcast %broadcast_in_dim3A_2175 : f32 to vector<16xf32>
      %broadcast_in_dim3A_2177 = arith.constant 0.000000e+00 : f32
      %broadcast_in_dim3A_2178 = vector.broadcast %broadcast_in_dim3A_2177 : f32 to vector<16xf32>
      %broadcast_in_dim3A_2179 = arith.constant 0.000000e+00 : f32
      %broadcast_in_dim3A_2180 = vector.broadcast %broadcast_in_dim3A_2179 : f32 to vector<16xf32>
      %broadcast_in_dim3A_2181 = arith.constant 0.000000e+00 : f32
      %broadcast_in_dim3A_2182 = vector.broadcast %broadcast_in_dim3A_2181 : f32 to vector<16xf32>
      %broadcast_in_dim3A_2183 = arith.constant 0.000000e+00 : f32
      %broadcast_in_dim3A_2184 = vector.broadcast %broadcast_in_dim3A_2183 : f32 to vector<16xf32>
      %broadcast_in_dim3A_2185 = arith.constant 0.000000e+00 : f32
      %broadcast_in_dim3A_2186 = vector.broadcast %broadcast_in_dim3A_2185 : f32 to vector<16xf32>
      %parallel_loop3A_2187 = arith.constant 0 : i32
      %parallel_loop3A_2188 = arith.constant 2 : i32
      %parallel_loop3A_2189 = arith.constant 1 : i32
      %parallel_loop3A_2190:8 = scf.for %parallel_loop3A_2282 = %parallel_loop3A_2187 to %parallel_loop3A_2188 step %parallel_loop3A_2189 iter_args(%parallel_loop3A_2283 = %broadcast_in_dim3A_2172, %parallel_loop3A_2284 = %broadcast_in_dim3A_2174, %parallel_loop3A_2285 = %broadcast_in_dim3A_2176, %parallel_loop3A_2286 = %broadcast_in_dim3A_2178, %parallel_loop3A_2287 = %broadcast_in_dim3A_2180, %parallel_loop3A_2288 = %broadcast_in_dim3A_2182, %parallel_loop3A_2289 = %broadcast_in_dim3A_2184, %parallel_loop3A_2290 = %broadcast_in_dim3A_2186) -> (vector<16xf32>, vector<16xf32>, vector<16xf32>, vector<16xf32>, vector<16xf32>, vector<16xf32>, vector<16xf32>, vector<16xf32>)  : i32 {
        %parallel_loop3A_2291 = arith.constant 2 : i32
        %parallel_loop3A_2292 = arith.index_cast %parallel_loop3A_2291 : i32 to index
        %parallel_loop3A_2293 = arith.index_cast %parallel_loop3A_2282 : i32 to index
        %parallel_loop3A_2294 = arith.constant 0 : index
        %parallel_loop3A_2295 = tpu.vector_load %arg7[%parallel_loop3A_2292, %parallel_loop3A_2293, %parallel_loop3A_2294] {strides = array<i32>} : memref<4x100x128xf32, #tpu.memory_space<vmem>>, vector<1x1x16xf32>,
        %parallel_loop3A_2296 = vector.shape_cast %parallel_loop3A_2295 : vector<1x1x16xf32> to vector<16xf32>
        %parallel_loop3A_2297 = arith.addf %parallel_loop3A_2283, %parallel_loop3A_2296 : vector<16xf32>
        %parallel_loop3A_2298 = arith.constant 2 : i32
        %parallel_loop3A_2299 = arith.index_cast %parallel_loop3A_2298 : i32 to index
        %parallel_loop3A_2300 = arith.index_cast %parallel_loop3A_2282 : i32 to index
        %parallel_loop3A_2301 = arith.constant 16 : index
        %parallel_loop3A_2302 = tpu.vector_load %arg7[%parallel_loop3A_2299, %parallel_loop3A_2300, %parallel_loop3A_2301] {strides = array<i32>} : memref<4x100x128xf32, #tpu.memory_space<vmem>>, vector<1x1x16xf32>,
        %parallel_loop3A_2303 = vector.shape_cast %parallel_loop3A_2302 : vector<1x1x16xf32> to vector<16xf32>
        %parallel_loop3A_2304 = arith.addf %parallel_loop3A_2284, %parallel_loop3A_2303 : vector<16xf32>
        %parallel_loop3A_2305 = arith.constant 2 : i32
        %parallel_loop3A_2306 = arith.index_cast %parallel_loop3A_2305 : i32 to index
        %parallel_loop3A_2307 = arith.index_cast %parallel_loop3A_2282 : i32 to index
        %parallel_loop3A_2308 = arith.constant 32 : index
        %parallel_loop3A_2309 = tpu.vector_load %arg7[%parallel_loop3A_2306, %parallel_loop3A_2307, %parallel_loop3A_2308] {strides = array<i32>} : memref<4x100x128xf32, #tpu.memory_space<vmem>>, vector<1x1x16xf32>,
        %parallel_loop3A_2310 = vector.shape_cast %parallel_loop3A_2309 : vector<1x1x16xf32> to vector<16xf32>
        %parallel_loop3A_2311 = arith.addf %parallel_loop3A_2285, %parallel_loop3A_2310 : vector<16xf32>
        %parallel_loop3A_2312 = arith.constant 2 : i32
        %parallel_loop3A_2313 = arith.index_cast %parallel_loop3A_2312 : i32 to index
        %parallel_loop3A_2314 = arith.index_cast %parallel_loop3A_2282 : i32 to index
        %parallel_loop3A_2315 = arith.constant 48 : index
        %parallel_loop3A_2316 = tpu.vector_load %arg7[%parallel_loop3A_2313, %parallel_loop3A_2314, %parallel_loop3A_2315] {strides = array<i32>} : memref<4x100x128xf32, #tpu.memory_space<vmem>>, vector<1x1x16xf32>,
        %parallel_loop3A_2317 = vector.shape_cast %parallel_loop3A_2316 : vector<1x1x16xf32> to vector<16xf32>
        %parallel_loop3A_2318 = arith.addf %parallel_loop3A_2286, %parallel_loop3A_2317 : vector<16xf32>
        %parallel_loop3A_2319 = arith.constant 2 : i32
        %parallel_loop3A_2320 = arith.index_cast %parallel_loop3A_2319 : i32 to index
        %parallel_loop3A_2321 = arith.index_cast %parallel_loop3A_2282 : i32 to index
        %parallel_loop3A_2322 = arith.constant 64 : index
        %parallel_loop3A_2323 = tpu.vector_load %arg7[%parallel_loop3A_2320, %parallel_loop3A_2321, %parallel_loop3A_2322] {strides = array<i32>} : memref<4x100x128xf32, #tpu.memory_space<vmem>>, vector<1x1x16xf32>,
        %parallel_loop3A_2324 = vector.shape_cast %parallel_loop3A_2323 : vector<1x1x16xf32> to vector<16xf32>
        %parallel_loop3A_2325 = arith.addf %parallel_loop3A_2287, %parallel_loop3A_2324 : vector<16xf32>
        %parallel_loop3A_2326 = arith.constant 2 : i32
        %parallel_loop3A_2327 = arith.index_cast %parallel_loop3A_2326 : i32 to index
        %parallel_loop3A_2328 = arith.index_cast %parallel_loop3A_2282 : i32 to index
        %parallel_loop3A_2329 = arith.constant 80 : index
        %parallel_loop3A_2330 = tpu.vector_load %arg7[%parallel_loop3A_2327, %parallel_loop3A_2328, %parallel_loop3A_2329] {strides = array<i32>} : memref<4x100x128xf32, #tpu.memory_space<vmem>>, vector<1x1x16xf32>,
        %parallel_loop3A_2331 = vector.shape_cast %parallel_loop3A_2330 : vector<1x1x16xf32> to vector<16xf32>
        %parallel_loop3A_2332 = arith.addf %parallel_loop3A_2288, %parallel_loop3A_2331 : vector<16xf32>
        %parallel_loop3A_2333 = arith.constant 2 : i32
        %parallel_loop3A_2334 = arith.index_cast %parallel_loop3A_2333 : i32 to index
        %parallel_loop3A_2335 = arith.index_cast %parallel_loop3A_2282 : i32 to index
        %parallel_loop3A_2336 = arith.constant 96 : index
        %parallel_loop3A_2337 = tpu.vector_load %arg7[%parallel_loop3A_2334, %parallel_loop3A_2335, %parallel_loop3A_2336] {strides = array<i32>} : memref<4x100x128xf32, #tpu.memory_space<vmem>>, vector<1x1x16xf32>,
        %parallel_loop3A_2338 = vector.shape_cast %parallel_loop3A_2337 : vector<1x1x16xf32> to vector<16xf32>
        %parallel_loop3A_2339 = arith.addf %parallel_loop3A_2289, %parallel_loop3A_2338 : vector<16xf32>
        %parallel_loop3A_2340 = arith.constant 2 : i32
        %parallel_loop3A_2341 = arith.index_cast %parallel_loop3A_2340 : i32 to index
        %parallel_loop3A_2342 = arith.index_cast %parallel_loop3A_2282 : i32 to index
        %parallel_loop3A_2343 = arith.constant 112 : index
        %parallel_loop3A_2344 = tpu.vector_load %arg7[%parallel_loop3A_2341, %parallel_loop3A_2342, %parallel_loop3A_2343] {strides = array<i32>} : memref<4x100x128xf32, #tpu.memory_space<vmem>>, vector<1x1x16xf32>,
        %parallel_loop3A_2345 = vector.shape_cast %parallel_loop3A_2344 : vector<1x1x16xf32> to vector<16xf32>
        %parallel_loop3A_2346 = arith.addf %parallel_loop3A_2290, %parallel_loop3A_2345 : vector<16xf32>
        scf.yield %parallel_loop3A_2297, %parallel_loop3A_2304, %parallel_loop3A_2311, %parallel_loop3A_2318, %parallel_loop3A_2325, %parallel_loop3A_2332, %parallel_loop3A_2339, %parallel_loop3A_2346 : vector<16xf32>, vector<16xf32>, vector<16xf32>, vector<16xf32>, vector<16xf32>, vector<16xf32>, vector<16xf32>, vector<16xf32>
      } {sc.loop_unroll_factor = 1 : i64, sc.parallel_access}
      %mul3A_2191 = arith.constant 32 : i32
      %mul3A_2192 = arith.muli %scan3A_154, %mul3A_2191 : i32
      %add3A_2193 = arith.constant 31 : i32
      %add3A_2194 = arith.addi %mul3A_2192, %add3A_2193 : i32
      %add3A_2195 = arith.constant 3 : i32
      %add3A_2196 = arith.addi %add3A_2194, %add3A_2195 : i32
      %lt3A_2197 = arith.constant 256 : i32
      %lt3A_2198 = arith.cmpi slt, %add3A_2196, %lt3A_2197 : i32
      %convert_element_type3A_2199 = arith.extui %lt3A_2198 : i1 to i32
      %cond3A_2200 = arith.constant 0 : i32
      %cond3A_2201 = arith.cmpi ne, %convert_element_type3A_2199, %cond3A_2200 : i32
      scf.if %cond3A_2201 {
        %dma_start3A_2282 = arith.constant 2 : i32
        %dma_start3A_2283 = arith.constant 0 : i32
        %dma_start3A_2284 = arith.constant 0 : i32
        %dma_start3A_2285 = tpu.memref_slice %arg7[%dma_start3A_2282, %dma_start3A_2283, %dma_start3A_2284] : memref<4x100x128xf32, #tpu.memory_space<vmem>> -> memref<1x100x128xf32, #tpu.memory_space<vmem>>
        %dma_start3A_2286 = tpu.memref_squeeze %dma_start3A_2285 : memref<1x100x128xf32, #tpu.memory_space<vmem>> -> memref<100x128xf32, #tpu.memory_space<vmem>>
        %dma_start3A_2287 = arith.constant 0 : i32
        %dma_start3A_2288 = tpu.memref_slice %arg6[%add3A_2196, %dma_start3A_2287] : memref<256x100xi32, #tpu.memory_space<vmem>> -> memref<1x100xi32, #tpu.memory_space<vmem>>
        %dma_start3A_2289 = tpu.memref_squeeze %dma_start3A_2288 : memref<1x100xi32, #tpu.memory_space<vmem>> -> memref<100xi32, #tpu.memory_space<vmem>>
        %dma_start3A_2290 = arith.constant 0 : i32
        %dma_start3A_2291 = arith.constant 0 : i32
        %dma_start3A_2292 = tpu.memref_slice %arg4[%dma_start3A_2290, %dma_start3A_2291] : memref<100001x128xf32, #tpu.memory_space<hbm>> -> memref<100001x128xf32, #tpu.memory_space<hbm>>
        tpu.enqueue_indirect_dma source(%dma_start3A_2292 : memref<100001x128xf32, #tpu.memory_space<hbm>>) target(%dma_start3A_2286 : memref<100x128xf32, #tpu.memory_space<vmem>>) offsets(%dma_start3A_2289 : memref<100xi32, #tpu.memory_space<vmem>>) semaphore(%arg13 : memref<!tpu.dma_semaphore, #tpu.memory_space<semaphore_mem>>)
      } else {
      }
      %dma_wait3A_2202 = arith.constant 3 : i32
      %dma_wait3A_2203 = arith.constant 0 : i32
      %dma_wait3A_2204 = arith.constant 0 : i32
      %dma_wait3A_2205 = tpu.memref_slice %arg7[%dma_wait3A_2202, %dma_wait3A_2203, %dma_wait3A_2204] : memref<4x100x128xf32, #tpu.memory_space<vmem>> -> memref<1x100x128xf32, #tpu.memory_space<vmem>>
      %dma_wait3A_2206 = tpu.memref_squeeze %dma_wait3A_2205 : memref<1x100x128xf32, #tpu.memory_space<vmem>> -> memref<100x128xf32, #tpu.memory_space<vmem>>
      %dma_wait3A_2207 = arith.constant 0 : i32
      %dma_wait3A_2208 = tpu.memref_slice %arg6[%add3A_2194, %dma_wait3A_2207] : memref<256x100xi32, #tpu.memory_space<vmem>> -> memref<1x100xi32, #tpu.memory_space<vmem>>
      %dma_wait3A_2209 = tpu.memref_squeeze %dma_wait3A_2208 : memref<1x100xi32, #tpu.memory_space<vmem>> -> memref<100xi32, #tpu.memory_space<vmem>>
      %dma_wait3A_2210 = arith.constant 0 : i32
      %dma_wait3A_2211 = arith.constant 0 : i32
      %dma_wait3A_2212 = tpu.memref_slice %arg4[%dma_wait3A_2210, %dma_wait3A_2211] : memref<100001x128xf32, #tpu.memory_space<hbm>> -> memref<100001x128xf32, #tpu.memory_space<hbm>>
      tpu.wait_indirect_dma semaphore(%arg14 : memref<!tpu.dma_semaphore, #tpu.memory_space<semaphore_mem>>) src(%dma_wait3A_2212 : memref<100001x128xf32, #tpu.memory_space<hbm>>) dst(%dma_wait3A_2206 : memref<100x128xf32, #tpu.memory_space<vmem>>)
      %parallel_loop3A_2213 = arith.constant 0 : i32
      %parallel_loop3A_2214 = arith.constant 2 : i32
      %parallel_loop3A_2215 = arith.constant 1 : i32
      %parallel_loop3A_2216:8 = scf.for %parallel_loop3A_2282 = %parallel_loop3A_2213 to %parallel_loop3A_2214 step %parallel_loop3A_2215 iter_args(%parallel_loop3A_2283 = %parallel_loop3A_2190#0, %parallel_loop3A_2284 = %parallel_loop3A_2190#1, %parallel_loop3A_2285 = %parallel_loop3A_2190#2, %parallel_loop3A_2286 = %parallel_loop3A_2190#3, %parallel_loop3A_2287 = %parallel_loop3A_2190#4, %parallel_loop3A_2288 = %parallel_loop3A_2190#5, %parallel_loop3A_2289 = %parallel_loop3A_2190#6, %parallel_loop3A_2290 = %parallel_loop3A_2190#7) -> (vector<16xf32>, vector<16xf32>, vector<16xf32>, vector<16xf32>, vector<16xf32>, vector<16xf32>, vector<16xf32>, vector<16xf32>)  : i32 {
        %parallel_loop3A_2291 = arith.constant 3 : i32
        %parallel_loop3A_2292 = arith.index_cast %parallel_loop3A_2291 : i32 to index
        %parallel_loop3A_2293 = arith.index_cast %parallel_loop3A_2282 : i32 to index
        %parallel_loop3A_2294 = arith.constant 0 : index
        %parallel_loop3A_2295 = tpu.vector_load %arg7[%parallel_loop3A_2292, %parallel_loop3A_2293, %parallel_loop3A_2294] {strides = array<i32>} : memref<4x100x128xf32, #tpu.memory_space<vmem>>, vector<1x1x16xf32>,
        %parallel_loop3A_2296 = vector.shape_cast %parallel_loop3A_2295 : vector<1x1x16xf32> to vector<16xf32>
        %parallel_loop3A_2297 = arith.addf %parallel_loop3A_2283, %parallel_loop3A_2296 : vector<16xf32>
        %parallel_loop3A_2298 = arith.constant 3 : i32
        %parallel_loop3A_2299 = arith.index_cast %parallel_loop3A_2298 : i32 to index
        %parallel_loop3A_2300 = arith.index_cast %parallel_loop3A_2282 : i32 to index
        %parallel_loop3A_2301 = arith.constant 16 : index
        %parallel_loop3A_2302 = tpu.vector_load %arg7[%parallel_loop3A_2299, %parallel_loop3A_2300, %parallel_loop3A_2301] {strides = array<i32>} : memref<4x100x128xf32, #tpu.memory_space<vmem>>, vector<1x1x16xf32>,
        %parallel_loop3A_2303 = vector.shape_cast %parallel_loop3A_2302 : vector<1x1x16xf32> to vector<16xf32>
        %parallel_loop3A_2304 = arith.addf %parallel_loop3A_2284, %parallel_loop3A_2303 : vector<16xf32>
        %parallel_loop3A_2305 = arith.constant 3 : i32
        %parallel_loop3A_2306 = arith.index_cast %parallel_loop3A_2305 : i32 to index
        %parallel_loop3A_2307 = arith.index_cast %parallel_loop3A_2282 : i32 to index
        %parallel_loop3A_2308 = arith.constant 32 : index
        %parallel_loop3A_2309 = tpu.vector_load %arg7[%parallel_loop3A_2306, %parallel_loop3A_2307, %parallel_loop3A_2308] {strides = array<i32>} : memref<4x100x128xf32, #tpu.memory_space<vmem>>, vector<1x1x16xf32>,
        %parallel_loop3A_2310 = vector.shape_cast %parallel_loop3A_2309 : vector<1x1x16xf32> to vector<16xf32>
        %parallel_loop3A_2311 = arith.addf %parallel_loop3A_2285, %parallel_loop3A_2310 : vector<16xf32>
        %parallel_loop3A_2312 = arith.constant 3 : i32
        %parallel_loop3A_2313 = arith.index_cast %parallel_loop3A_2312 : i32 to index
        %parallel_loop3A_2314 = arith.index_cast %parallel_loop3A_2282 : i32 to index
        %parallel_loop3A_2315 = arith.constant 48 : index
        %parallel_loop3A_2316 = tpu.vector_load %arg7[%parallel_loop3A_2313, %parallel_loop3A_2314, %parallel_loop3A_2315] {strides = array<i32>} : memref<4x100x128xf32, #tpu.memory_space<vmem>>, vector<1x1x16xf32>,
        %parallel_loop3A_2317 = vector.shape_cast %parallel_loop3A_2316 : vector<1x1x16xf32> to vector<16xf32>
        %parallel_loop3A_2318 = arith.addf %parallel_loop3A_2286, %parallel_loop3A_2317 : vector<16xf32>
        %parallel_loop3A_2319 = arith.constant 3 : i32
        %parallel_loop3A_2320 = arith.index_cast %parallel_loop3A_2319 : i32 to index
        %parallel_loop3A_2321 = arith.index_cast %parallel_loop3A_2282 : i32 to index
        %parallel_loop3A_2322 = arith.constant 64 : index
        %parallel_loop3A_2323 = tpu.vector_load %arg7[%parallel_loop3A_2320, %parallel_loop3A_2321, %parallel_loop3A_2322] {strides = array<i32>} : memref<4x100x128xf32, #tpu.memory_space<vmem>>, vector<1x1x16xf32>,
        %parallel_loop3A_2324 = vector.shape_cast %parallel_loop3A_2323 : vector<1x1x16xf32> to vector<16xf32>
        %parallel_loop3A_2325 = arith.addf %parallel_loop3A_2287, %parallel_loop3A_2324 : vector<16xf32>
        %parallel_loop3A_2326 = arith.constant 3 : i32
        %parallel_loop3A_2327 = arith.index_cast %parallel_loop3A_2326 : i32 to index
        %parallel_loop3A_2328 = arith.index_cast %parallel_loop3A_2282 : i32 to index
        %parallel_loop3A_2329 = arith.constant 80 : index
        %parallel_loop3A_2330 = tpu.vector_load %arg7[%parallel_loop3A_2327, %parallel_loop3A_2328, %parallel_loop3A_2329] {strides = array<i32>} : memref<4x100x128xf32, #tpu.memory_space<vmem>>, vector<1x1x16xf32>,
        %parallel_loop3A_2331 = vector.shape_cast %parallel_loop3A_2330 : vector<1x1x16xf32> to vector<16xf32>
        %parallel_loop3A_2332 = arith.addf %parallel_loop3A_2288, %parallel_loop3A_2331 : vector<16xf32>
        %parallel_loop3A_2333 = arith.constant 3 : i32
        %parallel_loop3A_2334 = arith.index_cast %parallel_loop3A_2333 : i32 to index
        %parallel_loop3A_2335 = arith.index_cast %parallel_loop3A_2282 : i32 to index
        %parallel_loop3A_2336 = arith.constant 96 : index
        %parallel_loop3A_2337 = tpu.vector_load %arg7[%parallel_loop3A_2334, %parallel_loop3A_2335, %parallel_loop3A_2336] {strides = array<i32>} : memref<4x100x128xf32, #tpu.memory_space<vmem>>, vector<1x1x16xf32>,
        %parallel_loop3A_2338 = vector.shape_cast %parallel_loop3A_2337 : vector<1x1x16xf32> to vector<16xf32>
        %parallel_loop3A_2339 = arith.addf %parallel_loop3A_2289, %parallel_loop3A_2338 : vector<16xf32>
        %parallel_loop3A_2340 = arith.constant 3 : i32
        %parallel_loop3A_2341 = arith.index_cast %parallel_loop3A_2340 : i32 to index
        %parallel_loop3A_2342 = arith.index_cast %parallel_loop3A_2282 : i32 to index
        %parallel_loop3A_2343 = arith.constant 112 : index
        %parallel_loop3A_2344 = tpu.vector_load %arg7[%parallel_loop3A_2341, %parallel_loop3A_2342, %parallel_loop3A_2343] {strides = array<i32>} : memref<4x100x128xf32, #tpu.memory_space<vmem>>, vector<1x1x16xf32>,
        %parallel_loop3A_2345 = vector.shape_cast %parallel_loop3A_2344 : vector<1x1x16xf32> to vector<16xf32>
        %parallel_loop3A_2346 = arith.addf %parallel_loop3A_2290, %parallel_loop3A_2345 : vector<16xf32>
        scf.yield %parallel_loop3A_2297, %parallel_loop3A_2304, %parallel_loop3A_2311, %parallel_loop3A_2318, %parallel_loop3A_2325, %parallel_loop3A_2332, %parallel_loop3A_2339, %parallel_loop3A_2346 : vector<16xf32>, vector<16xf32>, vector<16xf32>, vector<16xf32>, vector<16xf32>, vector<16xf32>, vector<16xf32>, vector<16xf32>
      } {sc.loop_unroll_factor = 1 : i64, sc.parallel_access}
      %mul3A_2217 = arith.constant 16 : i32
      %mul3A_2218 = arith.muli %scan3A_154, %mul3A_2217 : i32
      %add3A_2219 = arith.constant 15 : i32
      %add3A_2220 = arith.addi %mul3A_2218, %add3A_2219 : i32
      %slice3A_2221 = vector.extract_strided_slice %get3A_159 {offsets = [15], sizes = [1], strides = [1]} : vector<16xf32> to vector<1xf32>
      %broadcast_in_dim3A_2222 = vector.shape_cast %slice3A_2221 : vector<1xf32> to vector<1xf32>
      %broadcast_in_dim3A_2223 = vector.broadcast %broadcast_in_dim3A_2222 : vector<1xf32> to vector<16xf32>
      %mul3A_2224 = arith.constant 128 : i32
      %mul3A_2225 = arith.muli %add3A_2220, %mul3A_2224 : i32
      %mul3A_2226 = arith.mulf %parallel_loop3A_2216#0, %broadcast_in_dim3A_2223 : vector<16xf32>
      %add3A_2227 = arith.constant 0 : i32
      %add3A_2228 = arith.addi %mul3A_2225, %add3A_2227 : i32
      %swap3A_2229 = arith.index_cast %add3A_2228 : i32 to index
      %swap3A_2230 = tpu.vector_load %arg8[%swap3A_2229] {strides = array<i32>} : memref<16384xf32, #tpu.memory_space<vmem>>, vector<16xf32>,
      %swap3A_2231 = vector.shape_cast %swap3A_2230 : vector<16xf32> to vector<16xf32>
      %swap3A_2232 = vector.shape_cast %mul3A_2226 : vector<16xf32> to vector<16xf32>
      tpu.vector_store %arg8[%swap3A_2229], %swap3A_2232 {strides = array<i32>} : memref<16384xf32, #tpu.memory_space<vmem>>, vector<16xf32>,
      %mul3A_2233 = arith.mulf %parallel_loop3A_2216#1, %broadcast_in_dim3A_2223 : vector<16xf32>
      %add3A_2234 = arith.constant 16 : i32
      %add3A_2235 = arith.addi %mul3A_2225, %add3A_2234 : i32
      %swap3A_2236 = arith.index_cast %add3A_2235 : i32 to index
      %swap3A_2237 = tpu.vector_load %arg8[%swap3A_2236] {strides = array<i32>} : memref<16384xf32, #tpu.memory_space<vmem>>, vector<16xf32>,
      %swap3A_2238 = vector.shape_cast %swap3A_2237 : vector<16xf32> to vector<16xf32>
      %swap3A_2239 = vector.shape_cast %mul3A_2233 : vector<16xf32> to vector<16xf32>
      tpu.vector_store %arg8[%swap3A_2236], %swap3A_2239 {strides = array<i32>} : memref<16384xf32, #tpu.memory_space<vmem>>, vector<16xf32>,
      %mul3A_2240 = arith.mulf %parallel_loop3A_2216#2, %broadcast_in_dim3A_2223 : vector<16xf32>
      %add3A_2241 = arith.constant 32 : i32
      %add3A_2242 = arith.addi %mul3A_2225, %add3A_2241 : i32
      %swap3A_2243 = arith.index_cast %add3A_2242 : i32 to index
      %swap3A_2244 = tpu.vector_load %arg8[%swap3A_2243] {strides = array<i32>} : memref<16384xf32, #tpu.memory_space<vmem>>, vector<16xf32>,
      %swap3A_2245 = vector.shape_cast %swap3A_2244 : vector<16xf32> to vector<16xf32>
      %swap3A_2246 = vector.shape_cast %mul3A_2240 : vector<16xf32> to vector<16xf32>
      tpu.vector_store %arg8[%swap3A_2243], %swap3A_2246 {strides = array<i32>} : memref<16384xf32, #tpu.memory_space<vmem>>, vector<16xf32>,
      %mul3A_2247 = arith.mulf %parallel_loop3A_2216#3, %broadcast_in_dim3A_2223 : vector<16xf32>
      %add3A_2248 = arith.constant 48 : i32
      %add3A_2249 = arith.addi %mul3A_2225, %add3A_2248 : i32
      %swap3A_2250 = arith.index_cast %add3A_2249 : i32 to index
      %swap3A_2251 = tpu.vector_load %arg8[%swap3A_2250] {strides = array<i32>} : memref<16384xf32, #tpu.memory_space<vmem>>, vector<16xf32>,
      %swap3A_2252 = vector.shape_cast %swap3A_2251 : vector<16xf32> to vector<16xf32>
      %swap3A_2253 = vector.shape_cast %mul3A_2247 : vector<16xf32> to vector<16xf32>
      tpu.vector_store %arg8[%swap3A_2250], %swap3A_2253 {strides = array<i32>} : memref<16384xf32, #tpu.memory_space<vmem>>, vector<16xf32>,
      %mul3A_2254 = arith.mulf %parallel_loop3A_2216#4, %broadcast_in_dim3A_2223 : vector<16xf32>
      %add3A_2255 = arith.constant 64 : i32
      %add3A_2256 = arith.addi %mul3A_2225, %add3A_2255 : i32
      %swap3A_2257 = arith.index_cast %add3A_2256 : i32 to index
      %swap3A_2258 = tpu.vector_load %arg8[%swap3A_2257] {strides = array<i32>} : memref<16384xf32, #tpu.memory_space<vmem>>, vector<16xf32>,
      %swap3A_2259 = vector.shape_cast %swap3A_2258 : vector<16xf32> to vector<16xf32>
      %swap3A_2260 = vector.shape_cast %mul3A_2254 : vector<16xf32> to vector<16xf32>
      tpu.vector_store %arg8[%swap3A_2257], %swap3A_2260 {strides = array<i32>} : memref<16384xf32, #tpu.memory_space<vmem>>, vector<16xf32>,
      %mul3A_2261 = arith.mulf %parallel_loop3A_2216#5, %broadcast_in_dim3A_2223 : vector<16xf32>
      %add3A_2262 = arith.constant 80 : i32
      %add3A_2263 = arith.addi %mul3A_2225, %add3A_2262 : i32
      %swap3A_2264 = arith.index_cast %add3A_2263 : i32 to index
      %swap3A_2265 = tpu.vector_load %arg8[%swap3A_2264] {strides = array<i32>} : memref<16384xf32, #tpu.memory_space<vmem>>, vector<16xf32>,
      %swap3A_2266 = vector.shape_cast %swap3A_2265 : vector<16xf32> to vector<16xf32>
      %swap3A_2267 = vector.shape_cast %mul3A_2261 : vector<16xf32> to vector<16xf32>
      tpu.vector_store %arg8[%swap3A_2264], %swap3A_2267 {strides = array<i32>} : memref<16384xf32, #tpu.memory_space<vmem>>, vector<16xf32>,
      %mul3A_2268 = arith.mulf %parallel_loop3A_2216#6, %broadcast_in_dim3A_2223 : vector<16xf32>
      %add3A_2269 = arith.constant 96 : i32
      %add3A_2270 = arith.addi %mul3A_2225, %add3A_2269 : i32
      %swap3A_2271 = arith.index_cast %add3A_2270 : i32 to index
      %swap3A_2272 = tpu.vector_load %arg8[%swap3A_2271] {strides = array<i32>} : memref<16384xf32, #tpu.memory_space<vmem>>, vector<16xf32>,
      %swap3A_2273 = vector.shape_cast %swap3A_2272 : vector<16xf32> to vector<16xf32>
      %swap3A_2274 = vector.shape_cast %mul3A_2268 : vector<16xf32> to vector<16xf32>
      tpu.vector_store %arg8[%swap3A_2271], %swap3A_2274 {strides = array<i32>} : memref<16384xf32, #tpu.memory_space<vmem>>, vector<16xf32>,
      %mul3A_2275 = arith.mulf %parallel_loop3A_2216#7, %broadcast_in_dim3A_2223 : vector<16xf32>
      %add3A_2276 = arith.constant 112 : i32
      %add3A_2277 = arith.addi %mul3A_2225, %add3A_2276 : i32
      %swap3A_2278 = arith.index_cast %add3A_2277 : i32 to index
      %swap3A_2279 = tpu.vector_load %arg8[%swap3A_2278] {strides = array<i32>} : memref<16384xf32, #tpu.memory_space<vmem>>, vector<16xf32>,
      %swap3A_2280 = vector.shape_cast %swap3A_2279 : vector<16xf32> to vector<16xf32>
      %swap3A_2281 = vector.shape_cast %mul3A_2275 : vector<16xf32> to vector<16xf32>
      tpu.vector_store %arg8[%swap3A_2278], %swap3A_2281 {strides = array<i32>} : memref<16384xf32, #tpu.memory_space<vmem>>, vector<16xf32>,
    }
    %scan3A_151 = arith.constant 8 : i32
    %mul3A_152 = arith.constant 128 : i32
    %mul3A_153 = arith.muli %mul3A_2, %mul3A_152 : i32
    "tpu.region"() ({
      %run_scoped3A = tpu.sem_alloc : memref<!tpu.dma_semaphore, #tpu.memory_space<semaphore_mem>>
      %dma_start3A_154 = tpu.memref_slice %arg5[%mul3A_153] : memref<524288xf32, #tpu.memory_space<hbm>> -> memref<16384xf32, #tpu.memory_space<hbm>>
      %dma_start3A_155 = tpu.memref_slice %arg5[%mul3A_153] : memref<524288xf32, #tpu.memory_space<hbm>> -> memref<16384xf32, #tpu.memory_space<hbm>>
      tpu.enqueue_dma source(%arg8 : memref<16384xf32, #tpu.memory_space<vmem>>) target(%dma_start3A_155 : memref<16384xf32, #tpu.memory_space<hbm>>) target_semaphore(%run_scoped3A : memref<!tpu.dma_semaphore, #tpu.memory_space<semaphore_mem>>)
      %dma_wait3A = tpu.memref_slice %arg5[%mul3A_153] : memref<524288xf32, #tpu.memory_space<hbm>> -> memref<16384xf32, #tpu.memory_space<hbm>>
      %dma_wait3A_156 = tpu.memref_slice %arg5[%mul3A_153] : memref<524288xf32, #tpu.memory_space<hbm>> -> memref<16384xf32, #tpu.memory_space<hbm>>
      tpu.wait_dma2 semaphore(%run_scoped3A : memref<!tpu.dma_semaphore, #tpu.memory_space<semaphore_mem>>) src(%arg8 : memref<16384xf32, #tpu.memory_space<vmem>>) dst(%dma_wait3A_156 : memref<16384xf32, #tpu.memory_space<hbm>>)
      tpu.yield
    }) : () -> ()
    return
  }
}

</mosaic_0001>

<sc_bundles>
// kernel: kernel.3.cloned.1.call-start
scs
__scs_entry_jumppad:
0x0: {  	(pc) =	sbr.rel $0x88, $3  }
0x1: {  	(tag) =	ssettag $0x0;
	lr =	simm.s32 $0x1  }
0x2: {  	[smem:$0x3F9E] =	sst lr;
	_ =	strace $0xD0000000  }
0x3: {  	_ = 	snop  }
0x4: {  	_ = 	snop  }
0x5: {  	_ = 	snop  }
0x6: {  	_ = 	snop  }
0x7: {  	_ = 	snop  }
__scs_overlays_trampoline_lowered:
0x8: {  	[smem:$0x3FAD] =	sst s0  }
0x9: {  	[smem:$0x3FAE] =	sst s1  }
0xa: {  	[smem:$0x3FAF] =	sst s2  }
0xb: {  	[smem:$0x3FB0] =	sst s3  }
0xc: {  	[smem:$0x3FB1] =	sst s4  }
0xd: {  	[smem:$0x3FB2] =	sst s5  }
0xe: {  	[smem:$0x3FB3] =	sst s6  }
0xf: {  	[smem:$0x3FB4] =	sst s7  }
0x10: {  	[smem:$0x3FB5] =	sst s8  }
0x11: {  	[smem:$0x3FB6] =	sst s9;
	s0 =	simm.s32 @!p0 $0x0  }
0x12: {  	s1 =	sld [smem:$0x3F9C];
	s0 =	simm.s32 @p0 $0x1  }
0x13: {  	[smem:$0x3FB7] =	sst s0;
	s0 =	simm.s32 @!p1 $0x0  }
0x14: {  	s2 =	sld [smem:$0x3F9B];
	s0 =	simm.s32 @p1 $0x1  }
0x15: {  	[smem:$0x3FB8] =	sst s0;
	s0 =	simm.s32 @!p2 $0x0  }
0x16: {  	s3 =	sld [smem:$0x3FDB];
	s0 =	simm.s32 @p2 $0x1  }
0x17: {  	s4 =	simm.s32 $0x1BF5;
	[smem:$0x3FBA] =	sst s0  }
0x18: {  	s0 =	sld [smem:$0x3F9D];
	_ =	swait.ge [sflag:s4], $0x0  }
0x19: {  	s7 =	sld [smem:$0x3F9E]  }
0x1a: {  	s8 =	sadd.s32 $0xFFFFE003, lr  }
0x1b: {  	s9 =	sadd.s32 $0xFFFFFEF7, lr;
	s5 =	simm.s32 $0xFFFFFFFF;
	p2 =	slt.u32 s8, $0xFFFFF086  }
0x1c: {  	p1 =	slt.u32 s9, $0xF7A;
	s5 =	simm.s32 @!p2 $0x0  }
0x1d: {  	s5 =	simm.s32 @p1 $0x1;
	p0 =	seq.s32 s7, s2  }
0x1e: {  	s7 =	smul.u32 @!p0 $0xF7A, s2;
	p2 =	seq.s32 @!p0 s5, $0x0  }
0x1f: {  	s9 =	smul.u32 $0xF7A, s1;
	s8 =	simm.s32 @!p0 $0x1BF5;
	p2 =	por !p2, p0  }
0x20: {  	[sflag:s8] =	ssyncset.s32 @!p0 $0xFFFFF086;
	s6 =	sadd.s32 @!p0 s3, s7;
	s7 =	simm.s32 @!p0 $0x108  }
0x21: {  	s3 =	sadd.s32 s3, s9;
	s6 =	sadd.s32 @!p0 $0x88, s6;
	s7 =	simm.s32 @p2 $0x1082  }
0x22: {  	[simem:s7], [sflag:s8] =	dma.local @!p0 [hbm:s6], $0xF7A  }
0x23: {  	s9 =	sor.u32 $0xD0000000, s2;
	s6 =	simm.s32 $0x108;
	_ =	swait.ge @!p0 [sflag:s8], $0x0  }
0x24: {  	s3 =	sadd.s32 $0x88, s3;
	s6 =	simm.s32 @!p1 $0x1082;
	[sflag:s4] =	ssyncset.s32 $0xFFFFF086  }
0x25: {  	[simem:s6], [sflag:s4] =	dma.local [hbm:s3], $0xF7A  }
0x26: {  	[smem:$0x3F9E] =	sst s1;
	(tag) =	ssettag s2;
	_ =	strace s9  }
0x27: {  	s1 =	sld [smem:$0x3FAE]  }
0x28: {  	s2 =	sld [smem:$0x3FAF]  }
0x29: {  	s4 =	sld [smem:$0x3FB1]  }
0x2a: {  	p0 =	seq.s32 s5, $0x0;
	s5 =	sld [smem:$0x3FB2]  }
0x2b: {  	s6 =	sld [smem:$0x3FB3]  }
0x2c: {  	s7 =	sld [smem:$0x3FB4]  }
0x2d: {  	s3 =	simm.s32 $0x108;
	s8 =	sld [smem:$0x3FB5]  }
0x2e: {  	s3 =	simm.s32 @!p0 $0x1082;
	s9 =	sld [smem:$0x3FB6]  }
0x2f: {  	lr =	sadd.s32 s0, s3;
	s0 =	sld [smem:$0x3FAD]  }
0x30: {  	s3 =	sld [smem:$0x3FB0]  }
0x31: {  	[smem:$0x3FB9] =	sst s10  }
0x32: {  	s10 =	sld [smem:$0x3FB7];
	_ =	sdelay $0x3  }
0x33: {  	p0 =	seq.s32 s10, $0x1;
	s10 =	sld [smem:$0x3FB9];
	_ =	sdelay $0x3  }
0x34: {  	[smem:$0x3FB9] =	sst s10  }
0x35: {  	s10 =	sld [smem:$0x3FB8];
	_ =	sdelay $0x3  }
0x36: {  	p1 =	seq.s32 s10, $0x1;
	s10 =	sld [smem:$0x3FB9];
	_ =	sdelay $0x3  }
0x37: {  	[smem:$0x3FB9] =	sst s10  }
0x38: {  	s10 =	sld [smem:$0x3FBA]  }
0x39: {  	_ = 	snop;
	(pc) =	sbr.ind lr, $3  }
0x3a: {  	_ = 	snop  }
0x3b: {  	_ = 	snop  }
0x3c: {  	p2 =	seq.s32 s10, $0x1;
	s10 =	sld [smem:$0x3FB9]  }
0x3d: {  	_ =	shalt  }
0x3e: {  	_ =	shalt  }
0x3f: {  	_ =	shalt  }
0x40: {  	_ =	shalt  }
0x41: {  	_ =	shalt  }
0x42: {  	_ =	shalt  }
0x43: {  	_ =	shalt  }
0x44: {  	_ =	shalt  }
0x45: {  	_ =	shalt  }
0x46: {  	_ =	shalt  }
0x47: {  	_ =	shalt  }
0x48: {  	_ =	shalt  }
0x49: {  	_ =	shalt  }
0x4a: {  	_ =	shalt  }
0x4b: {  	_ =	shalt  }
0x4c: {  	_ =	shalt  }
0x4d: {  	_ =	shalt  }
0x4e: {  	_ =	shalt  }
0x4f: {  	_ =	shalt  }
0x50: {  	_ =	shalt  }
0x51: {  	_ =	shalt  }
0x52: {  	_ =	shalt  }
0x53: {  	_ =	shalt  }
0x54: {  	_ =	shalt  }
0x55: {  	_ =	shalt  }
0x56: {  	_ =	shalt  }
0x57: {  	_ =	shalt  }
0x58: {  	_ =	shalt  }
0x59: {  	_ =	shalt  }
0x5a: {  	_ =	shalt  }
0x5b: {  	_ =	shalt  }
0x5c: {  	_ =	shalt  }
0x5d: {  	_ =	shalt  }
0x5e: {  	_ =	shalt  }
0x5f: {  	_ =	shalt  }
0x60: {  	_ =	shalt  }
0x61: {  	_ =	shalt  }
0x62: {  	_ =	shalt  }
0x63: {  	_ =	shalt  }
0x64: {  	_ =	shalt  }
0x65: {  	_ =	shalt  }
0x66: {  	_ =	shalt  }
0x67: {  	_ =	shalt  }
0x68: {  	_ =	shalt  }
0x69: {  	_ =	shalt  }
0x6a: {  	_ =	shalt  }
0x6b: {  	_ =	shalt  }
0x6c: {  	_ =	shalt  }
0x6d: {  	_ =	shalt  }
0x6e: {  	_ =	shalt  }
0x6f: {  	_ =	shalt  }
0x70: {  	_ =	shalt  }
0x71: {  	_ =	shalt  }
0x72: {  	_ =	shalt  }
0x73: {  	_ =	shalt  }
0x74: {  	_ =	shalt  }
0x75: {  	_ =	shalt  }
0x76: {  	_ =	shalt  }
0x77: {  	_ =	shalt  }
0x78: {  	_ =	shalt  }
0x79: {  	_ =	shalt  }
0x7a: {  	_ =	shalt  }
0x7b: {  	_ =	shalt  }
0x7c: {  	_ =	shalt  }
0x7d: {  	_ =	shalt  }
0x7e: {  	_ =	shalt  }
0x7f: {  	_ =	shalt  }
0x80: {  	_ =	shalt  }
0x81: {  	_ =	shalt  }
0x82: {  	_ =	shalt  }
0x83: {  	_ =	shalt  }
0x84: {  	_ =	shalt  }
0x85: {  	_ =	shalt  }
0x86: {  	_ =	shalt  }
0x87: {  	_ =	shalt  }
.Lfunc_end0:
.L_simem_size_0:
called_computation_lowered:
.L_overlay_start_0:
0x88: {  	s2 =	sld [smem:$0x3FD9]  }
0x89: {  	s3 =	sld [smem:$0x3FFE];
	_ =	sdelay $0x1  }
0x8a: {  	s1 =	srdreg.scid  }
0x8b: {  	s0 =	sand.u32 $0x1, s1  }
0x8c: {  	s17 =	sshll.u32 s0, $0xA;
	s2 =	sadd.s32 s3, s2  }
0x8d: {  	s2 =	sadd.s32 s2, s17  }
0x8e: {  	[smem:$0x3FC5] =	sst s2  }
0x8f: {  	_ = 	snop  }
0x90: {  	s2 =	sld [smem:$0x3FC8]  }
0x91: {  	s18 =	sld [smem:$0x3FC7]  }
0x92: {  	s4 =	sld [smem:$0x3FD0];
	(tm) =	ssettm $0x1  }
0x93: {  	s5 =	sld [smem:$0x3FFB];
	_ =	sdelay $0x3  }
0x94: {  	_ =	strace s5  }
0x95: {  	s5 =	sld [smem:$0x3FFC];
	_ =	sdelay $0x3  }
0x96: {  	_ =	strace s5  }
0x97: {  	s5 =	sld [smem:$0x3FFD];
	_ =	sdelay $0x3  }
0x98: {  	_ =	strace s5  }
0x99: {  	_ =	strace $0x8FFFFFFF  }
0x9a: {  	s19 =	sld [smem:$0x3FDB];
	_ =	sdelay $0x1  }
0x9b: {  	s6 =	simm.s32 $_scs_section_size  }
0x9c: {  	s7 =	simm.s32 $_size__tile_overlayer_lowered;
	s8 =	simm.s32 $_tile_overlayer_lowered  }
0x9d: {  	s22 =	simm.s32 $0x1BFF;
	s21 =	sshll.u32 s8, $0x1;
	s5 =	sadd.s32 s6, s19  }
0x9e: {  	s9 =	simm.s32 $0x0;
	s20 =	sshll.u32 s7, $0x1;
	s7 =	sadd.s32 s21, s5  }
0x9f: {  	[timem:s9], [sflag:s22] =	dma.local [hbm:s7], s20  }
0xa0: {  	_ =	swait.ge [sflag:s22], s20  }
0xa1: {  	s6 =	ssub.s32 $0x0, s20;
	[sflag:s22] =	ssyncset.done $0x0  }
0xa2: {  	[sflag:s22] =	ssyncadd.s32 s6;
	_ =	sdelay $0x1  }
0xa3: {  	s23 =	simm.s32 $0x1B8B  }
0xa4: {  	_ =	swait.ge [sflag:s23], $0x1  }
0xa5: {  	[sflag:s23] =	ssyncset.done $0x0  }
0xa6: {  	s25 =	simm.s32 $0x1B8E;
	s24 =	sld [smem:$0x3FFE];
	[sflag:s23] =	ssyncadd.s32 $0xFFFFFFFF  }
0xa7: {  	s26 =	simm.s32 $execute0_lowered;
	[smem:$0x3FD2] =	sst s25  }
0xa8: {  	s7 =	sshll.u32 s26, $0x1;
	_ =	strace $0x80000046;
	[dreg:$0x1] =	wrdreg $0xFFFFFFFF  }
0xa9: {  	s28 =	simm.s32 $_size_execute0_lowered;
	s5 =	sadd.s32 s5, s7;
	[dreg:$0x0] =	wrdreg $0x0  }
0xaa: {  	s7 =	sshll.u32 s28, $0x1;
	[dreg:$0x2] =	wrdreg s5  }
0xab: {  	[dreg:$0x3] =	wrdreg s7  }
0xac: {  	[dreg:$0x4] =	wrdreg $0xC0  }
0xad: {  	_ =	task [dreg:s9], $0x5FFFF  }
0xae: {  	[dreg:$0x1] =	wrdreg $0xFFFFFFFF  }
0xaf: {  	[dreg:$0x0] =	wrdreg $0x60  }
0xb0: {  	[dreg:$0x2] =	wrdreg s24  }
0xb1: {  	[dreg:$0x3] =	wrdreg s2  }
0xb2: {  	[dreg:$0x4] =	wrdreg s18  }
0xb3: {  	[dreg:$0x5] =	wrdreg s4  }
0xb4: {  	[dreg:$0x6] =	wrdreg $0x9  }
0xb5: {  	_ =	task.clear_ibuf [dreg:s9], $0x7FFFF;
	_ =	strace $0x90000046  }
0xb6: {  	s29 =	simm.s32 $0x9;
	_ =	strace $0x80000048  }
0xb7: {  	_ =	swait.ge [sflag:s29], $0x1  }
0xb8: {  	[sflag:s29] =	ssyncadd.s32 $0xFFFFFFFF  }
0xb9: {  	_ =	strace $0x90000048  }
0xba: {  	_ =	sfence  }
0xbb: {  	s30 =	sld [smem:$0x0];
	_ =	sdelay $0x2  }
0xbc: {  	s31 =	sshll.u32 s1, $0xD;
	s1 =	sshrl.u32 s1, $0x2  }
0xbd: {  	s3 =	sand.u32 $0x4000, s31;
	s1 =	sadd.s32 s1, s30  }
0xbe: {  	s0 =	sor.u32 s3, s0;
	s1 =	sshll.u32 s1, $0x11  }
0xbf: {  	s0 =	sor.u32 s1, s0  }
0xc0: {  	s0 =	sadd.s32 $0x8F2B, s0  }
0xc1: {  	[sflag:s0] =	ssyncadd.remote.s32 $0x1  }
0xc2: {  	_ =	sfence.sel $0xFFFF  }
0xc3: {  	[dreg:$0x0] =	wrdreg $0xFFFFFFFF;
	(pc) =	sbr.abs _section_cstart, $3  }
0xc4: {  	[dreg:$0x1] =	wrdreg $0xFFFFFFFF  }
0xc5: {  	_ =	task.clear_ibuf [dreg:s9], $0x2FFFF;
	_ =	strace $0x9FFFFFFF  }
0xc6: {  	(tm) =	ssettm $0x7FFFFFFF  }
0xc7: {  	_ =	shalt  }
tec
execute0_lowered:
.L_overlay_start_1:
0x0: {  	(tag) =	ssettag $0x1  }
0x1: {  	s4 =	rddreg [dreg:$0x0]  }
0x2: {  	s5 =	rddreg [dreg:$0x1]  }
0x3: {  	s2 =	rddreg [dreg:$0x2]  }
0x4: {  	s6 =	rddreg [dreg:$0x3]  }
0x5: {  	s3 =	srdreg.scid;
	s1 =	stileid.u32  }
0x6: {  	s0 =	rddreg [dreg:$0x4];
	s11 =	simm.s32 $0x8000;
	s12 =	simm.s32 $0x80  }
0x7: {  	s13 =	simm.s32 $0xB400;
	s14 =	simm.s32 $0x100;
	s15 =	simm.s32 $0xE800  }
0x8: {  	s16 =	simm.s32 $0x11C00;
	s17 =	simm.s32 $0x1;
	s18 =	simm.s32 $0x2  }
0x9: {  	s19 =	simm.s32 $0x3;
	s20 =	simm.s32 $0x4;
	s21 =	simm.s32 $0x15000  }
0xa: {  	s22 =	simm.s32 $0x0;
	s7 =	sand.u32 $0x1, s3;
	s8 =	sshll.u32 s1, $0x1  }
0xb: {  	v0 =	vimm.s32 $0x0;
	s3 =	simm.s32 $0x0;
	s8 =	sor.u32 s7, s8;
	s7 =	ssub.s32 $0x2, s7  }
0xc: {  	v1 =	vimm.s32 $0x1;
	v2 =	vimm.s32 $0x2;
	v3 =	vimm.s32 $0x3;
	[smem:$0x7FF] =	sst s3;
	s9 =	sshll.u32 s8, $0xC;
	s10 =	sshrl.u32 s7, $0x1  }
0xd: {  	v4 =	vimm.s32 $0x4;
	v5 =	vimm.s32 $0x5;
	v6 =	vimm.s32 $0x6;
	_ =	strace $0x80000047;
	s31 =	sshll.u32 s8, $0x4;
	s8 =	sshll.u32 s8, $0xB  }
0xe: {  	v7 =	vimm.s32 $0x7;
	v8 =	vimm.s32 $0x8;
	v9 =	vimm.s32 $0x9;
	s4 =	sadd.s32 s9, s4;
	s7 =	ssub.s32 s7, s10;
	s5 =	sadd.s32 s5, s31  }
0xf: {  	v10 =	vimm.s32 $0xA;
	v11 =	vimm.s32 $0xB;
	v12 =	vimm.s32 $0xC;
	s6 =	sadd.s32 s6, s8;
	s8 =	simm.s32 $0x5;
	s9 =	simm.s32 $0x19000  }
0x10: {  	v13 =	vimm.s32 $0xD;
	v14 =	vimm.s32 $0xE;
	v15 =	vimm.s32 $0xF;
	s10 =	simm.s32 $0x64;
	s4 =	sadd.s32 $0x400, s4;
	s7 =	smax.u32 s7, $0x1  }
.LBB2_1:
0x11: {  	[tilespmem:s3], [sflag:$0x5] =	stream.linear.gather [hbm4b:s4+s3], $0x8000, $0x38;
	[tilespmem:$0x19100] =	vst v63  }
0x12: {  	_ =	swait.ge [sflag:s8], $0x8000  }
0x13: {  	[sflag:s8] =	ssyncset.done $0x0  }
0x14: {  	[sflag:s8] =	ssyncadd.s32 $0xFFFF8000  }
0x15: {  	[tilespmem:s9], [sflag:$0x5] =	stream.linear.gather [hbm4b:s5+s3], $0x80, $0x38;
	[tilespmem:$0x19100] =	vst v63  }
0x16: {  	_ =	swait.ge [sflag:s8], $0x80  }
0x17: {  	[sflag:s8] =	ssyncset.done $0x0  }
0x18: {  	[sflag:s8] =	ssyncadd.s32 $0xFFFFFF80  }
0x19: {  	v16 =	vld [tilespmem:$0x19000]  }
0x1a: {  	v17 =	vld [tilespmem:$0x19010]  }
0x1b: {  	v18 =	vld [tilespmem:$0x19020]  }
0x1c: {  	v19 =	vld [tilespmem:$0x19030]  }
0x1d: {  	v20 =	vld [tilespmem:$0x19040]  }
0x1e: {  	v21 =	vld [tilespmem:$0x19050];
	v16 =	vcvt.s32.f32 v16  }
0x1f: {  	v22 =	vld [tilespmem:$0x19060];
	v17 =	vcvt.s32.f32 v17  }
0x20: {  	v23 =	vld [tilespmem:$0x19070];
	v18 =	vcvt.s32.f32 v18;
	v16 =	vmax.f32 v16, $1.000000000e+00  }
0x21: {  	(erf) = vrcp.f32 v16;
	v16 =	vmax.f32 v17, $1.000000000e+00;
	v17 =	vcvt.s32.f32 v19  }
0x22: {  	v62 =	vcvt.s32.f32 v20;
	(erf) = vrcp.f32 v16;
	v16 =	vmax.f32 v18, $1.000000000e+00  }
0x23: {  	(erf) = vrcp.f32 v16;
	v16 =	vmax.f32 v17, $1.000000000e+00;
	v17 =	vcvt.s32.f32 v21  }
0x24: {  	v63 =	vcvt.s32.f32 v22;
	(erf) = vrcp.f32 v16;
	v16 =	vmax.f32 v62, $1.000000000e+00  }
0x25: {  	(erf) = vrcp.f32 v16;
	v16 =	vmax.f32 v17, $1.000000000e+00;
	v17 =	vcvt.s32.f32 v23  }
0x26: {  	(erf) = vrcp.f32 v16;
	v16 =	vmax.f32 v63, $1.000000000e+00  }
0x27: {  	(erf) = vrcp.f32 v16;
	v16 =	vmax.f32 v17, $1.000000000e+00  }
0x28: {  	(erf) = vrcp.f32 v16;
	_ =	sdelay $0x1  }
0x29: {  	v16 =	vpop (erf)  }
0x2a: {  	v17 =	vpop (erf);
	[tilespmem:$0x19080] =	vst v16  }
0x2b: {  	v16 =	vpop (erf);
	[tilespmem:$0x19090] =	vst v17  }
0x2c: {  	v17 =	vpop (erf);
	[tilespmem:$0x190A0] =	vst v16  }
0x2d: {  	v16 =	vpop (erf);
	[tilespmem:$0x190B0] =	vst v17  }
0x2e: {  	v17 =	vpop (erf);
	[tilespmem:$0x190C0] =	vst v16  }
0x2f: {  	v16 =	vpop (erf);
	[tilespmem:$0x190D0] =	vst v17  }
0x30: {  	[tilespmem:$0x190E0] =	vst v16;
	v16 =	vpop (erf)  }
0x31: {  	[tilespmem:$0x190F0] =	vst v16  }
0x32: {  	[tilespmem:s11], [sflag:$0x1] =	stream.indirect.gather [hbm4b:s2+s10], $0x80, s3, s10, $0xb8;
	[tilespmem:$0x19100] =	vst v63  }
0x33: {  	_ = 	snop  }
0x34: {  	[tilespmem:s13], [sflag:$0x2] =	stream.indirect.gather [hbm4b:s2+s10], $0x80, s12, s10, $0xb8;
	[tilespmem:$0x19100] =	vst v63  }
0x35: {  	s23 =	simm.s32 $0x19080;
	s24 =	simm.s32 $0x15400;
	s25 =	simm.s32 $0x0  }
0x36: {  	[tilespmem:s15], [sflag:$0x3] =	stream.indirect.gather [hbm4b:s2+s10], $0x80, s14, s10, $0xb8;
	[tilespmem:$0x19100] =	vst v63  }
.LBB2_2:
0x37: {  	s26 =	sshra.s32 s25, $0x2  }
0x38: {  	s28 =	sadd.s32 $0x180, s26  }
0x39: {  	v16 =	vld [tilespmem:s23+$0x0];
	[tilespmem:s16], [sflag:$0x4] =	stream.indirect.gather [hbm4b:s2+s10], $0x80, s28, s10, $0xb8  }
0x3a: {  	_ =	swait.ge [sflag:s17], $0x3200  }
0x3b: {  	[sflag:s17] =	ssyncset.done $0x0  }
0x3c: {  	[sflag:s17] =	ssyncadd.s32 $0xFFFFCE00  }
0x3d: {  	v17 =	vld [tilespmem:$0x8000]  }
0x3e: {  	v18 =	vld [tilespmem:$0x8010]  }
0x3f: {  	v19 =	vld [tilespmem:$0x8020]  }
0x40: {  	v20 =	vld [tilespmem:$0x8030]  }
0x41: {  	v21 =	vld [tilespmem:$0x8040]  }
0x42: {  	v22 =	vld [tilespmem:$0x8050]  }
0x43: {  	v23 =	vld [tilespmem:$0x8060]  }
0x44: {  	v24 =	vld [tilespmem:$0x8070]  }
0x45: {  	v25 =	vld [tilespmem:$0x8080]  }
0x46: {  	v26 =	vld [tilespmem:$0x8090]  }
0x47: {  	v27 =	vld [tilespmem:$0x80A0]  }
0x48: {  	v28 =	vld [tilespmem:$0x80B0]  }
0x49: {  	v29 =	vld [tilespmem:$0x80C0]  }
0x4a: {  	v30 =	vld [tilespmem:$0x80D0]  }
0x4b: {  	s29 =	sadd.s32 $0x200, s26;
	v31 =	vld [tilespmem:$0x80E0]  }
0x4c: {  	v32 =	vld [tilespmem:$0x80F0];
	[tilespmem:s11], [sflag:$0x1] =	stream.indirect.gather [hbm4b:s2+s10], $0x80, s29, s10, $0xb8  }
0x4d: {  	_ =	swait.ge [sflag:s18], $0x3200  }
0x4e: {  	[sflag:s18] =	ssyncset.done $0x0  }
0x4f: {  	[sflag:s18] =	ssyncadd.s32 $0xFFFFCE00  }
0x50: {  	v33 =	vld [tilespmem:$0xB400]  }
0x51: {  	v34 =	vld [tilespmem:$0xB410]  }
0x52: {  	v35 =	vld [tilespmem:$0xB420]  }
0x53: {  	v36 =	vld [tilespmem:$0xB430]  }
0x54: {  	v37 =	vld [tilespmem:$0xB440];
	v17 =	vadd.f32 $0.0e+00, v17;
	v18 =	vadd.f32 $0.0e+00, v18  }
0x55: {  	v41 =	vld [tilespmem:$0xB450];
	v19 =	vadd.f32 $0.0e+00, v19;
	v20 =	vadd.f32 $0.0e+00, v20  }
0x56: {  	v42 =	vld [tilespmem:$0xB460];
	v21 =	vadd.f32 $0.0e+00, v21;
	v22 =	vadd.f32 $0.0e+00, v22  }
0x57: {  	v43 =	vld [tilespmem:$0xB470];
	v23 =	vadd.f32 $0.0e+00, v23;
	v24 =	vadd.f32 $0.0e+00, v24  }
0x58: {  	v44 =	vld [tilespmem:$0xB480];
	v17 =	vadd.f32 v25, v17;
	v18 =	vadd.f32 v26, v18  }
0x59: {  	v45 =	vld [tilespmem:$0xB490];
	v19 =	vadd.f32 v27, v19;
	v20 =	vadd.f32 v28, v20  }
0x5a: {  	v47 =	vld [tilespmem:$0xB4B0];
	v21 =	vadd.f32 v29, v21;
	v22 =	vadd.f32 v30, v22  }
0x5b: {  	v46 =	vld [tilespmem:$0xB4A0];
	v23 =	vadd.f32 v31, v23;
	v17 =	vadd.f32 v33, v17  }
0x5c: {  	v49 =	vld [tilespmem:$0xB4D0];
	v24 =	vadd.f32 v32, v24;
	v18 =	vadd.f32 v34, v18  }
0x5d: {  	v50 =	vperm.xlane v16, v0;
	v48 =	vld [tilespmem:$0xB4C0];
	v20 =	vadd.f32 v36, v20;
	v17 =	vadd.f32 v44, v17  }
0x5e: {  	v52 =	vld [tilespmem:$0xB4F0];
	v19 =	vadd.f32 v35, v19;
	v18 =	vadd.f32 v45, v18  }
0x5f: {  	v51 =	vld [tilespmem:$0xB4E0];
	v22 =	vadd.f32 v41, v22;
	v20 =	vadd.f32 v47, v20;
	v17 =	vmul.f32 v50, v17  }
0x60: {  	v21 =	vadd.f32 v37, v21;
	v19 =	vadd.f32 v46, v19;
	v18 =	vmul.f32 v50, v18  }
0x61: {  	v53 =	vadd.f32 v43, v24;
	v22 =	vadd.f32 v49, v22;
	v54 =	vmul.f32 v50, v20;
	[tilespmem:s24+$0xFFFFFC00] =	vst v17  }
0x62: {  	v23 =	vadd.f32 v42, v23;
	v21 =	vadd.f32 v48, v21;
	v17 =	vmul.f32 v50, v19;
	[tilespmem:s24+$0xFFFFFC10] =	vst v18  }
0x63: {  	v56 =	vmul.f32 v50, v22;
	v19 =	vadd.f32 v52, v53;
	[tilespmem:s24+$0xFFFFFC30] =	vst v54  }
0x64: {  	v55 =	vadd.f32 v51, v23;
	[tilespmem:s24+$0xFFFFFC20] =	vst v17;
	v17 =	vmul.f32 v50, v21  }
0x65: {  	[tilespmem:s24+$0xFFFFFC50] =	vst v56;
	v57 =	vmul.f32 v50, v19  }
0x66: {  	[tilespmem:s24+$0xFFFFFC40] =	vst v17;
	v17 =	vmul.f32 v50, v55  }
0x67: {  	[tilespmem:s24+$0xFFFFFC70] =	vst v57  }
0x68: {  	s30 =	sadd.s32 $0x280, s26;
	[tilespmem:s24+$0xFFFFFC60] =	vst v17  }
0x69: {  	[tilespmem:s13], [sflag:$0x2] =	stream.indirect.gather [hbm4b:s2+s10], $0x80, s30, s10, $0xb8;
	[tilespmem:$0x19100] =	vst v63  }
0x6a: {  	_ =	swait.ge [sflag:s19], $0x3200  }
0x6b: {  	[sflag:s19] =	ssyncset.done $0x0  }
0x6c: {  	[sflag:s19] =	ssyncadd.s32 $0xFFFFCE00  }
0x6d: {  	v17 =	vld [tilespmem:$0xE800]  }
0x6e: {  	v58 =	vld [tilespmem:$0xE810]  }
0x6f: {  	v59 =	vld [tilespmem:$0xE820]  }
0x70: {  	v60 =	vld [tilespmem:$0xE830]  }
0x71: {  	v61 =	vld [tilespmem:$0xE840]  }
0x72: {  	v62 =	vld [tilespmem:$0xE850]  }
0x73: {  	v63 =	vld [tilespmem:$0xE860]  }
0x74: {  	v40 =	vld [tilespmem:$0xE870]  }
0x75: {  	v41 =	vld [tilespmem:$0xE880]  }
0x76: {  	v42 =	vld [tilespmem:$0xE890]  }
0x77: {  	v43 =	vld [tilespmem:$0xE8A0]  }
0x78: {  	v44 =	vld [tilespmem:$0xE8B0]  }
0x79: {  	v45 =	vld [tilespmem:$0xE8C0]  }
0x7a: {  	v46 =	vld [tilespmem:$0xE8D0]  }
0x7b: {  	s31 =	sadd.s32 $0x300, s26;
	v47 =	vld [tilespmem:$0xE8E0]  }
0x7c: {  	v48 =	vld [tilespmem:$0xE8F0];
	[tilespmem:s15], [sflag:$0x3] =	stream.indirect.gather [hbm4b:s2+s10], $0x80, s31, s10, $0xb8  }
0x7d: {  	_ =	swait.ge [sflag:s20], $0x3200  }
0x7e: {  	[sflag:s20] =	ssyncset.done $0x0  }
0x7f: {  	[sflag:s20] =	ssyncadd.s32 $0xFFFFCE00  }
0x80: {  	v49 =	vld [tilespmem:$0x11C00]  }
0x81: {  	v50 =	vld [tilespmem:$0x11C10]  }
0x82: {  	v51 =	vld [tilespmem:$0x11C20]  }
0x83: {  	v52 =	vld [tilespmem:$0x11C30]  }
0x84: {  	v53 =	vld [tilespmem:$0x11C40];
	v17 =	vadd.f32 $0.0e+00, v17;
	v18 =	vadd.f32 $0.0e+00, v58  }
0x85: {  	v54 =	vld [tilespmem:$0x11C50];
	v19 =	vadd.f32 $0.0e+00, v59;
	v20 =	vadd.f32 $0.0e+00, v60  }
0x86: {  	v55 =	vld [tilespmem:$0x11C60];
	v21 =	vadd.f32 $0.0e+00, v61;
	v22 =	vadd.f32 $0.0e+00, v62  }
0x87: {  	v56 =	vld [tilespmem:$0x11C70];
	v23 =	vadd.f32 $0.0e+00, v63;
	v24 =	vadd.f32 $0.0e+00, v40  }
0x88: {  	v57 =	vld [tilespmem:$0x11C80];
	v17 =	vadd.f32 v41, v17;
	v18 =	vadd.f32 v42, v18  }
0x89: {  	v58 =	vld [tilespmem:$0x11C90];
	v19 =	vadd.f32 v43, v19;
	v20 =	vadd.f32 v44, v20  }
0x8a: {  	v60 =	vld [tilespmem:$0x11CB0];
	v21 =	vadd.f32 v45, v21;
	v22 =	vadd.f32 v46, v22  }
0x8b: {  	v59 =	vld [tilespmem:$0x11CA0];
	v23 =	vadd.f32 v47, v23;
	v17 =	vadd.f32 v49, v17  }
0x8c: {  	v62 =	vld [tilespmem:$0x11CD0];
	v24 =	vadd.f32 v48, v24;
	v18 =	vadd.f32 v50, v18  }
0x8d: {  	v61 =	vld [tilespmem:$0x11CC0];
	v63 =	vperm.xlane v16, v1;
	v20 =	vadd.f32 v52, v20;
	v17 =	vadd.f32 v57, v17  }
0x8e: {  	v39 =	vld [tilespmem:$0x11CF0];
	v19 =	vadd.f32 v51, v19;
	v18 =	vadd.f32 v58, v18  }
0x8f: {  	v38 =	vld [tilespmem:$0x11CE0];
	v22 =	vadd.f32 v54, v22;
	v20 =	vadd.f32 v60, v20;
	v17 =	vmul.f32 v63, v17  }
0x90: {  	v21 =	vadd.f32 v53, v21;
	v19 =	vadd.f32 v59, v19;
	v18 =	vmul.f32 v63, v18  }
0x91: {  	v40 =	vadd.f32 v56, v24;
	v22 =	vadd.f32 v62, v22;
	v41 =	vmul.f32 v63, v20;
	[tilespmem:s24+$0xFFFFFC80] =	vst v17  }
0x92: {  	v23 =	vadd.f32 v55, v23;
	v21 =	vadd.f32 v61, v21;
	v17 =	vmul.f32 v63, v19;
	[tilespmem:s24+$0xFFFFFC90] =	vst v18  }
0x93: {  	v43 =	vmul.f32 v63, v22;
	v19 =	vadd.f32 v39, v40;
	[tilespmem:s24+$0xFFFFFCB0] =	vst v41  }
0x94: {  	v42 =	vadd.f32 v38, v23;
	[tilespmem:s24+$0xFFFFFCA0] =	vst v17;
	v17 =	vmul.f32 v63, v21  }
0x95: {  	[tilespmem:s24+$0xFFFFFCD0] =	vst v43;
	v44 =	vmul.f32 v63, v19  }
0x96: {  	[tilespmem:s24+$0xFFFFFCC0] =	vst v17;
	v17 =	vmul.f32 v63, v42  }
0x97: {  	[tilespmem:s24+$0xFFFFFCF0] =	vst v44  }
0x98: {  	s29 =	sadd.s32 $0x380, s26;
	[tilespmem:s24+$0xFFFFFCE0] =	vst v17  }
0x99: {  	[tilespmem:s16], [sflag:$0x4] =	stream.indirect.gather [hbm4b:s2+s10], $0x80, s29, s10, $0xb8;
	[tilespmem:$0x19100] =	vst v63  }
0x9a: {  	_ =	swait.ge [sflag:s17], $0x3200  }
0x9b: {  	[sflag:s17] =	ssyncset.done $0x0  }
0x9c: {  	[sflag:s17] =	ssyncadd.s32 $0xFFFFCE00  }
0x9d: {  	v17 =	vld [tilespmem:$0x8000]  }
0x9e: {  	v45 =	vld [tilespmem:$0x8010]  }
0x9f: {  	v46 =	vld [tilespmem:$0x8020]  }
0xa0: {  	v47 =	vld [tilespmem:$0x8030]  }
0xa1: {  	v48 =	vld [tilespmem:$0x8040]  }
0xa2: {  	v49 =	vld [tilespmem:$0x8050]  }
0xa3: {  	v50 =	vld [tilespmem:$0x8060]  }
0xa4: {  	v51 =	vld [tilespmem:$0x8070]  }
0xa5: {  	v52 =	vld [tilespmem:$0x8080]  }
0xa6: {  	v53 =	vld [tilespmem:$0x8090]  }
0xa7: {  	v54 =	vld [tilespmem:$0x80A0]  }
0xa8: {  	v55 =	vld [tilespmem:$0x80B0]  }
0xa9: {  	v56 =	vld [tilespmem:$0x80C0]  }
0xaa: {  	v57 =	vld [tilespmem:$0x80D0]  }
0xab: {  	s30 =	sadd.s32 $0x400, s26;
	v58 =	vld [tilespmem:$0x80E0]  }
0xac: {  	v59 =	vld [tilespmem:$0x80F0];
	[tilespmem:s11], [sflag:$0x1] =	stream.indirect.gather [hbm4b:s2+s10], $0x80, s30, s10, $0xb8  }
0xad: {  	_ =	swait.ge [sflag:s18], $0x3200  }
0xae: {  	[sflag:s18] =	ssyncset.done $0x0  }
0xaf: {  	[sflag:s18] =	ssyncadd.s32 $0xFFFFCE00  }
0xb0: {  	v60 =	vld [tilespmem:$0xB400]  }
0xb1: {  	v61 =	vld [tilespmem:$0xB410]  }
0xb2: {  	v62 =	vld [tilespmem:$0xB420]  }
0xb3: {  	v63 =	vld [tilespmem:$0xB430]  }
0xb4: {  	v40 =	vld [tilespmem:$0xB440];
	v17 =	vadd.f32 $0.0e+00, v17;
	v18 =	vadd.f32 $0.0e+00, v45  }
0xb5: {  	v41 =	vld [tilespmem:$0xB450];
	v19 =	vadd.f32 $0.0e+00, v46;
	v20 =	vadd.f32 $0.0e+00, v47  }
0xb6: {  	v42 =	vld [tilespmem:$0xB460];
	v21 =	vadd.f32 $0.0e+00, v48;
	v22 =	vadd.f32 $0.0e+00, v49  }
0xb7: {  	v43 =	vld [tilespmem:$0xB470];
	v23 =	vadd.f32 $0.0e+00, v50;
	v24 =	vadd.f32 $0.0e+00, v51  }
0xb8: {  	v44 =	vld [tilespmem:$0xB480];
	v17 =	vadd.f32 v52, v17;
	v18 =	vadd.f32 v53, v18  }
0xb9: {  	v45 =	vld [tilespmem:$0xB490];
	v19 =	vadd.f32 v54, v19;
	v20 =	vadd.f32 v55, v20  }
0xba: {  	v47 =	vld [tilespmem:$0xB4B0];
	v21 =	vadd.f32 v56, v21;
	v22 =	vadd.f32 v57, v22  }
0xbb: {  	v46 =	vld [tilespmem:$0xB4A0];
	v23 =	vadd.f32 v58, v23;
	v17 =	vadd.f32 v60, v17  }
0xbc: {  	v49 =	vld [tilespmem:$0xB4D0];
	v24 =	vadd.f32 v59, v24;
	v18 =	vadd.f32 v61, v18  }
0xbd: {  	v48 =	vld [tilespmem:$0xB4C0];
	v50 =	vperm.xlane v16, v2;
	v20 =	vadd.f32 v63, v20;
	v17 =	vadd.f32 v44, v17  }
0xbe: {  	v52 =	vld [tilespmem:$0xB4F0];
	v19 =	vadd.f32 v62, v19;
	v18 =	vadd.f32 v45, v18  }
0xbf: {  	v51 =	vld [tilespmem:$0xB4E0];
	v22 =	vadd.f32 v41, v22;
	v20 =	vadd.f32 v47, v20;
	v17 =	vmul.f32 v50, v17  }
0xc0: {  	v21 =	vadd.f32 v40, v21;
	v19 =	vadd.f32 v46, v19;
	v18 =	vmul.f32 v50, v18  }
0xc1: {  	v53 =	vadd.f32 v43, v24;
	v22 =	vadd.f32 v49, v22;
	v54 =	vmul.f32 v50, v20;
	[tilespmem:s24+$0xFFFFFD00] =	vst v17  }
0xc2: {  	v23 =	vadd.f32 v42, v23;
	v21 =	vadd.f32 v48, v21;
	v17 =	vmul.f32 v50, v19;
	[tilespmem:s24+$0xFFFFFD10] =	vst v18  }
0xc3: {  	v56 =	vmul.f32 v50, v22;
	v19 =	vadd.f32 v52, v53;
	[tilespmem:s24+$0xFFFFFD30] =	vst v54  }
0xc4: {  	v55 =	vadd.f32 v51, v23;
	[tilespmem:s24+$0xFFFFFD20] =	vst v17;
	v17 =	vmul.f32 v50, v21  }
0xc5: {  	[tilespmem:s24+$0xFFFFFD50] =	vst v56;
	v57 =	vmul.f32 v50, v19  }
0xc6: {  	[tilespmem:s24+$0xFFFFFD40] =	vst v17;
	v17 =	vmul.f32 v50, v55  }
0xc7: {  	[tilespmem:s24+$0xFFFFFD70] =	vst v57  }
0xc8: {  	s31 =	sadd.s32 $0x480, s26;
	[tilespmem:s24+$0xFFFFFD60] =	vst v17  }
0xc9: {  	[tilespmem:s13], [sflag:$0x2] =	stream.indirect.gather [hbm4b:s2+s10], $0x80, s31, s10, $0xb8;
	[tilespmem:$0x19100] =	vst v63  }
0xca: {  	_ =	swait.ge [sflag:s19], $0x3200  }
0xcb: {  	[sflag:s19] =	ssyncset.done $0x0  }
0xcc: {  	[sflag:s19] =	ssyncadd.s32 $0xFFFFCE00  }
0xcd: {  	v17 =	vld [tilespmem:$0xE800]  }
0xce: {  	v58 =	vld [tilespmem:$0xE810]  }
0xcf: {  	v59 =	vld [tilespmem:$0xE820]  }
0xd0: {  	v60 =	vld [tilespmem:$0xE830]  }
0xd1: {  	v61 =	vld [tilespmem:$0xE840]  }
0xd2: {  	v62 =	vld [tilespmem:$0xE850]  }
0xd3: {  	v63 =	vld [tilespmem:$0xE860]  }
0xd4: {  	v40 =	vld [tilespmem:$0xE870]  }
0xd5: {  	v41 =	vld [tilespmem:$0xE880]  }
0xd6: {  	v42 =	vld [tilespmem:$0xE890]  }
0xd7: {  	v43 =	vld [tilespmem:$0xE8A0]  }
0xd8: {  	v44 =	vld [tilespmem:$0xE8B0]  }
0xd9: {  	v45 =	vld [tilespmem:$0xE8C0]  }
0xda: {  	v46 =	vld [tilespmem:$0xE8D0]  }
0xdb: {  	s29 =	sadd.s32 $0x500, s26;
	v47 =	vld [tilespmem:$0xE8E0]  }
0xdc: {  	v48 =	vld [tilespmem:$0xE8F0];
	[tilespmem:s15], [sflag:$0x3] =	stream.indirect.gather [hbm4b:s2+s10], $0x80, s29, s10, $0xb8  }
0xdd: {  	_ =	swait.ge [sflag:s20], $0x3200  }
0xde: {  	[sflag:s20] =	ssyncset.done $0x0  }
0xdf: {  	[sflag:s20] =	ssyncadd.s32 $0xFFFFCE00  }
0xe0: {  	v49 =	vld [tilespmem:$0x11C00]  }
0xe1: {  	v50 =	vld [tilespmem:$0x11C10]  }
0xe2: {  	v51 =	vld [tilespmem:$0x11C20]  }
0xe3: {  	v52 =	vld [tilespmem:$0x11C30]  }
0xe4: {  	v53 =	vld [tilespmem:$0x11C40];
	v17 =	vadd.f32 $0.0e+00, v17;
	v18 =	vadd.f32 $0.0e+00, v58  }
0xe5: {  	v54 =	vld [tilespmem:$0x11C50];
	v19 =	vadd.f32 $0.0e+00, v59;
	v20 =	vadd.f32 $0.0e+00, v60  }
0xe6: {  	v55 =	vld [tilespmem:$0x11C60];
	v21 =	vadd.f32 $0.0e+00, v61;
	v22 =	vadd.f32 $0.0e+00, v62  }
0xe7: {  	v56 =	vld [tilespmem:$0x11C70];
	v23 =	vadd.f32 $0.0e+00, v63;
	v24 =	vadd.f32 $0.0e+00, v40  }
0xe8: {  	v57 =	vld [tilespmem:$0x11C80];
	v17 =	vadd.f32 v41, v17;
	v18 =	vadd.f32 v42, v18  }
0xe9: {  	v58 =	vld [tilespmem:$0x11C90];
	v19 =	vadd.f32 v43, v19;
	v20 =	vadd.f32 v44, v20  }
0xea: {  	v60 =	vld [tilespmem:$0x11CB0];
	v21 =	vadd.f32 v45, v21;
	v22 =	vadd.f32 v46, v22  }
0xeb: {  	v59 =	vld [tilespmem:$0x11CA0];
	v23 =	vadd.f32 v47, v23;
	v17 =	vadd.f32 v49, v17  }
0xec: {  	v62 =	vld [tilespmem:$0x11CD0];
	v24 =	vadd.f32 v48, v24;
	v18 =	vadd.f32 v50, v18  }
0xed: {  	v61 =	vld [tilespmem:$0x11CC0];
	v63 =	vperm.xlane v16, v3;
	v20 =	vadd.f32 v52, v20;
	v17 =	vadd.f32 v57, v17  }
0xee: {  	v39 =	vld [tilespmem:$0x11CF0];
	v19 =	vadd.f32 v51, v19;
	v18 =	vadd.f32 v58, v18  }
0xef: {  	v38 =	vld [tilespmem:$0x11CE0];
	v22 =	vadd.f32 v54, v22;
	v20 =	vadd.f32 v60, v20;
	v17 =	vmul.f32 v63, v17  }
0xf0: {  	v21 =	vadd.f32 v53, v21;
	v19 =	vadd.f32 v59, v19;
	v18 =	vmul.f32 v63, v18  }
0xf1: {  	v40 =	vadd.f32 v56, v24;
	v22 =	vadd.f32 v62, v22;
	v41 =	vmul.f32 v63, v20;
	[tilespmem:s24+$0xFFFFFD80] =	vst v17  }
0xf2: {  	v23 =	vadd.f32 v55, v23;
	v21 =	vadd.f32 v61, v21;
	v17 =	vmul.f32 v63, v19;
	[tilespmem:s24+$0xFFFFFD90] =	vst v18  }
0xf3: {  	v43 =	vmul.f32 v63, v22;
	v19 =	vadd.f32 v39, v40;
	[tilespmem:s24+$0xFFFFFDB0] =	vst v41  }
0xf4: {  	v42 =	vadd.f32 v38, v23;
	[tilespmem:s24+$0xFFFFFDA0] =	vst v17;
	v17 =	vmul.f32 v63, v21  }
0xf5: {  	[tilespmem:s24+$0xFFFFFDD0] =	vst v43;
	v44 =	vmul.f32 v63, v19  }
0xf6: {  	[tilespmem:s24+$0xFFFFFDC0] =	vst v17;
	v17 =	vmul.f32 v63, v42  }
0xf7: {  	[tilespmem:s24+$0xFFFFFDF0] =	vst v44  }
0xf8: {  	s30 =	sadd.s32 $0x580, s26;
	[tilespmem:s24+$0xFFFFFDE0] =	vst v17  }
0xf9: {  	[tilespmem:s16], [sflag:$0x4] =	stream.indirect.gather [hbm4b:s2+s10], $0x80, s30, s10, $0xb8;
	[tilespmem:$0x19100] =	vst v63  }
0xfa: {  	_ =	swait.ge [sflag:s17], $0x3200  }
0xfb: {  	[sflag:s17] =	ssyncset.done $0x0  }
0xfc: {  	[sflag:s17] =	ssyncadd.s32 $0xFFFFCE00  }
0xfd: {  	v17 =	vld [tilespmem:$0x8000]  }
0xfe: {  	v45 =	vld [tilespmem:$0x8010]  }
0xff: {  	v46 =	vld [tilespmem:$0x8020]  }
0x100: {  	v47 =	vld [tilespmem:$0x8030]  }
0x101: {  	v48 =	vld [tilespmem:$0x8040]  }
0x102: {  	v49 =	vld [tilespmem:$0x8050]  }
0x103: {  	v50 =	vld [tilespmem:$0x8060]  }
0x104: {  	v51 =	vld [tilespmem:$0x8070]  }
0x105: {  	v52 =	vld [tilespmem:$0x8080]  }
0x106: {  	v53 =	vld [tilespmem:$0x8090]  }
0x107: {  	v54 =	vld [tilespmem:$0x80A0]  }
0x108: {  	v55 =	vld [tilespmem:$0x80B0]  }
0x109: {  	v56 =	vld [tilespmem:$0x80C0]  }
0x10a: {  	v57 =	vld [tilespmem:$0x80D0]  }
0x10b: {  	s31 =	sadd.s32 $0x600, s26;
	v58 =	vld [tilespmem:$0x80E0]  }
0x10c: {  	v59 =	vld [tilespmem:$0x80F0];
	[tilespmem:s11], [sflag:$0x1] =	stream.indirect.gather [hbm4b:s2+s10], $0x80, s31, s10, $0xb8  }
0x10d: {  	_ =	swait.ge [sflag:s18], $0x3200  }
0x10e: {  	[sflag:s18] =	ssyncset.done $0x0  }
0x10f: {  	[sflag:s18] =	ssyncadd.s32 $0xFFFFCE00  }
0x110: {  	v60 =	vld [tilespmem:$0xB400]  }
0x111: {  	v61 =	vld [tilespmem:$0xB410]  }
0x112: {  	v62 =	vld [tilespmem:$0xB420]  }
0x113: {  	v63 =	vld [tilespmem:$0xB430]  }
0x114: {  	v40 =	vld [tilespmem:$0xB440];
	v17 =	vadd.f32 $0.0e+00, v17;
	v18 =	vadd.f32 $0.0e+00, v45  }
0x115: {  	v41 =	vld [tilespmem:$0xB450];
	v19 =	vadd.f32 $0.0e+00, v46;
	v20 =	vadd.f32 $0.0e+00, v47  }
0x116: {  	v42 =	vld [tilespmem:$0xB460];
	v21 =	vadd.f32 $0.0e+00, v48;
	v22 =	vadd.f32 $0.0e+00, v49  }
0x117: {  	v43 =	vld [tilespmem:$0xB470];
	v23 =	vadd.f32 $0.0e+00, v50;
	v24 =	vadd.f32 $0.0e+00, v51  }
0x118: {  	v44 =	vld [tilespmem:$0xB480];
	v17 =	vadd.f32 v52, v17;
	v18 =	vadd.f32 v53, v18  }
0x119: {  	v45 =	vld [tilespmem:$0xB490];
	v19 =	vadd.f32 v54, v19;
	v20 =	vadd.f32 v55, v20  }
0x11a: {  	v47 =	vld [tilespmem:$0xB4B0];
	v21 =	vadd.f32 v56, v21;
	v22 =	vadd.f32 v57, v22  }
0x11b: {  	v46 =	vld [tilespmem:$0xB4A0];
	v23 =	vadd.f32 v58, v23;
	v17 =	vadd.f32 v60, v17  }
0x11c: {  	v49 =	vld [tilespmem:$0xB4D0];
	v24 =	vadd.f32 v59, v24;
	v18 =	vadd.f32 v61, v18  }
0x11d: {  	v48 =	vld [tilespmem:$0xB4C0];
	v50 =	vperm.xlane v16, v4;
	v20 =	vadd.f32 v63, v20;
	v17 =	vadd.f32 v44, v17  }
0x11e: {  	v52 =	vld [tilespmem:$0xB4F0];
	v19 =	vadd.f32 v62, v19;
	v18 =	vadd.f32 v45, v18  }
0x11f: {  	v51 =	vld [tilespmem:$0xB4E0];
	v22 =	vadd.f32 v41, v22;
	v20 =	vadd.f32 v47, v20;
	v17 =	vmul.f32 v50, v17  }
0x120: {  	v21 =	vadd.f32 v40, v21;
	v19 =	vadd.f32 v46, v19;
	v18 =	vmul.f32 v50, v18  }
0x121: {  	v53 =	vadd.f32 v43, v24;
	v22 =	vadd.f32 v49, v22;
	v54 =	vmul.f32 v50, v20;
	[tilespmem:s24+$0xFFFFFE00] =	vst v17  }
0x122: {  	v23 =	vadd.f32 v42, v23;
	v21 =	vadd.f32 v48, v21;
	v17 =	vmul.f32 v50, v19;
	[tilespmem:s24+$0xFFFFFE10] =	vst v18  }
0x123: {  	v56 =	vmul.f32 v50, v22;
	v19 =	vadd.f32 v52, v53;
	[tilespmem:s24+$0xFFFFFE30] =	vst v54  }
0x124: {  	v55 =	vadd.f32 v51, v23;
	[tilespmem:s24+$0xFFFFFE20] =	vst v17;
	v17 =	vmul.f32 v50, v21  }
0x125: {  	[tilespmem:s24+$0xFFFFFE50] =	vst v56;
	v57 =	vmul.f32 v50, v19  }
0x126: {  	[tilespmem:s24+$0xFFFFFE40] =	vst v17;
	v17 =	vmul.f32 v50, v55  }
0x127: {  	[tilespmem:s24+$0xFFFFFE70] =	vst v57  }
0x128: {  	s29 =	sadd.s32 $0x680, s26;
	[tilespmem:s24+$0xFFFFFE60] =	vst v17  }
0x129: {  	[tilespmem:s13], [sflag:$0x2] =	stream.indirect.gather [hbm4b:s2+s10], $0x80, s29, s10, $0xb8;
	[tilespmem:$0x19100] =	vst v63  }
0x12a: {  	_ =	swait.ge [sflag:s19], $0x3200  }
0x12b: {  	[sflag:s19] =	ssyncset.done $0x0  }
0x12c: {  	[sflag:s19] =	ssyncadd.s32 $0xFFFFCE00  }
0x12d: {  	v17 =	vld [tilespmem:$0xE800]  }
0x12e: {  	v58 =	vld [tilespmem:$0xE810]  }
0x12f: {  	v59 =	vld [tilespmem:$0xE820]  }
0x130: {  	v60 =	vld [tilespmem:$0xE830]  }
0x131: {  	v61 =	vld [tilespmem:$0xE840]  }
0x132: {  	v62 =	vld [tilespmem:$0xE850]  }
0x133: {  	v63 =	vld [tilespmem:$0xE860]  }
0x134: {  	v40 =	vld [tilespmem:$0xE870]  }
0x135: {  	v41 =	vld [tilespmem:$0xE880]  }
0x136: {  	v42 =	vld [tilespmem:$0xE890]  }
0x137: {  	v43 =	vld [tilespmem:$0xE8A0]  }
0x138: {  	v44 =	vld [tilespmem:$0xE8B0]  }
0x139: {  	v45 =	vld [tilespmem:$0xE8C0]  }
0x13a: {  	v46 =	vld [tilespmem:$0xE8D0]  }
0x13b: {  	s30 =	sadd.s32 $0x700, s26;
	v47 =	vld [tilespmem:$0xE8E0]  }
0x13c: {  	v48 =	vld [tilespmem:$0xE8F0];
	[tilespmem:s15], [sflag:$0x3] =	stream.indirect.gather [hbm4b:s2+s10], $0x80, s30, s10, $0xb8  }
0x13d: {  	_ =	swait.ge [sflag:s20], $0x3200  }
0x13e: {  	[sflag:s20] =	ssyncset.done $0x0  }
0x13f: {  	[sflag:s20] =	ssyncadd.s32 $0xFFFFCE00  }
0x140: {  	v49 =	vld [tilespmem:$0x11C00]  }
0x141: {  	v50 =	vld [tilespmem:$0x11C10]  }
0x142: {  	v51 =	vld [tilespmem:$0x11C20]  }
0x143: {  	v52 =	vld [tilespmem:$0x11C30]  }
0x144: {  	v53 =	vld [tilespmem:$0x11C40];
	v17 =	vadd.f32 $0.0e+00, v17;
	v18 =	vadd.f32 $0.0e+00, v58  }
0x145: {  	v54 =	vld [tilespmem:$0x11C50];
	v19 =	vadd.f32 $0.0e+00, v59;
	v20 =	vadd.f32 $0.0e+00, v60  }
0x146: {  	v55 =	vld [tilespmem:$0x11C60];
	v21 =	vadd.f32 $0.0e+00, v61;
	v22 =	vadd.f32 $0.0e+00, v62  }
0x147: {  	v56 =	vld [tilespmem:$0x11C70];
	v23 =	vadd.f32 $0.0e+00, v63;
	v24 =	vadd.f32 $0.0e+00, v40  }
0x148: {  	v57 =	vld [tilespmem:$0x11C80];
	v17 =	vadd.f32 v41, v17;
	v18 =	vadd.f32 v42, v18  }
0x149: {  	v58 =	vld [tilespmem:$0x11C90];
	v19 =	vadd.f32 v43, v19;
	v20 =	vadd.f32 v44, v20  }
0x14a: {  	v60 =	vld [tilespmem:$0x11CB0];
	v21 =	vadd.f32 v45, v21;
	v22 =	vadd.f32 v46, v22  }
0x14b: {  	v59 =	vld [tilespmem:$0x11CA0];
	v23 =	vadd.f32 v47, v23;
	v17 =	vadd.f32 v49, v17  }
0x14c: {  	v62 =	vld [tilespmem:$0x11CD0];
	v24 =	vadd.f32 v48, v24;
	v18 =	vadd.f32 v50, v18  }
0x14d: {  	v61 =	vld [tilespmem:$0x11CC0];
	v63 =	vperm.xlane v16, v5;
	v20 =	vadd.f32 v52, v20;
	v17 =	vadd.f32 v57, v17  }
0x14e: {  	v39 =	vld [tilespmem:$0x11CF0];
	v19 =	vadd.f32 v51, v19;
	v18 =	vadd.f32 v58, v18  }
0x14f: {  	v38 =	vld [tilespmem:$0x11CE0];
	v22 =	vadd.f32 v54, v22;
	v20 =	vadd.f32 v60, v20;
	v17 =	vmul.f32 v63, v17  }
0x150: {  	v21 =	vadd.f32 v53, v21;
	v19 =	vadd.f32 v59, v19;
	v18 =	vmul.f32 v63, v18  }
0x151: {  	v40 =	vadd.f32 v56, v24;
	v22 =	vadd.f32 v62, v22;
	v41 =	vmul.f32 v63, v20;
	[tilespmem:s24+$0xFFFFFE80] =	vst v17  }
0x152: {  	v23 =	vadd.f32 v55, v23;
	v21 =	vadd.f32 v61, v21;
	v17 =	vmul.f32 v63, v19;
	[tilespmem:s24+$0xFFFFFE90] =	vst v18  }
0x153: {  	v43 =	vmul.f32 v63, v22;
	v19 =	vadd.f32 v39, v40;
	[tilespmem:s24+$0xFFFFFEB0] =	vst v41  }
0x154: {  	v42 =	vadd.f32 v38, v23;
	[tilespmem:s24+$0xFFFFFEA0] =	vst v17;
	v17 =	vmul.f32 v63, v21  }
0x155: {  	[tilespmem:s24+$0xFFFFFED0] =	vst v43;
	v44 =	vmul.f32 v63, v19  }
0x156: {  	[tilespmem:s24+$0xFFFFFEC0] =	vst v17;
	v17 =	vmul.f32 v63, v42  }
0x157: {  	[tilespmem:s24+$0xFFFFFEF0] =	vst v44  }
0x158: {  	s31 =	sadd.s32 $0x780, s26;
	[tilespmem:s24+$0xFFFFFEE0] =	vst v17  }
0x159: {  	[tilespmem:s16], [sflag:$0x4] =	stream.indirect.gather [hbm4b:s2+s10], $0x80, s31, s10, $0xb8;
	[tilespmem:$0x19100] =	vst v63  }
0x15a: {  	_ =	swait.ge [sflag:s17], $0x3200  }
0x15b: {  	[sflag:s17] =	ssyncset.done $0x0  }
0x15c: {  	[sflag:s17] =	ssyncadd.s32 $0xFFFFCE00  }
0x15d: {  	v17 =	vld [tilespmem:$0x8000]  }
0x15e: {  	v45 =	vld [tilespmem:$0x8010]  }
0x15f: {  	v46 =	vld [tilespmem:$0x8020]  }
0x160: {  	v47 =	vld [tilespmem:$0x8030]  }
0x161: {  	v48 =	vld [tilespmem:$0x8040]  }
0x162: {  	v49 =	vld [tilespmem:$0x8050]  }
0x163: {  	v50 =	vld [tilespmem:$0x8060]  }
0x164: {  	v51 =	vld [tilespmem:$0x8070]  }
0x165: {  	v52 =	vld [tilespmem:$0x8080]  }
0x166: {  	v53 =	vld [tilespmem:$0x8090]  }
0x167: {  	v54 =	vld [tilespmem:$0x80A0]  }
0x168: {  	v55 =	vld [tilespmem:$0x80B0]  }
0x169: {  	v56 =	vld [tilespmem:$0x80C0]  }
0x16a: {  	v57 =	vld [tilespmem:$0x80D0]  }
0x16b: {  	s29 =	sadd.s32 $0x800, s26;
	v58 =	vld [tilespmem:$0x80E0]  }
0x16c: {  	v59 =	vld [tilespmem:$0x80F0];
	[tilespmem:s11], [sflag:$0x1] =	stream.indirect.gather [hbm4b:s2+s10], $0x80, s29, s10, $0xb8  }
0x16d: {  	_ =	swait.ge [sflag:s18], $0x3200  }
0x16e: {  	[sflag:s18] =	ssyncset.done $0x0  }
0x16f: {  	[sflag:s18] =	ssyncadd.s32 $0xFFFFCE00  }
0x170: {  	v60 =	vld [tilespmem:$0xB400]  }
0x171: {  	v61 =	vld [tilespmem:$0xB410]  }
0x172: {  	v62 =	vld [tilespmem:$0xB420]  }
0x173: {  	v63 =	vld [tilespmem:$0xB430]  }
0x174: {  	v40 =	vld [tilespmem:$0xB440];
	v17 =	vadd.f32 $0.0e+00, v17;
	v18 =	vadd.f32 $0.0e+00, v45  }
0x175: {  	v41 =	vld [tilespmem:$0xB450];
	v19 =	vadd.f32 $0.0e+00, v46;
	v20 =	vadd.f32 $0.0e+00, v47  }
0x176: {  	v42 =	vld [tilespmem:$0xB460];
	v21 =	vadd.f32 $0.0e+00, v48;
	v22 =	vadd.f32 $0.0e+00, v49  }
0x177: {  	v43 =	vld [tilespmem:$0xB470];
	v23 =	vadd.f32 $0.0e+00, v50;
	v24 =	vadd.f32 $0.0e+00, v51  }
0x178: {  	v44 =	vld [tilespmem:$0xB480];
	v17 =	vadd.f32 v52, v17;
	v18 =	vadd.f32 v53, v18  }
0x179: {  	v45 =	vld [tilespmem:$0xB490];
	v19 =	vadd.f32 v54, v19;
	v20 =	vadd.f32 v55, v20  }
0x17a: {  	v47 =	vld [tilespmem:$0xB4B0];
	v21 =	vadd.f32 v56, v21;
	v22 =	vadd.f32 v57, v22  }
0x17b: {  	v46 =	vld [tilespmem:$0xB4A0];
	v23 =	vadd.f32 v58, v23;
	v17 =	vadd.f32 v60, v17  }
0x17c: {  	v49 =	vld [tilespmem:$0xB4D0];
	v24 =	vadd.f32 v59, v24;
	v18 =	vadd.f32 v61, v18  }
0x17d: {  	v48 =	vld [tilespmem:$0xB4C0];
	v50 =	vperm.xlane v16, v6;
	v20 =	vadd.f32 v63, v20;
	v17 =	vadd.f32 v44, v17  }
0x17e: {  	v52 =	vld [tilespmem:$0xB4F0];
	v19 =	vadd.f32 v62, v19;
	v18 =	vadd.f32 v45, v18  }
0x17f: {  	v51 =	vld [tilespmem:$0xB4E0];
	v22 =	vadd.f32 v41, v22;
	v20 =	vadd.f32 v47, v20;
	v17 =	vmul.f32 v50, v17  }
0x180: {  	v21 =	vadd.f32 v40, v21;
	v19 =	vadd.f32 v46, v19;
	v18 =	vmul.f32 v50, v18  }
0x181: {  	v53 =	vadd.f32 v43, v24;
	v22 =	vadd.f32 v49, v22;
	v54 =	vmul.f32 v50, v20;
	[tilespmem:s24+$0xFFFFFF00] =	vst v17  }
0x182: {  	v23 =	vadd.f32 v42, v23;
	v21 =	vadd.f32 v48, v21;
	v17 =	vmul.f32 v50, v19;
	[tilespmem:s24+$0xFFFFFF10] =	vst v18  }
0x183: {  	v56 =	vmul.f32 v50, v22;
	v19 =	vadd.f32 v52, v53;
	[tilespmem:s24+$0xFFFFFF30] =	vst v54  }
0x184: {  	v55 =	vadd.f32 v51, v23;
	[tilespmem:s24+$0xFFFFFF20] =	vst v17;
	v17 =	vmul.f32 v50, v21  }
0x185: {  	[tilespmem:s24+$0xFFFFFF50] =	vst v56;
	v57 =	vmul.f32 v50, v19  }
0x186: {  	[tilespmem:s24+$0xFFFFFF40] =	vst v17;
	v17 =	vmul.f32 v50, v55  }
0x187: {  	[tilespmem:s24+$0xFFFFFF70] =	vst v57  }
0x188: {  	s30 =	sadd.s32 $0x880, s26;
	[tilespmem:s24+$0xFFFFFF60] =	vst v17  }
0x189: {  	[tilespmem:s13], [sflag:$0x2] =	stream.indirect.gather [hbm4b:s2+s10], $0x80, s30, s10, $0xb8;
	[tilespmem:$0x19100] =	vst v63  }
0x18a: {  	_ =	swait.ge [sflag:s19], $0x3200  }
0x18b: {  	[sflag:s19] =	ssyncset.done $0x0  }
0x18c: {  	[sflag:s19] =	ssyncadd.s32 $0xFFFFCE00  }
0x18d: {  	v17 =	vld [tilespmem:$0xE800]  }
0x18e: {  	v58 =	vld [tilespmem:$0xE810]  }
0x18f: {  	v59 =	vld [tilespmem:$0xE820]  }
0x190: {  	v60 =	vld [tilespmem:$0xE830]  }
0x191: {  	v61 =	vld [tilespmem:$0xE840]  }
0x192: {  	v62 =	vld [tilespmem:$0xE850]  }
0x193: {  	v63 =	vld [tilespmem:$0xE860]  }
0x194: {  	v40 =	vld [tilespmem:$0xE870]  }
0x195: {  	v41 =	vld [tilespmem:$0xE880]  }
0x196: {  	v42 =	vld [tilespmem:$0xE890]  }
0x197: {  	v43 =	vld [tilespmem:$0xE8A0]  }
0x198: {  	v44 =	vld [tilespmem:$0xE8B0]  }
0x199: {  	v45 =	vld [tilespmem:$0xE8C0]  }
0x19a: {  	v46 =	vld [tilespmem:$0xE8D0]  }
0x19b: {  	s31 =	sadd.s32 $0x900, s26;
	v47 =	vld [tilespmem:$0xE8E0]  }
0x19c: {  	v48 =	vld [tilespmem:$0xE8F0];
	[tilespmem:s15], [sflag:$0x3] =	stream.indirect.gather [hbm4b:s2+s10], $0x80, s31, s10, $0xb8  }
0x19d: {  	_ =	swait.ge [sflag:s20], $0x3200  }
0x19e: {  	[sflag:s20] =	ssyncset.done $0x0  }
0x19f: {  	[sflag:s20] =	ssyncadd.s32 $0xFFFFCE00  }
0x1a0: {  	v49 =	vld [tilespmem:$0x11C00]  }
0x1a1: {  	v50 =	vld [tilespmem:$0x11C10]  }
0x1a2: {  	v51 =	vld [tilespmem:$0x11C20]  }
0x1a3: {  	v52 =	vld [tilespmem:$0x11C30]  }
0x1a4: {  	v53 =	vld [tilespmem:$0x11C40];
	v17 =	vadd.f32 $0.0e+00, v17;
	v18 =	vadd.f32 $0.0e+00, v58  }
0x1a5: {  	v54 =	vld [tilespmem:$0x11C50];
	v19 =	vadd.f32 $0.0e+00, v59;
	v20 =	vadd.f32 $0.0e+00, v60  }
0x1a6: {  	v55 =	vld [tilespmem:$0x11C60];
	v21 =	vadd.f32 $0.0e+00, v61;
	v22 =	vadd.f32 $0.0e+00, v62  }
0x1a7: {  	v56 =	vld [tilespmem:$0x11C70];
	v23 =	vadd.f32 $0.0e+00, v63;
	v24 =	vadd.f32 $0.0e+00, v40  }
0x1a8: {  	v57 =	vld [tilespmem:$0x11C80];
	v17 =	vadd.f32 v41, v17;
	v18 =	vadd.f32 v42, v18  }
0x1a9: {  	v58 =	vld [tilespmem:$0x11C90];
	v19 =	vadd.f32 v43, v19;
	v20 =	vadd.f32 v44, v20  }
0x1aa: {  	v60 =	vld [tilespmem:$0x11CB0];
	v21 =	vadd.f32 v45, v21;
	v22 =	vadd.f32 v46, v22  }
0x1ab: {  	v59 =	vld [tilespmem:$0x11CA0];
	v23 =	vadd.f32 v47, v23;
	v17 =	vadd.f32 v49, v17  }
0x1ac: {  	v62 =	vld [tilespmem:$0x11CD0];
	v24 =	vadd.f32 v48, v24;
	v18 =	vadd.f32 v50, v18  }
0x1ad: {  	v61 =	vld [tilespmem:$0x11CC0];
	v63 =	vperm.xlane v16, v7;
	v20 =	vadd.f32 v52, v20;
	v17 =	vadd.f32 v57, v17  }
0x1ae: {  	v39 =	vld [tilespmem:$0x11CF0];
	v19 =	vadd.f32 v51, v19;
	v18 =	vadd.f32 v58, v18  }
0x1af: {  	v38 =	vld [tilespmem:$0x11CE0];
	v22 =	vadd.f32 v54, v22;
	v20 =	vadd.f32 v60, v20;
	v17 =	vmul.f32 v63, v17  }
0x1b0: {  	v21 =	vadd.f32 v53, v21;
	v19 =	vadd.f32 v59, v19;
	v18 =	vmul.f32 v63, v18  }
0x1b1: {  	v40 =	vadd.f32 v56, v24;
	v22 =	vadd.f32 v62, v22;
	v41 =	vmul.f32 v63, v20;
	[tilespmem:s24+$0xFFFFFF80] =	vst v17  }
0x1b2: {  	v23 =	vadd.f32 v55, v23;
	v21 =	vadd.f32 v61, v21;
	v17 =	vmul.f32 v63, v19;
	[tilespmem:s24+$0xFFFFFF90] =	vst v18  }
0x1b3: {  	v43 =	vmul.f32 v63, v22;
	v19 =	vadd.f32 v39, v40;
	[tilespmem:s24+$0xFFFFFFB0] =	vst v41  }
0x1b4: {  	v42 =	vadd.f32 v38, v23;
	[tilespmem:s24+$0xFFFFFFA0] =	vst v17;
	v17 =	vmul.f32 v63, v21  }
0x1b5: {  	[tilespmem:s24+$0xFFFFFFD0] =	vst v43;
	v44 =	vmul.f32 v63, v19  }
0x1b6: {  	[tilespmem:s24+$0xFFFFFFC0] =	vst v17;
	v17 =	vmul.f32 v63, v42  }
0x1b7: {  	[tilespmem:s24+$0xFFFFFFF0] =	vst v44  }
0x1b8: {  	s29 =	sadd.s32 $0x980, s26;
	[tilespmem:s24+$0xFFFFFFE0] =	vst v17  }
0x1b9: {  	[tilespmem:s16], [sflag:$0x4] =	stream.indirect.gather [hbm4b:s2+s10], $0x80, s29, s10, $0xb8;
	[tilespmem:$0x19100] =	vst v63  }
0x1ba: {  	_ =	swait.ge [sflag:s17], $0x3200  }
0x1bb: {  	[sflag:s17] =	ssyncset.done $0x0  }
0x1bc: {  	[sflag:s17] =	ssyncadd.s32 $0xFFFFCE00  }
0x1bd: {  	v17 =	vld [tilespmem:$0x8000]  }
0x1be: {  	v45 =	vld [tilespmem:$0x8010]  }
0x1bf: {  	v46 =	vld [tilespmem:$0x8020]  }
0x1c0: {  	v47 =	vld [tilespmem:$0x8030]  }
0x1c1: {  	v48 =	vld [tilespmem:$0x8040]  }
0x1c2: {  	v49 =	vld [tilespmem:$0x8050]  }
0x1c3: {  	v50 =	vld [tilespmem:$0x8060]  }
0x1c4: {  	v51 =	vld [tilespmem:$0x8070]  }
0x1c5: {  	v52 =	vld [tilespmem:$0x8080]  }
0x1c6: {  	v53 =	vld [tilespmem:$0x8090]  }
0x1c7: {  	v54 =	vld [tilespmem:$0x80A0]  }
0x1c8: {  	v55 =	vld [tilespmem:$0x80B0]  }
0x1c9: {  	v56 =	vld [tilespmem:$0x80C0]  }
0x1ca: {  	v57 =	vld [tilespmem:$0x80D0]  }
0x1cb: {  	s30 =	sadd.s32 $0xA00, s26;
	v58 =	vld [tilespmem:$0x80E0]  }
0x1cc: {  	v59 =	vld [tilespmem:$0x80F0];
	[tilespmem:s11], [sflag:$0x1] =	stream.indirect.gather [hbm4b:s2+s10], $0x80, s30, s10, $0xb8  }
0x1cd: {  	_ =	swait.ge [sflag:s18], $0x3200  }
0x1ce: {  	[sflag:s18] =	ssyncset.done $0x0  }
0x1cf: {  	[sflag:s18] =	ssyncadd.s32 $0xFFFFCE00  }
0x1d0: {  	v60 =	vld [tilespmem:$0xB400]  }
0x1d1: {  	v61 =	vld [tilespmem:$0xB410]  }
0x1d2: {  	v62 =	vld [tilespmem:$0xB420]  }
0x1d3: {  	v63 =	vld [tilespmem:$0xB430]  }
0x1d4: {  	v40 =	vld [tilespmem:$0xB440];
	v17 =	vadd.f32 $0.0e+00, v17;
	v18 =	vadd.f32 $0.0e+00, v45  }
0x1d5: {  	v41 =	vld [tilespmem:$0xB450];
	v19 =	vadd.f32 $0.0e+00, v46;
	v20 =	vadd.f32 $0.0e+00, v47  }
0x1d6: {  	v42 =	vld [tilespmem:$0xB460];
	v21 =	vadd.f32 $0.0e+00, v48;
	v22 =	vadd.f32 $0.0e+00, v49  }
0x1d7: {  	v43 =	vld [tilespmem:$0xB470];
	v23 =	vadd.f32 $0.0e+00, v50;
	v24 =	vadd.f32 $0.0e+00, v51  }
0x1d8: {  	v44 =	vld [tilespmem:$0xB480];
	v17 =	vadd.f32 v52, v17;
	v18 =	vadd.f32 v53, v18  }
0x1d9: {  	v45 =	vld [tilespmem:$0xB490];
	v19 =	vadd.f32 v54, v19;
	v20 =	vadd.f32 v55, v20  }
0x1da: {  	v47 =	vld [tilespmem:$0xB4B0];
	v21 =	vadd.f32 v56, v21;
	v22 =	vadd.f32 v57, v22  }
0x1db: {  	v46 =	vld [tilespmem:$0xB4A0];
	v23 =	vadd.f32 v58, v23;
	v17 =	vadd.f32 v60, v17  }
0x1dc: {  	v49 =	vld [tilespmem:$0xB4D0];
	v24 =	vadd.f32 v59, v24;
	v18 =	vadd.f32 v61, v18  }
0x1dd: {  	v48 =	vld [tilespmem:$0xB4C0];
	v50 =	vperm.xlane v16, v8;
	v20 =	vadd.f32 v63, v20;
	v17 =	vadd.f32 v44, v17  }
0x1de: {  	v52 =	vld [tilespmem:$0xB4F0];
	v19 =	vadd.f32 v62, v19;
	v18 =	vadd.f32 v45, v18  }
0x1df: {  	v51 =	vld [tilespmem:$0xB4E0];
	v22 =	vadd.f32 v41, v22;
	v20 =	vadd.f32 v47, v20;
	v17 =	vmul.f32 v50, v17  }
0x1e0: {  	v21 =	vadd.f32 v40, v21;
	v19 =	vadd.f32 v46, v19;
	v18 =	vmul.f32 v50, v18  }
0x1e1: {  	v53 =	vadd.f32 v43, v24;
	v22 =	vadd.f32 v49, v22;
	v54 =	vmul.f32 v50, v20;
	[tilespmem:s24+$0x0] =	vst v17  }
0x1e2: {  	v23 =	vadd.f32 v42, v23;
	v21 =	vadd.f32 v48, v21;
	v17 =	vmul.f32 v50, v19;
	[tilespmem:s24+$0x10] =	vst v18  }
0x1e3: {  	v56 =	vmul.f32 v50, v22;
	v19 =	vadd.f32 v52, v53;
	[tilespmem:s24+$0x30] =	vst v54  }
0x1e4: {  	v55 =	vadd.f32 v51, v23;
	[tilespmem:s24+$0x20] =	vst v17;
	v17 =	vmul.f32 v50, v21  }
0x1e5: {  	[tilespmem:s24+$0x50] =	vst v56;
	v57 =	vmul.f32 v50, v19  }
0x1e6: {  	[tilespmem:s24+$0x40] =	vst v17;
	v17 =	vmul.f32 v50, v55  }
0x1e7: {  	[tilespmem:s24+$0x70] =	vst v57  }
0x1e8: {  	s31 =	sadd.s32 $0xA80, s26;
	[tilespmem:s24+$0x60] =	vst v17  }
0x1e9: {  	[tilespmem:s13], [sflag:$0x2] =	stream.indirect.gather [hbm4b:s2+s10], $0x80, s31, s10, $0xb8;
	[tilespmem:$0x19100] =	vst v63  }
0x1ea: {  	_ =	swait.ge [sflag:s19], $0x3200  }
0x1eb: {  	[sflag:s19] =	ssyncset.done $0x0  }
0x1ec: {  	[sflag:s19] =	ssyncadd.s32 $0xFFFFCE00  }
0x1ed: {  	v17 =	vld [tilespmem:$0xE800]  }
0x1ee: {  	v58 =	vld [tilespmem:$0xE810]  }
0x1ef: {  	v59 =	vld [tilespmem:$0xE820]  }
0x1f0: {  	v60 =	vld [tilespmem:$0xE830]  }
0x1f1: {  	v61 =	vld [tilespmem:$0xE840]  }
0x1f2: {  	v62 =	vld [tilespmem:$0xE850]  }
0x1f3: {  	v63 =	vld [tilespmem:$0xE860]  }
0x1f4: {  	v40 =	vld [tilespmem:$0xE870]  }
0x1f5: {  	v41 =	vld [tilespmem:$0xE880]  }
0x1f6: {  	v42 =	vld [tilespmem:$0xE890]  }
0x1f7: {  	v43 =	vld [tilespmem:$0xE8A0]  }
0x1f8: {  	v44 =	vld [tilespmem:$0xE8B0]  }
0x1f9: {  	v45 =	vld [tilespmem:$0xE8C0]  }
0x1fa: {  	v46 =	vld [tilespmem:$0xE8D0]  }
0x1fb: {  	s29 =	sadd.s32 $0xB00, s26;
	v47 =	vld [tilespmem:$0xE8E0]  }
0x1fc: {  	v48 =	vld [tilespmem:$0xE8F0];
	[tilespmem:s15], [sflag:$0x3] =	stream.indirect.gather [hbm4b:s2+s10], $0x80, s29, s10, $0xb8  }
0x1fd: {  	_ =	swait.ge [sflag:s20], $0x3200  }
0x1fe: {  	[sflag:s20] =	ssyncset.done $0x0  }
0x1ff: {  	[sflag:s20] =	ssyncadd.s32 $0xFFFFCE00  }
0x200: {  	v49 =	vld [tilespmem:$0x11C00]  }
0x201: {  	v50 =	vld [tilespmem:$0x11C10]  }
0x202: {  	v51 =	vld [tilespmem:$0x11C20]  }
0x203: {  	v52 =	vld [tilespmem:$0x11C30]  }
0x204: {  	v53 =	vld [tilespmem:$0x11C40];
	v17 =	vadd.f32 $0.0e+00, v17;
	v18 =	vadd.f32 $0.0e+00, v58  }
0x205: {  	v54 =	vld [tilespmem:$0x11C50];
	v19 =	vadd.f32 $0.0e+00, v59;
	v20 =	vadd.f32 $0.0e+00, v60  }
0x206: {  	v55 =	vld [tilespmem:$0x11C60];
	v21 =	vadd.f32 $0.0e+00, v61;
	v22 =	vadd.f32 $0.0e+00, v62  }
0x207: {  	v56 =	vld [tilespmem:$0x11C70];
	v23 =	vadd.f32 $0.0e+00, v63;
	v24 =	vadd.f32 $0.0e+00, v40  }
0x208: {  	v57 =	vld [tilespmem:$0x11C80];
	v17 =	vadd.f32 v41, v17;
	v18 =	vadd.f32 v42, v18  }
0x209: {  	v58 =	vld [tilespmem:$0x11C90];
	v19 =	vadd.f32 v43, v19;
	v20 =	vadd.f32 v44, v20  }
0x20a: {  	v60 =	vld [tilespmem:$0x11CB0];
	v21 =	vadd.f32 v45, v21;
	v22 =	vadd.f32 v46, v22  }
0x20b: {  	v59 =	vld [tilespmem:$0x11CA0];
	v23 =	vadd.f32 v47, v23;
	v17 =	vadd.f32 v49, v17  }
0x20c: {  	v62 =	vld [tilespmem:$0x11CD0];
	v24 =	vadd.f32 v48, v24;
	v18 =	vadd.f32 v50, v18  }
0x20d: {  	v61 =	vld [tilespmem:$0x11CC0];
	v63 =	vperm.xlane v16, v9;
	v20 =	vadd.f32 v52, v20;
	v17 =	vadd.f32 v57, v17  }
0x20e: {  	v39 =	vld [tilespmem:$0x11CF0];
	v19 =	vadd.f32 v51, v19;
	v18 =	vadd.f32 v58, v18  }
0x20f: {  	v38 =	vld [tilespmem:$0x11CE0];
	v22 =	vadd.f32 v54, v22;
	v20 =	vadd.f32 v60, v20;
	v17 =	vmul.f32 v63, v17  }
0x210: {  	v21 =	vadd.f32 v53, v21;
	v19 =	vadd.f32 v59, v19;
	v18 =	vmul.f32 v63, v18  }
0x211: {  	v40 =	vadd.f32 v56, v24;
	v22 =	vadd.f32 v62, v22;
	v41 =	vmul.f32 v63, v20;
	[tilespmem:s24+$0x80] =	vst v17  }
0x212: {  	v23 =	vadd.f32 v55, v23;
	v21 =	vadd.f32 v61, v21;
	v17 =	vmul.f32 v63, v19;
	[tilespmem:s24+$0x90] =	vst v18  }
0x213: {  	v43 =	vmul.f32 v63, v22;
	v19 =	vadd.f32 v39, v40;
	[tilespmem:s24+$0xB0] =	vst v41  }
0x214: {  	v42 =	vadd.f32 v38, v23;
	[tilespmem:s24+$0xA0] =	vst v17;
	v17 =	vmul.f32 v63, v21  }
0x215: {  	[tilespmem:s24+$0xD0] =	vst v43;
	v44 =	vmul.f32 v63, v19  }
0x216: {  	[tilespmem:s24+$0xC0] =	vst v17;
	v17 =	vmul.f32 v63, v42  }
0x217: {  	[tilespmem:s24+$0xF0] =	vst v44  }
0x218: {  	s30 =	sadd.s32 $0xB80, s26;
	[tilespmem:s24+$0xE0] =	vst v17  }
0x219: {  	[tilespmem:s16], [sflag:$0x4] =	stream.indirect.gather [hbm4b:s2+s10], $0x80, s30, s10, $0xb8;
	[tilespmem:$0x19100] =	vst v63  }
0x21a: {  	_ =	swait.ge [sflag:s17], $0x3200  }
0x21b: {  	[sflag:s17] =	ssyncset.done $0x0  }
0x21c: {  	[sflag:s17] =	ssyncadd.s32 $0xFFFFCE00  }
0x21d: {  	v17 =	vld [tilespmem:$0x8000]  }
0x21e: {  	v45 =	vld [tilespmem:$0x8010]  }
0x21f: {  	v46 =	vld [tilespmem:$0x8020]  }
0x220: {  	v47 =	vld [tilespmem:$0x8030]  }
0x221: {  	v48 =	vld [tilespmem:$0x8040]  }
0x222: {  	v49 =	vld [tilespmem:$0x8050]  }
0x223: {  	v50 =	vld [tilespmem:$0x8060]  }
0x224: {  	v51 =	vld [tilespmem:$0x8070]  }
0x225: {  	v52 =	vld [tilespmem:$0x8080]  }
0x226: {  	v53 =	vld [tilespmem:$0x8090]  }
0x227: {  	v54 =	vld [tilespmem:$0x80A0]  }
0x228: {  	v55 =	vld [tilespmem:$0x80B0]  }
0x229: {  	v56 =	vld [tilespmem:$0x80C0]  }
0x22a: {  	v57 =	vld [tilespmem:$0x80D0]  }
0x22b: {  	s31 =	sadd.s32 $0xC00, s26;
	v58 =	vld [tilespmem:$0x80E0]  }
0x22c: {  	v59 =	vld [tilespmem:$0x80F0];
	[tilespmem:s11], [sflag:$0x1] =	stream.indirect.gather [hbm4b:s2+s10], $0x80, s31, s10, $0xb8  }
0x22d: {  	_ =	swait.ge [sflag:s18], $0x3200  }
0x22e: {  	[sflag:s18] =	ssyncset.done $0x0  }
0x22f: {  	[sflag:s18] =	ssyncadd.s32 $0xFFFFCE00  }
0x230: {  	v60 =	vld [tilespmem:$0xB400]  }
0x231: {  	v61 =	vld [tilespmem:$0xB410]  }
0x232: {  	v62 =	vld [tilespmem:$0xB420]  }
0x233: {  	v63 =	vld [tilespmem:$0xB430]  }
0x234: {  	v40 =	vld [tilespmem:$0xB440];
	v17 =	vadd.f32 $0.0e+00, v17;
	v18 =	vadd.f32 $0.0e+00, v45  }
0x235: {  	v41 =	vld [tilespmem:$0xB450];
	v19 =	vadd.f32 $0.0e+00, v46;
	v20 =	vadd.f32 $0.0e+00, v47  }
0x236: {  	v42 =	vld [tilespmem:$0xB460];
	v21 =	vadd.f32 $0.0e+00, v48;
	v22 =	vadd.f32 $0.0e+00, v49  }
0x237: {  	v43 =	vld [tilespmem:$0xB470];
	v23 =	vadd.f32 $0.0e+00, v50;
	v24 =	vadd.f32 $0.0e+00, v51  }
0x238: {  	v44 =	vld [tilespmem:$0xB480];
	v17 =	vadd.f32 v52, v17;
	v18 =	vadd.f32 v53, v18  }
0x239: {  	v45 =	vld [tilespmem:$0xB490];
	v19 =	vadd.f32 v54, v19;
	v20 =	vadd.f32 v55, v20  }
0x23a: {  	v47 =	vld [tilespmem:$0xB4B0];
	v21 =	vadd.f32 v56, v21;
	v22 =	vadd.f32 v57, v22  }
0x23b: {  	v46 =	vld [tilespmem:$0xB4A0];
	v23 =	vadd.f32 v58, v23;
	v17 =	vadd.f32 v60, v17  }
0x23c: {  	v49 =	vld [tilespmem:$0xB4D0];
	v24 =	vadd.f32 v59, v24;
	v18 =	vadd.f32 v61, v18  }
0x23d: {  	v48 =	vld [tilespmem:$0xB4C0];
	v50 =	vperm.xlane v16, v10;
	v20 =	vadd.f32 v63, v20;
	v17 =	vadd.f32 v44, v17  }
0x23e: {  	v52 =	vld [tilespmem:$0xB4F0];
	v19 =	vadd.f32 v62, v19;
	v18 =	vadd.f32 v45, v18  }
0x23f: {  	v51 =	vld [tilespmem:$0xB4E0];
	v22 =	vadd.f32 v41, v22;
	v20 =	vadd.f32 v47, v20;
	v17 =	vmul.f32 v50, v17  }
0x240: {  	v21 =	vadd.f32 v40, v21;
	v19 =	vadd.f32 v46, v19;
	v18 =	vmul.f32 v50, v18  }
0x241: {  	v53 =	vadd.f32 v43, v24;
	v22 =	vadd.f32 v49, v22;
	v54 =	vmul.f32 v50, v20;
	[tilespmem:s24+$0x100] =	vst v17  }
0x242: {  	v23 =	vadd.f32 v42, v23;
	v21 =	vadd.f32 v48, v21;
	v17 =	vmul.f32 v50, v19;
	[tilespmem:s24+$0x110] =	vst v18  }
0x243: {  	v56 =	vmul.f32 v50, v22;
	v19 =	vadd.f32 v52, v53;
	[tilespmem:s24+$0x130] =	vst v54  }
0x244: {  	v55 =	vadd.f32 v51, v23;
	[tilespmem:s24+$0x120] =	vst v17;
	v17 =	vmul.f32 v50, v21  }
0x245: {  	[tilespmem:s24+$0x150] =	vst v56;
	v57 =	vmul.f32 v50, v19  }
0x246: {  	[tilespmem:s24+$0x140] =	vst v17;
	v17 =	vmul.f32 v50, v55  }
0x247: {  	[tilespmem:s24+$0x170] =	vst v57  }
0x248: {  	s29 =	sadd.s32 $0xC80, s26;
	[tilespmem:s24+$0x160] =	vst v17  }
0x249: {  	[tilespmem:s13], [sflag:$0x2] =	stream.indirect.gather [hbm4b:s2+s10], $0x80, s29, s10, $0xb8;
	[tilespmem:$0x19100] =	vst v63  }
0x24a: {  	_ =	swait.ge [sflag:s19], $0x3200  }
0x24b: {  	[sflag:s19] =	ssyncset.done $0x0  }
0x24c: {  	[sflag:s19] =	ssyncadd.s32 $0xFFFFCE00  }
0x24d: {  	v17 =	vld [tilespmem:$0xE800]  }
0x24e: {  	v58 =	vld [tilespmem:$0xE810]  }
0x24f: {  	v59 =	vld [tilespmem:$0xE820]  }
0x250: {  	v60 =	vld [tilespmem:$0xE830]  }
0x251: {  	v61 =	vld [tilespmem:$0xE840]  }
0x252: {  	v62 =	vld [tilespmem:$0xE850]  }
0x253: {  	v63 =	vld [tilespmem:$0xE860]  }
0x254: {  	v40 =	vld [tilespmem:$0xE870]  }
0x255: {  	v41 =	vld [tilespmem:$0xE880]  }
0x256: {  	v42 =	vld [tilespmem:$0xE890]  }
0x257: {  	v43 =	vld [tilespmem:$0xE8A0]  }
0x258: {  	v44 =	vld [tilespmem:$0xE8B0]  }
0x259: {  	v45 =	vld [tilespmem:$0xE8C0]  }
0x25a: {  	v46 =	vld [tilespmem:$0xE8D0]  }
0x25b: {  	s30 =	sadd.s32 $0xD00, s26;
	v47 =	vld [tilespmem:$0xE8E0]  }
0x25c: {  	v48 =	vld [tilespmem:$0xE8F0];
	[tilespmem:s15], [sflag:$0x3] =	stream.indirect.gather [hbm4b:s2+s10], $0x80, s30, s10, $0xb8  }
0x25d: {  	_ =	swait.ge [sflag:s20], $0x3200  }
0x25e: {  	[sflag:s20] =	ssyncset.done $0x0  }
0x25f: {  	[sflag:s20] =	ssyncadd.s32 $0xFFFFCE00  }
0x260: {  	v49 =	vld [tilespmem:$0x11C00]  }
0x261: {  	v50 =	vld [tilespmem:$0x11C10]  }
0x262: {  	v51 =	vld [tilespmem:$0x11C20]  }
0x263: {  	v52 =	vld [tilespmem:$0x11C30]  }
0x264: {  	v53 =	vld [tilespmem:$0x11C40];
	v17 =	vadd.f32 $0.0e+00, v17;
	v18 =	vadd.f32 $0.0e+00, v58  }
0x265: {  	v54 =	vld [tilespmem:$0x11C50];
	v19 =	vadd.f32 $0.0e+00, v59;
	v20 =	vadd.f32 $0.0e+00, v60  }
0x266: {  	v55 =	vld [tilespmem:$0x11C60];
	v21 =	vadd.f32 $0.0e+00, v61;
	v22 =	vadd.f32 $0.0e+00, v62  }
0x267: {  	v56 =	vld [tilespmem:$0x11C70];
	v23 =	vadd.f32 $0.0e+00, v63;
	v24 =	vadd.f32 $0.0e+00, v40  }
0x268: {  	v57 =	vld [tilespmem:$0x11C80];
	v17 =	vadd.f32 v41, v17;
	v18 =	vadd.f32 v42, v18  }
0x269: {  	v58 =	vld [tilespmem:$0x11C90];
	v19 =	vadd.f32 v43, v19;
	v20 =	vadd.f32 v44, v20  }
0x26a: {  	v60 =	vld [tilespmem:$0x11CB0];
	v21 =	vadd.f32 v45, v21;
	v22 =	vadd.f32 v46, v22  }
0x26b: {  	v59 =	vld [tilespmem:$0x11CA0];
	v23 =	vadd.f32 v47, v23;
	v17 =	vadd.f32 v49, v17  }
0x26c: {  	v62 =	vld [tilespmem:$0x11CD0];
	v24 =	vadd.f32 v48, v24;
	v18 =	vadd.f32 v50, v18  }
0x26d: {  	v61 =	vld [tilespmem:$0x11CC0];
	v63 =	vperm.xlane v16, v11;
	v20 =	vadd.f32 v52, v20;
	v17 =	vadd.f32 v57, v17  }
0x26e: {  	v39 =	vld [tilespmem:$0x11CF0];
	v19 =	vadd.f32 v51, v19;
	v18 =	vadd.f32 v58, v18  }
0x26f: {  	v38 =	vld [tilespmem:$0x11CE0];
	v22 =	vadd.f32 v54, v22;
	v20 =	vadd.f32 v60, v20;
	v17 =	vmul.f32 v63, v17  }
0x270: {  	v21 =	vadd.f32 v53, v21;
	v19 =	vadd.f32 v59, v19;
	v18 =	vmul.f32 v63, v18  }
0x271: {  	v40 =	vadd.f32 v56, v24;
	v22 =	vadd.f32 v62, v22;
	v41 =	vmul.f32 v63, v20;
	[tilespmem:s24+$0x180] =	vst v17  }
0x272: {  	v23 =	vadd.f32 v55, v23;
	v21 =	vadd.f32 v61, v21;
	v17 =	vmul.f32 v63, v19;
	[tilespmem:s24+$0x190] =	vst v18  }
0x273: {  	v43 =	vmul.f32 v63, v22;
	v19 =	vadd.f32 v39, v40;
	[tilespmem:s24+$0x1B0] =	vst v41  }
0x274: {  	v42 =	vadd.f32 v38, v23;
	[tilespmem:s24+$0x1A0] =	vst v17;
	v17 =	vmul.f32 v63, v21  }
0x275: {  	[tilespmem:s24+$0x1D0] =	vst v43;
	v44 =	vmul.f32 v63, v19  }
0x276: {  	[tilespmem:s24+$0x1C0] =	vst v17;
	v17 =	vmul.f32 v63, v42  }
0x277: {  	[tilespmem:s24+$0x1F0] =	vst v44  }
0x278: {  	s31 =	sadd.s32 $0xD80, s26;
	[tilespmem:s24+$0x1E0] =	vst v17  }
0x279: {  	[tilespmem:s16], [sflag:$0x4] =	stream.indirect.gather [hbm4b:s2+s10], $0x80, s31, s10, $0xb8;
	[tilespmem:$0x19100] =	vst v63  }
0x27a: {  	_ =	swait.ge [sflag:s17], $0x3200  }
0x27b: {  	[sflag:s17] =	ssyncset.done $0x0  }
0x27c: {  	[sflag:s17] =	ssyncadd.s32 $0xFFFFCE00  }
0x27d: {  	v17 =	vld [tilespmem:$0x8000]  }
0x27e: {  	v45 =	vld [tilespmem:$0x8010]  }
0x27f: {  	v46 =	vld [tilespmem:$0x8020]  }
0x280: {  	v47 =	vld [tilespmem:$0x8030]  }
0x281: {  	v48 =	vld [tilespmem:$0x8040]  }
0x282: {  	v49 =	vld [tilespmem:$0x8050]  }
0x283: {  	v50 =	vld [tilespmem:$0x8060]  }
0x284: {  	v51 =	vld [tilespmem:$0x8070]  }
0x285: {  	v52 =	vld [tilespmem:$0x8080]  }
0x286: {  	v53 =	vld [tilespmem:$0x8090]  }
0x287: {  	v54 =	vld [tilespmem:$0x80A0]  }
0x288: {  	v55 =	vld [tilespmem:$0x80B0]  }
0x289: {  	v56 =	vld [tilespmem:$0x80C0]  }
0x28a: {  	v57 =	vld [tilespmem:$0x80D0]  }
0x28b: {  	s29 =	sadd.s32 $0xE00, s26;
	v58 =	vld [tilespmem:$0x80E0]  }
0x28c: {  	v59 =	vld [tilespmem:$0x80F0];
	[tilespmem:s11], [sflag:$0x1] =	stream.indirect.gather [hbm4b:s2+s10], $0x80, s29, s10, $0xb8  }
0x28d: {  	_ =	swait.ge [sflag:s18], $0x3200  }
0x28e: {  	[sflag:s18] =	ssyncset.done $0x0  }
0x28f: {  	[sflag:s18] =	ssyncadd.s32 $0xFFFFCE00  }
0x290: {  	v60 =	vld [tilespmem:$0xB400]  }
0x291: {  	v61 =	vld [tilespmem:$0xB410]  }
0x292: {  	v62 =	vld [tilespmem:$0xB420]  }
0x293: {  	v63 =	vld [tilespmem:$0xB430]  }
0x294: {  	v40 =	vld [tilespmem:$0xB440];
	v17 =	vadd.f32 $0.0e+00, v17;
	v18 =	vadd.f32 $0.0e+00, v45  }
0x295: {  	v41 =	vld [tilespmem:$0xB450];
	v19 =	vadd.f32 $0.0e+00, v46;
	v20 =	vadd.f32 $0.0e+00, v47  }
0x296: {  	v42 =	vld [tilespmem:$0xB460];
	v21 =	vadd.f32 $0.0e+00, v48;
	v22 =	vadd.f32 $0.0e+00, v49  }
0x297: {  	v43 =	vld [tilespmem:$0xB470];
	v23 =	vadd.f32 $0.0e+00, v50;
	v24 =	vadd.f32 $0.0e+00, v51  }
0x298: {  	v44 =	vld [tilespmem:$0xB480];
	v17 =	vadd.f32 v52, v17;
	v18 =	vadd.f32 v53, v18  }
0x299: {  	v45 =	vld [tilespmem:$0xB490];
	v19 =	vadd.f32 v54, v19;
	v20 =	vadd.f32 v55, v20  }
0x29a: {  	v47 =	vld [tilespmem:$0xB4B0];
	v21 =	vadd.f32 v56, v21;
	v22 =	vadd.f32 v57, v22  }
0x29b: {  	v46 =	vld [tilespmem:$0xB4A0];
	v23 =	vadd.f32 v58, v23;
	v17 =	vadd.f32 v60, v17  }
0x29c: {  	v49 =	vld [tilespmem:$0xB4D0];
	v24 =	vadd.f32 v59, v24;
	v18 =	vadd.f32 v61, v18  }
0x29d: {  	v48 =	vld [tilespmem:$0xB4C0];
	v50 =	vperm.xlane v16, v12;
	v20 =	vadd.f32 v63, v20;
	v17 =	vadd.f32 v44, v17  }
0x29e: {  	v52 =	vld [tilespmem:$0xB4F0];
	v19 =	vadd.f32 v62, v19;
	v18 =	vadd.f32 v45, v18  }
0x29f: {  	v51 =	vld [tilespmem:$0xB4E0];
	v22 =	vadd.f32 v41, v22;
	v20 =	vadd.f32 v47, v20;
	v17 =	vmul.f32 v50, v17  }
0x2a0: {  	v21 =	vadd.f32 v40, v21;
	v19 =	vadd.f32 v46, v19;
	v18 =	vmul.f32 v50, v18  }
0x2a1: {  	v53 =	vadd.f32 v43, v24;
	v22 =	vadd.f32 v49, v22;
	v54 =	vmul.f32 v50, v20;
	[tilespmem:s24+$0x200] =	vst v17  }
0x2a2: {  	v23 =	vadd.f32 v42, v23;
	v21 =	vadd.f32 v48, v21;
	v17 =	vmul.f32 v50, v19;
	[tilespmem:s24+$0x210] =	vst v18  }
0x2a3: {  	v56 =	vmul.f32 v50, v22;
	v19 =	vadd.f32 v52, v53;
	[tilespmem:s24+$0x230] =	vst v54  }
0x2a4: {  	v55 =	vadd.f32 v51, v23;
	[tilespmem:s24+$0x220] =	vst v17;
	v17 =	vmul.f32 v50, v21  }
0x2a5: {  	[tilespmem:s24+$0x250] =	vst v56;
	v57 =	vmul.f32 v50, v19  }
0x2a6: {  	[tilespmem:s24+$0x240] =	vst v17;
	v17 =	vmul.f32 v50, v55  }
0x2a7: {  	[tilespmem:s24+$0x270] =	vst v57  }
0x2a8: {  	s30 =	sadd.s32 $0xE80, s26;
	[tilespmem:s24+$0x260] =	vst v17  }
0x2a9: {  	[tilespmem:s13], [sflag:$0x2] =	stream.indirect.gather [hbm4b:s2+s10], $0x80, s30, s10, $0xb8;
	[tilespmem:$0x19100] =	vst v63  }
0x2aa: {  	_ =	swait.ge [sflag:s19], $0x3200  }
0x2ab: {  	[sflag:s19] =	ssyncset.done $0x0  }
0x2ac: {  	[sflag:s19] =	ssyncadd.s32 $0xFFFFCE00  }
0x2ad: {  	v17 =	vld [tilespmem:$0xE800]  }
0x2ae: {  	v58 =	vld [tilespmem:$0xE810]  }
0x2af: {  	v59 =	vld [tilespmem:$0xE820]  }
0x2b0: {  	v60 =	vld [tilespmem:$0xE830]  }
0x2b1: {  	v61 =	vld [tilespmem:$0xE840]  }
0x2b2: {  	v62 =	vld [tilespmem:$0xE850]  }
0x2b3: {  	v63 =	vld [tilespmem:$0xE860]  }
0x2b4: {  	v40 =	vld [tilespmem:$0xE870]  }
0x2b5: {  	v41 =	vld [tilespmem:$0xE880]  }
0x2b6: {  	v42 =	vld [tilespmem:$0xE890]  }
0x2b7: {  	v43 =	vld [tilespmem:$0xE8A0]  }
0x2b8: {  	v44 =	vld [tilespmem:$0xE8B0]  }
0x2b9: {  	v45 =	vld [tilespmem:$0xE8C0]  }
0x2ba: {  	v46 =	vld [tilespmem:$0xE8D0]  }
0x2bb: {  	s31 =	sadd.s32 $0xF00, s26;
	v47 =	vld [tilespmem:$0xE8E0]  }
0x2bc: {  	v48 =	vld [tilespmem:$0xE8F0];
	[tilespmem:s15], [sflag:$0x3] =	stream.indirect.gather [hbm4b:s2+s10], $0x80, s31, s10, $0xb8  }
0x2bd: {  	_ =	swait.ge [sflag:s20], $0x3200  }
0x2be: {  	[sflag:s20] =	ssyncset.done $0x0  }
0x2bf: {  	[sflag:s20] =	ssyncadd.s32 $0xFFFFCE00  }
0x2c0: {  	v49 =	vld [tilespmem:$0x11C00]  }
0x2c1: {  	v50 =	vld [tilespmem:$0x11C10]  }
0x2c2: {  	v51 =	vld [tilespmem:$0x11C20]  }
0x2c3: {  	v52 =	vld [tilespmem:$0x11C30]  }
0x2c4: {  	v53 =	vld [tilespmem:$0x11C40];
	v17 =	vadd.f32 $0.0e+00, v17;
	v18 =	vadd.f32 $0.0e+00, v58  }
0x2c5: {  	v54 =	vld [tilespmem:$0x11C50];
	v19 =	vadd.f32 $0.0e+00, v59;
	v20 =	vadd.f32 $0.0e+00, v60  }
0x2c6: {  	v55 =	vld [tilespmem:$0x11C60];
	v21 =	vadd.f32 $0.0e+00, v61;
	v22 =	vadd.f32 $0.0e+00, v62  }
0x2c7: {  	v56 =	vld [tilespmem:$0x11C70];
	v23 =	vadd.f32 $0.0e+00, v63;
	v24 =	vadd.f32 $0.0e+00, v40  }
0x2c8: {  	v57 =	vld [tilespmem:$0x11C80];
	v17 =	vadd.f32 v41, v17;
	v18 =	vadd.f32 v42, v18  }
0x2c9: {  	v58 =	vld [tilespmem:$0x11C90];
	v19 =	vadd.f32 v43, v19;
	v20 =	vadd.f32 v44, v20  }
0x2ca: {  	v60 =	vld [tilespmem:$0x11CB0];
	v21 =	vadd.f32 v45, v21;
	v22 =	vadd.f32 v46, v22  }
0x2cb: {  	v59 =	vld [tilespmem:$0x11CA0];
	v23 =	vadd.f32 v47, v23;
	v17 =	vadd.f32 v49, v17  }
0x2cc: {  	v62 =	vld [tilespmem:$0x11CD0];
	v24 =	vadd.f32 v48, v24;
	v18 =	vadd.f32 v50, v18  }
0x2cd: {  	v61 =	vld [tilespmem:$0x11CC0];
	v63 =	vperm.xlane v16, v13;
	v20 =	vadd.f32 v52, v20;
	v17 =	vadd.f32 v57, v17  }
0x2ce: {  	v36 =	vld [tilespmem:$0x11CF0];
	v19 =	vadd.f32 v51, v19;
	v18 =	vadd.f32 v58, v18  }
0x2cf: {  	v35 =	vld [tilespmem:$0x11CE0];
	v22 =	vadd.f32 v54, v22;
	v20 =	vadd.f32 v60, v20;
	v17 =	vmul.f32 v63, v17  }
0x2d0: {  	v21 =	vadd.f32 v53, v21;
	v19 =	vadd.f32 v59, v19;
	v18 =	vmul.f32 v63, v18  }
0x2d1: {  	v37 =	vadd.f32 v56, v24;
	v22 =	vadd.f32 v62, v22;
	v38 =	vmul.f32 v63, v20;
	[tilespmem:s24+$0x280] =	vst v17  }
0x2d2: {  	v23 =	vadd.f32 v55, v23;
	v21 =	vadd.f32 v61, v21;
	v17 =	vmul.f32 v63, v19;
	[tilespmem:s24+$0x290] =	vst v18  }
0x2d3: {  	v40 =	vmul.f32 v63, v22;
	v19 =	vadd.f32 v36, v37;
	[tilespmem:s24+$0x2B0] =	vst v38  }
0x2d4: {  	v39 =	vadd.f32 v35, v23;
	[tilespmem:s24+$0x2A0] =	vst v17;
	v17 =	vmul.f32 v63, v21  }
0x2d5: {  	[tilespmem:s24+$0x2D0] =	vst v40;
	v41 =	vmul.f32 v63, v19  }
0x2d6: {  	[tilespmem:s24+$0x2C0] =	vst v17;
	v17 =	vmul.f32 v63, v39  }
0x2d7: {  	[tilespmem:s24+$0x2F0] =	vst v41  }
0x2d8: {  	s26 =	sadd.s32 $0xF80, s26;
	[tilespmem:s24+$0x2E0] =	vst v17  }
0x2d9: {  	[tilespmem:s16], [sflag:$0x4] =	stream.indirect.gather [hbm4b:s2+s10], $0x80, s26, s10, $0xb8;
	[tilespmem:$0x19100] =	vst v63  }
0x2da: {  	_ =	swait.ge [sflag:s17], $0x3200  }
0x2db: {  	[sflag:s17] =	ssyncset.done $0x0  }
0x2dc: {  	[sflag:s17] =	ssyncadd.s32 $0xFFFFCE00  }
0x2dd: {  	v17 =	vld [tilespmem:$0x8000]  }
0x2de: {  	v42 =	vld [tilespmem:$0x8010]  }
0x2df: {  	v43 =	vld [tilespmem:$0x8020]  }
0x2e0: {  	v44 =	vld [tilespmem:$0x8030]  }
0x2e1: {  	v45 =	vld [tilespmem:$0x8040]  }
0x2e2: {  	v46 =	vld [tilespmem:$0x8050]  }
0x2e3: {  	v47 =	vld [tilespmem:$0x8060]  }
0x2e4: {  	v48 =	vld [tilespmem:$0x8070]  }
0x2e5: {  	v49 =	vld [tilespmem:$0x8080]  }
0x2e6: {  	v50 =	vld [tilespmem:$0x8090]  }
0x2e7: {  	v51 =	vld [tilespmem:$0x80A0]  }
0x2e8: {  	v52 =	vld [tilespmem:$0x80B0]  }
0x2e9: {  	p0 =	seq.s32 s25, $0x1C000;
	v53 =	vld [tilespmem:$0x80C0]  }
0x2ea: {  	s26 =	sshra.s32 @!p0 s25, $0x2;
	v54 =	vld [tilespmem:$0x80D0]  }
0x2eb: {  	s28 =	simm.s32 @!p0 $0x64;
	s30 =	simm.s32 @!p0 $0x8000;
	s29 =	sadd.s32 @!p0 $0x1000, s26;
	v55 =	vld [tilespmem:$0x80E0]  }
0x2ec: {  	v56 =	vld [tilespmem:$0x80F0];
	[tilespmem:s30], [sflag:$0x1] =	stream.indirect.gather @!p0 [hbm4b:s2+s28], $0x80, s29, s28, $0xb8  }
0x2ed: {  	_ =	swait.ge [sflag:s18], $0x3200  }
0x2ee: {  	[sflag:s18] =	ssyncset.done $0x0  }
0x2ef: {  	[sflag:s18] =	ssyncadd.s32 $0xFFFFCE00  }
0x2f0: {  	v57 =	vld [tilespmem:$0xB400]  }
0x2f1: {  	v58 =	vld [tilespmem:$0xB410]  }
0x2f2: {  	v59 =	vld [tilespmem:$0xB420]  }
0x2f3: {  	v60 =	vld [tilespmem:$0xB430]  }
0x2f4: {  	v61 =	vld [tilespmem:$0xB440];
	v17 =	vadd.f32 $0.0e+00, v17;
	v18 =	vadd.f32 $0.0e+00, v42  }
0x2f5: {  	v62 =	vld [tilespmem:$0xB450];
	v19 =	vadd.f32 $0.0e+00, v43;
	v20 =	vadd.f32 $0.0e+00, v44  }
0x2f6: {  	v63 =	vld [tilespmem:$0xB460];
	v21 =	vadd.f32 $0.0e+00, v45;
	v22 =	vadd.f32 $0.0e+00, v46  }
0x2f7: {  	v38 =	vld [tilespmem:$0xB470];
	v23 =	vadd.f32 $0.0e+00, v47;
	v24 =	vadd.f32 $0.0e+00, v48  }
0x2f8: {  	v39 =	vld [tilespmem:$0xB480];
	v17 =	vadd.f32 v49, v17;
	v18 =	vadd.f32 v50, v18  }
0x2f9: {  	v40 =	vld [tilespmem:$0xB490];
	v19 =	vadd.f32 v51, v19;
	v20 =	vadd.f32 v52, v20  }
0x2fa: {  	v42 =	vld [tilespmem:$0xB4B0];
	v21 =	vadd.f32 v53, v21;
	v22 =	vadd.f32 v54, v22  }
0x2fb: {  	v41 =	vld [tilespmem:$0xB4A0];
	v23 =	vadd.f32 v55, v23;
	v17 =	vadd.f32 v57, v17  }
0x2fc: {  	v44 =	vld [tilespmem:$0xB4D0];
	v24 =	vadd.f32 v56, v24;
	v18 =	vadd.f32 v58, v18  }
0x2fd: {  	v43 =	vld [tilespmem:$0xB4C0];
	v45 =	vperm.xlane v16, v14;
	v20 =	vadd.f32 v60, v20;
	v17 =	vadd.f32 v39, v17  }
0x2fe: {  	v47 =	vld [tilespmem:$0xB4F0];
	v19 =	vadd.f32 v59, v19;
	v18 =	vadd.f32 v40, v18  }
0x2ff: {  	v46 =	vld [tilespmem:$0xB4E0];
	v22 =	vadd.f32 v62, v22;
	v20 =	vadd.f32 v42, v20;
	v17 =	vmul.f32 v45, v17  }
0x300: {  	v21 =	vadd.f32 v61, v21;
	v19 =	vadd.f32 v41, v19;
	v18 =	vmul.f32 v45, v18  }
0x301: {  	v48 =	vadd.f32 v38, v24;
	v22 =	vadd.f32 v44, v22;
	v49 =	vmul.f32 v45, v20;
	[tilespmem:s24+$0x300] =	vst v17  }
0x302: {  	v23 =	vadd.f32 v63, v23;
	v21 =	vadd.f32 v43, v21;
	v17 =	vmul.f32 v45, v19;
	[tilespmem:s24+$0x310] =	vst v18  }
0x303: {  	v51 =	vmul.f32 v45, v22;
	v19 =	vadd.f32 v47, v48;
	[tilespmem:s24+$0x330] =	vst v49  }
0x304: {  	v50 =	vadd.f32 v46, v23;
	[tilespmem:s24+$0x320] =	vst v17;
	v17 =	vmul.f32 v45, v21  }
0x305: {  	[tilespmem:s24+$0x350] =	vst v51;
	v52 =	vmul.f32 v45, v19  }
0x306: {  	[tilespmem:s24+$0x340] =	vst v17;
	v17 =	vmul.f32 v45, v50  }
0x307: {  	[tilespmem:s24+$0x370] =	vst v52  }
0x308: {  	s29 =	sadd.s32 @!p0 $0x1080, s26;
	s30 =	simm.s32 @!p0 $0xB400;
	[tilespmem:s24+$0x360] =	vst v17  }
0x309: {  	[tilespmem:s30], [sflag:$0x2] =	stream.indirect.gather @!p0 [hbm4b:s2+s28], $0x80, s29, s28, $0xb8;
	[tilespmem:$0x19100] =	vst v63  }
0x30a: {  	_ =	swait.ge [sflag:s19], $0x3200  }
0x30b: {  	[sflag:s19] =	ssyncset.done $0x0  }
0x30c: {  	[sflag:s19] =	ssyncadd.s32 $0xFFFFCE00  }
0x30d: {  	v17 =	vld [tilespmem:$0xE800]  }
0x30e: {  	v53 =	vld [tilespmem:$0xE810]  }
0x30f: {  	v54 =	vld [tilespmem:$0xE820]  }
0x310: {  	v55 =	vld [tilespmem:$0xE830]  }
0x311: {  	v56 =	vld [tilespmem:$0xE840]  }
0x312: {  	v57 =	vld [tilespmem:$0xE850]  }
0x313: {  	v58 =	vld [tilespmem:$0xE860]  }
0x314: {  	v59 =	vld [tilespmem:$0xE870]  }
0x315: {  	v60 =	vld [tilespmem:$0xE880]  }
0x316: {  	v61 =	vld [tilespmem:$0xE890]  }
0x317: {  	v62 =	vld [tilespmem:$0xE8A0]  }
0x318: {  	v63 =	vld [tilespmem:$0xE8B0]  }
0x319: {  	v40 =	vld [tilespmem:$0xE8C0]  }
0x31a: {  	v41 =	vld [tilespmem:$0xE8D0]  }
0x31b: {  	s26 =	sadd.s32 @!p0 $0x1100, s26;
	s29 =	simm.s32 @!p0 $0xE800;
	v42 =	vld [tilespmem:$0xE8E0]  }
0x31c: {  	v43 =	vld [tilespmem:$0xE8F0];
	[tilespmem:s29], [sflag:$0x3] =	stream.indirect.gather @!p0 [hbm4b:s2+s28], $0x80, s26, s28, $0xb8  }
0x31d: {  	_ =	swait.ge [sflag:s20], $0x3200  }
0x31e: {  	[sflag:s20] =	ssyncset.done $0x0  }
0x31f: {  	[sflag:s20] =	ssyncadd.s32 $0xFFFFCE00  }
0x320: {  	v44 =	vld [tilespmem:$0x11C00]  }
0x321: {  	v45 =	vld [tilespmem:$0x11C10]  }
0x322: {  	v46 =	vld [tilespmem:$0x11C20]  }
0x323: {  	v47 =	vld [tilespmem:$0x11C30]  }
0x324: {  	v48 =	vld [tilespmem:$0x11C40];
	v17 =	vadd.f32 $0.0e+00, v17;
	v18 =	vadd.f32 $0.0e+00, v53  }
0x325: {  	v49 =	vld [tilespmem:$0x11C50];
	v19 =	vadd.f32 $0.0e+00, v54;
	v20 =	vadd.f32 $0.0e+00, v55  }
0x326: {  	v50 =	vld [tilespmem:$0x11C60];
	v21 =	vadd.f32 $0.0e+00, v56;
	v22 =	vadd.f32 $0.0e+00, v57  }
0x327: {  	v51 =	vld [tilespmem:$0x11C70];
	v23 =	vadd.f32 $0.0e+00, v58;
	v24 =	vadd.f32 $0.0e+00, v59  }
0x328: {  	v52 =	vld [tilespmem:$0x11C80];
	v17 =	vadd.f32 v60, v17;
	v18 =	vadd.f32 v61, v18  }
0x329: {  	v53 =	vld [tilespmem:$0x11C90];
	v19 =	vadd.f32 v62, v19;
	v20 =	vadd.f32 v63, v20  }
0x32a: {  	v54 =	vld [tilespmem:$0x11CA0];
	v21 =	vadd.f32 v40, v21;
	v22 =	vadd.f32 v41, v22  }
0x32b: {  	v55 =	vld [tilespmem:$0x11CB0];
	v23 =	vadd.f32 v42, v23;
	v17 =	vadd.f32 v44, v17  }
0x32c: {  	v56 =	vld [tilespmem:$0x11CC0];
	v24 =	vadd.f32 v43, v24;
	v18 =	vadd.f32 v45, v18  }
0x32d: {  	v16 =	vperm.xlane v16, v15;
	v57 =	vld [tilespmem:$0x11CD0];
	v19 =	vadd.f32 v46, v19;
	v17 =	vadd.f32 v52, v17  }
0x32e: {  	v58 =	vld [tilespmem:$0x11CE0];
	v20 =	vadd.f32 v47, v20;
	v18 =	vadd.f32 v53, v18  }
0x32f: {  	v59 =	vld [tilespmem:$0x11CF0];
	v21 =	vadd.f32 v48, v21;
	v19 =	vadd.f32 v54, v19;
	v17 =	vmul.f32 v16, v17  }
0x330: {  	v22 =	vadd.f32 v49, v22;
	v20 =	vadd.f32 v55, v20;
	v18 =	vmul.f32 v16, v18  }
0x331: {  	v23 =	vadd.f32 v50, v23;
	v21 =	vadd.f32 v56, v21;
	[tilespmem:s24+$0x380] =	vst v17;
	v17 =	vmul.f32 v16, v19  }
0x332: {  	s25 =	sadd.s32 $0x4000, s25;
	v60 =	vadd.f32 v51, v24;
	v22 =	vadd.f32 v57, v22;
	v61 =	vmul.f32 v16, v20;
	[tilespmem:s24+$0x390] =	vst v18  }
0x333: {  	p0 =	sne.s32 s25, $0x20000;
	v62 =	vadd.f32 v58, v23;
	[tilespmem:s24+$0x3A0] =	vst v17;
	v17 =	vmul.f32 v16, v21  }
.Ltmp0:
0x334: {  	v63 =	vmul.f32 v16, v22;
	v19 =	vadd.f32 v59, v60;
	[tilespmem:s24+$0x3B0] =	vst v61;
	(pc) =	sbr.rel @p0 .LBB2_2-.Ltmp0, $4  }
0x335: {  	[tilespmem:s24+$0x3C0] =	vst v17;
	v17 =	vmul.f32 v16, v62  }
0x336: {  	[tilespmem:s24+$0x3D0] =	vst v63;
	v16 =	vmul.f32 v16, v19  }
0x337: {  	[tilespmem:s24+$0x3E0] =	vst v17  }
0x338: {  	s23 =	sadd.s32 $0x10, s23;
	[tilespmem:s24+$0x3F0] =	vst v16;
	s24 =	sadd.s32 $0x800, s24  }
0x339: {  	s22 =	sadd.s32 $0x1, s22  }
0x33a: {  	p0 =	sne.s32 s22, s7  }
.Ltmp1:
0x33b: {  	_ = 	snop;
	(pc) =	sbr.rel @p0 .LBB2_1-.Ltmp1, $4  }
0x33c: {  	[hbm4b:s6+s3] =	stream.linear.scatter [tilespmem:s21], [sflag:$0x5], $0x4000, $0x38;
	[tilespmem:$0x19100] =	vst v63  }
0x33d: {  	_ =	swait.ge [sflag:s8], $0x4000  }
0x33e: {  	[sflag:s8] =	ssyncset.done $0x0  }
0x33f: {  	[sflag:s8] =	ssyncadd.s32 $0xFFFFC000  }
0x340: {  	_ =	sfence.sel $0x180000  }
0x341: {  	[bflag:$0x0] =	sbarrier.arrive $0xFFFF  }
0x342: {  	p0 =	sne.s32 s1, $0x0;
	_ =	strace $0x90000047  }
0x343: {  	s0 =	sadd.s32 @!p0 $0x100000, s0;
	[bflag:$0x2] =	sbarrier.arrive $0xFFFF  }
0x344: {  	[sflag:s0] =	ssyncadd.tile.s32 @!p0 $0x1;
	_ =	shalt  }
.Lfunc_end2:
_tile_overlayer_lowered:
.L_overlay_start_2:
0x345: {  	(tag) =	ssettag $0x2  }
0x346: {  	s0 =	rddreg [dreg:$0x0];
	s2 =	stileid.u32  }
0x347: {  	s1 =	rddreg [dreg:$0x1];
	p0 =	sne.s32 s2, $0x0  }
0x348: {  	s3 =	rddreg [dreg:$0x2];
	[bflag:$0x3] =	sbarrier.arrive $0xFFFF;
	s2 =	simm.s32 @!p0 $0x1C05  }
0x349: {  	[timem:s3], [sflag:s2] =	dma.local @!p0 [hbm:s0], s1  }
0x34a: {  	s0 =	simm.s32 @!p0 $0x5  }
0x34b: {  	_ =	swait.ge @!p0 [sflag:s0], s1  }
0x34c: {  	s1 =	ssub.s32 @!p0 $0x0, s1;
	[sflag:s0] =	ssyncset.done @!p0 $0x0  }
0x34d: {  	[sflag:s0] =	ssyncadd.s32 @!p0 s1  }
0x34e: {  	[bflag:$0x3] =	sbarrier.arrive $0xFFFF  }
0x34f: {  	_ =	shalt  }

</sc_bundles>
